<compile_context>
chip_gen: v7x
topology: tpu7x:2x2x1
jax: 0.10.2.dev20260603
libtpu: 0.0.44.dev20260713+nightly
codegen_flags: <defaults>
</compile_context>

<pallas_src>
import functools

import jax
import jax.numpy as jnp
from jax import lax
from jax.experimental import pallas as pl
from jax.experimental.pallas import tpu as pltpu
from jax.experimental.pallas import tpu_sc as plsc

L = 16
NC = 2
NS = 16
NW = NC * NS


def _build_sc(B, D, n_ctx, pre_len, suf_len, V):
    SEQ = 1 + pre_len + n_ctx + suf_len + 1
    COMB = 1 + pre_len
    BPW = B // NW
    CHUNK = 8
    NCHUNK = BPW // CHUNK

    mesh = plsc.VectorSubcoreMesh(core_axis_name="c", subcore_axis_name="s")

    @functools.partial(
        pl.kernel,
        out_type=jax.ShapeDtypeStruct((SEQ, B, D), jnp.float32),
        mesh=mesh,
        scratch_types=[
            pltpu.VMEM((BPW,), jnp.int32),
            pltpu.VMEM((n_ctx, D), jnp.float32),
            pltpu.VMEM((CHUNK, n_ctx, D), jnp.float32),
            pltpu.VMEM((CHUNK, n_ctx, D), jnp.float32),
            pltpu.VMEM((n_ctx, CHUNK, D), jnp.float32),
            pltpu.VMEM((n_ctx, CHUNK, D), jnp.float32),
            pltpu.SemaphoreType.DMA,
            pltpu.SemaphoreType.DMA,
            pltpu.SemaphoreType.DMA,
            pltpu.SemaphoreType.DMA,
        ],
    )
    def k(pids_hbm, ctx_hbm, table_hbm, out_hbm, idx_v, ctx_v,
          gath0, gath1, comb0, comb1, sg0, sg1, so0, so1):
        gath = (gath0, gath1)
        comb = (comb0, comb1)
        sg = (sg0, sg1)
        so = (so0, so1)
        wid = lax.axis_index("s") * NC + lax.axis_index("c")
        base = wid * BPW
        pltpu.sync_copy(pids_hbm.at[pl.ds(base, BPW)], idx_v)
        pltpu.sync_copy(ctx_hbm, ctx_v)

        def start_gather(c, b):
            pltpu.async_copy(
                table_hbm.at[idx_v.at[pl.ds(c * CHUNK, CHUNK)]],
                gath[b], sg[b])

        def wait_gather(b):
            pltpu.make_async_copy(
                table_hbm.at[pl.ds(0, CHUNK)], gath[b], sg[b]).wait()

        def start_out(c, b):
            rows = pl.ds(base + c * CHUNK, CHUNK)
            pltpu.async_copy(comb[b],
                             out_hbm.at[pl.ds(COMB, n_ctx), rows, :], so[b])

        def wait_out(b):
            rows = pl.ds(0, CHUNK)
            pltpu.make_async_copy(
                comb[b], out_hbm.at[pl.ds(COMB, n_ctx), rows, :],
                so[b]).wait()

        def compute(b):
            gb = gath[b]
            cb = comb[b]
            for cc in range(n_ctx):
                @plsc.parallel_loop(0, D // L, unroll=8)
                def _cj(j):
                    s = j * L
                    cvec = ctx_v[cc, pl.ds(s, L)]
                    for r in range(CHUNK):
                        cb[cc, r, pl.ds(s, L)] = gb[r, cc, pl.ds(s, L)] + cvec

        start_gather(0, 0)
        start_gather(1, 1)

        def pair_body(i, _):
            for par in range(2):
                c = 2 * i + par
                wait_gather(par)

                @pl.when(i > 0)
                def _wo():
                    wait_out(par)

                compute(par)

                @pl.when(c + 2 < NCHUNK)
                def _sg():
                    start_gather(c + 2, par)

                start_out(c, par)
            return ()

        lax.fori_loop(0, NCHUNK // 2, pair_body, (), unroll=False)
        wait_out(0)
        wait_out(1)

    return k


def _build_const_fill(B, D, SEQ, HEAD):
    RB = 4096
    NP = HEAD + 2

    def body(const_ref, big_ref, out_ref):
        del big_ref
        row = const_ref[0, 0]
        out_ref[...] = jnp.broadcast_to(row[None, None, :], (1, RB, D))

    def idx_out(g, nb):
        return (jnp.where(g >= HEAD, g + (SEQ - NP), g), nb, 0)

    return pl.pallas_call(
        body,
        grid=(NP, B // RB),
        in_specs=[
            pl.BlockSpec((1, 1, D), lambda g, nb: (g, 0, 0)),
            pl.BlockSpec(memory_space=pl.ANY),
        ],
        out_specs=pl.BlockSpec((1, RB, D), idx_out),
        out_shape=jax.ShapeDtypeStruct((SEQ, B, D), jnp.float32),
        input_output_aliases={1: 0},
    )


def kernel(pids, ctx, class_ctx, prefix_emb, suffix_emb, sos_emb, eos_emb):
    B = pids.shape[0]
    n_ctx, D = ctx.shape
    V = class_ctx.shape[0]
    pre_len = prefix_emb.shape[0]
    suf_len = suffix_emb.shape[0]
    SEQ = 1 + pre_len + n_ctx + suf_len + 1
    HEAD = 1 + pre_len

    sc = _build_sc(B, D, n_ctx, pre_len, suf_len, V)
    out = sc(pids.astype(jnp.int32), ctx, class_ctx)
    consts = jnp.concatenate([sos_emb, prefix_emb, suffix_emb, eos_emb],
                             axis=0)[:, None, :]
    out = _build_const_fill(B, D, SEQ, HEAD)(consts, out)
    return out.transpose(1, 0, 2)

# --- scband reference (transcript-rebuilt; emitter-appended) ---
"""Pipeline reference for scband-prompt-learner-14671608283635 (READ-ONLY COPY).

The authoritative reference and input builder live on the scoring server;
editing this copy changes nothing except your own understanding.
"""

import jax, jax.numpy as jnp
import numpy as np

NUM_PIDS = 100000
N_CTX = 4
EMBED_DIM = 512
PREFIX_LEN = 4
SUFFIX_LEN = 1
BATCH = 4096


def setup_inputs(seed: int = 0) -> dict:
    key = jax.random.key(seed)
    k_pid, k_ctx, k_cls, k_pre, k_suf, k_sos, k_eos = jax.random.split(key, 7)
    pids = jax.random.randint(k_pid, (BATCH,), 0, NUM_PIDS, dtype=jnp.int64 if jax.config.jax_enable_x64 else jnp.int32).astype(jnp.int32)
    ctx = jax.random.normal(k_ctx, (N_CTX, EMBED_DIM), dtype=jnp.float32) * 0.02
    class_ctx = jax.random.normal(k_cls, (NUM_PIDS, N_CTX, EMBED_DIM), dtype=jnp.float32) * 0.02
    prefix_emb = jax.random.normal(k_pre, (PREFIX_LEN, EMBED_DIM), dtype=jnp.float32) * 0.02
    suffix_emb = jax.random.normal(k_suf, (SUFFIX_LEN, EMBED_DIM), dtype=jnp.float32) * 0.02
    sos_emb = jax.random.normal(k_sos, (1, EMBED_DIM), dtype=jnp.float32) * 0.02
    eos_emb = jax.random.normal(k_eos, (1, EMBED_DIM), dtype=jnp.float32) * 0.02
    return {"pids": pids, "ctx": ctx, "class_ctx": class_ctx,
            "prefix_emb": prefix_emb, "suffix_emb": suffix_emb,
            "sos_emb": sos_emb, "eos_emb": eos_emb}


def reference(pids, ctx, class_ctx, prefix_emb, suffix_emb, sos_emb, eos_emb):
    # class_ctx gather by pid (the memory-bound embedding lookup)
    class_sel = jnp.take(class_ctx, pids, axis=0)           # (N, n_ctx, D)
    N = class_sel.shape[0]
    combined_ctx = ctx[None, :, :] + class_sel              # (N, n_ctx, D)
    sos = jnp.broadcast_to(sos_emb[None, :, :], (N,) + sos_emb.shape)
    pre = jnp.broadcast_to(prefix_emb[None, :, :], (N,) + prefix_emb.shape)
    suf = jnp.broadcast_to(suffix_emb[None, :, :], (N,) + suffix_emb.shape)
    eos = jnp.broadcast_to(eos_emb[None, :, :], (N,) + eos_emb.shape)
    prompt_emb = jnp.concatenate([sos, pre, combined_ctx, suf, eos], axis=1)  # (N, 11, D)
    return prompt_emb

if __name__ == "__main__":
    import jax
    _d = setup_inputs()
    print(jax.jit(kernel)(*tuple(_d.values())))

</pallas_src>

<mosaic_0001>
#map = affine_map<(d0, d1) -> (0)>
#map1 = affine_map<(d0, d1) -> (0, 0)>
#map2 = affine_map<(d0, d1) -> (0, 0, 0)>
module attributes {stable_mosaic.version = 14 : i64} {
  func.func @k(%arg0: i32, %arg1: i32, %arg2: memref<4096xi32, #tpu.memory_space<hbm>>, %arg3: memref<4x512xf32, #tpu.memory_space<hbm>>, %arg4: memref<100000x4x512xf32, #tpu.memory_space<hbm>>, %arg5: memref<11x4096x512xf32, #tpu.memory_space<hbm>>, %arg6: memref<128xi32, #tpu.memory_space<vmem>>, %arg7: memref<4x512xf32, #tpu.memory_space<vmem>>, %arg8: memref<8x4x512xf32, #tpu.memory_space<vmem>>, %arg9: memref<8x4x512xf32, #tpu.memory_space<vmem>>, %arg10: memref<4x8x512xf32, #tpu.memory_space<vmem>>, %arg11: memref<4x8x512xf32, #tpu.memory_space<vmem>>, %arg12: memref<!tpu.dma_semaphore, #tpu.memory_space<semaphore_mem>>, %arg13: memref<!tpu.dma_semaphore, #tpu.memory_space<semaphore_mem>>, %arg14: memref<!tpu.dma_semaphore, #tpu.memory_space<semaphore_mem>>, %arg15: memref<!tpu.dma_semaphore, #tpu.memory_space<semaphore_mem>>) attributes {dimension_semantics = [#tpu.dimension_semantics<core_parallel>, #tpu.dimension_semantics<subcore_parallel>], iteration_bounds = array<i64: 2, 16>, scalar_prefetch = 0 : i64, scratch_operands = 10 : i64, tpu.core_type = #tpu.core_type<sc_vector_subcore>, window_params = [{transform_indices = #map}, {transform_indices = #map1}, {transform_indices = #map2}, {transform_indices = #map2}]} {
    %mul3A = arith.constant 2 : i32
    %mul3A_0 = arith.muli %arg1, %mul3A : i32
    %add3A = arith.addi %mul3A_0, %arg0 : i32
    %mul3A_1 = arith.constant 128 : i32
    %mul3A_2 = arith.muli %add3A, %mul3A_1 : i32
    "tpu.region"() ({
      %run_scoped3A = tpu.sem_alloc : memref<!tpu.dma_semaphore, #tpu.memory_space<semaphore_mem>>
      %dma_start3A_33 = tpu.memref_slice %arg2[%mul3A_2] : memref<4096xi32, #tpu.memory_space<hbm>> -> memref<128xi32, #tpu.memory_space<hbm>>
      %dma_start3A_34 = tpu.memref_slice %arg2[%mul3A_2] : memref<4096xi32, #tpu.memory_space<hbm>> -> memref<128xi32, #tpu.memory_space<hbm>>
      tpu.enqueue_dma source(%dma_start3A_34 : memref<128xi32, #tpu.memory_space<hbm>>) target(%arg6 : memref<128xi32, #tpu.memory_space<vmem>>) target_semaphore(%run_scoped3A : memref<!tpu.dma_semaphore, #tpu.memory_space<semaphore_mem>>)
      %dma_wait3A_35 = tpu.memref_slice %arg2[%mul3A_2] : memref<4096xi32, #tpu.memory_space<hbm>> -> memref<128xi32, #tpu.memory_space<hbm>>
      %dma_wait3A_36 = tpu.memref_slice %arg2[%mul3A_2] : memref<4096xi32, #tpu.memory_space<hbm>> -> memref<128xi32, #tpu.memory_space<hbm>>
      tpu.wait_dma2 semaphore(%run_scoped3A : memref<!tpu.dma_semaphore, #tpu.memory_space<semaphore_mem>>) src(%dma_wait3A_36 : memref<128xi32, #tpu.memory_space<hbm>>) dst(%arg6 : memref<128xi32, #tpu.memory_space<vmem>>)
      tpu.yield
    }) : () -> ()
    "tpu.region"() ({
      %run_scoped3A = tpu.sem_alloc : memref<!tpu.dma_semaphore, #tpu.memory_space<semaphore_mem>>
      tpu.enqueue_dma source(%arg3 : memref<4x512xf32, #tpu.memory_space<hbm>>) target(%arg7 : memref<4x512xf32, #tpu.memory_space<vmem>>) target_semaphore(%run_scoped3A : memref<!tpu.dma_semaphore, #tpu.memory_space<semaphore_mem>>)
      tpu.wait_dma2 semaphore(%run_scoped3A : memref<!tpu.dma_semaphore, #tpu.memory_space<semaphore_mem>>) src(%arg3 : memref<4x512xf32, #tpu.memory_space<hbm>>) dst(%arg7 : memref<4x512xf32, #tpu.memory_space<vmem>>)
      tpu.yield
    }) : () -> ()
    %dma_start3A = arith.constant 0 : i32
    %dma_start3A_3 = tpu.memref_slice %arg6[%dma_start3A] : memref<128xi32, #tpu.memory_space<vmem>> -> memref<8xi32, #tpu.memory_space<vmem>>
    %dma_start3A_4 = arith.constant 0 : i32
    %dma_start3A_5 = arith.constant 0 : i32
    %dma_start3A_6 = arith.constant 0 : i32
    %dma_start3A_7 = tpu.memref_slice %arg4[%dma_start3A_4, %dma_start3A_5, %dma_start3A_6] : memref<100000x4x512xf32, #tpu.memory_space<hbm>> -> memref<100000x4x512xf32, #tpu.memory_space<hbm>>
    tpu.enqueue_indirect_dma source(%dma_start3A_7 : memref<100000x4x512xf32, #tpu.memory_space<hbm>>) target(%arg8 : memref<8x4x512xf32, #tpu.memory_space<vmem>>) offsets(%dma_start3A_3 : memref<8xi32, #tpu.memory_space<vmem>>) semaphore(%arg12 : memref<!tpu.dma_semaphore, #tpu.memory_space<semaphore_mem>>)
    %dma_start3A_8 = arith.constant 8 : i32
    %dma_start3A_9 = tpu.memref_slice %arg6[%dma_start3A_8] : memref<128xi32, #tpu.memory_space<vmem>> -> memref<8xi32, #tpu.memory_space<vmem>>
    %dma_start3A_10 = arith.constant 0 : i32
    %dma_start3A_11 = arith.constant 0 : i32
    %dma_start3A_12 = arith.constant 0 : i32
    %dma_start3A_13 = tpu.memref_slice %arg4[%dma_start3A_10, %dma_start3A_11, %dma_start3A_12] : memref<100000x4x512xf32, #tpu.memory_space<hbm>> -> memref<100000x4x512xf32, #tpu.memory_space<hbm>>
    tpu.enqueue_indirect_dma source(%dma_start3A_13 : memref<100000x4x512xf32, #tpu.memory_space<hbm>>) target(%arg9 : memref<8x4x512xf32, #tpu.memory_space<vmem>>) offsets(%dma_start3A_9 : memref<8xi32, #tpu.memory_space<vmem>>) semaphore(%arg13 : memref<!tpu.dma_semaphore, #tpu.memory_space<semaphore_mem>>)
    %scan3A = arith.constant 0 : i32
    %scan3A_14 = arith.constant 8 : i32
    %scan3A_15 = arith.addi %scan3A, %scan3A_14 : i32
    %scan3A_16 = arith.constant 1 : i32
    scf.for %scan3A_33 = %scan3A to %scan3A_15 step %scan3A_16  : i32 {
      %mul3A_34 = arith.constant 2 : i32
      %mul3A_35 = arith.muli %mul3A_34, %scan3A_33 : i32
      %add3A_36 = arith.constant 0 : i32
      %add3A_37 = arith.addi %mul3A_35, %add3A_36 : i32
      %dma_wait3A_38 = arith.constant 0 : i32
      %dma_wait3A_39 = arith.constant 0 : i32
      %dma_wait3A_40 = arith.constant 0 : i32
      %dma_wait3A_41 = tpu.memref_slice %arg4[%dma_wait3A_38, %dma_wait3A_39, %dma_wait3A_40] : memref<100000x4x512xf32, #tpu.memory_space<hbm>> -> memref<8x4x512xf32, #tpu.memory_space<hbm>>
      %dma_wait3A_42 = arith.constant 0 : i32
      %dma_wait3A_43 = arith.constant 0 : i32
      %dma_wait3A_44 = arith.constant 0 : i32
      %dma_wait3A_45 = tpu.memref_slice %arg4[%dma_wait3A_42, %dma_wait3A_43, %dma_wait3A_44] : memref<100000x4x512xf32, #tpu.memory_space<hbm>> -> memref<8x4x512xf32, #tpu.memory_space<hbm>>
      tpu.wait_dma2 semaphore(%arg12 : memref<!tpu.dma_semaphore, #tpu.memory_space<semaphore_mem>>) src(%dma_wait3A_45 : memref<8x4x512xf32, #tpu.memory_space<hbm>>) dst(%arg8 : memref<8x4x512xf32, #tpu.memory_space<vmem>>)
      %gt3A = arith.constant 0 : i32
      %gt3A_46 = arith.cmpi sgt, %scan3A_33, %gt3A : i32
      %convert_element_type3A = arith.extui %gt3A_46 : i1 to i32
      %cond3A = arith.constant 0 : i32
      %cond3A_47 = arith.cmpi ne, %convert_element_type3A, %cond3A : i32
      scf.if %cond3A_47 {
        %dma_wait3A_119 = arith.constant 5 : i32
        %dma_wait3A_120 = arith.constant 0 : i32
        %dma_wait3A_121 = arith.constant 0 : i32
        %dma_wait3A_122 = tpu.memref_slice %arg5[%dma_wait3A_119, %dma_wait3A_120, %dma_wait3A_121] : memref<11x4096x512xf32, #tpu.memory_space<hbm>> -> memref<4x8x512xf32, #tpu.memory_space<hbm>>
        %dma_wait3A_123 = arith.constant 5 : i32
        %dma_wait3A_124 = arith.constant 0 : i32
        %dma_wait3A_125 = arith.constant 0 : i32
        %dma_wait3A_126 = tpu.memref_slice %arg5[%dma_wait3A_123, %dma_wait3A_124, %dma_wait3A_125] : memref<11x4096x512xf32, #tpu.memory_space<hbm>> -> memref<4x8x512xf32, #tpu.memory_space<hbm>>
        tpu.wait_dma2 semaphore(%arg14 : memref<!tpu.dma_semaphore, #tpu.memory_space<semaphore_mem>>) src(%arg10 : memref<4x8x512xf32, #tpu.memory_space<vmem>>) dst(%dma_wait3A_126 : memref<4x8x512xf32, #tpu.memory_space<hbm>>)
      } else {
      }
      %parallel_loop3A = arith.constant 0 : i32
      %parallel_loop3A_48 = arith.constant 32 : i32
      %parallel_loop3A_49 = arith.constant 1 : i32
      scf.for %parallel_loop3A_119 = %parallel_loop3A to %parallel_loop3A_48 step %parallel_loop3A_49  : i32 {
        %parallel_loop3A_120 = arith.constant 16 : i32
        %parallel_loop3A_121 = arith.muli %parallel_loop3A_119, %parallel_loop3A_120 : i32
        %parallel_loop3A_122 = arith.constant 0 : i32
        %parallel_loop3A_123 = arith.index_cast %parallel_loop3A_122 : i32 to index
        %parallel_loop3A_124 = arith.index_cast %parallel_loop3A_121 : i32 to index
        %parallel_loop3A_125 = tpu.vector_load %arg7[%parallel_loop3A_123, %parallel_loop3A_124] {strides = array<i32>} : memref<4x512xf32, #tpu.memory_space<vmem>>, vector<1x16xf32>,
        %parallel_loop3A_126 = vector.shape_cast %parallel_loop3A_125 : vector<1x16xf32> to vector<16xf32>
        %parallel_loop3A_127 = arith.constant 0 : i32
        %parallel_loop3A_128 = arith.constant 0 : i32
        %parallel_loop3A_129 = arith.index_cast %parallel_loop3A_127 : i32 to index
        %parallel_loop3A_130 = arith.index_cast %parallel_loop3A_128 : i32 to index
        %parallel_loop3A_131 = arith.index_cast %parallel_loop3A_121 : i32 to index
        %parallel_loop3A_132 = tpu.vector_load %arg8[%parallel_loop3A_129, %parallel_loop3A_130, %parallel_loop3A_131] {strides = array<i32>} : memref<8x4x512xf32, #tpu.memory_space<vmem>>, vector<1x1x16xf32>,
        %parallel_loop3A_133 = vector.shape_cast %parallel_loop3A_132 : vector<1x1x16xf32> to vector<16xf32>
        %parallel_loop3A_134 = arith.addf %parallel_loop3A_133, %parallel_loop3A_126 : vector<16xf32>
        %parallel_loop3A_135 = arith.constant 0 : i32
        %parallel_loop3A_136 = arith.constant 0 : i32
        %parallel_loop3A_137 = arith.index_cast %parallel_loop3A_135 : i32 to index
        %parallel_loop3A_138 = arith.index_cast %parallel_loop3A_136 : i32 to index
        %parallel_loop3A_139 = arith.index_cast %parallel_loop3A_121 : i32 to index
        %parallel_loop3A_140 = tpu.vector_load %arg10[%parallel_loop3A_137, %parallel_loop3A_138, %parallel_loop3A_139] {strides = array<i32>} : memref<4x8x512xf32, #tpu.memory_space<vmem>>, vector<1x1x16xf32>,
        %parallel_loop3A_141 = vector.shape_cast %parallel_loop3A_140 : vector<1x1x16xf32> to vector<16xf32>
        %parallel_loop3A_142 = vector.shape_cast %parallel_loop3A_134 : vector<16xf32> to vector<1x1x16xf32>
        tpu.vector_store %arg10[%parallel_loop3A_137, %parallel_loop3A_138, %parallel_loop3A_139], %parallel_loop3A_142 {strides = array<i32>} : memref<4x8x512xf32, #tpu.memory_space<vmem>>, vector<1x1x16xf32>,
        %parallel_loop3A_143 = arith.constant 1 : i32
        %parallel_loop3A_144 = arith.constant 0 : i32
        %parallel_loop3A_145 = arith.index_cast %parallel_loop3A_143 : i32 to index
        %parallel_loop3A_146 = arith.index_cast %parallel_loop3A_144 : i32 to index
        %parallel_loop3A_147 = arith.index_cast %parallel_loop3A_121 : i32 to index
        %parallel_loop3A_148 = tpu.vector_load %arg8[%parallel_loop3A_145, %parallel_loop3A_146, %parallel_loop3A_147] {strides = array<i32>} : memref<8x4x512xf32, #tpu.memory_space<vmem>>, vector<1x1x16xf32>,
        %parallel_loop3A_149 = vector.shape_cast %parallel_loop3A_148 : vector<1x1x16xf32> to vector<16xf32>
        %parallel_loop3A_150 = arith.addf %parallel_loop3A_149, %parallel_loop3A_126 : vector<16xf32>
        %parallel_loop3A_151 = arith.constant 0 : i32
        %parallel_loop3A_152 = arith.constant 1 : i32
        %parallel_loop3A_153 = arith.index_cast %parallel_loop3A_151 : i32 to index
        %parallel_loop3A_154 = arith.index_cast %parallel_loop3A_152 : i32 to index
        %parallel_loop3A_155 = arith.index_cast %parallel_loop3A_121 : i32 to index
        %parallel_loop3A_156 = tpu.vector_load %arg10[%parallel_loop3A_153, %parallel_loop3A_154, %parallel_loop3A_155] {strides = array<i32>} : memref<4x8x512xf32, #tpu.memory_space<vmem>>, vector<1x1x16xf32>,
        %parallel_loop3A_157 = vector.shape_cast %parallel_loop3A_156 : vector<1x1x16xf32> to vector<16xf32>
        %parallel_loop3A_158 = vector.shape_cast %parallel_loop3A_150 : vector<16xf32> to vector<1x1x16xf32>
        tpu.vector_store %arg10[%parallel_loop3A_153, %parallel_loop3A_154, %parallel_loop3A_155], %parallel_loop3A_158 {strides = array<i32>} : memref<4x8x512xf32, #tpu.memory_space<vmem>>, vector<1x1x16xf32>,
        %parallel_loop3A_159 = arith.constant 2 : i32
        %parallel_loop3A_160 = arith.constant 0 : i32
        %parallel_loop3A_161 = arith.index_cast %parallel_loop3A_159 : i32 to index
        %parallel_loop3A_162 = arith.index_cast %parallel_loop3A_160 : i32 to index
        %parallel_loop3A_163 = arith.index_cast %parallel_loop3A_121 : i32 to index
        %parallel_loop3A_164 = tpu.vector_load %arg8[%parallel_loop3A_161, %parallel_loop3A_162, %parallel_loop3A_163] {strides = array<i32>} : memref<8x4x512xf32, #tpu.memory_space<vmem>>, vector<1x1x16xf32>,
        %parallel_loop3A_165 = vector.shape_cast %parallel_loop3A_164 : vector<1x1x16xf32> to vector<16xf32>
        %parallel_loop3A_166 = arith.addf %parallel_loop3A_165, %parallel_loop3A_126 : vector<16xf32>
        %parallel_loop3A_167 = arith.constant 0 : i32
        %parallel_loop3A_168 = arith.constant 2 : i32
        %parallel_loop3A_169 = arith.index_cast %parallel_loop3A_167 : i32 to index
        %parallel_loop3A_170 = arith.index_cast %parallel_loop3A_168 : i32 to index
        %parallel_loop3A_171 = arith.index_cast %parallel_loop3A_121 : i32 to index
        %parallel_loop3A_172 = tpu.vector_load %arg10[%parallel_loop3A_169, %parallel_loop3A_170, %parallel_loop3A_171] {strides = array<i32>} : memref<4x8x512xf32, #tpu.memory_space<vmem>>, vector<1x1x16xf32>,
        %parallel_loop3A_173 = vector.shape_cast %parallel_loop3A_172 : vector<1x1x16xf32> to vector<16xf32>
        %parallel_loop3A_174 = vector.shape_cast %parallel_loop3A_166 : vector<16xf32> to vector<1x1x16xf32>
        tpu.vector_store %arg10[%parallel_loop3A_169, %parallel_loop3A_170, %parallel_loop3A_171], %parallel_loop3A_174 {strides = array<i32>} : memref<4x8x512xf32, #tpu.memory_space<vmem>>, vector<1x1x16xf32>,
        %parallel_loop3A_175 = arith.constant 3 : i32
        %parallel_loop3A_176 = arith.constant 0 : i32
        %parallel_loop3A_177 = arith.index_cast %parallel_loop3A_175 : i32 to index
        %parallel_loop3A_178 = arith.index_cast %parallel_loop3A_176 : i32 to index
        %parallel_loop3A_179 = arith.index_cast %parallel_loop3A_121 : i32 to index
        %parallel_loop3A_180 = tpu.vector_load %arg8[%parallel_loop3A_177, %parallel_loop3A_178, %parallel_loop3A_179] {strides = array<i32>} : memref<8x4x512xf32, #tpu.memory_space<vmem>>, vector<1x1x16xf32>,
        %parallel_loop3A_181 = vector.shape_cast %parallel_loop3A_180 : vector<1x1x16xf32> to vector<16xf32>
        %parallel_loop3A_182 = arith.addf %parallel_loop3A_181, %parallel_loop3A_126 : vector<16xf32>
        %parallel_loop3A_183 = arith.constant 0 : i32
        %parallel_loop3A_184 = arith.constant 3 : i32
        %parallel_loop3A_185 = arith.index_cast %parallel_loop3A_183 : i32 to index
        %parallel_loop3A_186 = arith.index_cast %parallel_loop3A_184 : i32 to index
        %parallel_loop3A_187 = arith.index_cast %parallel_loop3A_121 : i32 to index
        %parallel_loop3A_188 = tpu.vector_load %arg10[%parallel_loop3A_185, %parallel_loop3A_186, %parallel_loop3A_187] {strides = array<i32>} : memref<4x8x512xf32, #tpu.memory_space<vmem>>, vector<1x1x16xf32>,
        %parallel_loop3A_189 = vector.shape_cast %parallel_loop3A_188 : vector<1x1x16xf32> to vector<16xf32>
        %parallel_loop3A_190 = vector.shape_cast %parallel_loop3A_182 : vector<16xf32> to vector<1x1x16xf32>
        tpu.vector_store %arg10[%parallel_loop3A_185, %parallel_loop3A_186, %parallel_loop3A_187], %parallel_loop3A_190 {strides = array<i32>} : memref<4x8x512xf32, #tpu.memory_space<vmem>>, vector<1x1x16xf32>,
        %parallel_loop3A_191 = arith.constant 4 : i32
        %parallel_loop3A_192 = arith.constant 0 : i32
        %parallel_loop3A_193 = arith.index_cast %parallel_loop3A_191 : i32 to index
        %parallel_loop3A_194 = arith.index_cast %parallel_loop3A_192 : i32 to index
        %parallel_loop3A_195 = arith.index_cast %parallel_loop3A_121 : i32 to index
        %parallel_loop3A_196 = tpu.vector_load %arg8[%parallel_loop3A_193, %parallel_loop3A_194, %parallel_loop3A_195] {strides = array<i32>} : memref<8x4x512xf32, #tpu.memory_space<vmem>>, vector<1x1x16xf32>,
        %parallel_loop3A_197 = vector.shape_cast %parallel_loop3A_196 : vector<1x1x16xf32> to vector<16xf32>
        %parallel_loop3A_198 = arith.addf %parallel_loop3A_197, %parallel_loop3A_126 : vector<16xf32>
        %parallel_loop3A_199 = arith.constant 0 : i32
        %parallel_loop3A_200 = arith.constant 4 : i32
        %parallel_loop3A_201 = arith.index_cast %parallel_loop3A_199 : i32 to index
        %parallel_loop3A_202 = arith.index_cast %parallel_loop3A_200 : i32 to index
        %parallel_loop3A_203 = arith.index_cast %parallel_loop3A_121 : i32 to index
        %parallel_loop3A_204 = tpu.vector_load %arg10[%parallel_loop3A_201, %parallel_loop3A_202, %parallel_loop3A_203] {strides = array<i32>} : memref<4x8x512xf32, #tpu.memory_space<vmem>>, vector<1x1x16xf32>,
        %parallel_loop3A_205 = vector.shape_cast %parallel_loop3A_204 : vector<1x1x16xf32> to vector<16xf32>
        %parallel_loop3A_206 = vector.shape_cast %parallel_loop3A_198 : vector<16xf32> to vector<1x1x16xf32>
        tpu.vector_store %arg10[%parallel_loop3A_201, %parallel_loop3A_202, %parallel_loop3A_203], %parallel_loop3A_206 {strides = array<i32>} : memref<4x8x512xf32, #tpu.memory_space<vmem>>, vector<1x1x16xf32>,
        %parallel_loop3A_207 = arith.constant 5 : i32
        %parallel_loop3A_208 = arith.constant 0 : i32
        %parallel_loop3A_209 = arith.index_cast %parallel_loop3A_207 : i32 to index
        %parallel_loop3A_210 = arith.index_cast %parallel_loop3A_208 : i32 to index
        %parallel_loop3A_211 = arith.index_cast %parallel_loop3A_121 : i32 to index
        %parallel_loop3A_212 = tpu.vector_load %arg8[%parallel_loop3A_209, %parallel_loop3A_210, %parallel_loop3A_211] {strides = array<i32>} : memref<8x4x512xf32, #tpu.memory_space<vmem>>, vector<1x1x16xf32>,
        %parallel_loop3A_213 = vector.shape_cast %parallel_loop3A_212 : vector<1x1x16xf32> to vector<16xf32>
        %parallel_loop3A_214 = arith.addf %parallel_loop3A_213, %parallel_loop3A_126 : vector<16xf32>
        %parallel_loop3A_215 = arith.constant 0 : i32
        %parallel_loop3A_216 = arith.constant 5 : i32
        %parallel_loop3A_217 = arith.index_cast %parallel_loop3A_215 : i32 to index
        %parallel_loop3A_218 = arith.index_cast %parallel_loop3A_216 : i32 to index
        %parallel_loop3A_219 = arith.index_cast %parallel_loop3A_121 : i32 to index
        %parallel_loop3A_220 = tpu.vector_load %arg10[%parallel_loop3A_217, %parallel_loop3A_218, %parallel_loop3A_219] {strides = array<i32>} : memref<4x8x512xf32, #tpu.memory_space<vmem>>, vector<1x1x16xf32>,
        %parallel_loop3A_221 = vector.shape_cast %parallel_loop3A_220 : vector<1x1x16xf32> to vector<16xf32>
        %parallel_loop3A_222 = vector.shape_cast %parallel_loop3A_214 : vector<16xf32> to vector<1x1x16xf32>
        tpu.vector_store %arg10[%parallel_loop3A_217, %parallel_loop3A_218, %parallel_loop3A_219], %parallel_loop3A_222 {strides = array<i32>} : memref<4x8x512xf32, #tpu.memory_space<vmem>>, vector<1x1x16xf32>,
        %parallel_loop3A_223 = arith.constant 6 : i32
        %parallel_loop3A_224 = arith.constant 0 : i32
        %parallel_loop3A_225 = arith.index_cast %parallel_loop3A_223 : i32 to index
        %parallel_loop3A_226 = arith.index_cast %parallel_loop3A_224 : i32 to index
        %parallel_loop3A_227 = arith.index_cast %parallel_loop3A_121 : i32 to index
        %parallel_loop3A_228 = tpu.vector_load %arg8[%parallel_loop3A_225, %parallel_loop3A_226, %parallel_loop3A_227] {strides = array<i32>} : memref<8x4x512xf32, #tpu.memory_space<vmem>>, vector<1x1x16xf32>,
        %parallel_loop3A_229 = vector.shape_cast %parallel_loop3A_228 : vector<1x1x16xf32> to vector<16xf32>
        %parallel_loop3A_230 = arith.addf %parallel_loop3A_229, %parallel_loop3A_126 : vector<16xf32>
        %parallel_loop3A_231 = arith.constant 0 : i32
        %parallel_loop3A_232 = arith.constant 6 : i32
        %parallel_loop3A_233 = arith.index_cast %parallel_loop3A_231 : i32 to index
        %parallel_loop3A_234 = arith.index_cast %parallel_loop3A_232 : i32 to index
        %parallel_loop3A_235 = arith.index_cast %parallel_loop3A_121 : i32 to index
        %parallel_loop3A_236 = tpu.vector_load %arg10[%parallel_loop3A_233, %parallel_loop3A_234, %parallel_loop3A_235] {strides = array<i32>} : memref<4x8x512xf32, #tpu.memory_space<vmem>>, vector<1x1x16xf32>,
        %parallel_loop3A_237 = vector.shape_cast %parallel_loop3A_236 : vector<1x1x16xf32> to vector<16xf32>
        %parallel_loop3A_238 = vector.shape_cast %parallel_loop3A_230 : vector<16xf32> to vector<1x1x16xf32>
        tpu.vector_store %arg10[%parallel_loop3A_233, %parallel_loop3A_234, %parallel_loop3A_235], %parallel_loop3A_238 {strides = array<i32>} : memref<4x8x512xf32, #tpu.memory_space<vmem>>, vector<1x1x16xf32>,
        %parallel_loop3A_239 = arith.constant 7 : i32
        %parallel_loop3A_240 = arith.constant 0 : i32
        %parallel_loop3A_241 = arith.index_cast %parallel_loop3A_239 : i32 to index
        %parallel_loop3A_242 = arith.index_cast %parallel_loop3A_240 : i32 to index
        %parallel_loop3A_243 = arith.index_cast %parallel_loop3A_121 : i32 to index
        %parallel_loop3A_244 = tpu.vector_load %arg8[%parallel_loop3A_241, %parallel_loop3A_242, %parallel_loop3A_243] {strides = array<i32>} : memref<8x4x512xf32, #tpu.memory_space<vmem>>, vector<1x1x16xf32>,
        %parallel_loop3A_245 = vector.shape_cast %parallel_loop3A_244 : vector<1x1x16xf32> to vector<16xf32>
        %parallel_loop3A_246 = arith.addf %parallel_loop3A_245, %parallel_loop3A_126 : vector<16xf32>
        %parallel_loop3A_247 = arith.constant 0 : i32
        %parallel_loop3A_248 = arith.constant 7 : i32
        %parallel_loop3A_249 = arith.index_cast %parallel_loop3A_247 : i32 to index
        %parallel_loop3A_250 = arith.index_cast %parallel_loop3A_248 : i32 to index
        %parallel_loop3A_251 = arith.index_cast %parallel_loop3A_121 : i32 to index
        %parallel_loop3A_252 = tpu.vector_load %arg10[%parallel_loop3A_249, %parallel_loop3A_250, %parallel_loop3A_251] {strides = array<i32>} : memref<4x8x512xf32, #tpu.memory_space<vmem>>, vector<1x1x16xf32>,
        %parallel_loop3A_253 = vector.shape_cast %parallel_loop3A_252 : vector<1x1x16xf32> to vector<16xf32>
        %parallel_loop3A_254 = vector.shape_cast %parallel_loop3A_246 : vector<16xf32> to vector<1x1x16xf32>
        tpu.vector_store %arg10[%parallel_loop3A_249, %parallel_loop3A_250, %parallel_loop3A_251], %parallel_loop3A_254 {strides = array<i32>} : memref<4x8x512xf32, #tpu.memory_space<vmem>>, vector<1x1x16xf32>,
      } {sc.loop_unroll_factor = 8 : i64, sc.parallel_access}
      %parallel_loop3A_50 = arith.constant 0 : i32
      %parallel_loop3A_51 = arith.constant 32 : i32
      %parallel_loop3A_52 = arith.constant 1 : i32
      scf.for %parallel_loop3A_119 = %parallel_loop3A_50 to %parallel_loop3A_51 step %parallel_loop3A_52  : i32 {
        %parallel_loop3A_120 = arith.constant 16 : i32
        %parallel_loop3A_121 = arith.muli %parallel_loop3A_119, %parallel_loop3A_120 : i32
        %parallel_loop3A_122 = arith.constant 1 : i32
        %parallel_loop3A_123 = arith.index_cast %parallel_loop3A_122 : i32 to index
        %parallel_loop3A_124 = arith.index_cast %parallel_loop3A_121 : i32 to index
        %parallel_loop3A_125 = tpu.vector_load %arg7[%parallel_loop3A_123, %parallel_loop3A_124] {strides = array<i32>} : memref<4x512xf32, #tpu.memory_space<vmem>>, vector<1x16xf32>,
        %parallel_loop3A_126 = vector.shape_cast %parallel_loop3A_125 : vector<1x16xf32> to vector<16xf32>
        %parallel_loop3A_127 = arith.constant 0 : i32
        %parallel_loop3A_128 = arith.constant 1 : i32
        %parallel_loop3A_129 = arith.index_cast %parallel_loop3A_127 : i32 to index
        %parallel_loop3A_130 = arith.index_cast %parallel_loop3A_128 : i32 to index
        %parallel_loop3A_131 = arith.index_cast %parallel_loop3A_121 : i32 to index
        %parallel_loop3A_132 = tpu.vector_load %arg8[%parallel_loop3A_129, %parallel_loop3A_130, %parallel_loop3A_131] {strides = array<i32>} : memref<8x4x512xf32, #tpu.memory_space<vmem>>, vector<1x1x16xf32>,
        %parallel_loop3A_133 = vector.shape_cast %parallel_loop3A_132 : vector<1x1x16xf32> to vector<16xf32>
        %parallel_loop3A_134 = arith.addf %parallel_loop3A_133, %parallel_loop3A_126 : vector<16xf32>
        %parallel_loop3A_135 = arith.constant 1 : i32
        %parallel_loop3A_136 = arith.constant 0 : i32
        %parallel_loop3A_137 = arith.index_cast %parallel_loop3A_135 : i32 to index
        %parallel_loop3A_138 = arith.index_cast %parallel_loop3A_136 : i32 to index
        %parallel_loop3A_139 = arith.index_cast %parallel_loop3A_121 : i32 to index
        %parallel_loop3A_140 = tpu.vector_load %arg10[%parallel_loop3A_137, %parallel_loop3A_138, %parallel_loop3A_139] {strides = array<i32>} : memref<4x8x512xf32, #tpu.memory_space<vmem>>, vector<1x1x16xf32>,
        %parallel_loop3A_141 = vector.shape_cast %parallel_loop3A_140 : vector<1x1x16xf32> to vector<16xf32>
        %parallel_loop3A_142 = vector.shape_cast %parallel_loop3A_134 : vector<16xf32> to vector<1x1x16xf32>
        tpu.vector_store %arg10[%parallel_loop3A_137, %parallel_loop3A_138, %parallel_loop3A_139], %parallel_loop3A_142 {strides = array<i32>} : memref<4x8x512xf32, #tpu.memory_space<vmem>>, vector<1x1x16xf32>,
        %parallel_loop3A_143 = arith.constant 1 : i32
        %parallel_loop3A_144 = arith.constant 1 : i32
        %parallel_loop3A_145 = arith.index_cast %parallel_loop3A_143 : i32 to index
        %parallel_loop3A_146 = arith.index_cast %parallel_loop3A_144 : i32 to index
        %parallel_loop3A_147 = arith.index_cast %parallel_loop3A_121 : i32 to index
        %parallel_loop3A_148 = tpu.vector_load %arg8[%parallel_loop3A_145, %parallel_loop3A_146, %parallel_loop3A_147] {strides = array<i32>} : memref<8x4x512xf32, #tpu.memory_space<vmem>>, vector<1x1x16xf32>,
        %parallel_loop3A_149 = vector.shape_cast %parallel_loop3A_148 : vector<1x1x16xf32> to vector<16xf32>
        %parallel_loop3A_150 = arith.addf %parallel_loop3A_149, %parallel_loop3A_126 : vector<16xf32>
        %parallel_loop3A_151 = arith.constant 1 : i32
        %parallel_loop3A_152 = arith.constant 1 : i32
        %parallel_loop3A_153 = arith.index_cast %parallel_loop3A_151 : i32 to index
        %parallel_loop3A_154 = arith.index_cast %parallel_loop3A_152 : i32 to index
        %parallel_loop3A_155 = arith.index_cast %parallel_loop3A_121 : i32 to index
        %parallel_loop3A_156 = tpu.vector_load %arg10[%parallel_loop3A_153, %parallel_loop3A_154, %parallel_loop3A_155] {strides = array<i32>} : memref<4x8x512xf32, #tpu.memory_space<vmem>>, vector<1x1x16xf32>,
        %parallel_loop3A_157 = vector.shape_cast %parallel_loop3A_156 : vector<1x1x16xf32> to vector<16xf32>
        %parallel_loop3A_158 = vector.shape_cast %parallel_loop3A_150 : vector<16xf32> to vector<1x1x16xf32>
        tpu.vector_store %arg10[%parallel_loop3A_153, %parallel_loop3A_154, %parallel_loop3A_155], %parallel_loop3A_158 {strides = array<i32>} : memref<4x8x512xf32, #tpu.memory_space<vmem>>, vector<1x1x16xf32>,
        %parallel_loop3A_159 = arith.constant 2 : i32
        %parallel_loop3A_160 = arith.constant 1 : i32
        %parallel_loop3A_161 = arith.index_cast %parallel_loop3A_159 : i32 to index
        %parallel_loop3A_162 = arith.index_cast %parallel_loop3A_160 : i32 to index
        %parallel_loop3A_163 = arith.index_cast %parallel_loop3A_121 : i32 to index
        %parallel_loop3A_164 = tpu.vector_load %arg8[%parallel_loop3A_161, %parallel_loop3A_162, %parallel_loop3A_163] {strides = array<i32>} : memref<8x4x512xf32, #tpu.memory_space<vmem>>, vector<1x1x16xf32>,
        %parallel_loop3A_165 = vector.shape_cast %parallel_loop3A_164 : vector<1x1x16xf32> to vector<16xf32>
        %parallel_loop3A_166 = arith.addf %parallel_loop3A_165, %parallel_loop3A_126 : vector<16xf32>
        %parallel_loop3A_167 = arith.constant 1 : i32
        %parallel_loop3A_168 = arith.constant 2 : i32
        %parallel_loop3A_169 = arith.index_cast %parallel_loop3A_167 : i32 to index
        %parallel_loop3A_170 = arith.index_cast %parallel_loop3A_168 : i32 to index
        %parallel_loop3A_171 = arith.index_cast %parallel_loop3A_121 : i32 to index
        %parallel_loop3A_172 = tpu.vector_load %arg10[%parallel_loop3A_169, %parallel_loop3A_170, %parallel_loop3A_171] {strides = array<i32>} : memref<4x8x512xf32, #tpu.memory_space<vmem>>, vector<1x1x16xf32>,
        %parallel_loop3A_173 = vector.shape_cast %parallel_loop3A_172 : vector<1x1x16xf32> to vector<16xf32>
        %parallel_loop3A_174 = vector.shape_cast %parallel_loop3A_166 : vector<16xf32> to vector<1x1x16xf32>
        tpu.vector_store %arg10[%parallel_loop3A_169, %parallel_loop3A_170, %parallel_loop3A_171], %parallel_loop3A_174 {strides = array<i32>} : memref<4x8x512xf32, #tpu.memory_space<vmem>>, vector<1x1x16xf32>,
        %parallel_loop3A_175 = arith.constant 3 : i32
        %parallel_loop3A_176 = arith.constant 1 : i32
        %parallel_loop3A_177 = arith.index_cast %parallel_loop3A_175 : i32 to index
        %parallel_loop3A_178 = arith.index_cast %parallel_loop3A_176 : i32 to index
        %parallel_loop3A_179 = arith.index_cast %parallel_loop3A_121 : i32 to index
        %parallel_loop3A_180 = tpu.vector_load %arg8[%parallel_loop3A_177, %parallel_loop3A_178, %parallel_loop3A_179] {strides = array<i32>} : memref<8x4x512xf32, #tpu.memory_space<vmem>>, vector<1x1x16xf32>,
        %parallel_loop3A_181 = vector.shape_cast %parallel_loop3A_180 : vector<1x1x16xf32> to vector<16xf32>
        %parallel_loop3A_182 = arith.addf %parallel_loop3A_181, %parallel_loop3A_126 : vector<16xf32>
        %parallel_loop3A_183 = arith.constant 1 : i32
        %parallel_loop3A_184 = arith.constant 3 : i32
        %parallel_loop3A_185 = arith.index_cast %parallel_loop3A_183 : i32 to index
        %parallel_loop3A_186 = arith.index_cast %parallel_loop3A_184 : i32 to index
        %parallel_loop3A_187 = arith.index_cast %parallel_loop3A_121 : i32 to index
        %parallel_loop3A_188 = tpu.vector_load %arg10[%parallel_loop3A_185, %parallel_loop3A_186, %parallel_loop3A_187] {strides = array<i32>} : memref<4x8x512xf32, #tpu.memory_space<vmem>>, vector<1x1x16xf32>,
        %parallel_loop3A_189 = vector.shape_cast %parallel_loop3A_188 : vector<1x1x16xf32> to vector<16xf32>
        %parallel_loop3A_190 = vector.shape_cast %parallel_loop3A_182 : vector<16xf32> to vector<1x1x16xf32>
        tpu.vector_store %arg10[%parallel_loop3A_185, %parallel_loop3A_186, %parallel_loop3A_187], %parallel_loop3A_190 {strides = array<i32>} : memref<4x8x512xf32, #tpu.memory_space<vmem>>, vector<1x1x16xf32>,
        %parallel_loop3A_191 = arith.constant 4 : i32
        %parallel_loop3A_192 = arith.constant 1 : i32
        %parallel_loop3A_193 = arith.index_cast %parallel_loop3A_191 : i32 to index
        %parallel_loop3A_194 = arith.index_cast %parallel_loop3A_192 : i32 to index
        %parallel_loop3A_195 = arith.index_cast %parallel_loop3A_121 : i32 to index
        %parallel_loop3A_196 = tpu.vector_load %arg8[%parallel_loop3A_193, %parallel_loop3A_194, %parallel_loop3A_195] {strides = array<i32>} : memref<8x4x512xf32, #tpu.memory_space<vmem>>, vector<1x1x16xf32>,
        %parallel_loop3A_197 = vector.shape_cast %parallel_loop3A_196 : vector<1x1x16xf32> to vector<16xf32>
        %parallel_loop3A_198 = arith.addf %parallel_loop3A_197, %parallel_loop3A_126 : vector<16xf32>
        %parallel_loop3A_199 = arith.constant 1 : i32
        %parallel_loop3A_200 = arith.constant 4 : i32
        %parallel_loop3A_201 = arith.index_cast %parallel_loop3A_199 : i32 to index
        %parallel_loop3A_202 = arith.index_cast %parallel_loop3A_200 : i32 to index
        %parallel_loop3A_203 = arith.index_cast %parallel_loop3A_121 : i32 to index
        %parallel_loop3A_204 = tpu.vector_load %arg10[%parallel_loop3A_201, %parallel_loop3A_202, %parallel_loop3A_203] {strides = array<i32>} : memref<4x8x512xf32, #tpu.memory_space<vmem>>, vector<1x1x16xf32>,
        %parallel_loop3A_205 = vector.shape_cast %parallel_loop3A_204 : vector<1x1x16xf32> to vector<16xf32>
        %parallel_loop3A_206 = vector.shape_cast %parallel_loop3A_198 : vector<16xf32> to vector<1x1x16xf32>
        tpu.vector_store %arg10[%parallel_loop3A_201, %parallel_loop3A_202, %parallel_loop3A_203], %parallel_loop3A_206 {strides = array<i32>} : memref<4x8x512xf32, #tpu.memory_space<vmem>>, vector<1x1x16xf32>,
        %parallel_loop3A_207 = arith.constant 5 : i32
        %parallel_loop3A_208 = arith.constant 1 : i32
        %parallel_loop3A_209 = arith.index_cast %parallel_loop3A_207 : i32 to index
        %parallel_loop3A_210 = arith.index_cast %parallel_loop3A_208 : i32 to index
        %parallel_loop3A_211 = arith.index_cast %parallel_loop3A_121 : i32 to index
        %parallel_loop3A_212 = tpu.vector_load %arg8[%parallel_loop3A_209, %parallel_loop3A_210, %parallel_loop3A_211] {strides = array<i32>} : memref<8x4x512xf32, #tpu.memory_space<vmem>>, vector<1x1x16xf32>,
        %parallel_loop3A_213 = vector.shape_cast %parallel_loop3A_212 : vector<1x1x16xf32> to vector<16xf32>
        %parallel_loop3A_214 = arith.addf %parallel_loop3A_213, %parallel_loop3A_126 : vector<16xf32>
        %parallel_loop3A_215 = arith.constant 1 : i32
        %parallel_loop3A_216 = arith.constant 5 : i32
        %parallel_loop3A_217 = arith.index_cast %parallel_loop3A_215 : i32 to index
        %parallel_loop3A_218 = arith.index_cast %parallel_loop3A_216 : i32 to index
        %parallel_loop3A_219 = arith.index_cast %parallel_loop3A_121 : i32 to index
        %parallel_loop3A_220 = tpu.vector_load %arg10[%parallel_loop3A_217, %parallel_loop3A_218, %parallel_loop3A_219] {strides = array<i32>} : memref<4x8x512xf32, #tpu.memory_space<vmem>>, vector<1x1x16xf32>,
        %parallel_loop3A_221 = vector.shape_cast %parallel_loop3A_220 : vector<1x1x16xf32> to vector<16xf32>
        %parallel_loop3A_222 = vector.shape_cast %parallel_loop3A_214 : vector<16xf32> to vector<1x1x16xf32>
        tpu.vector_store %arg10[%parallel_loop3A_217, %parallel_loop3A_218, %parallel_loop3A_219], %parallel_loop3A_222 {strides = array<i32>} : memref<4x8x512xf32, #tpu.memory_space<vmem>>, vector<1x1x16xf32>,
        %parallel_loop3A_223 = arith.constant 6 : i32
        %parallel_loop3A_224 = arith.constant 1 : i32
        %parallel_loop3A_225 = arith.index_cast %parallel_loop3A_223 : i32 to index
        %parallel_loop3A_226 = arith.index_cast %parallel_loop3A_224 : i32 to index
        %parallel_loop3A_227 = arith.index_cast %parallel_loop3A_121 : i32 to index
        %parallel_loop3A_228 = tpu.vector_load %arg8[%parallel_loop3A_225, %parallel_loop3A_226, %parallel_loop3A_227] {strides = array<i32>} : memref<8x4x512xf32, #tpu.memory_space<vmem>>, vector<1x1x16xf32>,
        %parallel_loop3A_229 = vector.shape_cast %parallel_loop3A_228 : vector<1x1x16xf32> to vector<16xf32>
        %parallel_loop3A_230 = arith.addf %parallel_loop3A_229, %parallel_loop3A_126 : vector<16xf32>
        %parallel_loop3A_231 = arith.constant 1 : i32
        %parallel_loop3A_232 = arith.constant 6 : i32
        %parallel_loop3A_233 = arith.index_cast %parallel_loop3A_231 : i32 to index
        %parallel_loop3A_234 = arith.index_cast %parallel_loop3A_232 : i32 to index
        %parallel_loop3A_235 = arith.index_cast %parallel_loop3A_121 : i32 to index
        %parallel_loop3A_236 = tpu.vector_load %arg10[%parallel_loop3A_233, %parallel_loop3A_234, %parallel_loop3A_235] {strides = array<i32>} : memref<4x8x512xf32, #tpu.memory_space<vmem>>, vector<1x1x16xf32>,
        %parallel_loop3A_237 = vector.shape_cast %parallel_loop3A_236 : vector<1x1x16xf32> to vector<16xf32>
        %parallel_loop3A_238 = vector.shape_cast %parallel_loop3A_230 : vector<16xf32> to vector<1x1x16xf32>
        tpu.vector_store %arg10[%parallel_loop3A_233, %parallel_loop3A_234, %parallel_loop3A_235], %parallel_loop3A_238 {strides = array<i32>} : memref<4x8x512xf32, #tpu.memory_space<vmem>>, vector<1x1x16xf32>,
        %parallel_loop3A_239 = arith.constant 7 : i32
        %parallel_loop3A_240 = arith.constant 1 : i32
        %parallel_loop3A_241 = arith.index_cast %parallel_loop3A_239 : i32 to index
        %parallel_loop3A_242 = arith.index_cast %parallel_loop3A_240 : i32 to index
        %parallel_loop3A_243 = arith.index_cast %parallel_loop3A_121 : i32 to index
        %parallel_loop3A_244 = tpu.vector_load %arg8[%parallel_loop3A_241, %parallel_loop3A_242, %parallel_loop3A_243] {strides = array<i32>} : memref<8x4x512xf32, #tpu.memory_space<vmem>>, vector<1x1x16xf32>,
        %parallel_loop3A_245 = vector.shape_cast %parallel_loop3A_244 : vector<1x1x16xf32> to vector<16xf32>
        %parallel_loop3A_246 = arith.addf %parallel_loop3A_245, %parallel_loop3A_126 : vector<16xf32>
        %parallel_loop3A_247 = arith.constant 1 : i32
        %parallel_loop3A_248 = arith.constant 7 : i32
        %parallel_loop3A_249 = arith.index_cast %parallel_loop3A_247 : i32 to index
        %parallel_loop3A_250 = arith.index_cast %parallel_loop3A_248 : i32 to index
        %parallel_loop3A_251 = arith.index_cast %parallel_loop3A_121 : i32 to index
        %parallel_loop3A_252 = tpu.vector_load %arg10[%parallel_loop3A_249, %parallel_loop3A_250, %parallel_loop3A_251] {strides = array<i32>} : memref<4x8x512xf32, #tpu.memory_space<vmem>>, vector<1x1x16xf32>,
        %parallel_loop3A_253 = vector.shape_cast %parallel_loop3A_252 : vector<1x1x16xf32> to vector<16xf32>
        %parallel_loop3A_254 = vector.shape_cast %parallel_loop3A_246 : vector<16xf32> to vector<1x1x16xf32>
        tpu.vector_store %arg10[%parallel_loop3A_249, %parallel_loop3A_250, %parallel_loop3A_251], %parallel_loop3A_254 {strides = array<i32>} : memref<4x8x512xf32, #tpu.memory_space<vmem>>, vector<1x1x16xf32>,
      } {sc.loop_unroll_factor = 8 : i64, sc.parallel_access}
      %parallel_loop3A_53 = arith.constant 0 : i32
      %parallel_loop3A_54 = arith.constant 32 : i32
      %parallel_loop3A_55 = arith.constant 1 : i32
      scf.for %parallel_loop3A_119 = %parallel_loop3A_53 to %parallel_loop3A_54 step %parallel_loop3A_55  : i32 {
        %parallel_loop3A_120 = arith.constant 16 : i32
        %parallel_loop3A_121 = arith.muli %parallel_loop3A_119, %parallel_loop3A_120 : i32
        %parallel_loop3A_122 = arith.constant 2 : i32
        %parallel_loop3A_123 = arith.index_cast %parallel_loop3A_122 : i32 to index
        %parallel_loop3A_124 = arith.index_cast %parallel_loop3A_121 : i32 to index
        %parallel_loop3A_125 = tpu.vector_load %arg7[%parallel_loop3A_123, %parallel_loop3A_124] {strides = array<i32>} : memref<4x512xf32, #tpu.memory_space<vmem>>, vector<1x16xf32>,
        %parallel_loop3A_126 = vector.shape_cast %parallel_loop3A_125 : vector<1x16xf32> to vector<16xf32>
        %parallel_loop3A_127 = arith.constant 0 : i32
        %parallel_loop3A_128 = arith.constant 2 : i32
        %parallel_loop3A_129 = arith.index_cast %parallel_loop3A_127 : i32 to index
        %parallel_loop3A_130 = arith.index_cast %parallel_loop3A_128 : i32 to index
        %parallel_loop3A_131 = arith.index_cast %parallel_loop3A_121 : i32 to index
        %parallel_loop3A_132 = tpu.vector_load %arg8[%parallel_loop3A_129, %parallel_loop3A_130, %parallel_loop3A_131] {strides = array<i32>} : memref<8x4x512xf32, #tpu.memory_space<vmem>>, vector<1x1x16xf32>,
        %parallel_loop3A_133 = vector.shape_cast %parallel_loop3A_132 : vector<1x1x16xf32> to vector<16xf32>
        %parallel_loop3A_134 = arith.addf %parallel_loop3A_133, %parallel_loop3A_126 : vector<16xf32>
        %parallel_loop3A_135 = arith.constant 2 : i32
        %parallel_loop3A_136 = arith.constant 0 : i32
        %parallel_loop3A_137 = arith.index_cast %parallel_loop3A_135 : i32 to index
        %parallel_loop3A_138 = arith.index_cast %parallel_loop3A_136 : i32 to index
        %parallel_loop3A_139 = arith.index_cast %parallel_loop3A_121 : i32 to index
        %parallel_loop3A_140 = tpu.vector_load %arg10[%parallel_loop3A_137, %parallel_loop3A_138, %parallel_loop3A_139] {strides = array<i32>} : memref<4x8x512xf32, #tpu.memory_space<vmem>>, vector<1x1x16xf32>,
        %parallel_loop3A_141 = vector.shape_cast %parallel_loop3A_140 : vector<1x1x16xf32> to vector<16xf32>
        %parallel_loop3A_142 = vector.shape_cast %parallel_loop3A_134 : vector<16xf32> to vector<1x1x16xf32>
        tpu.vector_store %arg10[%parallel_loop3A_137, %parallel_loop3A_138, %parallel_loop3A_139], %parallel_loop3A_142 {strides = array<i32>} : memref<4x8x512xf32, #tpu.memory_space<vmem>>, vector<1x1x16xf32>,
        %parallel_loop3A_143 = arith.constant 1 : i32
        %parallel_loop3A_144 = arith.constant 2 : i32
        %parallel_loop3A_145 = arith.index_cast %parallel_loop3A_143 : i32 to index
        %parallel_loop3A_146 = arith.index_cast %parallel_loop3A_144 : i32 to index
        %parallel_loop3A_147 = arith.index_cast %parallel_loop3A_121 : i32 to index
        %parallel_loop3A_148 = tpu.vector_load %arg8[%parallel_loop3A_145, %parallel_loop3A_146, %parallel_loop3A_147] {strides = array<i32>} : memref<8x4x512xf32, #tpu.memory_space<vmem>>, vector<1x1x16xf32>,
        %parallel_loop3A_149 = vector.shape_cast %parallel_loop3A_148 : vector<1x1x16xf32> to vector<16xf32>
        %parallel_loop3A_150 = arith.addf %parallel_loop3A_149, %parallel_loop3A_126 : vector<16xf32>
        %parallel_loop3A_151 = arith.constant 2 : i32
        %parallel_loop3A_152 = arith.constant 1 : i32
        %parallel_loop3A_153 = arith.index_cast %parallel_loop3A_151 : i32 to index
        %parallel_loop3A_154 = arith.index_cast %parallel_loop3A_152 : i32 to index
        %parallel_loop3A_155 = arith.index_cast %parallel_loop3A_121 : i32 to index
        %parallel_loop3A_156 = tpu.vector_load %arg10[%parallel_loop3A_153, %parallel_loop3A_154, %parallel_loop3A_155] {strides = array<i32>} : memref<4x8x512xf32, #tpu.memory_space<vmem>>, vector<1x1x16xf32>,
        %parallel_loop3A_157 = vector.shape_cast %parallel_loop3A_156 : vector<1x1x16xf32> to vector<16xf32>
        %parallel_loop3A_158 = vector.shape_cast %parallel_loop3A_150 : vector<16xf32> to vector<1x1x16xf32>
        tpu.vector_store %arg10[%parallel_loop3A_153, %parallel_loop3A_154, %parallel_loop3A_155], %parallel_loop3A_158 {strides = array<i32>} : memref<4x8x512xf32, #tpu.memory_space<vmem>>, vector<1x1x16xf32>,
        %parallel_loop3A_159 = arith.constant 2 : i32
        %parallel_loop3A_160 = arith.constant 2 : i32
        %parallel_loop3A_161 = arith.index_cast %parallel_loop3A_159 : i32 to index
        %parallel_loop3A_162 = arith.index_cast %parallel_loop3A_160 : i32 to index
        %parallel_loop3A_163 = arith.index_cast %parallel_loop3A_121 : i32 to index
        %parallel_loop3A_164 = tpu.vector_load %arg8[%parallel_loop3A_161, %parallel_loop3A_162, %parallel_loop3A_163] {strides = array<i32>} : memref<8x4x512xf32, #tpu.memory_space<vmem>>, vector<1x1x16xf32>,
        %parallel_loop3A_165 = vector.shape_cast %parallel_loop3A_164 : vector<1x1x16xf32> to vector<16xf32>
        %parallel_loop3A_166 = arith.addf %parallel_loop3A_165, %parallel_loop3A_126 : vector<16xf32>
        %parallel_loop3A_167 = arith.constant 2 : i32
        %parallel_loop3A_168 = arith.constant 2 : i32
        %parallel_loop3A_169 = arith.index_cast %parallel_loop3A_167 : i32 to index
        %parallel_loop3A_170 = arith.index_cast %parallel_loop3A_168 : i32 to index
        %parallel_loop3A_171 = arith.index_cast %parallel_loop3A_121 : i32 to index
        %parallel_loop3A_172 = tpu.vector_load %arg10[%parallel_loop3A_169, %parallel_loop3A_170, %parallel_loop3A_171] {strides = array<i32>} : memref<4x8x512xf32, #tpu.memory_space<vmem>>, vector<1x1x16xf32>,
        %parallel_loop3A_173 = vector.shape_cast %parallel_loop3A_172 : vector<1x1x16xf32> to vector<16xf32>
        %parallel_loop3A_174 = vector.shape_cast %parallel_loop3A_166 : vector<16xf32> to vector<1x1x16xf32>
        tpu.vector_store %arg10[%parallel_loop3A_169, %parallel_loop3A_170, %parallel_loop3A_171], %parallel_loop3A_174 {strides = array<i32>} : memref<4x8x512xf32, #tpu.memory_space<vmem>>, vector<1x1x16xf32>,
        %parallel_loop3A_175 = arith.constant 3 : i32
        %parallel_loop3A_176 = arith.constant 2 : i32
        %parallel_loop3A_177 = arith.index_cast %parallel_loop3A_175 : i32 to index
        %parallel_loop3A_178 = arith.index_cast %parallel_loop3A_176 : i32 to index
        %parallel_loop3A_179 = arith.index_cast %parallel_loop3A_121 : i32 to index
        %parallel_loop3A_180 = tpu.vector_load %arg8[%parallel_loop3A_177, %parallel_loop3A_178, %parallel_loop3A_179] {strides = array<i32>} : memref<8x4x512xf32, #tpu.memory_space<vmem>>, vector<1x1x16xf32>,
        %parallel_loop3A_181 = vector.shape_cast %parallel_loop3A_180 : vector<1x1x16xf32> to vector<16xf32>
        %parallel_loop3A_182 = arith.addf %parallel_loop3A_181, %parallel_loop3A_126 : vector<16xf32>
        %parallel_loop3A_183 = arith.constant 2 : i32
        %parallel_loop3A_184 = arith.constant 3 : i32
        %parallel_loop3A_185 = arith.index_cast %parallel_loop3A_183 : i32 to index
        %parallel_loop3A_186 = arith.index_cast %parallel_loop3A_184 : i32 to index
        %parallel_loop3A_187 = arith.index_cast %parallel_loop3A_121 : i32 to index
        %parallel_loop3A_188 = tpu.vector_load %arg10[%parallel_loop3A_185, %parallel_loop3A_186, %parallel_loop3A_187] {strides = array<i32>} : memref<4x8x512xf32, #tpu.memory_space<vmem>>, vector<1x1x16xf32>,
        %parallel_loop3A_189 = vector.shape_cast %parallel_loop3A_188 : vector<1x1x16xf32> to vector<16xf32>
        %parallel_loop3A_190 = vector.shape_cast %parallel_loop3A_182 : vector<16xf32> to vector<1x1x16xf32>
        tpu.vector_store %arg10[%parallel_loop3A_185, %parallel_loop3A_186, %parallel_loop3A_187], %parallel_loop3A_190 {strides = array<i32>} : memref<4x8x512xf32, #tpu.memory_space<vmem>>, vector<1x1x16xf32>,
        %parallel_loop3A_191 = arith.constant 4 : i32
        %parallel_loop3A_192 = arith.constant 2 : i32
        %parallel_loop3A_193 = arith.index_cast %parallel_loop3A_191 : i32 to index
        %parallel_loop3A_194 = arith.index_cast %parallel_loop3A_192 : i32 to index
        %parallel_loop3A_195 = arith.index_cast %parallel_loop3A_121 : i32 to index
        %parallel_loop3A_196 = tpu.vector_load %arg8[%parallel_loop3A_193, %parallel_loop3A_194, %parallel_loop3A_195] {strides = array<i32>} : memref<8x4x512xf32, #tpu.memory_space<vmem>>, vector<1x1x16xf32>,
        %parallel_loop3A_197 = vector.shape_cast %parallel_loop3A_196 : vector<1x1x16xf32> to vector<16xf32>
        %parallel_loop3A_198 = arith.addf %parallel_loop3A_197, %parallel_loop3A_126 : vector<16xf32>
        %parallel_loop3A_199 = arith.constant 2 : i32
        %parallel_loop3A_200 = arith.constant 4 : i32
        %parallel_loop3A_201 = arith.index_cast %parallel_loop3A_199 : i32 to index
        %parallel_loop3A_202 = arith.index_cast %parallel_loop3A_200 : i32 to index
        %parallel_loop3A_203 = arith.index_cast %parallel_loop3A_121 : i32 to index
        %parallel_loop3A_204 = tpu.vector_load %arg10[%parallel_loop3A_201, %parallel_loop3A_202, %parallel_loop3A_203] {strides = array<i32>} : memref<4x8x512xf32, #tpu.memory_space<vmem>>, vector<1x1x16xf32>,
        %parallel_loop3A_205 = vector.shape_cast %parallel_loop3A_204 : vector<1x1x16xf32> to vector<16xf32>
        %parallel_loop3A_206 = vector.shape_cast %parallel_loop3A_198 : vector<16xf32> to vector<1x1x16xf32>
        tpu.vector_store %arg10[%parallel_loop3A_201, %parallel_loop3A_202, %parallel_loop3A_203], %parallel_loop3A_206 {strides = array<i32>} : memref<4x8x512xf32, #tpu.memory_space<vmem>>, vector<1x1x16xf32>,
        %parallel_loop3A_207 = arith.constant 5 : i32
        %parallel_loop3A_208 = arith.constant 2 : i32
        %parallel_loop3A_209 = arith.index_cast %parallel_loop3A_207 : i32 to index
        %parallel_loop3A_210 = arith.index_cast %parallel_loop3A_208 : i32 to index
        %parallel_loop3A_211 = arith.index_cast %parallel_loop3A_121 : i32 to index
        %parallel_loop3A_212 = tpu.vector_load %arg8[%parallel_loop3A_209, %parallel_loop3A_210, %parallel_loop3A_211] {strides = array<i32>} : memref<8x4x512xf32, #tpu.memory_space<vmem>>, vector<1x1x16xf32>,
        %parallel_loop3A_213 = vector.shape_cast %parallel_loop3A_212 : vector<1x1x16xf32> to vector<16xf32>
        %parallel_loop3A_214 = arith.addf %parallel_loop3A_213, %parallel_loop3A_126 : vector<16xf32>
        %parallel_loop3A_215 = arith.constant 2 : i32
        %parallel_loop3A_216 = arith.constant 5 : i32
        %parallel_loop3A_217 = arith.index_cast %parallel_loop3A_215 : i32 to index
        %parallel_loop3A_218 = arith.index_cast %parallel_loop3A_216 : i32 to index
        %parallel_loop3A_219 = arith.index_cast %parallel_loop3A_121 : i32 to index
        %parallel_loop3A_220 = tpu.vector_load %arg10[%parallel_loop3A_217, %parallel_loop3A_218, %parallel_loop3A_219] {strides = array<i32>} : memref<4x8x512xf32, #tpu.memory_space<vmem>>, vector<1x1x16xf32>,
        %parallel_loop3A_221 = vector.shape_cast %parallel_loop3A_220 : vector<1x1x16xf32> to vector<16xf32>
        %parallel_loop3A_222 = vector.shape_cast %parallel_loop3A_214 : vector<16xf32> to vector<1x1x16xf32>
        tpu.vector_store %arg10[%parallel_loop3A_217, %parallel_loop3A_218, %parallel_loop3A_219], %parallel_loop3A_222 {strides = array<i32>} : memref<4x8x512xf32, #tpu.memory_space<vmem>>, vector<1x1x16xf32>,
        %parallel_loop3A_223 = arith.constant 6 : i32
        %parallel_loop3A_224 = arith.constant 2 : i32
        %parallel_loop3A_225 = arith.index_cast %parallel_loop3A_223 : i32 to index
        %parallel_loop3A_226 = arith.index_cast %parallel_loop3A_224 : i32 to index
        %parallel_loop3A_227 = arith.index_cast %parallel_loop3A_121 : i32 to index
        %parallel_loop3A_228 = tpu.vector_load %arg8[%parallel_loop3A_225, %parallel_loop3A_226, %parallel_loop3A_227] {strides = array<i32>} : memref<8x4x512xf32, #tpu.memory_space<vmem>>, vector<1x1x16xf32>,
        %parallel_loop3A_229 = vector.shape_cast %parallel_loop3A_228 : vector<1x1x16xf32> to vector<16xf32>
        %parallel_loop3A_230 = arith.addf %parallel_loop3A_229, %parallel_loop3A_126 : vector<16xf32>
        %parallel_loop3A_231 = arith.constant 2 : i32
        %parallel_loop3A_232 = arith.constant 6 : i32
        %parallel_loop3A_233 = arith.index_cast %parallel_loop3A_231 : i32 to index
        %parallel_loop3A_234 = arith.index_cast %parallel_loop3A_232 : i32 to index
        %parallel_loop3A_235 = arith.index_cast %parallel_loop3A_121 : i32 to index
        %parallel_loop3A_236 = tpu.vector_load %arg10[%parallel_loop3A_233, %parallel_loop3A_234, %parallel_loop3A_235] {strides = array<i32>} : memref<4x8x512xf32, #tpu.memory_space<vmem>>, vector<1x1x16xf32>,
        %parallel_loop3A_237 = vector.shape_cast %parallel_loop3A_236 : vector<1x1x16xf32> to vector<16xf32>
        %parallel_loop3A_238 = vector.shape_cast %parallel_loop3A_230 : vector<16xf32> to vector<1x1x16xf32>
        tpu.vector_store %arg10[%parallel_loop3A_233, %parallel_loop3A_234, %parallel_loop3A_235], %parallel_loop3A_238 {strides = array<i32>} : memref<4x8x512xf32, #tpu.memory_space<vmem>>, vector<1x1x16xf32>,
        %parallel_loop3A_239 = arith.constant 7 : i32
        %parallel_loop3A_240 = arith.constant 2 : i32
        %parallel_loop3A_241 = arith.index_cast %parallel_loop3A_239 : i32 to index
        %parallel_loop3A_242 = arith.index_cast %parallel_loop3A_240 : i32 to index
        %parallel_loop3A_243 = arith.index_cast %parallel_loop3A_121 : i32 to index
        %parallel_loop3A_244 = tpu.vector_load %arg8[%parallel_loop3A_241, %parallel_loop3A_242, %parallel_loop3A_243] {strides = array<i32>} : memref<8x4x512xf32, #tpu.memory_space<vmem>>, vector<1x1x16xf32>,
        %parallel_loop3A_245 = vector.shape_cast %parallel_loop3A_244 : vector<1x1x16xf32> to vector<16xf32>
        %parallel_loop3A_246 = arith.addf %parallel_loop3A_245, %parallel_loop3A_126 : vector<16xf32>
        %parallel_loop3A_247 = arith.constant 2 : i32
        %parallel_loop3A_248 = arith.constant 7 : i32
        %parallel_loop3A_249 = arith.index_cast %parallel_loop3A_247 : i32 to index
        %parallel_loop3A_250 = arith.index_cast %parallel_loop3A_248 : i32 to index
        %parallel_loop3A_251 = arith.index_cast %parallel_loop3A_121 : i32 to index
        %parallel_loop3A_252 = tpu.vector_load %arg10[%parallel_loop3A_249, %parallel_loop3A_250, %parallel_loop3A_251] {strides = array<i32>} : memref<4x8x512xf32, #tpu.memory_space<vmem>>, vector<1x1x16xf32>,
        %parallel_loop3A_253 = vector.shape_cast %parallel_loop3A_252 : vector<1x1x16xf32> to vector<16xf32>
        %parallel_loop3A_254 = vector.shape_cast %parallel_loop3A_246 : vector<16xf32> to vector<1x1x16xf32>
        tpu.vector_store %arg10[%parallel_loop3A_249, %parallel_loop3A_250, %parallel_loop3A_251], %parallel_loop3A_254 {strides = array<i32>} : memref<4x8x512xf32, #tpu.memory_space<vmem>>, vector<1x1x16xf32>,
      } {sc.loop_unroll_factor = 8 : i64, sc.parallel_access}
      %parallel_loop3A_56 = arith.constant 0 : i32
      %parallel_loop3A_57 = arith.constant 32 : i32
      %parallel_loop3A_58 = arith.constant 1 : i32
      scf.for %parallel_loop3A_119 = %parallel_loop3A_56 to %parallel_loop3A_57 step %parallel_loop3A_58  : i32 {
        %parallel_loop3A_120 = arith.constant 16 : i32
        %parallel_loop3A_121 = arith.muli %parallel_loop3A_119, %parallel_loop3A_120 : i32
        %parallel_loop3A_122 = arith.constant 3 : i32
        %parallel_loop3A_123 = arith.index_cast %parallel_loop3A_122 : i32 to index
        %parallel_loop3A_124 = arith.index_cast %parallel_loop3A_121 : i32 to index
        %parallel_loop3A_125 = tpu.vector_load %arg7[%parallel_loop3A_123, %parallel_loop3A_124] {strides = array<i32>} : memref<4x512xf32, #tpu.memory_space<vmem>>, vector<1x16xf32>,
        %parallel_loop3A_126 = vector.shape_cast %parallel_loop3A_125 : vector<1x16xf32> to vector<16xf32>
        %parallel_loop3A_127 = arith.constant 0 : i32
        %parallel_loop3A_128 = arith.constant 3 : i32
        %parallel_loop3A_129 = arith.index_cast %parallel_loop3A_127 : i32 to index
        %parallel_loop3A_130 = arith.index_cast %parallel_loop3A_128 : i32 to index
        %parallel_loop3A_131 = arith.index_cast %parallel_loop3A_121 : i32 to index
        %parallel_loop3A_132 = tpu.vector_load %arg8[%parallel_loop3A_129, %parallel_loop3A_130, %parallel_loop3A_131] {strides = array<i32>} : memref<8x4x512xf32, #tpu.memory_space<vmem>>, vector<1x1x16xf32>,
        %parallel_loop3A_133 = vector.shape_cast %parallel_loop3A_132 : vector<1x1x16xf32> to vector<16xf32>
        %parallel_loop3A_134 = arith.addf %parallel_loop3A_133, %parallel_loop3A_126 : vector<16xf32>
        %parallel_loop3A_135 = arith.constant 3 : i32
        %parallel_loop3A_136 = arith.constant 0 : i32
        %parallel_loop3A_137 = arith.index_cast %parallel_loop3A_135 : i32 to index
        %parallel_loop3A_138 = arith.index_cast %parallel_loop3A_136 : i32 to index
        %parallel_loop3A_139 = arith.index_cast %parallel_loop3A_121 : i32 to index
        %parallel_loop3A_140 = tpu.vector_load %arg10[%parallel_loop3A_137, %parallel_loop3A_138, %parallel_loop3A_139] {strides = array<i32>} : memref<4x8x512xf32, #tpu.memory_space<vmem>>, vector<1x1x16xf32>,
        %parallel_loop3A_141 = vector.shape_cast %parallel_loop3A_140 : vector<1x1x16xf32> to vector<16xf32>
        %parallel_loop3A_142 = vector.shape_cast %parallel_loop3A_134 : vector<16xf32> to vector<1x1x16xf32>
        tpu.vector_store %arg10[%parallel_loop3A_137, %parallel_loop3A_138, %parallel_loop3A_139], %parallel_loop3A_142 {strides = array<i32>} : memref<4x8x512xf32, #tpu.memory_space<vmem>>, vector<1x1x16xf32>,
        %parallel_loop3A_143 = arith.constant 1 : i32
        %parallel_loop3A_144 = arith.constant 3 : i32
        %parallel_loop3A_145 = arith.index_cast %parallel_loop3A_143 : i32 to index
        %parallel_loop3A_146 = arith.index_cast %parallel_loop3A_144 : i32 to index
        %parallel_loop3A_147 = arith.index_cast %parallel_loop3A_121 : i32 to index
        %parallel_loop3A_148 = tpu.vector_load %arg8[%parallel_loop3A_145, %parallel_loop3A_146, %parallel_loop3A_147] {strides = array<i32>} : memref<8x4x512xf32, #tpu.memory_space<vmem>>, vector<1x1x16xf32>,
        %parallel_loop3A_149 = vector.shape_cast %parallel_loop3A_148 : vector<1x1x16xf32> to vector<16xf32>
        %parallel_loop3A_150 = arith.addf %parallel_loop3A_149, %parallel_loop3A_126 : vector<16xf32>
        %parallel_loop3A_151 = arith.constant 3 : i32
        %parallel_loop3A_152 = arith.constant 1 : i32
        %parallel_loop3A_153 = arith.index_cast %parallel_loop3A_151 : i32 to index
        %parallel_loop3A_154 = arith.index_cast %parallel_loop3A_152 : i32 to index
        %parallel_loop3A_155 = arith.index_cast %parallel_loop3A_121 : i32 to index
        %parallel_loop3A_156 = tpu.vector_load %arg10[%parallel_loop3A_153, %parallel_loop3A_154, %parallel_loop3A_155] {strides = array<i32>} : memref<4x8x512xf32, #tpu.memory_space<vmem>>, vector<1x1x16xf32>,
        %parallel_loop3A_157 = vector.shape_cast %parallel_loop3A_156 : vector<1x1x16xf32> to vector<16xf32>
        %parallel_loop3A_158 = vector.shape_cast %parallel_loop3A_150 : vector<16xf32> to vector<1x1x16xf32>
        tpu.vector_store %arg10[%parallel_loop3A_153, %parallel_loop3A_154, %parallel_loop3A_155], %parallel_loop3A_158 {strides = array<i32>} : memref<4x8x512xf32, #tpu.memory_space<vmem>>, vector<1x1x16xf32>,
        %parallel_loop3A_159 = arith.constant 2 : i32
        %parallel_loop3A_160 = arith.constant 3 : i32
        %parallel_loop3A_161 = arith.index_cast %parallel_loop3A_159 : i32 to index
        %parallel_loop3A_162 = arith.index_cast %parallel_loop3A_160 : i32 to index
        %parallel_loop3A_163 = arith.index_cast %parallel_loop3A_121 : i32 to index
        %parallel_loop3A_164 = tpu.vector_load %arg8[%parallel_loop3A_161, %parallel_loop3A_162, %parallel_loop3A_163] {strides = array<i32>} : memref<8x4x512xf32, #tpu.memory_space<vmem>>, vector<1x1x16xf32>,
        %parallel_loop3A_165 = vector.shape_cast %parallel_loop3A_164 : vector<1x1x16xf32> to vector<16xf32>
        %parallel_loop3A_166 = arith.addf %parallel_loop3A_165, %parallel_loop3A_126 : vector<16xf32>
        %parallel_loop3A_167 = arith.constant 3 : i32
        %parallel_loop3A_168 = arith.constant 2 : i32
        %parallel_loop3A_169 = arith.index_cast %parallel_loop3A_167 : i32 to index
        %parallel_loop3A_170 = arith.index_cast %parallel_loop3A_168 : i32 to index
        %parallel_loop3A_171 = arith.index_cast %parallel_loop3A_121 : i32 to index
        %parallel_loop3A_172 = tpu.vector_load %arg10[%parallel_loop3A_169, %parallel_loop3A_170, %parallel_loop3A_171] {strides = array<i32>} : memref<4x8x512xf32, #tpu.memory_space<vmem>>, vector<1x1x16xf32>,
        %parallel_loop3A_173 = vector.shape_cast %parallel_loop3A_172 : vector<1x1x16xf32> to vector<16xf32>
        %parallel_loop3A_174 = vector.shape_cast %parallel_loop3A_166 : vector<16xf32> to vector<1x1x16xf32>
        tpu.vector_store %arg10[%parallel_loop3A_169, %parallel_loop3A_170, %parallel_loop3A_171], %parallel_loop3A_174 {strides = array<i32>} : memref<4x8x512xf32, #tpu.memory_space<vmem>>, vector<1x1x16xf32>,
        %parallel_loop3A_175 = arith.constant 3 : i32
        %parallel_loop3A_176 = arith.constant 3 : i32
        %parallel_loop3A_177 = arith.index_cast %parallel_loop3A_175 : i32 to index
        %parallel_loop3A_178 = arith.index_cast %parallel_loop3A_176 : i32 to index
        %parallel_loop3A_179 = arith.index_cast %parallel_loop3A_121 : i32 to index
        %parallel_loop3A_180 = tpu.vector_load %arg8[%parallel_loop3A_177, %parallel_loop3A_178, %parallel_loop3A_179] {strides = array<i32>} : memref<8x4x512xf32, #tpu.memory_space<vmem>>, vector<1x1x16xf32>,
        %parallel_loop3A_181 = vector.shape_cast %parallel_loop3A_180 : vector<1x1x16xf32> to vector<16xf32>
        %parallel_loop3A_182 = arith.addf %parallel_loop3A_181, %parallel_loop3A_126 : vector<16xf32>
        %parallel_loop3A_183 = arith.constant 3 : i32
        %parallel_loop3A_184 = arith.constant 3 : i32
        %parallel_loop3A_185 = arith.index_cast %parallel_loop3A_183 : i32 to index
        %parallel_loop3A_186 = arith.index_cast %parallel_loop3A_184 : i32 to index
        %parallel_loop3A_187 = arith.index_cast %parallel_loop3A_121 : i32 to index
        %parallel_loop3A_188 = tpu.vector_load %arg10[%parallel_loop3A_185, %parallel_loop3A_186, %parallel_loop3A_187] {strides = array<i32>} : memref<4x8x512xf32, #tpu.memory_space<vmem>>, vector<1x1x16xf32>,
        %parallel_loop3A_189 = vector.shape_cast %parallel_loop3A_188 : vector<1x1x16xf32> to vector<16xf32>
        %parallel_loop3A_190 = vector.shape_cast %parallel_loop3A_182 : vector<16xf32> to vector<1x1x16xf32>
        tpu.vector_store %arg10[%parallel_loop3A_185, %parallel_loop3A_186, %parallel_loop3A_187], %parallel_loop3A_190 {strides = array<i32>} : memref<4x8x512xf32, #tpu.memory_space<vmem>>, vector<1x1x16xf32>,
        %parallel_loop3A_191 = arith.constant 4 : i32
        %parallel_loop3A_192 = arith.constant 3 : i32
        %parallel_loop3A_193 = arith.index_cast %parallel_loop3A_191 : i32 to index
        %parallel_loop3A_194 = arith.index_cast %parallel_loop3A_192 : i32 to index
        %parallel_loop3A_195 = arith.index_cast %parallel_loop3A_121 : i32 to index
        %parallel_loop3A_196 = tpu.vector_load %arg8[%parallel_loop3A_193, %parallel_loop3A_194, %parallel_loop3A_195] {strides = array<i32>} : memref<8x4x512xf32, #tpu.memory_space<vmem>>, vector<1x1x16xf32>,
        %parallel_loop3A_197 = vector.shape_cast %parallel_loop3A_196 : vector<1x1x16xf32> to vector<16xf32>
        %parallel_loop3A_198 = arith.addf %parallel_loop3A_197, %parallel_loop3A_126 : vector<16xf32>
        %parallel_loop3A_199 = arith.constant 3 : i32
        %parallel_loop3A_200 = arith.constant 4 : i32
        %parallel_loop3A_201 = arith.index_cast %parallel_loop3A_199 : i32 to index
        %parallel_loop3A_202 = arith.index_cast %parallel_loop3A_200 : i32 to index
        %parallel_loop3A_203 = arith.index_cast %parallel_loop3A_121 : i32 to index
        %parallel_loop3A_204 = tpu.vector_load %arg10[%parallel_loop3A_201, %parallel_loop3A_202, %parallel_loop3A_203] {strides = array<i32>} : memref<4x8x512xf32, #tpu.memory_space<vmem>>, vector<1x1x16xf32>,
        %parallel_loop3A_205 = vector.shape_cast %parallel_loop3A_204 : vector<1x1x16xf32> to vector<16xf32>
        %parallel_loop3A_206 = vector.shape_cast %parallel_loop3A_198 : vector<16xf32> to vector<1x1x16xf32>
        tpu.vector_store %arg10[%parallel_loop3A_201, %parallel_loop3A_202, %parallel_loop3A_203], %parallel_loop3A_206 {strides = array<i32>} : memref<4x8x512xf32, #tpu.memory_space<vmem>>, vector<1x1x16xf32>,
        %parallel_loop3A_207 = arith.constant 5 : i32
        %parallel_loop3A_208 = arith.constant 3 : i32
        %parallel_loop3A_209 = arith.index_cast %parallel_loop3A_207 : i32 to index
        %parallel_loop3A_210 = arith.index_cast %parallel_loop3A_208 : i32 to index
        %parallel_loop3A_211 = arith.index_cast %parallel_loop3A_121 : i32 to index
        %parallel_loop3A_212 = tpu.vector_load %arg8[%parallel_loop3A_209, %parallel_loop3A_210, %parallel_loop3A_211] {strides = array<i32>} : memref<8x4x512xf32, #tpu.memory_space<vmem>>, vector<1x1x16xf32>,
        %parallel_loop3A_213 = vector.shape_cast %parallel_loop3A_212 : vector<1x1x16xf32> to vector<16xf32>
        %parallel_loop3A_214 = arith.addf %parallel_loop3A_213, %parallel_loop3A_126 : vector<16xf32>
        %parallel_loop3A_215 = arith.constant 3 : i32
        %parallel_loop3A_216 = arith.constant 5 : i32
        %parallel_loop3A_217 = arith.index_cast %parallel_loop3A_215 : i32 to index
        %parallel_loop3A_218 = arith.index_cast %parallel_loop3A_216 : i32 to index
        %parallel_loop3A_219 = arith.index_cast %parallel_loop3A_121 : i32 to index
        %parallel_loop3A_220 = tpu.vector_load %arg10[%parallel_loop3A_217, %parallel_loop3A_218, %parallel_loop3A_219] {strides = array<i32>} : memref<4x8x512xf32, #tpu.memory_space<vmem>>, vector<1x1x16xf32>,
        %parallel_loop3A_221 = vector.shape_cast %parallel_loop3A_220 : vector<1x1x16xf32> to vector<16xf32>
        %parallel_loop3A_222 = vector.shape_cast %parallel_loop3A_214 : vector<16xf32> to vector<1x1x16xf32>
        tpu.vector_store %arg10[%parallel_loop3A_217, %parallel_loop3A_218, %parallel_loop3A_219], %parallel_loop3A_222 {strides = array<i32>} : memref<4x8x512xf32, #tpu.memory_space<vmem>>, vector<1x1x16xf32>,
        %parallel_loop3A_223 = arith.constant 6 : i32
        %parallel_loop3A_224 = arith.constant 3 : i32
        %parallel_loop3A_225 = arith.index_cast %parallel_loop3A_223 : i32 to index
        %parallel_loop3A_226 = arith.index_cast %parallel_loop3A_224 : i32 to index
        %parallel_loop3A_227 = arith.index_cast %parallel_loop3A_121 : i32 to index
        %parallel_loop3A_228 = tpu.vector_load %arg8[%parallel_loop3A_225, %parallel_loop3A_226, %parallel_loop3A_227] {strides = array<i32>} : memref<8x4x512xf32, #tpu.memory_space<vmem>>, vector<1x1x16xf32>,
        %parallel_loop3A_229 = vector.shape_cast %parallel_loop3A_228 : vector<1x1x16xf32> to vector<16xf32>
        %parallel_loop3A_230 = arith.addf %parallel_loop3A_229, %parallel_loop3A_126 : vector<16xf32>
        %parallel_loop3A_231 = arith.constant 3 : i32
        %parallel_loop3A_232 = arith.constant 6 : i32
        %parallel_loop3A_233 = arith.index_cast %parallel_loop3A_231 : i32 to index
        %parallel_loop3A_234 = arith.index_cast %parallel_loop3A_232 : i32 to index
        %parallel_loop3A_235 = arith.index_cast %parallel_loop3A_121 : i32 to index
        %parallel_loop3A_236 = tpu.vector_load %arg10[%parallel_loop3A_233, %parallel_loop3A_234, %parallel_loop3A_235] {strides = array<i32>} : memref<4x8x512xf32, #tpu.memory_space<vmem>>, vector<1x1x16xf32>,
        %parallel_loop3A_237 = vector.shape_cast %parallel_loop3A_236 : vector<1x1x16xf32> to vector<16xf32>
        %parallel_loop3A_238 = vector.shape_cast %parallel_loop3A_230 : vector<16xf32> to vector<1x1x16xf32>
        tpu.vector_store %arg10[%parallel_loop3A_233, %parallel_loop3A_234, %parallel_loop3A_235], %parallel_loop3A_238 {strides = array<i32>} : memref<4x8x512xf32, #tpu.memory_space<vmem>>, vector<1x1x16xf32>,
        %parallel_loop3A_239 = arith.constant 7 : i32
        %parallel_loop3A_240 = arith.constant 3 : i32
        %parallel_loop3A_241 = arith.index_cast %parallel_loop3A_239 : i32 to index
        %parallel_loop3A_242 = arith.index_cast %parallel_loop3A_240 : i32 to index
        %parallel_loop3A_243 = arith.index_cast %parallel_loop3A_121 : i32 to index
        %parallel_loop3A_244 = tpu.vector_load %arg8[%parallel_loop3A_241, %parallel_loop3A_242, %parallel_loop3A_243] {strides = array<i32>} : memref<8x4x512xf32, #tpu.memory_space<vmem>>, vector<1x1x16xf32>,
        %parallel_loop3A_245 = vector.shape_cast %parallel_loop3A_244 : vector<1x1x16xf32> to vector<16xf32>
        %parallel_loop3A_246 = arith.addf %parallel_loop3A_245, %parallel_loop3A_126 : vector<16xf32>
        %parallel_loop3A_247 = arith.constant 3 : i32
        %parallel_loop3A_248 = arith.constant 7 : i32
        %parallel_loop3A_249 = arith.index_cast %parallel_loop3A_247 : i32 to index
        %parallel_loop3A_250 = arith.index_cast %parallel_loop3A_248 : i32 to index
        %parallel_loop3A_251 = arith.index_cast %parallel_loop3A_121 : i32 to index
        %parallel_loop3A_252 = tpu.vector_load %arg10[%parallel_loop3A_249, %parallel_loop3A_250, %parallel_loop3A_251] {strides = array<i32>} : memref<4x8x512xf32, #tpu.memory_space<vmem>>, vector<1x1x16xf32>,
        %parallel_loop3A_253 = vector.shape_cast %parallel_loop3A_252 : vector<1x1x16xf32> to vector<16xf32>
        %parallel_loop3A_254 = vector.shape_cast %parallel_loop3A_246 : vector<16xf32> to vector<1x1x16xf32>
        tpu.vector_store %arg10[%parallel_loop3A_249, %parallel_loop3A_250, %parallel_loop3A_251], %parallel_loop3A_254 {strides = array<i32>} : memref<4x8x512xf32, #tpu.memory_space<vmem>>, vector<1x1x16xf32>,
      } {sc.loop_unroll_factor = 8 : i64, sc.parallel_access}
      %add3A_59 = arith.constant 2 : i32
      %add3A_60 = arith.addi %add3A_37, %add3A_59 : i32
      %lt3A = arith.constant 16 : i32
      %lt3A_61 = arith.cmpi slt, %add3A_60, %lt3A : i32
      %convert_element_type3A_62 = arith.extui %lt3A_61 : i1 to i32
      %cond3A_63 = arith.constant 0 : i32
      %cond3A_64 = arith.cmpi ne, %convert_element_type3A_62, %cond3A_63 : i32
      scf.if %cond3A_64 {
        %add3A_119 = arith.constant 2 : i32
        %add3A_120 = arith.addi %add3A_37, %add3A_119 : i32
        %mul3A_121 = arith.constant 8 : i32
        %mul3A_122 = arith.muli %add3A_120, %mul3A_121 : i32
        %dma_start3A_123 = tpu.memref_slice %arg6[%mul3A_122] : memref<128xi32, #tpu.memory_space<vmem>> -> memref<8xi32, #tpu.memory_space<vmem>>
        %dma_start3A_124 = arith.constant 0 : i32
        %dma_start3A_125 = arith.constant 0 : i32
        %dma_start3A_126 = arith.constant 0 : i32
        %dma_start3A_127 = tpu.memref_slice %arg4[%dma_start3A_124, %dma_start3A_125, %dma_start3A_126] : memref<100000x4x512xf32, #tpu.memory_space<hbm>> -> memref<100000x4x512xf32, #tpu.memory_space<hbm>>
        tpu.enqueue_indirect_dma source(%dma_start3A_127 : memref<100000x4x512xf32, #tpu.memory_space<hbm>>) target(%arg8 : memref<8x4x512xf32, #tpu.memory_space<vmem>>) offsets(%dma_start3A_123 : memref<8xi32, #tpu.memory_space<vmem>>) semaphore(%arg12 : memref<!tpu.dma_semaphore, #tpu.memory_space<semaphore_mem>>)
      } else {
      }
      %mul3A_65 = arith.constant 8 : i32
      %mul3A_66 = arith.muli %add3A_37, %mul3A_65 : i32
      %add3A_67 = arith.addi %mul3A_2, %mul3A_66 : i32
      %dma_start3A_68 = arith.constant 5 : i32
      %dma_start3A_69 = arith.constant 0 : i32
      %dma_start3A_70 = tpu.memref_slice %arg5[%dma_start3A_68, %add3A_67, %dma_start3A_69] : memref<11x4096x512xf32, #tpu.memory_space<hbm>> -> memref<4x8x512xf32, #tpu.memory_space<hbm>>
      %dma_start3A_71 = arith.constant 5 : i32
      %dma_start3A_72 = arith.constant 0 : i32
      %dma_start3A_73 = tpu.memref_slice %arg5[%dma_start3A_71, %add3A_67, %dma_start3A_72] : memref<11x4096x512xf32, #tpu.memory_space<hbm>> -> memref<4x8x512xf32, #tpu.memory_space<hbm>>
      tpu.enqueue_dma source(%arg10 : memref<4x8x512xf32, #tpu.memory_space<vmem>>) target(%dma_start3A_73 : memref<4x8x512xf32, #tpu.memory_space<hbm>>) target_semaphore(%arg14 : memref<!tpu.dma_semaphore, #tpu.memory_space<semaphore_mem>>)
      %mul3A_74 = arith.constant 2 : i32
      %mul3A_75 = arith.muli %mul3A_74, %scan3A_33 : i32
      %add3A_76 = arith.constant 1 : i32
      %add3A_77 = arith.addi %mul3A_75, %add3A_76 : i32
      %dma_wait3A_78 = arith.constant 0 : i32
      %dma_wait3A_79 = arith.constant 0 : i32
      %dma_wait3A_80 = arith.constant 0 : i32
      %dma_wait3A_81 = tpu.memref_slice %arg4[%dma_wait3A_78, %dma_wait3A_79, %dma_wait3A_80] : memref<100000x4x512xf32, #tpu.memory_space<hbm>> -> memref<8x4x512xf32, #tpu.memory_space<hbm>>
      %dma_wait3A_82 = arith.constant 0 : i32
      %dma_wait3A_83 = arith.constant 0 : i32
      %dma_wait3A_84 = arith.constant 0 : i32
      %dma_wait3A_85 = tpu.memref_slice %arg4[%dma_wait3A_82, %dma_wait3A_83, %dma_wait3A_84] : memref<100000x4x512xf32, #tpu.memory_space<hbm>> -> memref<8x4x512xf32, #tpu.memory_space<hbm>>
      tpu.wait_dma2 semaphore(%arg13 : memref<!tpu.dma_semaphore, #tpu.memory_space<semaphore_mem>>) src(%dma_wait3A_85 : memref<8x4x512xf32, #tpu.memory_space<hbm>>) dst(%arg9 : memref<8x4x512xf32, #tpu.memory_space<vmem>>)
      %gt3A_86 = arith.constant 0 : i32
      %gt3A_87 = arith.cmpi sgt, %scan3A_33, %gt3A_86 : i32
      %convert_element_type3A_88 = arith.extui %gt3A_87 : i1 to i32
      %cond3A_89 = arith.constant 0 : i32
      %cond3A_90 = arith.cmpi ne, %convert_element_type3A_88, %cond3A_89 : i32
      scf.if %cond3A_90 {
        %dma_wait3A_119 = arith.constant 5 : i32
        %dma_wait3A_120 = arith.constant 0 : i32
        %dma_wait3A_121 = arith.constant 0 : i32
        %dma_wait3A_122 = tpu.memref_slice %arg5[%dma_wait3A_119, %dma_wait3A_120, %dma_wait3A_121] : memref<11x4096x512xf32, #tpu.memory_space<hbm>> -> memref<4x8x512xf32, #tpu.memory_space<hbm>>
        %dma_wait3A_123 = arith.constant 5 : i32
        %dma_wait3A_124 = arith.constant 0 : i32
        %dma_wait3A_125 = arith.constant 0 : i32
        %dma_wait3A_126 = tpu.memref_slice %arg5[%dma_wait3A_123, %dma_wait3A_124, %dma_wait3A_125] : memref<11x4096x512xf32, #tpu.memory_space<hbm>> -> memref<4x8x512xf32, #tpu.memory_space<hbm>>
        tpu.wait_dma2 semaphore(%arg15 : memref<!tpu.dma_semaphore, #tpu.memory_space<semaphore_mem>>) src(%arg11 : memref<4x8x512xf32, #tpu.memory_space<vmem>>) dst(%dma_wait3A_126 : memref<4x8x512xf32, #tpu.memory_space<hbm>>)
      } else {
      }
      %parallel_loop3A_91 = arith.constant 0 : i32
      %parallel_loop3A_92 = arith.constant 32 : i32
      %parallel_loop3A_93 = arith.constant 1 : i32
      scf.for %parallel_loop3A_119 = %parallel_loop3A_91 to %parallel_loop3A_92 step %parallel_loop3A_93  : i32 {
        %parallel_loop3A_120 = arith.constant 16 : i32
        %parallel_loop3A_121 = arith.muli %parallel_loop3A_119, %parallel_loop3A_120 : i32
        %parallel_loop3A_122 = arith.constant 0 : i32
        %parallel_loop3A_123 = arith.index_cast %parallel_loop3A_122 : i32 to index
        %parallel_loop3A_124 = arith.index_cast %parallel_loop3A_121 : i32 to index
        %parallel_loop3A_125 = tpu.vector_load %arg7[%parallel_loop3A_123, %parallel_loop3A_124] {strides = array<i32>} : memref<4x512xf32, #tpu.memory_space<vmem>>, vector<1x16xf32>,
        %parallel_loop3A_126 = vector.shape_cast %parallel_loop3A_125 : vector<1x16xf32> to vector<16xf32>
        %parallel_loop3A_127 = arith.constant 0 : i32
        %parallel_loop3A_128 = arith.constant 0 : i32
        %parallel_loop3A_129 = arith.index_cast %parallel_loop3A_127 : i32 to index
        %parallel_loop3A_130 = arith.index_cast %parallel_loop3A_128 : i32 to index
        %parallel_loop3A_131 = arith.index_cast %parallel_loop3A_121 : i32 to index
        %parallel_loop3A_132 = tpu.vector_load %arg9[%parallel_loop3A_129, %parallel_loop3A_130, %parallel_loop3A_131] {strides = array<i32>} : memref<8x4x512xf32, #tpu.memory_space<vmem>>, vector<1x1x16xf32>,
        %parallel_loop3A_133 = vector.shape_cast %parallel_loop3A_132 : vector<1x1x16xf32> to vector<16xf32>
        %parallel_loop3A_134 = arith.addf %parallel_loop3A_133, %parallel_loop3A_126 : vector<16xf32>
        %parallel_loop3A_135 = arith.constant 0 : i32
        %parallel_loop3A_136 = arith.constant 0 : i32
        %parallel_loop3A_137 = arith.index_cast %parallel_loop3A_135 : i32 to index
        %parallel_loop3A_138 = arith.index_cast %parallel_loop3A_136 : i32 to index
        %parallel_loop3A_139 = arith.index_cast %parallel_loop3A_121 : i32 to index
        %parallel_loop3A_140 = tpu.vector_load %arg11[%parallel_loop3A_137, %parallel_loop3A_138, %parallel_loop3A_139] {strides = array<i32>} : memref<4x8x512xf32, #tpu.memory_space<vmem>>, vector<1x1x16xf32>,
        %parallel_loop3A_141 = vector.shape_cast %parallel_loop3A_140 : vector<1x1x16xf32> to vector<16xf32>
        %parallel_loop3A_142 = vector.shape_cast %parallel_loop3A_134 : vector<16xf32> to vector<1x1x16xf32>
        tpu.vector_store %arg11[%parallel_loop3A_137, %parallel_loop3A_138, %parallel_loop3A_139], %parallel_loop3A_142 {strides = array<i32>} : memref<4x8x512xf32, #tpu.memory_space<vmem>>, vector<1x1x16xf32>,
        %parallel_loop3A_143 = arith.constant 1 : i32
        %parallel_loop3A_144 = arith.constant 0 : i32
        %parallel_loop3A_145 = arith.index_cast %parallel_loop3A_143 : i32 to index
        %parallel_loop3A_146 = arith.index_cast %parallel_loop3A_144 : i32 to index
        %parallel_loop3A_147 = arith.index_cast %parallel_loop3A_121 : i32 to index
        %parallel_loop3A_148 = tpu.vector_load %arg9[%parallel_loop3A_145, %parallel_loop3A_146, %parallel_loop3A_147] {strides = array<i32>} : memref<8x4x512xf32, #tpu.memory_space<vmem>>, vector<1x1x16xf32>,
        %parallel_loop3A_149 = vector.shape_cast %parallel_loop3A_148 : vector<1x1x16xf32> to vector<16xf32>
        %parallel_loop3A_150 = arith.addf %parallel_loop3A_149, %parallel_loop3A_126 : vector<16xf32>
        %parallel_loop3A_151 = arith.constant 0 : i32
        %parallel_loop3A_152 = arith.constant 1 : i32
        %parallel_loop3A_153 = arith.index_cast %parallel_loop3A_151 : i32 to index
        %parallel_loop3A_154 = arith.index_cast %parallel_loop3A_152 : i32 to index
        %parallel_loop3A_155 = arith.index_cast %parallel_loop3A_121 : i32 to index
        %parallel_loop3A_156 = tpu.vector_load %arg11[%parallel_loop3A_153, %parallel_loop3A_154, %parallel_loop3A_155] {strides = array<i32>} : memref<4x8x512xf32, #tpu.memory_space<vmem>>, vector<1x1x16xf32>,
        %parallel_loop3A_157 = vector.shape_cast %parallel_loop3A_156 : vector<1x1x16xf32> to vector<16xf32>
        %parallel_loop3A_158 = vector.shape_cast %parallel_loop3A_150 : vector<16xf32> to vector<1x1x16xf32>
        tpu.vector_store %arg11[%parallel_loop3A_153, %parallel_loop3A_154, %parallel_loop3A_155], %parallel_loop3A_158 {strides = array<i32>} : memref<4x8x512xf32, #tpu.memory_space<vmem>>, vector<1x1x16xf32>,
        %parallel_loop3A_159 = arith.constant 2 : i32
        %parallel_loop3A_160 = arith.constant 0 : i32
        %parallel_loop3A_161 = arith.index_cast %parallel_loop3A_159 : i32 to index
        %parallel_loop3A_162 = arith.index_cast %parallel_loop3A_160 : i32 to index
        %parallel_loop3A_163 = arith.index_cast %parallel_loop3A_121 : i32 to index
        %parallel_loop3A_164 = tpu.vector_load %arg9[%parallel_loop3A_161, %parallel_loop3A_162, %parallel_loop3A_163] {strides = array<i32>} : memref<8x4x512xf32, #tpu.memory_space<vmem>>, vector<1x1x16xf32>,
        %parallel_loop3A_165 = vector.shape_cast %parallel_loop3A_164 : vector<1x1x16xf32> to vector<16xf32>
        %parallel_loop3A_166 = arith.addf %parallel_loop3A_165, %parallel_loop3A_126 : vector<16xf32>
        %parallel_loop3A_167 = arith.constant 0 : i32
        %parallel_loop3A_168 = arith.constant 2 : i32
        %parallel_loop3A_169 = arith.index_cast %parallel_loop3A_167 : i32 to index
        %parallel_loop3A_170 = arith.index_cast %parallel_loop3A_168 : i32 to index
        %parallel_loop3A_171 = arith.index_cast %parallel_loop3A_121 : i32 to index
        %parallel_loop3A_172 = tpu.vector_load %arg11[%parallel_loop3A_169, %parallel_loop3A_170, %parallel_loop3A_171] {strides = array<i32>} : memref<4x8x512xf32, #tpu.memory_space<vmem>>, vector<1x1x16xf32>,
        %parallel_loop3A_173 = vector.shape_cast %parallel_loop3A_172 : vector<1x1x16xf32> to vector<16xf32>
        %parallel_loop3A_174 = vector.shape_cast %parallel_loop3A_166 : vector<16xf32> to vector<1x1x16xf32>
        tpu.vector_store %arg11[%parallel_loop3A_169, %parallel_loop3A_170, %parallel_loop3A_171], %parallel_loop3A_174 {strides = array<i32>} : memref<4x8x512xf32, #tpu.memory_space<vmem>>, vector<1x1x16xf32>,
        %parallel_loop3A_175 = arith.constant 3 : i32
        %parallel_loop3A_176 = arith.constant 0 : i32
        %parallel_loop3A_177 = arith.index_cast %parallel_loop3A_175 : i32 to index
        %parallel_loop3A_178 = arith.index_cast %parallel_loop3A_176 : i32 to index
        %parallel_loop3A_179 = arith.index_cast %parallel_loop3A_121 : i32 to index
        %parallel_loop3A_180 = tpu.vector_load %arg9[%parallel_loop3A_177, %parallel_loop3A_178, %parallel_loop3A_179] {strides = array<i32>} : memref<8x4x512xf32, #tpu.memory_space<vmem>>, vector<1x1x16xf32>,
        %parallel_loop3A_181 = vector.shape_cast %parallel_loop3A_180 : vector<1x1x16xf32> to vector<16xf32>
        %parallel_loop3A_182 = arith.addf %parallel_loop3A_181, %parallel_loop3A_126 : vector<16xf32>
        %parallel_loop3A_183 = arith.constant 0 : i32
        %parallel_loop3A_184 = arith.constant 3 : i32
        %parallel_loop3A_185 = arith.index_cast %parallel_loop3A_183 : i32 to index
        %parallel_loop3A_186 = arith.index_cast %parallel_loop3A_184 : i32 to index
        %parallel_loop3A_187 = arith.index_cast %parallel_loop3A_121 : i32 to index
        %parallel_loop3A_188 = tpu.vector_load %arg11[%parallel_loop3A_185, %parallel_loop3A_186, %parallel_loop3A_187] {strides = array<i32>} : memref<4x8x512xf32, #tpu.memory_space<vmem>>, vector<1x1x16xf32>,
        %parallel_loop3A_189 = vector.shape_cast %parallel_loop3A_188 : vector<1x1x16xf32> to vector<16xf32>
        %parallel_loop3A_190 = vector.shape_cast %parallel_loop3A_182 : vector<16xf32> to vector<1x1x16xf32>
        tpu.vector_store %arg11[%parallel_loop3A_185, %parallel_loop3A_186, %parallel_loop3A_187], %parallel_loop3A_190 {strides = array<i32>} : memref<4x8x512xf32, #tpu.memory_space<vmem>>, vector<1x1x16xf32>,
        %parallel_loop3A_191 = arith.constant 4 : i32
        %parallel_loop3A_192 = arith.constant 0 : i32
        %parallel_loop3A_193 = arith.index_cast %parallel_loop3A_191 : i32 to index
        %parallel_loop3A_194 = arith.index_cast %parallel_loop3A_192 : i32 to index
        %parallel_loop3A_195 = arith.index_cast %parallel_loop3A_121 : i32 to index
        %parallel_loop3A_196 = tpu.vector_load %arg9[%parallel_loop3A_193, %parallel_loop3A_194, %parallel_loop3A_195] {strides = array<i32>} : memref<8x4x512xf32, #tpu.memory_space<vmem>>, vector<1x1x16xf32>,
        %parallel_loop3A_197 = vector.shape_cast %parallel_loop3A_196 : vector<1x1x16xf32> to vector<16xf32>
        %parallel_loop3A_198 = arith.addf %parallel_loop3A_197, %parallel_loop3A_126 : vector<16xf32>
        %parallel_loop3A_199 = arith.constant 0 : i32
        %parallel_loop3A_200 = arith.constant 4 : i32
        %parallel_loop3A_201 = arith.index_cast %parallel_loop3A_199 : i32 to index
        %parallel_loop3A_202 = arith.index_cast %parallel_loop3A_200 : i32 to index
        %parallel_loop3A_203 = arith.index_cast %parallel_loop3A_121 : i32 to index
        %parallel_loop3A_204 = tpu.vector_load %arg11[%parallel_loop3A_201, %parallel_loop3A_202, %parallel_loop3A_203] {strides = array<i32>} : memref<4x8x512xf32, #tpu.memory_space<vmem>>, vector<1x1x16xf32>,
        %parallel_loop3A_205 = vector.shape_cast %parallel_loop3A_204 : vector<1x1x16xf32> to vector<16xf32>
        %parallel_loop3A_206 = vector.shape_cast %parallel_loop3A_198 : vector<16xf32> to vector<1x1x16xf32>
        tpu.vector_store %arg11[%parallel_loop3A_201, %parallel_loop3A_202, %parallel_loop3A_203], %parallel_loop3A_206 {strides = array<i32>} : memref<4x8x512xf32, #tpu.memory_space<vmem>>, vector<1x1x16xf32>,
        %parallel_loop3A_207 = arith.constant 5 : i32
        %parallel_loop3A_208 = arith.constant 0 : i32
        %parallel_loop3A_209 = arith.index_cast %parallel_loop3A_207 : i32 to index
        %parallel_loop3A_210 = arith.index_cast %parallel_loop3A_208 : i32 to index
        %parallel_loop3A_211 = arith.index_cast %parallel_loop3A_121 : i32 to index
        %parallel_loop3A_212 = tpu.vector_load %arg9[%parallel_loop3A_209, %parallel_loop3A_210, %parallel_loop3A_211] {strides = array<i32>} : memref<8x4x512xf32, #tpu.memory_space<vmem>>, vector<1x1x16xf32>,
        %parallel_loop3A_213 = vector.shape_cast %parallel_loop3A_212 : vector<1x1x16xf32> to vector<16xf32>
        %parallel_loop3A_214 = arith.addf %parallel_loop3A_213, %parallel_loop3A_126 : vector<16xf32>
        %parallel_loop3A_215 = arith.constant 0 : i32
        %parallel_loop3A_216 = arith.constant 5 : i32
        %parallel_loop3A_217 = arith.index_cast %parallel_loop3A_215 : i32 to index
        %parallel_loop3A_218 = arith.index_cast %parallel_loop3A_216 : i32 to index
        %parallel_loop3A_219 = arith.index_cast %parallel_loop3A_121 : i32 to index
        %parallel_loop3A_220 = tpu.vector_load %arg11[%parallel_loop3A_217, %parallel_loop3A_218, %parallel_loop3A_219] {strides = array<i32>} : memref<4x8x512xf32, #tpu.memory_space<vmem>>, vector<1x1x16xf32>,
        %parallel_loop3A_221 = vector.shape_cast %parallel_loop3A_220 : vector<1x1x16xf32> to vector<16xf32>
        %parallel_loop3A_222 = vector.shape_cast %parallel_loop3A_214 : vector<16xf32> to vector<1x1x16xf32>
        tpu.vector_store %arg11[%parallel_loop3A_217, %parallel_loop3A_218, %parallel_loop3A_219], %parallel_loop3A_222 {strides = array<i32>} : memref<4x8x512xf32, #tpu.memory_space<vmem>>, vector<1x1x16xf32>,
        %parallel_loop3A_223 = arith.constant 6 : i32
        %parallel_loop3A_224 = arith.constant 0 : i32
        %parallel_loop3A_225 = arith.index_cast %parallel_loop3A_223 : i32 to index
        %parallel_loop3A_226 = arith.index_cast %parallel_loop3A_224 : i32 to index
        %parallel_loop3A_227 = arith.index_cast %parallel_loop3A_121 : i32 to index
        %parallel_loop3A_228 = tpu.vector_load %arg9[%parallel_loop3A_225, %parallel_loop3A_226, %parallel_loop3A_227] {strides = array<i32>} : memref<8x4x512xf32, #tpu.memory_space<vmem>>, vector<1x1x16xf32>,
        %parallel_loop3A_229 = vector.shape_cast %parallel_loop3A_228 : vector<1x1x16xf32> to vector<16xf32>
        %parallel_loop3A_230 = arith.addf %parallel_loop3A_229, %parallel_loop3A_126 : vector<16xf32>
        %parallel_loop3A_231 = arith.constant 0 : i32
        %parallel_loop3A_232 = arith.constant 6 : i32
        %parallel_loop3A_233 = arith.index_cast %parallel_loop3A_231 : i32 to index
        %parallel_loop3A_234 = arith.index_cast %parallel_loop3A_232 : i32 to index
        %parallel_loop3A_235 = arith.index_cast %parallel_loop3A_121 : i32 to index
        %parallel_loop3A_236 = tpu.vector_load %arg11[%parallel_loop3A_233, %parallel_loop3A_234, %parallel_loop3A_235] {strides = array<i32>} : memref<4x8x512xf32, #tpu.memory_space<vmem>>, vector<1x1x16xf32>,
        %parallel_loop3A_237 = vector.shape_cast %parallel_loop3A_236 : vector<1x1x16xf32> to vector<16xf32>
        %parallel_loop3A_238 = vector.shape_cast %parallel_loop3A_230 : vector<16xf32> to vector<1x1x16xf32>
        tpu.vector_store %arg11[%parallel_loop3A_233, %parallel_loop3A_234, %parallel_loop3A_235], %parallel_loop3A_238 {strides = array<i32>} : memref<4x8x512xf32, #tpu.memory_space<vmem>>, vector<1x1x16xf32>,
        %parallel_loop3A_239 = arith.constant 7 : i32
        %parallel_loop3A_240 = arith.constant 0 : i32
        %parallel_loop3A_241 = arith.index_cast %parallel_loop3A_239 : i32 to index
        %parallel_loop3A_242 = arith.index_cast %parallel_loop3A_240 : i32 to index
        %parallel_loop3A_243 = arith.index_cast %parallel_loop3A_121 : i32 to index
        %parallel_loop3A_244 = tpu.vector_load %arg9[%parallel_loop3A_241, %parallel_loop3A_242, %parallel_loop3A_243] {strides = array<i32>} : memref<8x4x512xf32, #tpu.memory_space<vmem>>, vector<1x1x16xf32>,
        %parallel_loop3A_245 = vector.shape_cast %parallel_loop3A_244 : vector<1x1x16xf32> to vector<16xf32>
        %parallel_loop3A_246 = arith.addf %parallel_loop3A_245, %parallel_loop3A_126 : vector<16xf32>
        %parallel_loop3A_247 = arith.constant 0 : i32
        %parallel_loop3A_248 = arith.constant 7 : i32
        %parallel_loop3A_249 = arith.index_cast %parallel_loop3A_247 : i32 to index
        %parallel_loop3A_250 = arith.index_cast %parallel_loop3A_248 : i32 to index
        %parallel_loop3A_251 = arith.index_cast %parallel_loop3A_121 : i32 to index
        %parallel_loop3A_252 = tpu.vector_load %arg11[%parallel_loop3A_249, %parallel_loop3A_250, %parallel_loop3A_251] {strides = array<i32>} : memref<4x8x512xf32, #tpu.memory_space<vmem>>, vector<1x1x16xf32>,
        %parallel_loop3A_253 = vector.shape_cast %parallel_loop3A_252 : vector<1x1x16xf32> to vector<16xf32>
        %parallel_loop3A_254 = vector.shape_cast %parallel_loop3A_246 : vector<16xf32> to vector<1x1x16xf32>
        tpu.vector_store %arg11[%parallel_loop3A_249, %parallel_loop3A_250, %parallel_loop3A_251], %parallel_loop3A_254 {strides = array<i32>} : memref<4x8x512xf32, #tpu.memory_space<vmem>>, vector<1x1x16xf32>,
      } {sc.loop_unroll_factor = 8 : i64, sc.parallel_access}
      %parallel_loop3A_94 = arith.constant 0 : i32
      %parallel_loop3A_95 = arith.constant 32 : i32
      %parallel_loop3A_96 = arith.constant 1 : i32
      scf.for %parallel_loop3A_119 = %parallel_loop3A_94 to %parallel_loop3A_95 step %parallel_loop3A_96  : i32 {
        %parallel_loop3A_120 = arith.constant 16 : i32
        %parallel_loop3A_121 = arith.muli %parallel_loop3A_119, %parallel_loop3A_120 : i32
        %parallel_loop3A_122 = arith.constant 1 : i32
        %parallel_loop3A_123 = arith.index_cast %parallel_loop3A_122 : i32 to index
        %parallel_loop3A_124 = arith.index_cast %parallel_loop3A_121 : i32 to index
        %parallel_loop3A_125 = tpu.vector_load %arg7[%parallel_loop3A_123, %parallel_loop3A_124] {strides = array<i32>} : memref<4x512xf32, #tpu.memory_space<vmem>>, vector<1x16xf32>,
        %parallel_loop3A_126 = vector.shape_cast %parallel_loop3A_125 : vector<1x16xf32> to vector<16xf32>
        %parallel_loop3A_127 = arith.constant 0 : i32
        %parallel_loop3A_128 = arith.constant 1 : i32
        %parallel_loop3A_129 = arith.index_cast %parallel_loop3A_127 : i32 to index
        %parallel_loop3A_130 = arith.index_cast %parallel_loop3A_128 : i32 to index
        %parallel_loop3A_131 = arith.index_cast %parallel_loop3A_121 : i32 to index
        %parallel_loop3A_132 = tpu.vector_load %arg9[%parallel_loop3A_129, %parallel_loop3A_130, %parallel_loop3A_131] {strides = array<i32>} : memref<8x4x512xf32, #tpu.memory_space<vmem>>, vector<1x1x16xf32>,
        %parallel_loop3A_133 = vector.shape_cast %parallel_loop3A_132 : vector<1x1x16xf32> to vector<16xf32>
        %parallel_loop3A_134 = arith.addf %parallel_loop3A_133, %parallel_loop3A_126 : vector<16xf32>
        %parallel_loop3A_135 = arith.constant 1 : i32
        %parallel_loop3A_136 = arith.constant 0 : i32
        %parallel_loop3A_137 = arith.index_cast %parallel_loop3A_135 : i32 to index
        %parallel_loop3A_138 = arith.index_cast %parallel_loop3A_136 : i32 to index
        %parallel_loop3A_139 = arith.index_cast %parallel_loop3A_121 : i32 to index
        %parallel_loop3A_140 = tpu.vector_load %arg11[%parallel_loop3A_137, %parallel_loop3A_138, %parallel_loop3A_139] {strides = array<i32>} : memref<4x8x512xf32, #tpu.memory_space<vmem>>, vector<1x1x16xf32>,
        %parallel_loop3A_141 = vector.shape_cast %parallel_loop3A_140 : vector<1x1x16xf32> to vector<16xf32>
        %parallel_loop3A_142 = vector.shape_cast %parallel_loop3A_134 : vector<16xf32> to vector<1x1x16xf32>
        tpu.vector_store %arg11[%parallel_loop3A_137, %parallel_loop3A_138, %parallel_loop3A_139], %parallel_loop3A_142 {strides = array<i32>} : memref<4x8x512xf32, #tpu.memory_space<vmem>>, vector<1x1x16xf32>,
        %parallel_loop3A_143 = arith.constant 1 : i32
        %parallel_loop3A_144 = arith.constant 1 : i32
        %parallel_loop3A_145 = arith.index_cast %parallel_loop3A_143 : i32 to index
        %parallel_loop3A_146 = arith.index_cast %parallel_loop3A_144 : i32 to index
        %parallel_loop3A_147 = arith.index_cast %parallel_loop3A_121 : i32 to index
        %parallel_loop3A_148 = tpu.vector_load %arg9[%parallel_loop3A_145, %parallel_loop3A_146, %parallel_loop3A_147] {strides = array<i32>} : memref<8x4x512xf32, #tpu.memory_space<vmem>>, vector<1x1x16xf32>,
        %parallel_loop3A_149 = vector.shape_cast %parallel_loop3A_148 : vector<1x1x16xf32> to vector<16xf32>
        %parallel_loop3A_150 = arith.addf %parallel_loop3A_149, %parallel_loop3A_126 : vector<16xf32>
        %parallel_loop3A_151 = arith.constant 1 : i32
        %parallel_loop3A_152 = arith.constant 1 : i32
        %parallel_loop3A_153 = arith.index_cast %parallel_loop3A_151 : i32 to index
        %parallel_loop3A_154 = arith.index_cast %parallel_loop3A_152 : i32 to index
        %parallel_loop3A_155 = arith.index_cast %parallel_loop3A_121 : i32 to index
        %parallel_loop3A_156 = tpu.vector_load %arg11[%parallel_loop3A_153, %parallel_loop3A_154, %parallel_loop3A_155] {strides = array<i32>} : memref<4x8x512xf32, #tpu.memory_space<vmem>>, vector<1x1x16xf32>,
        %parallel_loop3A_157 = vector.shape_cast %parallel_loop3A_156 : vector<1x1x16xf32> to vector<16xf32>
        %parallel_loop3A_158 = vector.shape_cast %parallel_loop3A_150 : vector<16xf32> to vector<1x1x16xf32>
        tpu.vector_store %arg11[%parallel_loop3A_153, %parallel_loop3A_154, %parallel_loop3A_155], %parallel_loop3A_158 {strides = array<i32>} : memref<4x8x512xf32, #tpu.memory_space<vmem>>, vector<1x1x16xf32>,
        %parallel_loop3A_159 = arith.constant 2 : i32
        %parallel_loop3A_160 = arith.constant 1 : i32
        %parallel_loop3A_161 = arith.index_cast %parallel_loop3A_159 : i32 to index
        %parallel_loop3A_162 = arith.index_cast %parallel_loop3A_160 : i32 to index
        %parallel_loop3A_163 = arith.index_cast %parallel_loop3A_121 : i32 to index
        %parallel_loop3A_164 = tpu.vector_load %arg9[%parallel_loop3A_161, %parallel_loop3A_162, %parallel_loop3A_163] {strides = array<i32>} : memref<8x4x512xf32, #tpu.memory_space<vmem>>, vector<1x1x16xf32>,
        %parallel_loop3A_165 = vector.shape_cast %parallel_loop3A_164 : vector<1x1x16xf32> to vector<16xf32>
        %parallel_loop3A_166 = arith.addf %parallel_loop3A_165, %parallel_loop3A_126 : vector<16xf32>
        %parallel_loop3A_167 = arith.constant 1 : i32
        %parallel_loop3A_168 = arith.constant 2 : i32
        %parallel_loop3A_169 = arith.index_cast %parallel_loop3A_167 : i32 to index
        %parallel_loop3A_170 = arith.index_cast %parallel_loop3A_168 : i32 to index
        %parallel_loop3A_171 = arith.index_cast %parallel_loop3A_121 : i32 to index
        %parallel_loop3A_172 = tpu.vector_load %arg11[%parallel_loop3A_169, %parallel_loop3A_170, %parallel_loop3A_171] {strides = array<i32>} : memref<4x8x512xf32, #tpu.memory_space<vmem>>, vector<1x1x16xf32>,
        %parallel_loop3A_173 = vector.shape_cast %parallel_loop3A_172 : vector<1x1x16xf32> to vector<16xf32>
        %parallel_loop3A_174 = vector.shape_cast %parallel_loop3A_166 : vector<16xf32> to vector<1x1x16xf32>
        tpu.vector_store %arg11[%parallel_loop3A_169, %parallel_loop3A_170, %parallel_loop3A_171], %parallel_loop3A_174 {strides = array<i32>} : memref<4x8x512xf32, #tpu.memory_space<vmem>>, vector<1x1x16xf32>,
        %parallel_loop3A_175 = arith.constant 3 : i32
        %parallel_loop3A_176 = arith.constant 1 : i32
        %parallel_loop3A_177 = arith.index_cast %parallel_loop3A_175 : i32 to index
        %parallel_loop3A_178 = arith.index_cast %parallel_loop3A_176 : i32 to index
        %parallel_loop3A_179 = arith.index_cast %parallel_loop3A_121 : i32 to index
        %parallel_loop3A_180 = tpu.vector_load %arg9[%parallel_loop3A_177, %parallel_loop3A_178, %parallel_loop3A_179] {strides = array<i32>} : memref<8x4x512xf32, #tpu.memory_space<vmem>>, vector<1x1x16xf32>,
        %parallel_loop3A_181 = vector.shape_cast %parallel_loop3A_180 : vector<1x1x16xf32> to vector<16xf32>
        %parallel_loop3A_182 = arith.addf %parallel_loop3A_181, %parallel_loop3A_126 : vector<16xf32>
        %parallel_loop3A_183 = arith.constant 1 : i32
        %parallel_loop3A_184 = arith.constant 3 : i32
        %parallel_loop3A_185 = arith.index_cast %parallel_loop3A_183 : i32 to index
        %parallel_loop3A_186 = arith.index_cast %parallel_loop3A_184 : i32 to index
        %parallel_loop3A_187 = arith.index_cast %parallel_loop3A_121 : i32 to index
        %parallel_loop3A_188 = tpu.vector_load %arg11[%parallel_loop3A_185, %parallel_loop3A_186, %parallel_loop3A_187] {strides = array<i32>} : memref<4x8x512xf32, #tpu.memory_space<vmem>>, vector<1x1x16xf32>,
        %parallel_loop3A_189 = vector.shape_cast %parallel_loop3A_188 : vector<1x1x16xf32> to vector<16xf32>
        %parallel_loop3A_190 = vector.shape_cast %parallel_loop3A_182 : vector<16xf32> to vector<1x1x16xf32>
        tpu.vector_store %arg11[%parallel_loop3A_185, %parallel_loop3A_186, %parallel_loop3A_187], %parallel_loop3A_190 {strides = array<i32>} : memref<4x8x512xf32, #tpu.memory_space<vmem>>, vector<1x1x16xf32>,
        %parallel_loop3A_191 = arith.constant 4 : i32
        %parallel_loop3A_192 = arith.constant 1 : i32
        %parallel_loop3A_193 = arith.index_cast %parallel_loop3A_191 : i32 to index
        %parallel_loop3A_194 = arith.index_cast %parallel_loop3A_192 : i32 to index
        %parallel_loop3A_195 = arith.index_cast %parallel_loop3A_121 : i32 to index
        %parallel_loop3A_196 = tpu.vector_load %arg9[%parallel_loop3A_193, %parallel_loop3A_194, %parallel_loop3A_195] {strides = array<i32>} : memref<8x4x512xf32, #tpu.memory_space<vmem>>, vector<1x1x16xf32>,
        %parallel_loop3A_197 = vector.shape_cast %parallel_loop3A_196 : vector<1x1x16xf32> to vector<16xf32>
        %parallel_loop3A_198 = arith.addf %parallel_loop3A_197, %parallel_loop3A_126 : vector<16xf32>
        %parallel_loop3A_199 = arith.constant 1 : i32
        %parallel_loop3A_200 = arith.constant 4 : i32
        %parallel_loop3A_201 = arith.index_cast %parallel_loop3A_199 : i32 to index
        %parallel_loop3A_202 = arith.index_cast %parallel_loop3A_200 : i32 to index
        %parallel_loop3A_203 = arith.index_cast %parallel_loop3A_121 : i32 to index
        %parallel_loop3A_204 = tpu.vector_load %arg11[%parallel_loop3A_201, %parallel_loop3A_202, %parallel_loop3A_203] {strides = array<i32>} : memref<4x8x512xf32, #tpu.memory_space<vmem>>, vector<1x1x16xf32>,
        %parallel_loop3A_205 = vector.shape_cast %parallel_loop3A_204 : vector<1x1x16xf32> to vector<16xf32>
        %parallel_loop3A_206 = vector.shape_cast %parallel_loop3A_198 : vector<16xf32> to vector<1x1x16xf32>
        tpu.vector_store %arg11[%parallel_loop3A_201, %parallel_loop3A_202, %parallel_loop3A_203], %parallel_loop3A_206 {strides = array<i32>} : memref<4x8x512xf32, #tpu.memory_space<vmem>>, vector<1x1x16xf32>,
        %parallel_loop3A_207 = arith.constant 5 : i32
        %parallel_loop3A_208 = arith.constant 1 : i32
        %parallel_loop3A_209 = arith.index_cast %parallel_loop3A_207 : i32 to index
        %parallel_loop3A_210 = arith.index_cast %parallel_loop3A_208 : i32 to index
        %parallel_loop3A_211 = arith.index_cast %parallel_loop3A_121 : i32 to index
        %parallel_loop3A_212 = tpu.vector_load %arg9[%parallel_loop3A_209, %parallel_loop3A_210, %parallel_loop3A_211] {strides = array<i32>} : memref<8x4x512xf32, #tpu.memory_space<vmem>>, vector<1x1x16xf32>,
        %parallel_loop3A_213 = vector.shape_cast %parallel_loop3A_212 : vector<1x1x16xf32> to vector<16xf32>
        %parallel_loop3A_214 = arith.addf %parallel_loop3A_213, %parallel_loop3A_126 : vector<16xf32>
        %parallel_loop3A_215 = arith.constant 1 : i32
        %parallel_loop3A_216 = arith.constant 5 : i32
        %parallel_loop3A_217 = arith.index_cast %parallel_loop3A_215 : i32 to index
        %parallel_loop3A_218 = arith.index_cast %parallel_loop3A_216 : i32 to index
        %parallel_loop3A_219 = arith.index_cast %parallel_loop3A_121 : i32 to index
        %parallel_loop3A_220 = tpu.vector_load %arg11[%parallel_loop3A_217, %parallel_loop3A_218, %parallel_loop3A_219] {strides = array<i32>} : memref<4x8x512xf32, #tpu.memory_space<vmem>>, vector<1x1x16xf32>,
        %parallel_loop3A_221 = vector.shape_cast %parallel_loop3A_220 : vector<1x1x16xf32> to vector<16xf32>
        %parallel_loop3A_222 = vector.shape_cast %parallel_loop3A_214 : vector<16xf32> to vector<1x1x16xf32>
        tpu.vector_store %arg11[%parallel_loop3A_217, %parallel_loop3A_218, %parallel_loop3A_219], %parallel_loop3A_222 {strides = array<i32>} : memref<4x8x512xf32, #tpu.memory_space<vmem>>, vector<1x1x16xf32>,
        %parallel_loop3A_223 = arith.constant 6 : i32
        %parallel_loop3A_224 = arith.constant 1 : i32
        %parallel_loop3A_225 = arith.index_cast %parallel_loop3A_223 : i32 to index
        %parallel_loop3A_226 = arith.index_cast %parallel_loop3A_224 : i32 to index
        %parallel_loop3A_227 = arith.index_cast %parallel_loop3A_121 : i32 to index
        %parallel_loop3A_228 = tpu.vector_load %arg9[%parallel_loop3A_225, %parallel_loop3A_226, %parallel_loop3A_227] {strides = array<i32>} : memref<8x4x512xf32, #tpu.memory_space<vmem>>, vector<1x1x16xf32>,
        %parallel_loop3A_229 = vector.shape_cast %parallel_loop3A_228 : vector<1x1x16xf32> to vector<16xf32>
        %parallel_loop3A_230 = arith.addf %parallel_loop3A_229, %parallel_loop3A_126 : vector<16xf32>
        %parallel_loop3A_231 = arith.constant 1 : i32
        %parallel_loop3A_232 = arith.constant 6 : i32
        %parallel_loop3A_233 = arith.index_cast %parallel_loop3A_231 : i32 to index
        %parallel_loop3A_234 = arith.index_cast %parallel_loop3A_232 : i32 to index
        %parallel_loop3A_235 = arith.index_cast %parallel_loop3A_121 : i32 to index
        %parallel_loop3A_236 = tpu.vector_load %arg11[%parallel_loop3A_233, %parallel_loop3A_234, %parallel_loop3A_235] {strides = array<i32>} : memref<4x8x512xf32, #tpu.memory_space<vmem>>, vector<1x1x16xf32>,
        %parallel_loop3A_237 = vector.shape_cast %parallel_loop3A_236 : vector<1x1x16xf32> to vector<16xf32>
        %parallel_loop3A_238 = vector.shape_cast %parallel_loop3A_230 : vector<16xf32> to vector<1x1x16xf32>
        tpu.vector_store %arg11[%parallel_loop3A_233, %parallel_loop3A_234, %parallel_loop3A_235], %parallel_loop3A_238 {strides = array<i32>} : memref<4x8x512xf32, #tpu.memory_space<vmem>>, vector<1x1x16xf32>,
        %parallel_loop3A_239 = arith.constant 7 : i32
        %parallel_loop3A_240 = arith.constant 1 : i32
        %parallel_loop3A_241 = arith.index_cast %parallel_loop3A_239 : i32 to index
        %parallel_loop3A_242 = arith.index_cast %parallel_loop3A_240 : i32 to index
        %parallel_loop3A_243 = arith.index_cast %parallel_loop3A_121 : i32 to index
        %parallel_loop3A_244 = tpu.vector_load %arg9[%parallel_loop3A_241, %parallel_loop3A_242, %parallel_loop3A_243] {strides = array<i32>} : memref<8x4x512xf32, #tpu.memory_space<vmem>>, vector<1x1x16xf32>,
        %parallel_loop3A_245 = vector.shape_cast %parallel_loop3A_244 : vector<1x1x16xf32> to vector<16xf32>
        %parallel_loop3A_246 = arith.addf %parallel_loop3A_245, %parallel_loop3A_126 : vector<16xf32>
        %parallel_loop3A_247 = arith.constant 1 : i32
        %parallel_loop3A_248 = arith.constant 7 : i32
        %parallel_loop3A_249 = arith.index_cast %parallel_loop3A_247 : i32 to index
        %parallel_loop3A_250 = arith.index_cast %parallel_loop3A_248 : i32 to index
        %parallel_loop3A_251 = arith.index_cast %parallel_loop3A_121 : i32 to index
        %parallel_loop3A_252 = tpu.vector_load %arg11[%parallel_loop3A_249, %parallel_loop3A_250, %parallel_loop3A_251] {strides = array<i32>} : memref<4x8x512xf32, #tpu.memory_space<vmem>>, vector<1x1x16xf32>,
        %parallel_loop3A_253 = vector.shape_cast %parallel_loop3A_252 : vector<1x1x16xf32> to vector<16xf32>
        %parallel_loop3A_254 = vector.shape_cast %parallel_loop3A_246 : vector<16xf32> to vector<1x1x16xf32>
        tpu.vector_store %arg11[%parallel_loop3A_249, %parallel_loop3A_250, %parallel_loop3A_251], %parallel_loop3A_254 {strides = array<i32>} : memref<4x8x512xf32, #tpu.memory_space<vmem>>, vector<1x1x16xf32>,
      } {sc.loop_unroll_factor = 8 : i64, sc.parallel_access}
      %parallel_loop3A_97 = arith.constant 0 : i32
      %parallel_loop3A_98 = arith.constant 32 : i32
      %parallel_loop3A_99 = arith.constant 1 : i32
      scf.for %parallel_loop3A_119 = %parallel_loop3A_97 to %parallel_loop3A_98 step %parallel_loop3A_99  : i32 {
        %parallel_loop3A_120 = arith.constant 16 : i32
        %parallel_loop3A_121 = arith.muli %parallel_loop3A_119, %parallel_loop3A_120 : i32
        %parallel_loop3A_122 = arith.constant 2 : i32
        %parallel_loop3A_123 = arith.index_cast %parallel_loop3A_122 : i32 to index
        %parallel_loop3A_124 = arith.index_cast %parallel_loop3A_121 : i32 to index
        %parallel_loop3A_125 = tpu.vector_load %arg7[%parallel_loop3A_123, %parallel_loop3A_124] {strides = array<i32>} : memref<4x512xf32, #tpu.memory_space<vmem>>, vector<1x16xf32>,
        %parallel_loop3A_126 = vector.shape_cast %parallel_loop3A_125 : vector<1x16xf32> to vector<16xf32>
        %parallel_loop3A_127 = arith.constant 0 : i32
        %parallel_loop3A_128 = arith.constant 2 : i32
        %parallel_loop3A_129 = arith.index_cast %parallel_loop3A_127 : i32 to index
        %parallel_loop3A_130 = arith.index_cast %parallel_loop3A_128 : i32 to index
        %parallel_loop3A_131 = arith.index_cast %parallel_loop3A_121 : i32 to index
        %parallel_loop3A_132 = tpu.vector_load %arg9[%parallel_loop3A_129, %parallel_loop3A_130, %parallel_loop3A_131] {strides = array<i32>} : memref<8x4x512xf32, #tpu.memory_space<vmem>>, vector<1x1x16xf32>,
        %parallel_loop3A_133 = vector.shape_cast %parallel_loop3A_132 : vector<1x1x16xf32> to vector<16xf32>
        %parallel_loop3A_134 = arith.addf %parallel_loop3A_133, %parallel_loop3A_126 : vector<16xf32>
        %parallel_loop3A_135 = arith.constant 2 : i32
        %parallel_loop3A_136 = arith.constant 0 : i32
        %parallel_loop3A_137 = arith.index_cast %parallel_loop3A_135 : i32 to index
        %parallel_loop3A_138 = arith.index_cast %parallel_loop3A_136 : i32 to index
        %parallel_loop3A_139 = arith.index_cast %parallel_loop3A_121 : i32 to index
        %parallel_loop3A_140 = tpu.vector_load %arg11[%parallel_loop3A_137, %parallel_loop3A_138, %parallel_loop3A_139] {strides = array<i32>} : memref<4x8x512xf32, #tpu.memory_space<vmem>>, vector<1x1x16xf32>,
        %parallel_loop3A_141 = vector.shape_cast %parallel_loop3A_140 : vector<1x1x16xf32> to vector<16xf32>
        %parallel_loop3A_142 = vector.shape_cast %parallel_loop3A_134 : vector<16xf32> to vector<1x1x16xf32>
        tpu.vector_store %arg11[%parallel_loop3A_137, %parallel_loop3A_138, %parallel_loop3A_139], %parallel_loop3A_142 {strides = array<i32>} : memref<4x8x512xf32, #tpu.memory_space<vmem>>, vector<1x1x16xf32>,
        %parallel_loop3A_143 = arith.constant 1 : i32
        %parallel_loop3A_144 = arith.constant 2 : i32
        %parallel_loop3A_145 = arith.index_cast %parallel_loop3A_143 : i32 to index
        %parallel_loop3A_146 = arith.index_cast %parallel_loop3A_144 : i32 to index
        %parallel_loop3A_147 = arith.index_cast %parallel_loop3A_121 : i32 to index
        %parallel_loop3A_148 = tpu.vector_load %arg9[%parallel_loop3A_145, %parallel_loop3A_146, %parallel_loop3A_147] {strides = array<i32>} : memref<8x4x512xf32, #tpu.memory_space<vmem>>, vector<1x1x16xf32>,
        %parallel_loop3A_149 = vector.shape_cast %parallel_loop3A_148 : vector<1x1x16xf32> to vector<16xf32>
        %parallel_loop3A_150 = arith.addf %parallel_loop3A_149, %parallel_loop3A_126 : vector<16xf32>
        %parallel_loop3A_151 = arith.constant 2 : i32
        %parallel_loop3A_152 = arith.constant 1 : i32
        %parallel_loop3A_153 = arith.index_cast %parallel_loop3A_151 : i32 to index
        %parallel_loop3A_154 = arith.index_cast %parallel_loop3A_152 : i32 to index
        %parallel_loop3A_155 = arith.index_cast %parallel_loop3A_121 : i32 to index
        %parallel_loop3A_156 = tpu.vector_load %arg11[%parallel_loop3A_153, %parallel_loop3A_154, %parallel_loop3A_155] {strides = array<i32>} : memref<4x8x512xf32, #tpu.memory_space<vmem>>, vector<1x1x16xf32>,
        %parallel_loop3A_157 = vector.shape_cast %parallel_loop3A_156 : vector<1x1x16xf32> to vector<16xf32>
        %parallel_loop3A_158 = vector.shape_cast %parallel_loop3A_150 : vector<16xf32> to vector<1x1x16xf32>
        tpu.vector_store %arg11[%parallel_loop3A_153, %parallel_loop3A_154, %parallel_loop3A_155], %parallel_loop3A_158 {strides = array<i32>} : memref<4x8x512xf32, #tpu.memory_space<vmem>>, vector<1x1x16xf32>,
        %parallel_loop3A_159 = arith.constant 2 : i32
        %parallel_loop3A_160 = arith.constant 2 : i32
        %parallel_loop3A_161 = arith.index_cast %parallel_loop3A_159 : i32 to index
        %parallel_loop3A_162 = arith.index_cast %parallel_loop3A_160 : i32 to index
        %parallel_loop3A_163 = arith.index_cast %parallel_loop3A_121 : i32 to index
        %parallel_loop3A_164 = tpu.vector_load %arg9[%parallel_loop3A_161, %parallel_loop3A_162, %parallel_loop3A_163] {strides = array<i32>} : memref<8x4x512xf32, #tpu.memory_space<vmem>>, vector<1x1x16xf32>,
        %parallel_loop3A_165 = vector.shape_cast %parallel_loop3A_164 : vector<1x1x16xf32> to vector<16xf32>
        %parallel_loop3A_166 = arith.addf %parallel_loop3A_165, %parallel_loop3A_126 : vector<16xf32>
        %parallel_loop3A_167 = arith.constant 2 : i32
        %parallel_loop3A_168 = arith.constant 2 : i32
        %parallel_loop3A_169 = arith.index_cast %parallel_loop3A_167 : i32 to index
        %parallel_loop3A_170 = arith.index_cast %parallel_loop3A_168 : i32 to index
        %parallel_loop3A_171 = arith.index_cast %parallel_loop3A_121 : i32 to index
        %parallel_loop3A_172 = tpu.vector_load %arg11[%parallel_loop3A_169, %parallel_loop3A_170, %parallel_loop3A_171] {strides = array<i32>} : memref<4x8x512xf32, #tpu.memory_space<vmem>>, vector<1x1x16xf32>,
        %parallel_loop3A_173 = vector.shape_cast %parallel_loop3A_172 : vector<1x1x16xf32> to vector<16xf32>
        %parallel_loop3A_174 = vector.shape_cast %parallel_loop3A_166 : vector<16xf32> to vector<1x1x16xf32>
        tpu.vector_store %arg11[%parallel_loop3A_169, %parallel_loop3A_170, %parallel_loop3A_171], %parallel_loop3A_174 {strides = array<i32>} : memref<4x8x512xf32, #tpu.memory_space<vmem>>, vector<1x1x16xf32>,
        %parallel_loop3A_175 = arith.constant 3 : i32
        %parallel_loop3A_176 = arith.constant 2 : i32
        %parallel_loop3A_177 = arith.index_cast %parallel_loop3A_175 : i32 to index
        %parallel_loop3A_178 = arith.index_cast %parallel_loop3A_176 : i32 to index
        %parallel_loop3A_179 = arith.index_cast %parallel_loop3A_121 : i32 to index
        %parallel_loop3A_180 = tpu.vector_load %arg9[%parallel_loop3A_177, %parallel_loop3A_178, %parallel_loop3A_179] {strides = array<i32>} : memref<8x4x512xf32, #tpu.memory_space<vmem>>, vector<1x1x16xf32>,
        %parallel_loop3A_181 = vector.shape_cast %parallel_loop3A_180 : vector<1x1x16xf32> to vector<16xf32>
        %parallel_loop3A_182 = arith.addf %parallel_loop3A_181, %parallel_loop3A_126 : vector<16xf32>
        %parallel_loop3A_183 = arith.constant 2 : i32
        %parallel_loop3A_184 = arith.constant 3 : i32
        %parallel_loop3A_185 = arith.index_cast %parallel_loop3A_183 : i32 to index
        %parallel_loop3A_186 = arith.index_cast %parallel_loop3A_184 : i32 to index
        %parallel_loop3A_187 = arith.index_cast %parallel_loop3A_121 : i32 to index
        %parallel_loop3A_188 = tpu.vector_load %arg11[%parallel_loop3A_185, %parallel_loop3A_186, %parallel_loop3A_187] {strides = array<i32>} : memref<4x8x512xf32, #tpu.memory_space<vmem>>, vector<1x1x16xf32>,
        %parallel_loop3A_189 = vector.shape_cast %parallel_loop3A_188 : vector<1x1x16xf32> to vector<16xf32>
        %parallel_loop3A_190 = vector.shape_cast %parallel_loop3A_182 : vector<16xf32> to vector<1x1x16xf32>
        tpu.vector_store %arg11[%parallel_loop3A_185, %parallel_loop3A_186, %parallel_loop3A_187], %parallel_loop3A_190 {strides = array<i32>} : memref<4x8x512xf32, #tpu.memory_space<vmem>>, vector<1x1x16xf32>,
        %parallel_loop3A_191 = arith.constant 4 : i32
        %parallel_loop3A_192 = arith.constant 2 : i32
        %parallel_loop3A_193 = arith.index_cast %parallel_loop3A_191 : i32 to index
        %parallel_loop3A_194 = arith.index_cast %parallel_loop3A_192 : i32 to index
        %parallel_loop3A_195 = arith.index_cast %parallel_loop3A_121 : i32 to index
        %parallel_loop3A_196 = tpu.vector_load %arg9[%parallel_loop3A_193, %parallel_loop3A_194, %parallel_loop3A_195] {strides = array<i32>} : memref<8x4x512xf32, #tpu.memory_space<vmem>>, vector<1x1x16xf32>,
        %parallel_loop3A_197 = vector.shape_cast %parallel_loop3A_196 : vector<1x1x16xf32> to vector<16xf32>
        %parallel_loop3A_198 = arith.addf %parallel_loop3A_197, %parallel_loop3A_126 : vector<16xf32>
        %parallel_loop3A_199 = arith.constant 2 : i32
        %parallel_loop3A_200 = arith.constant 4 : i32
        %parallel_loop3A_201 = arith.index_cast %parallel_loop3A_199 : i32 to index
        %parallel_loop3A_202 = arith.index_cast %parallel_loop3A_200 : i32 to index
        %parallel_loop3A_203 = arith.index_cast %parallel_loop3A_121 : i32 to index
        %parallel_loop3A_204 = tpu.vector_load %arg11[%parallel_loop3A_201, %parallel_loop3A_202, %parallel_loop3A_203] {strides = array<i32>} : memref<4x8x512xf32, #tpu.memory_space<vmem>>, vector<1x1x16xf32>,
        %parallel_loop3A_205 = vector.shape_cast %parallel_loop3A_204 : vector<1x1x16xf32> to vector<16xf32>
        %parallel_loop3A_206 = vector.shape_cast %parallel_loop3A_198 : vector<16xf32> to vector<1x1x16xf32>
        tpu.vector_store %arg11[%parallel_loop3A_201, %parallel_loop3A_202, %parallel_loop3A_203], %parallel_loop3A_206 {strides = array<i32>} : memref<4x8x512xf32, #tpu.memory_space<vmem>>, vector<1x1x16xf32>,
        %parallel_loop3A_207 = arith.constant 5 : i32
        %parallel_loop3A_208 = arith.constant 2 : i32
        %parallel_loop3A_209 = arith.index_cast %parallel_loop3A_207 : i32 to index
        %parallel_loop3A_210 = arith.index_cast %parallel_loop3A_208 : i32 to index
        %parallel_loop3A_211 = arith.index_cast %parallel_loop3A_121 : i32 to index
        %parallel_loop3A_212 = tpu.vector_load %arg9[%parallel_loop3A_209, %parallel_loop3A_210, %parallel_loop3A_211] {strides = array<i32>} : memref<8x4x512xf32, #tpu.memory_space<vmem>>, vector<1x1x16xf32>,
        %parallel_loop3A_213 = vector.shape_cast %parallel_loop3A_212 : vector<1x1x16xf32> to vector<16xf32>
        %parallel_loop3A_214 = arith.addf %parallel_loop3A_213, %parallel_loop3A_126 : vector<16xf32>
        %parallel_loop3A_215 = arith.constant 2 : i32
        %parallel_loop3A_216 = arith.constant 5 : i32
        %parallel_loop3A_217 = arith.index_cast %parallel_loop3A_215 : i32 to index
        %parallel_loop3A_218 = arith.index_cast %parallel_loop3A_216 : i32 to index
        %parallel_loop3A_219 = arith.index_cast %parallel_loop3A_121 : i32 to index
        %parallel_loop3A_220 = tpu.vector_load %arg11[%parallel_loop3A_217, %parallel_loop3A_218, %parallel_loop3A_219] {strides = array<i32>} : memref<4x8x512xf32, #tpu.memory_space<vmem>>, vector<1x1x16xf32>,
        %parallel_loop3A_221 = vector.shape_cast %parallel_loop3A_220 : vector<1x1x16xf32> to vector<16xf32>
        %parallel_loop3A_222 = vector.shape_cast %parallel_loop3A_214 : vector<16xf32> to vector<1x1x16xf32>
        tpu.vector_store %arg11[%parallel_loop3A_217, %parallel_loop3A_218, %parallel_loop3A_219], %parallel_loop3A_222 {strides = array<i32>} : memref<4x8x512xf32, #tpu.memory_space<vmem>>, vector<1x1x16xf32>,
        %parallel_loop3A_223 = arith.constant 6 : i32
        %parallel_loop3A_224 = arith.constant 2 : i32
        %parallel_loop3A_225 = arith.index_cast %parallel_loop3A_223 : i32 to index
        %parallel_loop3A_226 = arith.index_cast %parallel_loop3A_224 : i32 to index
        %parallel_loop3A_227 = arith.index_cast %parallel_loop3A_121 : i32 to index
        %parallel_loop3A_228 = tpu.vector_load %arg9[%parallel_loop3A_225, %parallel_loop3A_226, %parallel_loop3A_227] {strides = array<i32>} : memref<8x4x512xf32, #tpu.memory_space<vmem>>, vector<1x1x16xf32>,
        %parallel_loop3A_229 = vector.shape_cast %parallel_loop3A_228 : vector<1x1x16xf32> to vector<16xf32>
        %parallel_loop3A_230 = arith.addf %parallel_loop3A_229, %parallel_loop3A_126 : vector<16xf32>
        %parallel_loop3A_231 = arith.constant 2 : i32
        %parallel_loop3A_232 = arith.constant 6 : i32
        %parallel_loop3A_233 = arith.index_cast %parallel_loop3A_231 : i32 to index
        %parallel_loop3A_234 = arith.index_cast %parallel_loop3A_232 : i32 to index
        %parallel_loop3A_235 = arith.index_cast %parallel_loop3A_121 : i32 to index
        %parallel_loop3A_236 = tpu.vector_load %arg11[%parallel_loop3A_233, %parallel_loop3A_234, %parallel_loop3A_235] {strides = array<i32>} : memref<4x8x512xf32, #tpu.memory_space<vmem>>, vector<1x1x16xf32>,
        %parallel_loop3A_237 = vector.shape_cast %parallel_loop3A_236 : vector<1x1x16xf32> to vector<16xf32>
        %parallel_loop3A_238 = vector.shape_cast %parallel_loop3A_230 : vector<16xf32> to vector<1x1x16xf32>
        tpu.vector_store %arg11[%parallel_loop3A_233, %parallel_loop3A_234, %parallel_loop3A_235], %parallel_loop3A_238 {strides = array<i32>} : memref<4x8x512xf32, #tpu.memory_space<vmem>>, vector<1x1x16xf32>,
        %parallel_loop3A_239 = arith.constant 7 : i32
        %parallel_loop3A_240 = arith.constant 2 : i32
        %parallel_loop3A_241 = arith.index_cast %parallel_loop3A_239 : i32 to index
        %parallel_loop3A_242 = arith.index_cast %parallel_loop3A_240 : i32 to index
        %parallel_loop3A_243 = arith.index_cast %parallel_loop3A_121 : i32 to index
        %parallel_loop3A_244 = tpu.vector_load %arg9[%parallel_loop3A_241, %parallel_loop3A_242, %parallel_loop3A_243] {strides = array<i32>} : memref<8x4x512xf32, #tpu.memory_space<vmem>>, vector<1x1x16xf32>,
        %parallel_loop3A_245 = vector.shape_cast %parallel_loop3A_244 : vector<1x1x16xf32> to vector<16xf32>
        %parallel_loop3A_246 = arith.addf %parallel_loop3A_245, %parallel_loop3A_126 : vector<16xf32>
        %parallel_loop3A_247 = arith.constant 2 : i32
        %parallel_loop3A_248 = arith.constant 7 : i32
        %parallel_loop3A_249 = arith.index_cast %parallel_loop3A_247 : i32 to index
        %parallel_loop3A_250 = arith.index_cast %parallel_loop3A_248 : i32 to index
        %parallel_loop3A_251 = arith.index_cast %parallel_loop3A_121 : i32 to index
        %parallel_loop3A_252 = tpu.vector_load %arg11[%parallel_loop3A_249, %parallel_loop3A_250, %parallel_loop3A_251] {strides = array<i32>} : memref<4x8x512xf32, #tpu.memory_space<vmem>>, vector<1x1x16xf32>,
        %parallel_loop3A_253 = vector.shape_cast %parallel_loop3A_252 : vector<1x1x16xf32> to vector<16xf32>
        %parallel_loop3A_254 = vector.shape_cast %parallel_loop3A_246 : vector<16xf32> to vector<1x1x16xf32>
        tpu.vector_store %arg11[%parallel_loop3A_249, %parallel_loop3A_250, %parallel_loop3A_251], %parallel_loop3A_254 {strides = array<i32>} : memref<4x8x512xf32, #tpu.memory_space<vmem>>, vector<1x1x16xf32>,
      } {sc.loop_unroll_factor = 8 : i64, sc.parallel_access}
      %parallel_loop3A_100 = arith.constant 0 : i32
      %parallel_loop3A_101 = arith.constant 32 : i32
      %parallel_loop3A_102 = arith.constant 1 : i32
      scf.for %parallel_loop3A_119 = %parallel_loop3A_100 to %parallel_loop3A_101 step %parallel_loop3A_102  : i32 {
        %parallel_loop3A_120 = arith.constant 16 : i32
        %parallel_loop3A_121 = arith.muli %parallel_loop3A_119, %parallel_loop3A_120 : i32
        %parallel_loop3A_122 = arith.constant 3 : i32
        %parallel_loop3A_123 = arith.index_cast %parallel_loop3A_122 : i32 to index
        %parallel_loop3A_124 = arith.index_cast %parallel_loop3A_121 : i32 to index
        %parallel_loop3A_125 = tpu.vector_load %arg7[%parallel_loop3A_123, %parallel_loop3A_124] {strides = array<i32>} : memref<4x512xf32, #tpu.memory_space<vmem>>, vector<1x16xf32>,
        %parallel_loop3A_126 = vector.shape_cast %parallel_loop3A_125 : vector<1x16xf32> to vector<16xf32>
        %parallel_loop3A_127 = arith.constant 0 : i32
        %parallel_loop3A_128 = arith.constant 3 : i32
        %parallel_loop3A_129 = arith.index_cast %parallel_loop3A_127 : i32 to index
        %parallel_loop3A_130 = arith.index_cast %parallel_loop3A_128 : i32 to index
        %parallel_loop3A_131 = arith.index_cast %parallel_loop3A_121 : i32 to index
        %parallel_loop3A_132 = tpu.vector_load %arg9[%parallel_loop3A_129, %parallel_loop3A_130, %parallel_loop3A_131] {strides = array<i32>} : memref<8x4x512xf32, #tpu.memory_space<vmem>>, vector<1x1x16xf32>,
        %parallel_loop3A_133 = vector.shape_cast %parallel_loop3A_132 : vector<1x1x16xf32> to vector<16xf32>
        %parallel_loop3A_134 = arith.addf %parallel_loop3A_133, %parallel_loop3A_126 : vector<16xf32>
        %parallel_loop3A_135 = arith.constant 3 : i32
        %parallel_loop3A_136 = arith.constant 0 : i32
        %parallel_loop3A_137 = arith.index_cast %parallel_loop3A_135 : i32 to index
        %parallel_loop3A_138 = arith.index_cast %parallel_loop3A_136 : i32 to index
        %parallel_loop3A_139 = arith.index_cast %parallel_loop3A_121 : i32 to index
        %parallel_loop3A_140 = tpu.vector_load %arg11[%parallel_loop3A_137, %parallel_loop3A_138, %parallel_loop3A_139] {strides = array<i32>} : memref<4x8x512xf32, #tpu.memory_space<vmem>>, vector<1x1x16xf32>,
        %parallel_loop3A_141 = vector.shape_cast %parallel_loop3A_140 : vector<1x1x16xf32> to vector<16xf32>
        %parallel_loop3A_142 = vector.shape_cast %parallel_loop3A_134 : vector<16xf32> to vector<1x1x16xf32>
        tpu.vector_store %arg11[%parallel_loop3A_137, %parallel_loop3A_138, %parallel_loop3A_139], %parallel_loop3A_142 {strides = array<i32>} : memref<4x8x512xf32, #tpu.memory_space<vmem>>, vector<1x1x16xf32>,
        %parallel_loop3A_143 = arith.constant 1 : i32
        %parallel_loop3A_144 = arith.constant 3 : i32
        %parallel_loop3A_145 = arith.index_cast %parallel_loop3A_143 : i32 to index
        %parallel_loop3A_146 = arith.index_cast %parallel_loop3A_144 : i32 to index
        %parallel_loop3A_147 = arith.index_cast %parallel_loop3A_121 : i32 to index
        %parallel_loop3A_148 = tpu.vector_load %arg9[%parallel_loop3A_145, %parallel_loop3A_146, %parallel_loop3A_147] {strides = array<i32>} : memref<8x4x512xf32, #tpu.memory_space<vmem>>, vector<1x1x16xf32>,
        %parallel_loop3A_149 = vector.shape_cast %parallel_loop3A_148 : vector<1x1x16xf32> to vector<16xf32>
        %parallel_loop3A_150 = arith.addf %parallel_loop3A_149, %parallel_loop3A_126 : vector<16xf32>
        %parallel_loop3A_151 = arith.constant 3 : i32
        %parallel_loop3A_152 = arith.constant 1 : i32
        %parallel_loop3A_153 = arith.index_cast %parallel_loop3A_151 : i32 to index
        %parallel_loop3A_154 = arith.index_cast %parallel_loop3A_152 : i32 to index
        %parallel_loop3A_155 = arith.index_cast %parallel_loop3A_121 : i32 to index
        %parallel_loop3A_156 = tpu.vector_load %arg11[%parallel_loop3A_153, %parallel_loop3A_154, %parallel_loop3A_155] {strides = array<i32>} : memref<4x8x512xf32, #tpu.memory_space<vmem>>, vector<1x1x16xf32>,
        %parallel_loop3A_157 = vector.shape_cast %parallel_loop3A_156 : vector<1x1x16xf32> to vector<16xf32>
        %parallel_loop3A_158 = vector.shape_cast %parallel_loop3A_150 : vector<16xf32> to vector<1x1x16xf32>
        tpu.vector_store %arg11[%parallel_loop3A_153, %parallel_loop3A_154, %parallel_loop3A_155], %parallel_loop3A_158 {strides = array<i32>} : memref<4x8x512xf32, #tpu.memory_space<vmem>>, vector<1x1x16xf32>,
        %parallel_loop3A_159 = arith.constant 2 : i32
        %parallel_loop3A_160 = arith.constant 3 : i32
        %parallel_loop3A_161 = arith.index_cast %parallel_loop3A_159 : i32 to index
        %parallel_loop3A_162 = arith.index_cast %parallel_loop3A_160 : i32 to index
        %parallel_loop3A_163 = arith.index_cast %parallel_loop3A_121 : i32 to index
        %parallel_loop3A_164 = tpu.vector_load %arg9[%parallel_loop3A_161, %parallel_loop3A_162, %parallel_loop3A_163] {strides = array<i32>} : memref<8x4x512xf32, #tpu.memory_space<vmem>>, vector<1x1x16xf32>,
        %parallel_loop3A_165 = vector.shape_cast %parallel_loop3A_164 : vector<1x1x16xf32> to vector<16xf32>
        %parallel_loop3A_166 = arith.addf %parallel_loop3A_165, %parallel_loop3A_126 : vector<16xf32>
        %parallel_loop3A_167 = arith.constant 3 : i32
        %parallel_loop3A_168 = arith.constant 2 : i32
        %parallel_loop3A_169 = arith.index_cast %parallel_loop3A_167 : i32 to index
        %parallel_loop3A_170 = arith.index_cast %parallel_loop3A_168 : i32 to index
        %parallel_loop3A_171 = arith.index_cast %parallel_loop3A_121 : i32 to index
        %parallel_loop3A_172 = tpu.vector_load %arg11[%parallel_loop3A_169, %parallel_loop3A_170, %parallel_loop3A_171] {strides = array<i32>} : memref<4x8x512xf32, #tpu.memory_space<vmem>>, vector<1x1x16xf32>,
        %parallel_loop3A_173 = vector.shape_cast %parallel_loop3A_172 : vector<1x1x16xf32> to vector<16xf32>
        %parallel_loop3A_174 = vector.shape_cast %parallel_loop3A_166 : vector<16xf32> to vector<1x1x16xf32>
        tpu.vector_store %arg11[%parallel_loop3A_169, %parallel_loop3A_170, %parallel_loop3A_171], %parallel_loop3A_174 {strides = array<i32>} : memref<4x8x512xf32, #tpu.memory_space<vmem>>, vector<1x1x16xf32>,
        %parallel_loop3A_175 = arith.constant 3 : i32
        %parallel_loop3A_176 = arith.constant 3 : i32
        %parallel_loop3A_177 = arith.index_cast %parallel_loop3A_175 : i32 to index
        %parallel_loop3A_178 = arith.index_cast %parallel_loop3A_176 : i32 to index
        %parallel_loop3A_179 = arith.index_cast %parallel_loop3A_121 : i32 to index
        %parallel_loop3A_180 = tpu.vector_load %arg9[%parallel_loop3A_177, %parallel_loop3A_178, %parallel_loop3A_179] {strides = array<i32>} : memref<8x4x512xf32, #tpu.memory_space<vmem>>, vector<1x1x16xf32>,
        %parallel_loop3A_181 = vector.shape_cast %parallel_loop3A_180 : vector<1x1x16xf32> to vector<16xf32>
        %parallel_loop3A_182 = arith.addf %parallel_loop3A_181, %parallel_loop3A_126 : vector<16xf32>
        %parallel_loop3A_183 = arith.constant 3 : i32
        %parallel_loop3A_184 = arith.constant 3 : i32
        %parallel_loop3A_185 = arith.index_cast %parallel_loop3A_183 : i32 to index
        %parallel_loop3A_186 = arith.index_cast %parallel_loop3A_184 : i32 to index
        %parallel_loop3A_187 = arith.index_cast %parallel_loop3A_121 : i32 to index
        %parallel_loop3A_188 = tpu.vector_load %arg11[%parallel_loop3A_185, %parallel_loop3A_186, %parallel_loop3A_187] {strides = array<i32>} : memref<4x8x512xf32, #tpu.memory_space<vmem>>, vector<1x1x16xf32>,
        %parallel_loop3A_189 = vector.shape_cast %parallel_loop3A_188 : vector<1x1x16xf32> to vector<16xf32>
        %parallel_loop3A_190 = vector.shape_cast %parallel_loop3A_182 : vector<16xf32> to vector<1x1x16xf32>
        tpu.vector_store %arg11[%parallel_loop3A_185, %parallel_loop3A_186, %parallel_loop3A_187], %parallel_loop3A_190 {strides = array<i32>} : memref<4x8x512xf32, #tpu.memory_space<vmem>>, vector<1x1x16xf32>,
        %parallel_loop3A_191 = arith.constant 4 : i32
        %parallel_loop3A_192 = arith.constant 3 : i32
        %parallel_loop3A_193 = arith.index_cast %parallel_loop3A_191 : i32 to index
        %parallel_loop3A_194 = arith.index_cast %parallel_loop3A_192 : i32 to index
        %parallel_loop3A_195 = arith.index_cast %parallel_loop3A_121 : i32 to index
        %parallel_loop3A_196 = tpu.vector_load %arg9[%parallel_loop3A_193, %parallel_loop3A_194, %parallel_loop3A_195] {strides = array<i32>} : memref<8x4x512xf32, #tpu.memory_space<vmem>>, vector<1x1x16xf32>,
        %parallel_loop3A_197 = vector.shape_cast %parallel_loop3A_196 : vector<1x1x16xf32> to vector<16xf32>
        %parallel_loop3A_198 = arith.addf %parallel_loop3A_197, %parallel_loop3A_126 : vector<16xf32>
        %parallel_loop3A_199 = arith.constant 3 : i32
        %parallel_loop3A_200 = arith.constant 4 : i32
        %parallel_loop3A_201 = arith.index_cast %parallel_loop3A_199 : i32 to index
        %parallel_loop3A_202 = arith.index_cast %parallel_loop3A_200 : i32 to index
        %parallel_loop3A_203 = arith.index_cast %parallel_loop3A_121 : i32 to index
        %parallel_loop3A_204 = tpu.vector_load %arg11[%parallel_loop3A_201, %parallel_loop3A_202, %parallel_loop3A_203] {strides = array<i32>} : memref<4x8x512xf32, #tpu.memory_space<vmem>>, vector<1x1x16xf32>,
        %parallel_loop3A_205 = vector.shape_cast %parallel_loop3A_204 : vector<1x1x16xf32> to vector<16xf32>
        %parallel_loop3A_206 = vector.shape_cast %parallel_loop3A_198 : vector<16xf32> to vector<1x1x16xf32>
        tpu.vector_store %arg11[%parallel_loop3A_201, %parallel_loop3A_202, %parallel_loop3A_203], %parallel_loop3A_206 {strides = array<i32>} : memref<4x8x512xf32, #tpu.memory_space<vmem>>, vector<1x1x16xf32>,
        %parallel_loop3A_207 = arith.constant 5 : i32
        %parallel_loop3A_208 = arith.constant 3 : i32
        %parallel_loop3A_209 = arith.index_cast %parallel_loop3A_207 : i32 to index
        %parallel_loop3A_210 = arith.index_cast %parallel_loop3A_208 : i32 to index
        %parallel_loop3A_211 = arith.index_cast %parallel_loop3A_121 : i32 to index
        %parallel_loop3A_212 = tpu.vector_load %arg9[%parallel_loop3A_209, %parallel_loop3A_210, %parallel_loop3A_211] {strides = array<i32>} : memref<8x4x512xf32, #tpu.memory_space<vmem>>, vector<1x1x16xf32>,
        %parallel_loop3A_213 = vector.shape_cast %parallel_loop3A_212 : vector<1x1x16xf32> to vector<16xf32>
        %parallel_loop3A_214 = arith.addf %parallel_loop3A_213, %parallel_loop3A_126 : vector<16xf32>
        %parallel_loop3A_215 = arith.constant 3 : i32
        %parallel_loop3A_216 = arith.constant 5 : i32
        %parallel_loop3A_217 = arith.index_cast %parallel_loop3A_215 : i32 to index
        %parallel_loop3A_218 = arith.index_cast %parallel_loop3A_216 : i32 to index
        %parallel_loop3A_219 = arith.index_cast %parallel_loop3A_121 : i32 to index
        %parallel_loop3A_220 = tpu.vector_load %arg11[%parallel_loop3A_217, %parallel_loop3A_218, %parallel_loop3A_219] {strides = array<i32>} : memref<4x8x512xf32, #tpu.memory_space<vmem>>, vector<1x1x16xf32>,
        %parallel_loop3A_221 = vector.shape_cast %parallel_loop3A_220 : vector<1x1x16xf32> to vector<16xf32>
        %parallel_loop3A_222 = vector.shape_cast %parallel_loop3A_214 : vector<16xf32> to vector<1x1x16xf32>
        tpu.vector_store %arg11[%parallel_loop3A_217, %parallel_loop3A_218, %parallel_loop3A_219], %parallel_loop3A_222 {strides = array<i32>} : memref<4x8x512xf32, #tpu.memory_space<vmem>>, vector<1x1x16xf32>,
        %parallel_loop3A_223 = arith.constant 6 : i32
        %parallel_loop3A_224 = arith.constant 3 : i32
        %parallel_loop3A_225 = arith.index_cast %parallel_loop3A_223 : i32 to index
        %parallel_loop3A_226 = arith.index_cast %parallel_loop3A_224 : i32 to index
        %parallel_loop3A_227 = arith.index_cast %parallel_loop3A_121 : i32 to index
        %parallel_loop3A_228 = tpu.vector_load %arg9[%parallel_loop3A_225, %parallel_loop3A_226, %parallel_loop3A_227] {strides = array<i32>} : memref<8x4x512xf32, #tpu.memory_space<vmem>>, vector<1x1x16xf32>,
        %parallel_loop3A_229 = vector.shape_cast %parallel_loop3A_228 : vector<1x1x16xf32> to vector<16xf32>
        %parallel_loop3A_230 = arith.addf %parallel_loop3A_229, %parallel_loop3A_126 : vector<16xf32>
        %parallel_loop3A_231 = arith.constant 3 : i32
        %parallel_loop3A_232 = arith.constant 6 : i32
        %parallel_loop3A_233 = arith.index_cast %parallel_loop3A_231 : i32 to index
        %parallel_loop3A_234 = arith.index_cast %parallel_loop3A_232 : i32 to index
        %parallel_loop3A_235 = arith.index_cast %parallel_loop3A_121 : i32 to index
        %parallel_loop3A_236 = tpu.vector_load %arg11[%parallel_loop3A_233, %parallel_loop3A_234, %parallel_loop3A_235] {strides = array<i32>} : memref<4x8x512xf32, #tpu.memory_space<vmem>>, vector<1x1x16xf32>,
        %parallel_loop3A_237 = vector.shape_cast %parallel_loop3A_236 : vector<1x1x16xf32> to vector<16xf32>
        %parallel_loop3A_238 = vector.shape_cast %parallel_loop3A_230 : vector<16xf32> to vector<1x1x16xf32>
        tpu.vector_store %arg11[%parallel_loop3A_233, %parallel_loop3A_234, %parallel_loop3A_235], %parallel_loop3A_238 {strides = array<i32>} : memref<4x8x512xf32, #tpu.memory_space<vmem>>, vector<1x1x16xf32>,
        %parallel_loop3A_239 = arith.constant 7 : i32
        %parallel_loop3A_240 = arith.constant 3 : i32
        %parallel_loop3A_241 = arith.index_cast %parallel_loop3A_239 : i32 to index
        %parallel_loop3A_242 = arith.index_cast %parallel_loop3A_240 : i32 to index
        %parallel_loop3A_243 = arith.index_cast %parallel_loop3A_121 : i32 to index
        %parallel_loop3A_244 = tpu.vector_load %arg9[%parallel_loop3A_241, %parallel_loop3A_242, %parallel_loop3A_243] {strides = array<i32>} : memref<8x4x512xf32, #tpu.memory_space<vmem>>, vector<1x1x16xf32>,
        %parallel_loop3A_245 = vector.shape_cast %parallel_loop3A_244 : vector<1x1x16xf32> to vector<16xf32>
        %parallel_loop3A_246 = arith.addf %parallel_loop3A_245, %parallel_loop3A_126 : vector<16xf32>
        %parallel_loop3A_247 = arith.constant 3 : i32
        %parallel_loop3A_248 = arith.constant 7 : i32
        %parallel_loop3A_249 = arith.index_cast %parallel_loop3A_247 : i32 to index
        %parallel_loop3A_250 = arith.index_cast %parallel_loop3A_248 : i32 to index
        %parallel_loop3A_251 = arith.index_cast %parallel_loop3A_121 : i32 to index
        %parallel_loop3A_252 = tpu.vector_load %arg11[%parallel_loop3A_249, %parallel_loop3A_250, %parallel_loop3A_251] {strides = array<i32>} : memref<4x8x512xf32, #tpu.memory_space<vmem>>, vector<1x1x16xf32>,
        %parallel_loop3A_253 = vector.shape_cast %parallel_loop3A_252 : vector<1x1x16xf32> to vector<16xf32>
        %parallel_loop3A_254 = vector.shape_cast %parallel_loop3A_246 : vector<16xf32> to vector<1x1x16xf32>
        tpu.vector_store %arg11[%parallel_loop3A_249, %parallel_loop3A_250, %parallel_loop3A_251], %parallel_loop3A_254 {strides = array<i32>} : memref<4x8x512xf32, #tpu.memory_space<vmem>>, vector<1x1x16xf32>,
      } {sc.loop_unroll_factor = 8 : i64, sc.parallel_access}
      %add3A_103 = arith.constant 2 : i32
      %add3A_104 = arith.addi %add3A_77, %add3A_103 : i32
      %lt3A_105 = arith.constant 16 : i32
      %lt3A_106 = arith.cmpi slt, %add3A_104, %lt3A_105 : i32
      %convert_element_type3A_107 = arith.extui %lt3A_106 : i1 to i32
      %cond3A_108 = arith.constant 0 : i32
      %cond3A_109 = arith.cmpi ne, %convert_element_type3A_107, %cond3A_108 : i32
      scf.if %cond3A_109 {
        %add3A_119 = arith.constant 2 : i32
        %add3A_120 = arith.addi %add3A_77, %add3A_119 : i32
        %mul3A_121 = arith.constant 8 : i32
        %mul3A_122 = arith.muli %add3A_120, %mul3A_121 : i32
        %dma_start3A_123 = tpu.memref_slice %arg6[%mul3A_122] : memref<128xi32, #tpu.memory_space<vmem>> -> memref<8xi32, #tpu.memory_space<vmem>>
        %dma_start3A_124 = arith.constant 0 : i32
        %dma_start3A_125 = arith.constant 0 : i32
        %dma_start3A_126 = arith.constant 0 : i32
        %dma_start3A_127 = tpu.memref_slice %arg4[%dma_start3A_124, %dma_start3A_125, %dma_start3A_126] : memref<100000x4x512xf32, #tpu.memory_space<hbm>> -> memref<100000x4x512xf32, #tpu.memory_space<hbm>>
        tpu.enqueue_indirect_dma source(%dma_start3A_127 : memref<100000x4x512xf32, #tpu.memory_space<hbm>>) target(%arg9 : memref<8x4x512xf32, #tpu.memory_space<vmem>>) offsets(%dma_start3A_123 : memref<8xi32, #tpu.memory_space<vmem>>) semaphore(%arg13 : memref<!tpu.dma_semaphore, #tpu.memory_space<semaphore_mem>>)
      } else {
      }
      %mul3A_110 = arith.constant 8 : i32
      %mul3A_111 = arith.muli %add3A_77, %mul3A_110 : i32
      %add3A_112 = arith.addi %mul3A_2, %mul3A_111 : i32
      %dma_start3A_113 = arith.constant 5 : i32
      %dma_start3A_114 = arith.constant 0 : i32
      %dma_start3A_115 = tpu.memref_slice %arg5[%dma_start3A_113, %add3A_112, %dma_start3A_114] : memref<11x4096x512xf32, #tpu.memory_space<hbm>> -> memref<4x8x512xf32, #tpu.memory_space<hbm>>
      %dma_start3A_116 = arith.constant 5 : i32
      %dma_start3A_117 = arith.constant 0 : i32
      %dma_start3A_118 = tpu.memref_slice %arg5[%dma_start3A_116, %add3A_112, %dma_start3A_117] : memref<11x4096x512xf32, #tpu.memory_space<hbm>> -> memref<4x8x512xf32, #tpu.memory_space<hbm>>
      tpu.enqueue_dma source(%arg11 : memref<4x8x512xf32, #tpu.memory_space<vmem>>) target(%dma_start3A_118 : memref<4x8x512xf32, #tpu.memory_space<hbm>>) target_semaphore(%arg15 : memref<!tpu.dma_semaphore, #tpu.memory_space<semaphore_mem>>)
    }
    %scan3A_17 = arith.constant 8 : i32
    %dma_wait3A = arith.constant 5 : i32
    %dma_wait3A_18 = arith.constant 0 : i32
    %dma_wait3A_19 = arith.constant 0 : i32
    %dma_wait3A_20 = tpu.memref_slice %arg5[%dma_wait3A, %dma_wait3A_18, %dma_wait3A_19] : memref<11x4096x512xf32, #tpu.memory_space<hbm>> -> memref<4x8x512xf32, #tpu.memory_space<hbm>>
    %dma_wait3A_21 = arith.constant 5 : i32
    %dma_wait3A_22 = arith.constant 0 : i32
    %dma_wait3A_23 = arith.constant 0 : i32
    %dma_wait3A_24 = tpu.memref_slice %arg5[%dma_wait3A_21, %dma_wait3A_22, %dma_wait3A_23] : memref<11x4096x512xf32, #tpu.memory_space<hbm>> -> memref<4x8x512xf32, #tpu.memory_space<hbm>>
    tpu.wait_dma2 semaphore(%arg14 : memref<!tpu.dma_semaphore, #tpu.memory_space<semaphore_mem>>) src(%arg10 : memref<4x8x512xf32, #tpu.memory_space<vmem>>) dst(%dma_wait3A_24 : memref<4x8x512xf32, #tpu.memory_space<hbm>>)
    %dma_wait3A_25 = arith.constant 5 : i32
    %dma_wait3A_26 = arith.constant 0 : i32
    %dma_wait3A_27 = arith.constant 0 : i32
    %dma_wait3A_28 = tpu.memref_slice %arg5[%dma_wait3A_25, %dma_wait3A_26, %dma_wait3A_27] : memref<11x4096x512xf32, #tpu.memory_space<hbm>> -> memref<4x8x512xf32, #tpu.memory_space<hbm>>
    %dma_wait3A_29 = arith.constant 5 : i32
    %dma_wait3A_30 = arith.constant 0 : i32
    %dma_wait3A_31 = arith.constant 0 : i32
    %dma_wait3A_32 = tpu.memref_slice %arg5[%dma_wait3A_29, %dma_wait3A_30, %dma_wait3A_31] : memref<11x4096x512xf32, #tpu.memory_space<hbm>> -> memref<4x8x512xf32, #tpu.memory_space<hbm>>
    tpu.wait_dma2 semaphore(%arg15 : memref<!tpu.dma_semaphore, #tpu.memory_space<semaphore_mem>>) src(%arg11 : memref<4x8x512xf32, #tpu.memory_space<vmem>>) dst(%dma_wait3A_32 : memref<4x8x512xf32, #tpu.memory_space<hbm>>)
    return
  }
}

module attributes {stable_mosaic.version = 14 : i64} {
  func.func @body(%arg0: i32, %arg1: i32, %arg2: memref<1x1x512xf32, #tpu.memory_space<vmem>>, %arg3: memref<11x4096x512xf32, #tpu.memory_space<any>>, %arg4: memref<1x4096x512xf32, #tpu.memory_space<vmem>>) attributes {dimension_semantics = [#tpu.dimension_semantics<arbitrary>, #tpu.dimension_semantics<arbitrary>], iteration_bounds = array<i64: 7, 1>, scalar_prefetch = 0 : i64, scratch_operands = 0 : i64, tpu.core_type = #tpu.core_type<tc>, window_params = [{transform_indices = @transform_0, window_bounds = array<i64: 1, 1, 512>}, {}, {transform_indices = @transform_2, window_bounds = array<i64: 1, 4096, 512>}]} {
    %get3A = arith.constant 0 : index
    %get3A_0 = arith.constant 0 : index
    %get3A_1 = arith.constant 0 : index
    %get3A_2 = vector.load %arg2[%get3A, %get3A_0, %get3A_1] : memref<1x1x512xf32, #tpu.memory_space<vmem>>, vector<1x1x512xf32>
    %get3A_3 = vector.shape_cast %get3A_2 : vector<1x1x512xf32> to vector<512xf32>
    %broadcast_in_dim3A = vector.shape_cast %get3A_3 : vector<512xf32> to vector<1x1x512xf32>
    %broadcast_in_dim3A_4 = vector.shape_cast %broadcast_in_dim3A : vector<1x1x512xf32> to vector<1x1x512xf32>
    %broadcast_in_dim3A_5 = vector.broadcast %broadcast_in_dim3A_4 : vector<1x1x512xf32> to vector<1x4096x512xf32>
    %swap3A = arith.constant 0 : index
    %swap3A_6 = arith.constant 0 : index
    %swap3A_7 = arith.constant 0 : index
    %swap3A_8 = vector.load %arg4[%swap3A, %swap3A_6, %swap3A_7] : memref<1x4096x512xf32, #tpu.memory_space<vmem>>, vector<1x4096x512xf32>
    tpu.vector_store %arg4[%swap3A, %swap3A_6, %swap3A_7], %broadcast_in_dim3A_5 {strides = array<i32>} : memref<1x4096x512xf32, #tpu.memory_space<vmem>>, vector<1x4096x512xf32>,
    return
  }
  func.func @transform_0(%arg0: i32, %arg1: i32) -> (i32, i32, i32) {
    %c0_i32 = arith.constant 0 : i32
    %c0_i32_0 = arith.constant 0 : i32
    %c0_i32_1 = arith.constant 0 : i32
    return %arg0, %c0_i32, %c0_i32_0 : i32, i32, i32
  }
  func.func @transform_2(%arg0: i32, %arg1: i32) -> (i32, i32, i32) {
    %ge3A = arith.constant 5 : i32
    %ge3A_0 = arith.cmpi sge, %arg0, %ge3A : i32
    %add3A = arith.constant 4 : i32
    %add3A_1 = arith.addi %arg0, %add3A : i32
    %select_n3A = arith.select %ge3A_0, %add3A_1, %arg0 : i32
    %c0_i32 = arith.constant 0 : i32
    %c0_i32_2 = arith.constant 0 : i32
    return %select_n3A, %arg1, %c0_i32 : i32, i32, i32
  }
}

</mosaic_0001>

<sc_bundles>
// kernel: kernel.4.cloned.1.call-start
scs
__scs_entry_jumppad:
0x0: {  	(pc) =	sbr.rel $0x88, $3  }
0x1: {  	(tag) =	ssettag $0x0;
	lr =	simm.s32 $0x1  }
0x2: {  	[smem:$0x3F9A] =	sst lr;
	_ =	strace $0xD0000000  }
0x3: {  	_ = 	snop  }
0x4: {  	_ = 	snop  }
0x5: {  	_ = 	snop  }
0x6: {  	_ = 	snop  }
0x7: {  	_ = 	snop  }
__scs_overlays_trampoline_lowered:
0x8: {  	[smem:$0x3FA9] =	sst s0  }
0x9: {  	[smem:$0x3FAA] =	sst s1  }
0xa: {  	[smem:$0x3FAB] =	sst s2  }
0xb: {  	[smem:$0x3FAC] =	sst s3  }
0xc: {  	[smem:$0x3FAD] =	sst s4  }
0xd: {  	[smem:$0x3FAE] =	sst s5  }
0xe: {  	[smem:$0x3FAF] =	sst s6  }
0xf: {  	[smem:$0x3FB0] =	sst s7  }
0x10: {  	[smem:$0x3FB1] =	sst s8  }
0x11: {  	[smem:$0x3FB2] =	sst s9;
	s0 =	simm.s32 @!p0 $0x0  }
0x12: {  	s1 =	sld [smem:$0x3F98];
	s0 =	simm.s32 @p0 $0x1  }
0x13: {  	[smem:$0x3FB3] =	sst s0;
	s0 =	simm.s32 @!p1 $0x0  }
0x14: {  	s2 =	sld [smem:$0x3F97];
	s0 =	simm.s32 @p1 $0x1  }
0x15: {  	[smem:$0x3FB4] =	sst s0;
	s0 =	simm.s32 @!p2 $0x0  }
0x16: {  	s3 =	sld [smem:$0x3FDB];
	s0 =	simm.s32 @p2 $0x1  }
0x17: {  	s4 =	simm.s32 $0x1BF5;
	[smem:$0x3FB6] =	sst s0  }
0x18: {  	s0 =	sld [smem:$0x3F99];
	_ =	swait.ge [sflag:s4], $0x0  }
0x19: {  	s7 =	sld [smem:$0x3F9A]  }
0x1a: {  	s8 =	sadd.s32 $0xFFFFE003, lr  }
0x1b: {  	s9 =	sadd.s32 $0xFFFFFEF7, lr;
	s5 =	simm.s32 $0xFFFFFFFF;
	p2 =	slt.u32 s8, $0xFFFFF086  }
0x1c: {  	p1 =	slt.u32 s9, $0xF7A;
	s5 =	simm.s32 @!p2 $0x0  }
0x1d: {  	s5 =	simm.s32 @p1 $0x1;
	p0 =	seq.s32 s7, s2  }
0x1e: {  	s7 =	smul.u32 @!p0 $0xF7A, s2;
	p2 =	seq.s32 @!p0 s5, $0x0  }
0x1f: {  	s9 =	smul.u32 $0xF7A, s1;
	s8 =	simm.s32 @!p0 $0x1BF5;
	p2 =	por !p2, p0  }
0x20: {  	[sflag:s8] =	ssyncset.s32 @!p0 $0xFFFFF086;
	s6 =	sadd.s32 @!p0 s3, s7;
	s7 =	simm.s32 @!p0 $0x108  }
0x21: {  	s3 =	sadd.s32 s3, s9;
	s6 =	sadd.s32 @!p0 $0x88, s6;
	s7 =	simm.s32 @p2 $0x1082  }
0x22: {  	[simem:s7], [sflag:s8] =	dma.local @!p0 [hbm:s6], $0xF7A  }
0x23: {  	s9 =	sor.u32 $0xD0000000, s2;
	s6 =	simm.s32 $0x108;
	_ =	swait.ge @!p0 [sflag:s8], $0x0  }
0x24: {  	s3 =	sadd.s32 $0x88, s3;
	s6 =	simm.s32 @!p1 $0x1082;
	[sflag:s4] =	ssyncset.s32 $0xFFFFF086  }
0x25: {  	[simem:s6], [sflag:s4] =	dma.local [hbm:s3], $0xF7A  }
0x26: {  	[smem:$0x3F9A] =	sst s1;
	(tag) =	ssettag s2;
	_ =	strace s9  }
0x27: {  	s1 =	sld [smem:$0x3FAA]  }
0x28: {  	s2 =	sld [smem:$0x3FAB]  }
0x29: {  	s4 =	sld [smem:$0x3FAD]  }
0x2a: {  	p0 =	seq.s32 s5, $0x0;
	s5 =	sld [smem:$0x3FAE]  }
0x2b: {  	s6 =	sld [smem:$0x3FAF]  }
0x2c: {  	s7 =	sld [smem:$0x3FB0]  }
0x2d: {  	s3 =	simm.s32 $0x108;
	s8 =	sld [smem:$0x3FB1]  }
0x2e: {  	s3 =	simm.s32 @!p0 $0x1082;
	s9 =	sld [smem:$0x3FB2]  }
0x2f: {  	lr =	sadd.s32 s0, s3;
	s0 =	sld [smem:$0x3FA9]  }
0x30: {  	s3 =	sld [smem:$0x3FAC]  }
0x31: {  	[smem:$0x3FB5] =	sst s10  }
0x32: {  	s10 =	sld [smem:$0x3FB3];
	_ =	sdelay $0x3  }
0x33: {  	p0 =	seq.s32 s10, $0x1;
	s10 =	sld [smem:$0x3FB5];
	_ =	sdelay $0x3  }
0x34: {  	[smem:$0x3FB5] =	sst s10  }
0x35: {  	s10 =	sld [smem:$0x3FB4];
	_ =	sdelay $0x3  }
0x36: {  	p1 =	seq.s32 s10, $0x1;
	s10 =	sld [smem:$0x3FB5];
	_ =	sdelay $0x3  }
0x37: {  	[smem:$0x3FB5] =	sst s10  }
0x38: {  	s10 =	sld [smem:$0x3FB6]  }
0x39: {  	_ = 	snop;
	(pc) =	sbr.ind lr, $3  }
0x3a: {  	_ = 	snop  }
0x3b: {  	_ = 	snop  }
0x3c: {  	p2 =	seq.s32 s10, $0x1;
	s10 =	sld [smem:$0x3FB5]  }
0x3d: {  	_ =	shalt  }
0x3e: {  	_ =	shalt  }
0x3f: {  	_ =	shalt  }
0x40: {  	_ =	shalt  }
0x41: {  	_ =	shalt  }
0x42: {  	_ =	shalt  }
0x43: {  	_ =	shalt  }
0x44: {  	_ =	shalt  }
0x45: {  	_ =	shalt  }
0x46: {  	_ =	shalt  }
0x47: {  	_ =	shalt  }
0x48: {  	_ =	shalt  }
0x49: {  	_ =	shalt  }
0x4a: {  	_ =	shalt  }
0x4b: {  	_ =	shalt  }
0x4c: {  	_ =	shalt  }
0x4d: {  	_ =	shalt  }
0x4e: {  	_ =	shalt  }
0x4f: {  	_ =	shalt  }
0x50: {  	_ =	shalt  }
0x51: {  	_ =	shalt  }
0x52: {  	_ =	shalt  }
0x53: {  	_ =	shalt  }
0x54: {  	_ =	shalt  }
0x55: {  	_ =	shalt  }
0x56: {  	_ =	shalt  }
0x57: {  	_ =	shalt  }
0x58: {  	_ =	shalt  }
0x59: {  	_ =	shalt  }
0x5a: {  	_ =	shalt  }
0x5b: {  	_ =	shalt  }
0x5c: {  	_ =	shalt  }
0x5d: {  	_ =	shalt  }
0x5e: {  	_ =	shalt  }
0x5f: {  	_ =	shalt  }
0x60: {  	_ =	shalt  }
0x61: {  	_ =	shalt  }
0x62: {  	_ =	shalt  }
0x63: {  	_ =	shalt  }
0x64: {  	_ =	shalt  }
0x65: {  	_ =	shalt  }
0x66: {  	_ =	shalt  }
0x67: {  	_ =	shalt  }
0x68: {  	_ =	shalt  }
0x69: {  	_ =	shalt  }
0x6a: {  	_ =	shalt  }
0x6b: {  	_ =	shalt  }
0x6c: {  	_ =	shalt  }
0x6d: {  	_ =	shalt  }
0x6e: {  	_ =	shalt  }
0x6f: {  	_ =	shalt  }
0x70: {  	_ =	shalt  }
0x71: {  	_ =	shalt  }
0x72: {  	_ =	shalt  }
0x73: {  	_ =	shalt  }
0x74: {  	_ =	shalt  }
0x75: {  	_ =	shalt  }
0x76: {  	_ =	shalt  }
0x77: {  	_ =	shalt  }
0x78: {  	_ =	shalt  }
0x79: {  	_ =	shalt  }
0x7a: {  	_ =	shalt  }
0x7b: {  	_ =	shalt  }
0x7c: {  	_ =	shalt  }
0x7d: {  	_ =	shalt  }
0x7e: {  	_ =	shalt  }
0x7f: {  	_ =	shalt  }
0x80: {  	_ =	shalt  }
0x81: {  	_ =	shalt  }
0x82: {  	_ =	shalt  }
0x83: {  	_ =	shalt  }
0x84: {  	_ =	shalt  }
0x85: {  	_ =	shalt  }
0x86: {  	_ =	shalt  }
0x87: {  	_ =	shalt  }
.Lfunc_end0:
.L_simem_size_0:
called_computation_lowered:
.L_overlay_start_0:
0x88: {  	s2 =	sld [smem:$0x3FD9]  }
0x89: {  	s3 =	sld [smem:$0x3FFE];
	_ =	sdelay $0x1  }
0x8a: {  	s1 =	srdreg.scid  }
0x8b: {  	s0 =	sand.u32 $0x1, s1  }
0x8c: {  	s18 =	sshll.u32 s0, $0xA;
	s2 =	sadd.s32 s3, s2  }
0x8d: {  	s2 =	sadd.s32 s2, s18  }
0x8e: {  	[smem:$0x3FC1] =	sst s2  }
0x8f: {  	_ = 	snop  }
0x90: {  	s2 =	sld [smem:$0x3FC9]  }
0x91: {  	s19 =	sld [smem:$0x3FC8]  }
0x92: {  	s4 =	sld [smem:$0x3FC7]  }
0x93: {  	s5 =	sld [smem:$0x3FD0];
	(tm) =	ssettm $0x1  }
0x94: {  	s6 =	sld [smem:$0x3FFB];
	_ =	sdelay $0x3  }
0x95: {  	_ =	strace s6  }
0x96: {  	s6 =	sld [smem:$0x3FFC];
	_ =	sdelay $0x3  }
0x97: {  	_ =	strace s6  }
0x98: {  	s6 =	sld [smem:$0x3FFD];
	_ =	sdelay $0x3  }
0x99: {  	_ =	strace s6  }
0x9a: {  	_ =	strace $0x8FFFFFFF  }
0x9b: {  	s20 =	sld [smem:$0x3FDB];
	_ =	sdelay $0x1  }
0x9c: {  	s7 =	simm.s32 $_scs_section_size  }
0x9d: {  	s8 =	simm.s32 $_size__tile_overlayer_lowered;
	s9 =	simm.s32 $_tile_overlayer_lowered  }
0x9e: {  	s23 =	simm.s32 $0x1BFF;
	s22 =	sshll.u32 s9, $0x1;
	s6 =	sadd.s32 s7, s20  }
0x9f: {  	s10 =	simm.s32 $0x0;
	s21 =	sshll.u32 s8, $0x1;
	s8 =	sadd.s32 s22, s6  }
0xa0: {  	[timem:s10], [sflag:s23] =	dma.local [hbm:s8], s21  }
0xa1: {  	_ =	swait.ge [sflag:s23], s21  }
0xa2: {  	s7 =	ssub.s32 $0x0, s21;
	[sflag:s23] =	ssyncset.done $0x0  }
0xa3: {  	[sflag:s23] =	ssyncadd.s32 s7;
	_ =	sdelay $0x1  }
0xa4: {  	s24 =	simm.s32 $0x1B8B  }
0xa5: {  	_ =	swait.ge [sflag:s24], $0x1  }
0xa6: {  	[sflag:s24] =	ssyncset.done $0x0  }
0xa7: {  	s25 =	simm.s32 $0x1B8E;
	[sflag:s24] =	ssyncadd.s32 $0xFFFFFFFF  }
0xa8: {  	s26 =	simm.s32 $execute0_lowered;
	[smem:$0x3FD2] =	sst s25  }
0xa9: {  	s7 =	sshll.u32 s26, $0x1;
	_ =	strace $0x80000046;
	[dreg:$0x1] =	wrdreg $0xFFFFFFFF  }
0xaa: {  	s28 =	simm.s32 $_size_execute0_lowered;
	s6 =	sadd.s32 s6, s7;
	[dreg:$0x0] =	wrdreg $0x0  }
0xab: {  	s7 =	sshll.u32 s28, $0x1;
	[dreg:$0x2] =	wrdreg s6  }
0xac: {  	[dreg:$0x3] =	wrdreg s7  }
0xad: {  	[dreg:$0x4] =	wrdreg $0xC0  }
0xae: {  	_ =	task [dreg:s10], $0x5FFFF  }
0xaf: {  	[dreg:$0x1] =	wrdreg $0xFFFFFFFF  }
0xb0: {  	[dreg:$0x0] =	wrdreg $0x60  }
0xb1: {  	[dreg:$0x2] =	wrdreg s2  }
0xb2: {  	[dreg:$0x3] =	wrdreg s19  }
0xb3: {  	[dreg:$0x4] =	wrdreg s4  }
0xb4: {  	[dreg:$0x5] =	wrdreg s5  }
0xb5: {  	[dreg:$0x6] =	wrdreg $0x9  }
0xb6: {  	_ =	task.clear_ibuf [dreg:s10], $0x7FFFF;
	_ =	strace $0x90000046  }
0xb7: {  	s29 =	simm.s32 $0x9;
	_ =	strace $0x80000048  }
0xb8: {  	_ =	swait.ge [sflag:s29], $0x1  }
0xb9: {  	[sflag:s29] =	ssyncadd.s32 $0xFFFFFFFF  }
0xba: {  	_ =	strace $0x90000048  }
0xbb: {  	_ =	sfence  }
0xbc: {  	s30 =	sld [smem:$0x0];
	_ =	sdelay $0x2  }
0xbd: {  	s31 =	sshll.u32 s1, $0xD;
	s1 =	sshrl.u32 s1, $0x2  }
0xbe: {  	s3 =	sand.u32 $0x4000, s31;
	s1 =	sadd.s32 s1, s30  }
0xbf: {  	s0 =	sor.u32 s3, s0;
	s1 =	sshll.u32 s1, $0x11  }
0xc0: {  	s0 =	sor.u32 s1, s0  }
0xc1: {  	s0 =	sadd.s32 $0x8F2B, s0  }
0xc2: {  	[sflag:s0] =	ssyncadd.remote.s32 $0x1  }
0xc3: {  	_ =	sfence.sel $0xFFFF  }
0xc4: {  	[dreg:$0x0] =	wrdreg $0xFFFFFFFF;
	(pc) =	sbr.abs _section_cstart, $3  }
0xc5: {  	[dreg:$0x1] =	wrdreg $0xFFFFFFFF  }
0xc6: {  	_ =	task.clear_ibuf [dreg:s10], $0x2FFFF;
	_ =	strace $0x9FFFFFFF  }
0xc7: {  	(tm) =	ssettm $0x7FFFFFFF  }
tec
execute0_lowered:
.L_overlay_start_1:
0x0: {  	(tag) =	ssettag $0x1  }
0x1: {  	s0 =	rddreg [dreg:$0x0]  }
0x2: {  	s3 =	rddreg [dreg:$0x2]  }
0x3: {  	s1 =	rddreg [dreg:$0x3]  }
0x4: {  	s2 =	srdreg.scid;
	s5 =	stileid.u32  }
0x5: {  	s4 =	simm.s32 $0x0;
	s9 =	simm.s32 $0x5;
	s10 =	simm.s32 $0x80  }
0x6: {  	s11 =	simm.s32 $0x880;
	s12 =	simm.s32 $0x4880;
	s13 =	simm.s32 $0x1  }
0x7: {  	s14 =	simm.s32 $0x1000;
	s15 =	simm.s32 $0x200000;
	s16 =	simm.s32 $0x8880  }
0x8: {  	s17 =	simm.s32 $0x2;
	s18 =	simm.s32 $0xC880;
	s19 =	simm.s32 $0x3  }
0x9: {  	s20 =	simm.s32 $0x4;
	s21 =	simm.s32 $0x0;
	s2 =	sand.u32 $0x1, s2  }
0xa: {  	s5 =	sshll.u32 s5, $0x8;
	[smem:$0x7FF] =	sst s4;
	s6 =	sshll.u32 s2, $0x7  }
0xb: {  	_ =	strace $0x80000047;
	s2 =	ssub.s32 $0x2, s2;
	s5 =	sor.u32 s6, s5  }
0xc: {  	s7 =	sshrl.u32 s2, $0x1;
	s6 =	sshll.u32 s5, $0x6;
	s5 =	sshrl.u32 s5, $0x3  }
0xd: {  	s2 =	ssub.s32 s2, s7;
	s1 =	sadd.s32 s6, s1;
	s5 =	sadd.s32 s0, s5  }
0xe: {  	vm0 =	vmmov $0xff;
	v0 =	vlaneseq.u32;
	s7 =	smax.u32 s2, $0x1;
	s6 =	sadd.s32 $0x140000, s1;
	s8 =	sadd.s32 $0x140200, s1  }
.LBB2_1:
0xf: {  	[tilespmem:s4], [sflag:$0x5] =	stream.linear.gather [hbm4b:s5+s4], $0x80, $0x38;
	[tilespmem:$0x10880] =	vst v63  }
0x10: {  	_ =	swait.ge [sflag:s9], $0x80  }
0x11: {  	[sflag:s9] =	ssyncset.done $0x0  }
0x12: {  	[sflag:s9] =	ssyncadd.s32 $0xFFFFFF80  }
0x13: {  	s0 =	rddreg [dreg:$0x1]  }
0x14: {  	[tilespmem:s10], [sflag:$0x5] =	stream.linear.gather [hbm4b:s0+s4], $0x800, $0x38;
	[tilespmem:$0x10880] =	vst v63  }
0x15: {  	_ =	swait.ge [sflag:s9], $0x800  }
0x16: {  	[sflag:s9] =	ssyncset.done $0x0  }
0x17: {  	[sflag:s9] =	ssyncadd.s32 $0xFFFFF800  }
0x18: {  	v1 =	vld.msk [tilespmem:$0x0], $0xff;
	_ =	sdelay $0x4  }
0x19: {  	v1 =	vshll.u32 v1, $0xB  }
0x1a: {  	v1 =	vperm.xlane v1, v0;
	_ =	sdelay $0x5  }
0x1b: {  	[tilespmem:s11], [sflag:$0x1] =	stream.indirect_vreg.gather [hbm4b:s3+s4], $0x800, v1, vm0, $0x38;
	[tilespmem:$0x10880] =	vst v63  }
0x1c: {  	v1 =	vld.msk [tilespmem:$0x8], $0xff;
	_ =	sdelay $0x4  }
0x1d: {  	v1 =	vshll.u32 v1, $0xB  }
0x1e: {  	v1 =	vperm.xlane v1, v0;
	_ =	sdelay $0x4  }
0x1f: {  	s22 =	simm.s32 $0x0  }
0x20: {  	[tilespmem:s12], [sflag:$0x2] =	stream.indirect_vreg.gather [hbm4b:s3+s4], $0x800, v1, vm0, $0x38;
	[tilespmem:$0x10880] =	vst v63  }
.LBB2_2:
0x21: {  	_ =	swait.ge [sflag:s13], $0x4000  }
0x22: {  	p1 =	seq.s32 s22, $0x0;
	[sflag:s13] =	ssyncset.done $0x0  }
0x23: {  	s0 =	simm.s32 @!p1 $0x3;
	[sflag:s13] =	ssyncadd.s32 $0xFFFFC000  }
0x24: {  	_ =	swait.ge @!p1 [sflag:s0], $0x4000  }
0x25: {  	[sflag:s0] =	ssyncset.done @!p1 $0x0  }
0x26: {  	s24 =	simm.s32 $0xC0;
	[sflag:s0] =	ssyncadd.s32 @!p1 $0xFFFFC000  }
0x27: {  	s23 =	simm.s32 $0x2880;
	v2 =	vld [tilespmem:s24+$0x30]  }
0x28: {  	v3 =	vld [tilespmem:s23+$0xFFFFE070]  }
0x29: {  	v8 =	vld [tilespmem:s23+$0xFFFFE000]  }
0x2a: {  	v10 =	vld [tilespmem:s24+$0xFFFFFFD0]  }
0x2b: {  	v7 =	vld [tilespmem:s23+$0xFFFFE010]  }
0x2c: {  	v9 =	vld [tilespmem:s24+$0xFFFFFFE0]  }
0x2d: {  	v11 =	vld [tilespmem:s23+$0xFFFFE020]  }
0x2e: {  	v4 =	vld [tilespmem:s24+$0xFFFFFFF0]  }
0x2f: {  	v12 =	vld [tilespmem:s23+$0xFFFFE030]  }
0x30: {  	v5 =	vld [tilespmem:s24+$0x0]  }
0x31: {  	v13 =	vld [tilespmem:s23+$0xFFFFE040]  }
0x32: {  	v1 =	vld [tilespmem:s24+$0x10]  }
0x33: {  	v14 =	vld [tilespmem:s23+$0xFFFFE050]  }
0x34: {  	v6 =	vld [tilespmem:s24+$0x20]  }
0x35: {  	s29 =	simm.s32 $0x2A80;
	v15 =	vld [tilespmem:s23+$0xFFFFE060]  }
0x36: {  	v20 =	vld [tilespmem:s29+$0xFFFFE000];
	v3 =	vadd.f32 v3, v2  }
0x37: {  	s26 =	simm.s32 $0x8A80;
	v21 =	vld [tilespmem:s29+$0xFFFFE010]  }
0x38: {  	v22 =	vld [tilespmem:s29+$0xFFFFE020];
	[tilespmem:s26+$0xFFFFFE70] =	vst v3;
	v3 =	vadd.f32 v7, v10  }
0x39: {  	v11 =	vadd.f32 v11, v9;
	v16 =	vld [tilespmem:s23+$0xFFFFE870]  }
0x3a: {  	v7 =	vld [tilespmem:s24+$0xFFFFFFC0];
	[tilespmem:s26+$0xFFFFFE10] =	vst v3;
	v3 =	vadd.f32 v12, v4  }
0x3b: {  	[tilespmem:s26+$0xFFFFFE20] =	vst v11;
	v11 =	vadd.f32 v13, v5;
	v12 =	vld [tilespmem:s23+$0xFFFFE810]  }
0x3c: {  	v13 =	vld [tilespmem:s23+$0xFFFFE820];
	[tilespmem:s26+$0xFFFFFE30] =	vst v3;
	v3 =	vadd.f32 v14, v1  }
0x3d: {  	[tilespmem:s26+$0xFFFFFE40] =	vst v11;
	v14 =	vadd.f32 v15, v6;
	v11 =	vld [tilespmem:s23+$0xFFFFE830]  }
0x3e: {  	v15 =	vadd.f32 v16, v2;
	[tilespmem:s26+$0xFFFFFE50] =	vst v3;
	v3 =	vld [tilespmem:s23+$0xFFFFE840]  }
0x3f: {  	v8 =	vadd.f32 v8, v7;
	[tilespmem:s26+$0xFFFFFE60] =	vst v14;
	v42 =	vld [tilespmem:s23+$0xFFFFE850]  }
0x40: {  	v14 =	vld [tilespmem:s23+$0xFFFFE860];
	[tilespmem:s26+$0xFFFFFEF0] =	vst v15;
	v12 =	vadd.f32 v12, v10  }
0x41: {  	[tilespmem:s26+$0xFFFFFE00] =	vst v8;
	v8 =	vadd.f32 v13, v9;
	v15 =	vld [tilespmem:s23+$0xFFFFF070]  }
0x42: {  	v13 =	vld [tilespmem:s23+$0xFFFFE800];
	[tilespmem:s26+$0xFFFFFE90] =	vst v12;
	v11 =	vadd.f32 v11, v4  }
0x43: {  	[tilespmem:s26+$0xFFFFFEA0] =	vst v8;
	v12 =	vld [tilespmem:s23+$0xFFFFF010];
	v3 =	vadd.f32 v3, v5  }
0x44: {  	v8 =	vld [tilespmem:s23+$0xFFFFF020];
	[tilespmem:s26+$0xFFFFFEB0] =	vst v11;
	v11 =	vadd.f32 v42, v1  }
0x45: {  	v43 =	vld [tilespmem:s23+$0xFFFFF030];
	[tilespmem:s26+$0xFFFFFEC0] =	vst v3;
	v3 =	vadd.f32 v14, v6  }
0x46: {  	v14 =	vadd.f32 v15, v2;
	v15 =	vld [tilespmem:s23+$0xFFFFF040];
	[tilespmem:s26+$0xFFFFFED0] =	vst v11  }
0x47: {  	v11 =	vadd.f32 v13, v7;
	v13 =	vld [tilespmem:s23+$0xFFFFF050];
	[tilespmem:s26+$0xFFFFFEE0] =	vst v3  }
0x48: {  	[tilespmem:s26+$0xFFFFFF70] =	vst v14;
	v3 =	vadd.f32 v12, v10;
	v12 =	vld [tilespmem:s23+$0xFFFFF060]  }
0x49: {  	v8 =	vadd.f32 v8, v9;
	[tilespmem:s26+$0xFFFFFE80] =	vst v11;
	v14 =	vld [tilespmem:s23+$0xFFFFF870]  }
0x4a: {  	v11 =	vld [tilespmem:s23+$0xFFFFF000];
	[tilespmem:s26+$0xFFFFFF10] =	vst v3;
	v3 =	vadd.f32 v43, v4  }
0x4b: {  	[tilespmem:s26+$0xFFFFFF20] =	vst v8;
	v44 =	vld [tilespmem:s23+$0xFFFFF810];
	v8 =	vadd.f32 v15, v5  }
0x4c: {  	v15 =	vld [tilespmem:s23+$0xFFFFF820];
	[tilespmem:s26+$0xFFFFFF30] =	vst v3;
	v3 =	vadd.f32 v13, v1  }
0x4d: {  	v13 =	vld [tilespmem:s23+$0xFFFFF830];
	[tilespmem:s26+$0xFFFFFF40] =	vst v8;
	v8 =	vadd.f32 v12, v6  }
0x4e: {  	v12 =	vadd.f32 v14, v2;
	v14 =	vld [tilespmem:s23+$0xFFFFF840];
	[tilespmem:s26+$0xFFFFFF50] =	vst v3  }
0x4f: {  	v3 =	vadd.f32 v11, v7;
	v11 =	vld [tilespmem:s23+$0xFFFFF850];
	[tilespmem:s26+$0xFFFFFF60] =	vst v8  }
0x50: {  	[tilespmem:s26+$0xFFFFFFF0] =	vst v12;
	v8 =	vadd.f32 v44, v10;
	v12 =	vld [tilespmem:s23+$0xFFFFF860]  }
0x51: {  	[tilespmem:s26+$0xFFFFFF00] =	vst v3;
	v3 =	vadd.f32 v15, v9;
	v45 =	vld [tilespmem:s23+$0x70]  }
0x52: {  	v15 =	vld [tilespmem:s23+$0xFFFFF800];
	[tilespmem:s26+$0xFFFFFF90] =	vst v8;
	v8 =	vadd.f32 v13, v4  }
0x53: {  	[tilespmem:s26+$0xFFFFFFA0] =	vst v3;
	v13 =	vld [tilespmem:s23+$0x10];
	v3 =	vadd.f32 v14, v5  }
0x54: {  	v14 =	vld [tilespmem:s23+$0x20];
	[tilespmem:s26+$0xFFFFFFB0] =	vst v8;
	v8 =	vadd.f32 v11, v1  }
0x55: {  	v11 =	vld [tilespmem:s23+$0x30];
	[tilespmem:s26+$0xFFFFFFC0] =	vst v3;
	v3 =	vadd.f32 v12, v6  }
0x56: {  	v12 =	vadd.f32 v45, v2;
	v46 =	vld [tilespmem:s23+$0x40];
	[tilespmem:s26+$0xFFFFFFD0] =	vst v8  }
0x57: {  	v8 =	vadd.f32 v15, v7;
	v15 =	vld [tilespmem:s23+$0x50];
	[tilespmem:s26+$0xFFFFFFE0] =	vst v3  }
0x58: {  	[tilespmem:s26+$0x70] =	vst v12;
	v3 =	vadd.f32 v13, v10;
	v12 =	vld [tilespmem:s23+$0x60]  }
0x59: {  	[tilespmem:s26+$0xFFFFFF80] =	vst v8;
	v8 =	vadd.f32 v14, v9;
	v13 =	vld [tilespmem:s23+$0x870]  }
0x5a: {  	v14 =	vld [tilespmem:s23+$0x0];
	[tilespmem:s26+$0x10] =	vst v3;
	v3 =	vadd.f32 v11, v4  }
0x5b: {  	[tilespmem:s26+$0x20] =	vst v8;
	v11 =	vld [tilespmem:s23+$0x810];
	v8 =	vadd.f32 v46, v5  }
0x5c: {  	v47 =	vld [tilespmem:s23+$0x820];
	[tilespmem:s26+$0x30] =	vst v3;
	v3 =	vadd.f32 v15, v1  }
0x5d: {  	v15 =	vld [tilespmem:s23+$0x830];
	[tilespmem:s26+$0x40] =	vst v8;
	v8 =	vadd.f32 v12, v6  }
0x5e: {  	v12 =	vadd.f32 v13, v2;
	v13 =	vld [tilespmem:s23+$0x840];
	[tilespmem:s26+$0x50] =	vst v3  }
0x5f: {  	v3 =	vadd.f32 v14, v7;
	v14 =	vld [tilespmem:s23+$0x850];
	[tilespmem:s26+$0x60] =	vst v8  }
0x60: {  	[tilespmem:s26+$0xF0] =	vst v12;
	v8 =	vadd.f32 v11, v10;
	v11 =	vld [tilespmem:s23+$0x860]  }
0x61: {  	[tilespmem:s26+$0x0] =	vst v3;
	v3 =	vadd.f32 v47, v9;
	v12 =	vld [tilespmem:s23+$0x1070]  }
0x62: {  	v48 =	vld [tilespmem:s23+$0x800];
	[tilespmem:s26+$0x90] =	vst v8;
	v8 =	vadd.f32 v15, v4  }
0x63: {  	[tilespmem:s26+$0xA0] =	vst v3;
	v15 =	vld [tilespmem:s23+$0x1010];
	v3 =	vadd.f32 v13, v5  }
0x64: {  	v13 =	vld [tilespmem:s23+$0x1020];
	[tilespmem:s26+$0xB0] =	vst v8;
	v8 =	vadd.f32 v14, v1  }
0x65: {  	v14 =	vld [tilespmem:s23+$0x1030];
	[tilespmem:s26+$0xC0] =	vst v3;
	v3 =	vadd.f32 v11, v6  }
0x66: {  	v11 =	vadd.f32 v12, v2;
	v12 =	vld [tilespmem:s23+$0x1040];
	[tilespmem:s26+$0xD0] =	vst v8  }
0x67: {  	v8 =	vadd.f32 v48, v7;
	v49 =	vld [tilespmem:s23+$0x1050];
	[tilespmem:s26+$0xE0] =	vst v3  }
0x68: {  	[tilespmem:s26+$0x170] =	vst v11;
	v3 =	vadd.f32 v15, v10;
	v11 =	vld [tilespmem:s23+$0x1060]  }
0x69: {  	[tilespmem:s26+$0x80] =	vst v8;
	v8 =	vadd.f32 v13, v9;
	v15 =	vld [tilespmem:s23+$0x1870]  }
0x6a: {  	v13 =	vld [tilespmem:s23+$0x1000];
	[tilespmem:s26+$0x110] =	vst v3;
	v3 =	vadd.f32 v14, v4  }
0x6b: {  	[tilespmem:s26+$0x120] =	vst v8;
	v14 =	vld [tilespmem:s23+$0x1810]  }
0x6c: {  	v8 =	vadd.f32 v12, v5;
	v12 =	vld [tilespmem:s23+$0x1820];
	[tilespmem:s26+$0x130] =	vst v3  }
0x6d: {  	s25 =	simm.s32 $0x2C0;
	v50 =	vld [tilespmem:s23+$0x1830]  }
0x6e: {  	v3 =	vadd.f32 v49, v1;
	[tilespmem:s26+$0x140] =	vst v8;
	v8 =	vadd.f32 v11, v6;
	v11 =	vld [tilespmem:s25+$0x30]  }
0x6f: {  	v17 =	vld [tilespmem:s23+$0x1840]  }
0x70: {  	[tilespmem:s26+$0x150] =	vst v3;
	v3 =	vld [tilespmem:s29+$0xFFFFE070]  }
0x71: {  	v15 =	vadd.f32 v15, v2;
	v2 =	vld [tilespmem:s25+$0xFFFFFFE0]  }
0x72: {  	v18 =	vld [tilespmem:s23+$0x1850]  }
0x73: {  	[tilespmem:s26+$0x160] =	vst v8;
	v8 =	vld [tilespmem:s25+$0xFFFFFFD0]  }
0x74: {  	v13 =	vadd.f32 v13, v7;
	v19 =	vld [tilespmem:s23+$0x1860]  }
0x75: {  	[tilespmem:s26+$0x1F0] =	vst v15;
	v10 =	vadd.f32 v14, v10;
	v14 =	vld [tilespmem:s29+$0xFFFFE030]  }
0x76: {  	[tilespmem:s26+$0x100] =	vst v13;
	v9 =	vadd.f32 v12, v9;
	v13 =	vld [tilespmem:s29+$0xFFFFE040]  }
0x77: {  	v15 =	vld [tilespmem:s29+$0xFFFFE060];
	[tilespmem:s26+$0x190] =	vst v10;
	v23 =	vadd.f32 v3, v11  }
0x78: {  	s28 =	simm.s32 $0x8E80;
	v10 =	vadd.f32 v50, v4;
	v4 =	vld [tilespmem:s25+$0x0];
	[tilespmem:s26+$0x1A0] =	vst v9;
	v9 =	vadd.f32 v17, v5  }
0x79: {  	v3 =	vld [tilespmem:s25+$0xFFFFFFF0];
	[tilespmem:s28+$0xFFFFFE70] =	vst v23  }
0x7a: {  	[tilespmem:s26+$0x1C0] =	vst v9;
	v9 =	vadd.f32 v19, v6;
	v12 =	vld [tilespmem:s29+$0xFFFFE870]  }
0x7b: {  	v5 =	vld [tilespmem:s25+$0x10];
	[tilespmem:s26+$0x1B0] =	vst v10;
	v1 =	vadd.f32 v18, v1  }
0x7c: {  	v10 =	vld [tilespmem:s29+$0xFFFFE050];
	[tilespmem:s26+$0x1E0] =	vst v9;
	v9 =	vadd.f32 v21, v8  }
0x7d: {  	v51 =	vadd.f32 v22, v2;
	v6 =	vld [tilespmem:s25+$0x20];
	[tilespmem:s26+$0x1D0] =	vst v1  }
0x7e: {  	v1 =	vld [tilespmem:s25+$0xFFFFFFC0];
	[tilespmem:s28+$0xFFFFFE10] =	vst v9;
	v9 =	vadd.f32 v14, v3  }
0x7f: {  	[tilespmem:s28+$0xFFFFFE20] =	vst v51;
	v12 =	vadd.f32 v12, v11  }
0x80: {  	v13 =	vadd.f32 v13, v4;
	v14 =	vld [tilespmem:s29+$0xFFFFE810];
	[tilespmem:s28+$0xFFFFFE30] =	vst v9  }
0x81: {  	v9 =	vadd.f32 v10, v5;
	v10 =	vld [tilespmem:s29+$0xFFFFE820];
	[tilespmem:s28+$0xFFFFFEF0] =	vst v12  }
0x82: {  	[tilespmem:s28+$0xFFFFFE40] =	vst v13;
	v15 =	vadd.f32 v15, v6;
	v12 =	vld [tilespmem:s29+$0xFFFFF070]  }
0x83: {  	v13 =	vld [tilespmem:s29+$0xFFFFE830];
	[tilespmem:s28+$0xFFFFFE50] =	vst v9;
	v9 =	vadd.f32 v20, v1  }
0x84: {  	v52 =	vld [tilespmem:s29+$0xFFFFE840];
	[tilespmem:s28+$0xFFFFFE60] =	vst v15  }
0x85: {  	v53 =	vld [tilespmem:s29+$0xFFFFE850];
	[tilespmem:s28+$0xFFFFFE00] =	vst v9;
	v9 =	vadd.f32 v14, v8  }
0x86: {  	v14 =	vld [tilespmem:s29+$0xFFFFE860];
	v10 =	vadd.f32 v10, v2  }
0x87: {  	v15 =	vld [tilespmem:s29+$0xFFFFE800];
	[tilespmem:s28+$0xFFFFFE90] =	vst v9;
	v12 =	vadd.f32 v12, v11  }
0x88: {  	v9 =	vadd.f32 v13, v3;
	[tilespmem:s28+$0xFFFFFEA0] =	vst v10  }
0x89: {  	v10 =	vadd.f32 v52, v4;
	v54 =	vld [tilespmem:s29+$0xFFFFF020];
	[tilespmem:s28+$0xFFFFFF70] =	vst v12  }
0x8a: {  	[tilespmem:s28+$0xFFFFFEB0] =	vst v9;
	v12 =	vld [tilespmem:s29+$0xFFFFF870]  }
0x8b: {  	v13 =	vld [tilespmem:s29+$0xFFFFF010];
	v9 =	vadd.f32 v53, v5;
	[tilespmem:s28+$0xFFFFFEC0] =	vst v10  }
0x8c: {  	v10 =	vadd.f32 v14, v6;
	v14 =	vadd.f32 v15, v1;
	v15 =	vld [tilespmem:s29+$0xFFFFF040]  }
0x8d: {  	v55 =	vld [tilespmem:s29+$0xFFFFF030];
	[tilespmem:s28+$0xFFFFFED0] =	vst v9  }
0x8e: {  	v9 =	vld [tilespmem:s29+$0xFFFFF050];
	[tilespmem:s28+$0xFFFFFE80] =	vst v14;
	v16 =	vadd.f32 v54, v2  }
0x8f: {  	[tilespmem:s28+$0xFFFFFEE0] =	vst v10;
	v14 =	vld [tilespmem:s29+$0xFFFFF000];
	v10 =	vadd.f32 v12, v11  }
0x90: {  	[tilespmem:s28+$0xFFFFFF20] =	vst v16;
	v12 =	vadd.f32 v13, v8;
	v13 =	vld [tilespmem:s29+$0xFFFFF060]  }
0x91: {  	v15 =	vadd.f32 v15, v4;
	v16 =	vld [tilespmem:s29+$0xFFFFF820];
	[tilespmem:s28+$0xFFFFFFF0] =	vst v10  }
0x92: {  	[tilespmem:s28+$0xFFFFFF10] =	vst v12;
	v10 =	vadd.f32 v55, v3;
	v12 =	vld [tilespmem:s29+$0x70]  }
0x93: {  	v9 =	vadd.f32 v9, v5;
	[tilespmem:s28+$0xFFFFFF40] =	vst v15;
	v56 =	vld [tilespmem:s29+$0xFFFFF810]  }
0x94: {  	v14 =	vadd.f32 v14, v1;
	v15 =	vld [tilespmem:s29+$0xFFFFF840];
	[tilespmem:s28+$0xFFFFFF30] =	vst v10  }
0x95: {  	[tilespmem:s28+$0xFFFFFF50] =	vst v9;
	v10 =	vld [tilespmem:s29+$0xFFFFF830];
	v13 =	vadd.f32 v13, v6  }
0x96: {  	v9 =	vld [tilespmem:s29+$0xFFFFF850];
	[tilespmem:s28+$0xFFFFFF00] =	vst v14;
	v16 =	vadd.f32 v16, v2  }
0x97: {  	v57 =	vld [tilespmem:s29+$0xFFFFF800];
	[tilespmem:s28+$0xFFFFFF60] =	vst v13;
	v12 =	vadd.f32 v12, v11  }
0x98: {  	[tilespmem:s28+$0xFFFFFFA0] =	vst v16;
	v13 =	vadd.f32 v56, v8;
	v14 =	vld [tilespmem:s29+$0xFFFFF860]  }
0x99: {  	v15 =	vadd.f32 v15, v4;
	v16 =	vld [tilespmem:s29+$0x20];
	[tilespmem:s28+$0x70] =	vst v12  }
0x9a: {  	[tilespmem:s28+$0xFFFFFF90] =	vst v13;
	v10 =	vadd.f32 v10, v3;
	v12 =	vld [tilespmem:s29+$0x870]  }
0x9b: {  	v9 =	vadd.f32 v9, v5;
	[tilespmem:s28+$0xFFFFFFC0] =	vst v15;
	v13 =	vld [tilespmem:s29+$0x10]  }
0x9c: {  	v15 =	vadd.f32 v57, v1;
	v58 =	vld [tilespmem:s29+$0x40];
	[tilespmem:s28+$0xFFFFFFB0] =	vst v10  }
0x9d: {  	[tilespmem:s28+$0xFFFFFFD0] =	vst v9;
	v10 =	vld [tilespmem:s29+$0x30];
	v14 =	vadd.f32 v14, v6  }
0x9e: {  	v9 =	vld [tilespmem:s29+$0x50];
	[tilespmem:s28+$0xFFFFFF80] =	vst v15;
	v16 =	vadd.f32 v16, v2  }
0x9f: {  	v15 =	vld [tilespmem:s29+$0x0];
	[tilespmem:s28+$0xFFFFFFE0] =	vst v14;
	v12 =	vadd.f32 v12, v11  }
0xa0: {  	[tilespmem:s28+$0x20] =	vst v16;
	v13 =	vadd.f32 v13, v8;
	v14 =	vld [tilespmem:s29+$0x60]  }
0xa1: {  	v59 =	vadd.f32 v58, v4;
	v60 =	vld [tilespmem:s29+$0x820];
	[tilespmem:s28+$0xF0] =	vst v12  }
0xa2: {  	[tilespmem:s28+$0x10] =	vst v13;
	v10 =	vadd.f32 v10, v3;
	v12 =	vld [tilespmem:s29+$0x1070]  }
0xa3: {  	v9 =	vadd.f32 v9, v5;
	[tilespmem:s28+$0x40] =	vst v59;
	v13 =	vld [tilespmem:s29+$0x810]  }
0xa4: {  	v15 =	vadd.f32 v15, v1;
	v16 =	vld [tilespmem:s29+$0x840];
	[tilespmem:s28+$0x30] =	vst v10  }
0xa5: {  	[tilespmem:s28+$0x50] =	vst v9;
	v10 =	vld [tilespmem:s29+$0x830];
	v14 =	vadd.f32 v14, v6  }
0xa6: {  	v9 =	vld [tilespmem:s29+$0x850];
	[tilespmem:s28+$0x0] =	vst v15;
	v17 =	vadd.f32 v60, v2  }
0xa7: {  	v15 =	vld [tilespmem:s29+$0x800];
	[tilespmem:s28+$0x60] =	vst v14;
	v12 =	vadd.f32 v12, v11  }
0xa8: {  	[tilespmem:s28+$0xA0] =	vst v17;
	v13 =	vadd.f32 v13, v8;
	v14 =	vld [tilespmem:s29+$0x860]  }
0xa9: {  	v16 =	vadd.f32 v16, v4;
	v17 =	vld [tilespmem:s29+$0x1020];
	[tilespmem:s28+$0x170] =	vst v12  }
0xaa: {  	[tilespmem:s28+$0x90] =	vst v13;
	v10 =	vadd.f32 v10, v3;
	v12 =	vld [tilespmem:s29+$0x1870]  }
0xab: {  	v9 =	vadd.f32 v9, v5;
	[tilespmem:s28+$0xC0] =	vst v16;
	v13 =	vld [tilespmem:s29+$0x1010]  }
0xac: {  	v15 =	vadd.f32 v15, v1;
	[tilespmem:s28+$0xB0] =	vst v10  }
0xad: {  	[tilespmem:s28+$0xD0] =	vst v9;
	v10 =	vld [tilespmem:s29+$0x1030];
	v14 =	vadd.f32 v14, v6  }
0xae: {  	v16 =	vld [tilespmem:s29+$0x1040];
	[tilespmem:s28+$0x80] =	vst v15  }
0xaf: {  	v9 =	vld [tilespmem:s29+$0x1050];
	v15 =	vadd.f32 v17, v2;
	[tilespmem:s28+$0xE0] =	vst v14  }
0xb0: {  	v11 =	vadd.f32 v12, v11;
	v12 =	vadd.f32 v13, v8;
	v13 =	vld [tilespmem:s29+$0x1060]  }
0xb1: {  	v14 =	vld [tilespmem:s29+$0x1000];
	[tilespmem:s28+$0x120] =	vst v15  }
0xb2: {  	v61 =	vld [tilespmem:s23+$0x1800];
	[tilespmem:s28+$0x110] =	vst v12;
	v10 =	vadd.f32 v10, v3  }
0xb3: {  	[tilespmem:s28+$0x1F0] =	vst v11;
	v11 =	vadd.f32 v16, v4;
	v62 =	vld [tilespmem:s29+$0x1810]  }
0xb4: {  	v9 =	vadd.f32 v9, v5;
	v12 =	vld [tilespmem:s29+$0x1820];
	[tilespmem:s28+$0x130] =	vst v10  }
0xb5: {  	[tilespmem:s28+$0x140] =	vst v11;
	v10 =	vld [tilespmem:s29+$0x1830];
	v15 =	vadd.f32 v13, v6  }
0xb6: {  	s30 =	simm.s32 $0x170;
	[tilespmem:s28+$0x150] =	vst v9;
	v63 =	vadd.f32 v14, v1;
	v11 =	vld [tilespmem:s29+$0x1840]  }
0xb7: {  	s31 =	simm.s32 $0x8;
	s2 =	simm.s32 $0x4C0;
	s0 =	simm.s32 $0x2A80;
	v14 =	vadd.f32 v61, v7;
	v13 =	vld [tilespmem:s29+$0x1850];
	[tilespmem:s28+$0x160] =	vst v15  }
0xb8: {  	s24 =	simm.s32 $0x9C70;
	s23 =	sshll.u32 s22, $0x6;
	s25 =	simm.s32 $0x2900;
	[tilespmem:s28+$0x100] =	vst v63;
	v7 =	vadd.f32 v62, v8;
	v9 =	vld [tilespmem:s29+$0x1860]  }
.LBB2_3:
0xb9: {  	v8 =	vld [tilespmem:s2+$0x30];
	v2 =	vadd.f32 v12, v2;
	s29 =	sadd.s32 $0x200, s29;
	[tilespmem:s26+$0x180] =	vst v14;
	s26 =	smov.u32 s28  }
0xba: {  	s31 =	sadd.s32 $0x8, s31;
	v12 =	vld [tilespmem:s29+$0xFFFFE070];
	[tilespmem:s28+$0x190] =	vst v7;
	v3 =	vadd.f32 v10, v3  }
0xbb: {  	p0 =	slt.u32 s31, $0x18;
	v10 =	vld [tilespmem:s29+$0xFFFFE000];
	[tilespmem:s28+$0x1A0] =	vst v2;
	v2 =	vadd.f32 v11, v4  }
0xbc: {  	v7 =	vld [tilespmem:s2+$0xFFFFFFD0];
	[tilespmem:s28+$0x1B0] =	vst v3;
	v3 =	vadd.f32 v13, v5  }
0xbd: {  	v4 =	vld [tilespmem:s29+$0xFFFFE010];
	[tilespmem:s28+$0x1C0] =	vst v2;
	v5 =	vadd.f32 v9, v6  }
0xbe: {  	v2 =	vld [tilespmem:s2+$0xFFFFFFE0];
	[tilespmem:s28+$0x1D0] =	vst v3  }
0xbf: {  	v6 =	vld [tilespmem:s29+$0xFFFFE020];
	v9 =	vadd.f32 v12, v8;
	[tilespmem:s28+$0x1E0] =	vst v5  }
0xc0: {  	s28 =	sadd.s32 $0x400, s28;
	v3 =	vld [tilespmem:s2+$0xFFFFFFF0]  }
0xc1: {  	v11 =	vld [tilespmem:s29+$0xFFFFE030];
	[tilespmem:s28+$0xFFFFFE70] =	vst v9  }
0xc2: {  	v5 =	vadd.f32 v4, v7;
	v9 =	vld [tilespmem:s29+$0xFFFFE870]  }
0xc3: {  	v4 =	vld [tilespmem:s2+$0x0]  }
0xc4: {  	[tilespmem:s28+$0xFFFFFE10] =	vst v5;
	v6 =	vadd.f32 v6, v2;
	v12 =	vld [tilespmem:s29+$0xFFFFE040]  }
0xc5: {  	v5 =	vld [tilespmem:s2+$0x10]  }
0xc6: {  	[tilespmem:s28+$0xFFFFFE20] =	vst v6;
	v11 =	vadd.f32 v11, v3;
	v13 =	vld [tilespmem:s29+$0xFFFFE050]  }
0xc7: {  	v6 =	vld [tilespmem:s2+$0x20];
	v14 =	vadd.f32 v9, v8  }
0xc8: {  	[tilespmem:s28+$0xFFFFFE30] =	vst v11;
	v11 =	vld [tilespmem:s29+$0xFFFFE060]  }
0xc9: {  	v9 =	vld [tilespmem:s2+$0xFFFFFFC0];
	v12 =	vadd.f32 v12, v4;
	[tilespmem:s28+$0xFFFFFEF0] =	vst v14  }
0xca: {  	v14 =	vld [tilespmem:s29+$0xFFFFF070]  }
0xcb: {  	v15 =	vld [tilespmem:s29+$0xFFFFE810];
	[tilespmem:s28+$0xFFFFFE40] =	vst v12;
	v12 =	vadd.f32 v13, v5  }
0xcc: {  	v13 =	vld [tilespmem:s29+$0xFFFFE820]  }
0xcd: {  	v16 =	vld [tilespmem:s29+$0xFFFFE830];
	[tilespmem:s28+$0xFFFFFE50] =	vst v12;
	v11 =	vadd.f32 v11, v6  }
0xce: {  	v10 =	vadd.f32 v10, v9;
	v12 =	vld [tilespmem:s29+$0xFFFFE840]  }
0xcf: {  	v17 =	vld [tilespmem:s29+$0xFFFFE850];
	[tilespmem:s28+$0xFFFFFE60] =	vst v11;
	v11 =	vadd.f32 v14, v8  }
0xd0: {  	[tilespmem:s28+$0xFFFFFE00] =	vst v10;
	v10 =	vadd.f32 v15, v7;
	v14 =	vld [tilespmem:s29+$0xFFFFE860]  }
0xd1: {  	v15 =	vld [tilespmem:s29+$0xFFFFE800];
	v13 =	vadd.f32 v13, v2;
	[tilespmem:s28+$0xFFFFFF70] =	vst v11  }
0xd2: {  	[tilespmem:s28+$0xFFFFFE90] =	vst v10;
	v10 =	vadd.f32 v16, v3;
	v11 =	vld [tilespmem:s29+$0xFFFFF870]  }
0xd3: {  	v16 =	vld [tilespmem:s29+$0xFFFFF010];
	[tilespmem:s28+$0xFFFFFEA0] =	vst v13;
	v12 =	vadd.f32 v12, v4  }
0xd4: {  	v13 =	vld [tilespmem:s29+$0xFFFFF020];
	[tilespmem:s28+$0xFFFFFEB0] =	vst v10;
	v10 =	vadd.f32 v17, v5  }
0xd5: {  	v17 =	vld [tilespmem:s29+$0xFFFFF030];
	[tilespmem:s28+$0xFFFFFEC0] =	vst v12;
	v12 =	vadd.f32 v14, v6  }
0xd6: {  	v14 =	vadd.f32 v15, v9;
	v15 =	vld [tilespmem:s29+$0xFFFFF040];
	[tilespmem:s28+$0xFFFFFED0] =	vst v10  }
0xd7: {  	v10 =	vld [tilespmem:s29+$0xFFFFF050];
	[tilespmem:s28+$0xFFFFFEE0] =	vst v12;
	v11 =	vadd.f32 v11, v8  }
0xd8: {  	[tilespmem:s28+$0xFFFFFE80] =	vst v14;
	v12 =	vadd.f32 v16, v7;
	v14 =	vld [tilespmem:s29+$0xFFFFF060]  }
0xd9: {  	v16 =	vld [tilespmem:s29+$0xFFFFF000];
	v13 =	vadd.f32 v13, v2;
	[tilespmem:s28+$0xFFFFFFF0] =	vst v11  }
0xda: {  	[tilespmem:s28+$0xFFFFFF10] =	vst v12;
	v11 =	vadd.f32 v17, v3;
	v12 =	vld [tilespmem:s29+$0x70]  }
0xdb: {  	v17 =	vld [tilespmem:s29+$0xFFFFF810];
	[tilespmem:s28+$0xFFFFFF20] =	vst v13;
	v13 =	vadd.f32 v15, v4  }
0xdc: {  	v15 =	vld [tilespmem:s29+$0xFFFFF820];
	[tilespmem:s28+$0xFFFFFF30] =	vst v11;
	v10 =	vadd.f32 v10, v5  }
0xdd: {  	v11 =	vld [tilespmem:s29+$0xFFFFF830];
	[tilespmem:s28+$0xFFFFFF40] =	vst v13;
	v13 =	vadd.f32 v14, v6  }
0xde: {  	v14 =	vadd.f32 v16, v9;
	v16 =	vld [tilespmem:s29+$0xFFFFF840];
	[tilespmem:s28+$0xFFFFFF50] =	vst v10  }
0xdf: {  	v10 =	vld [tilespmem:s29+$0xFFFFF850];
	[tilespmem:s28+$0xFFFFFF60] =	vst v13;
	v12 =	vadd.f32 v12, v8  }
0xe0: {  	[tilespmem:s28+$0xFFFFFF00] =	vst v14;
	v13 =	vadd.f32 v17, v7;
	v14 =	vld [tilespmem:s29+$0xFFFFF860]  }
0xe1: {  	v17 =	vld [tilespmem:s29+$0xFFFFF800];
	v15 =	vadd.f32 v15, v2;
	[tilespmem:s28+$0x70] =	vst v12  }
0xe2: {  	[tilespmem:s28+$0xFFFFFF90] =	vst v13;
	v11 =	vadd.f32 v11, v3;
	v12 =	vld [tilespmem:s29+$0x870]  }
0xe3: {  	v13 =	vld [tilespmem:s29+$0x10];
	[tilespmem:s28+$0xFFFFFFA0] =	vst v15;
	v15 =	vadd.f32 v16, v4  }
0xe4: {  	v16 =	vld [tilespmem:s29+$0x20];
	[tilespmem:s28+$0xFFFFFFB0] =	vst v11;
	v10 =	vadd.f32 v10, v5  }
0xe5: {  	v11 =	vld [tilespmem:s29+$0x30];
	[tilespmem:s28+$0xFFFFFFC0] =	vst v15;
	v14 =	vadd.f32 v14, v6  }
0xe6: {  	v15 =	vadd.f32 v17, v9;
	v17 =	vld [tilespmem:s29+$0x40];
	[tilespmem:s28+$0xFFFFFFD0] =	vst v10  }
0xe7: {  	v10 =	vld [tilespmem:s29+$0x50];
	[tilespmem:s28+$0xFFFFFFE0] =	vst v14;
	v12 =	vadd.f32 v12, v8  }
0xe8: {  	[tilespmem:s28+$0xFFFFFF80] =	vst v15;
	v13 =	vadd.f32 v13, v7;
	v14 =	vld [tilespmem:s29+$0x60]  }
0xe9: {  	v15 =	vld [tilespmem:s29+$0x0];
	v16 =	vadd.f32 v16, v2;
	[tilespmem:s28+$0xF0] =	vst v12  }
0xea: {  	[tilespmem:s28+$0x10] =	vst v13;
	v11 =	vadd.f32 v11, v3;
	v12 =	vld [tilespmem:s29+$0x1070]  }
0xeb: {  	v13 =	vld [tilespmem:s29+$0x810];
	[tilespmem:s28+$0x20] =	vst v16;
	v16 =	vadd.f32 v17, v4  }
0xec: {  	v17 =	vld [tilespmem:s29+$0x820];
	[tilespmem:s28+$0x30] =	vst v11;
	v10 =	vadd.f32 v10, v5  }
0xed: {  	v11 =	vld [tilespmem:s29+$0x830];
	[tilespmem:s28+$0x40] =	vst v16;
	v14 =	vadd.f32 v14, v6  }
0xee: {  	v15 =	vadd.f32 v15, v9;
	v16 =	vld [tilespmem:s29+$0x840];
	[tilespmem:s28+$0x50] =	vst v10  }
0xef: {  	v10 =	vld [tilespmem:s29+$0x850];
	[tilespmem:s28+$0x60] =	vst v14;
	v12 =	vadd.f32 v12, v8  }
0xf0: {  	[tilespmem:s28+$0x0] =	vst v15;
	v13 =	vadd.f32 v13, v7;
	v14 =	vld [tilespmem:s29+$0x860]  }
0xf1: {  	v15 =	vld [tilespmem:s29+$0x800];
	v17 =	vadd.f32 v17, v2;
	[tilespmem:s28+$0x170] =	vst v12  }
0xf2: {  	[tilespmem:s28+$0x90] =	vst v13;
	v11 =	vadd.f32 v11, v3;
	v12 =	vld [tilespmem:s29+$0x1870]  }
0xf3: {  	v13 =	vld [tilespmem:s29+$0x1010];
	[tilespmem:s28+$0xA0] =	vst v17;
	v16 =	vadd.f32 v16, v4  }
0xf4: {  	v17 =	vld [tilespmem:s29+$0x1020];
	[tilespmem:s28+$0xB0] =	vst v11;
	v10 =	vadd.f32 v10, v5  }
0xf5: {  	v11 =	vld [tilespmem:s29+$0x1030];
	[tilespmem:s28+$0xC0] =	vst v16;
	v14 =	vadd.f32 v14, v6  }
0xf6: {  	v15 =	vadd.f32 v15, v9;
	v16 =	vld [tilespmem:s29+$0x1040];
	[tilespmem:s28+$0xD0] =	vst v10  }
0xf7: {  	v10 =	vld [tilespmem:s29+$0x1050];
	[tilespmem:s28+$0xE0] =	vst v14;
	v8 =	vadd.f32 v12, v8  }
0xf8: {  	[tilespmem:s28+$0x80] =	vst v15;
	v12 =	vadd.f32 v13, v7;
	v13 =	vld [tilespmem:s29+$0x1060]  }
0xf9: {  	v14 =	vld [tilespmem:s29+$0x1000];
	v15 =	vadd.f32 v17, v2;
	[tilespmem:s28+$0x1F0] =	vst v8  }
0xfa: {  	[tilespmem:s28+$0x110] =	vst v12;
	v8 =	vadd.f32 v11, v3;
	v17 =	vld [tilespmem:s0+$0x1800];
	s0 =	smov.u32 s29  }
0xfb: {  	v18 =	vld [tilespmem:s29+$0x1810];
	[tilespmem:s28+$0x120] =	vst v15;
	v11 =	vadd.f32 v16, v4  }
.Ltmp0:
0xfc: {  	v12 =	vld [tilespmem:s29+$0x1820];
	[tilespmem:s28+$0x130] =	vst v8;
	v8 =	vadd.f32 v10, v5;
	(pc) =	sbr.rel @p0 .LBB2_3-.Ltmp0, $4  }
0xfd: {  	v10 =	vld [tilespmem:s29+$0x1830];
	[tilespmem:s28+$0x140] =	vst v11;
	v15 =	vadd.f32 v13, v6  }
0xfe: {  	v16 =	vadd.f32 v14, v9;
	v11 =	vld [tilespmem:s29+$0x1840];
	[tilespmem:s28+$0x150] =	vst v8  }
0xff: {  	v13 =	vld [tilespmem:s29+$0x1850];
	[tilespmem:s28+$0x160] =	vst v15;
	v14 =	vadd.f32 v17, v1;
	v1 =	vmov v9  }
0x100: {  	s2 =	sadd.s32 $0x200, s2;
	[tilespmem:s28+$0x100] =	vst v16;
	v7 =	vadd.f32 v18, v7;
	v9 =	vld [tilespmem:s29+$0x1860]  }
0x101: {  	v2 =	vadd.f32 v12, v2;
	[tilespmem:s26+$0x180] =	vst v14;
	v8 =	vld [tilespmem:s0+$0x1800]  }
0x102: {  	[tilespmem:s28+$0x190] =	vst v7;
	v3 =	vadd.f32 v10, v3  }
0x103: {  	[tilespmem:s28+$0x1A0] =	vst v2;
	v2 =	vadd.f32 v11, v4  }
0x104: {  	[tilespmem:s28+$0x1B0] =	vst v3;
	v3 =	vadd.f32 v13, v5  }
0x105: {  	[tilespmem:s28+$0x1C0] =	vst v2;
	v2 =	vadd.f32 v9, v6  }
0x106: {  	[tilespmem:s28+$0x1D0] =	vst v3;
	v1 =	vadd.f32 v8, v1  }
0x107: {  	[tilespmem:s28+$0x1E0] =	vst v2  }
0x108: {  	[tilespmem:s28+$0x180] =	vst v1  }
0x109: {  	v2 =	vld [tilespmem:s30+$0x0]  }
0x10a: {  	v3 =	vld [tilespmem:s25+$0xFFFFE070]  }
0x10b: {  	v8 =	vld [tilespmem:s25+$0xFFFFE000]  }
0x10c: {  	v10 =	vld [tilespmem:s30+$0xFFFFFFA0]  }
0x10d: {  	v7 =	vld [tilespmem:s25+$0xFFFFE010]  }
0x10e: {  	v9 =	vld [tilespmem:s30+$0xFFFFFFB0]  }
0x10f: {  	v11 =	vld [tilespmem:s25+$0xFFFFE020]  }
0x110: {  	v4 =	vld [tilespmem:s30+$0xFFFFFFC0]  }
0x111: {  	v12 =	vld [tilespmem:s25+$0xFFFFE030]  }
0x112: {  	v5 =	vld [tilespmem:s30+$0xFFFFFFD0]  }
0x113: {  	v13 =	vld [tilespmem:s25+$0xFFFFE040]  }
0x114: {  	v1 =	vld [tilespmem:s30+$0xFFFFFFE0]  }
0x115: {  	v14 =	vld [tilespmem:s25+$0xFFFFE050]  }
0x116: {  	v6 =	vld [tilespmem:s30+$0xFFFFFFF0]  }
0x117: {  	s29 =	simm.s32 $0x2B00;
	v15 =	vld [tilespmem:s25+$0xFFFFE060]  }
0x118: {  	v20 =	vld [tilespmem:s29+$0xFFFFE000];
	v3 =	vadd.f32 v3, v2  }
0x119: {  	v21 =	vld [tilespmem:s29+$0xFFFFE010]  }
0x11a: {  	v22 =	vld [tilespmem:s29+$0xFFFFE020];
	[tilespmem:s24+$0xFFFFFC80] =	vst v3;
	v3 =	vadd.f32 v7, v10  }
0x11b: {  	v11 =	vadd.f32 v11, v9;
	v16 =	vld [tilespmem:s25+$0xFFFFE870]  }
0x11c: {  	v7 =	vld [tilespmem:s30+$0xFFFFFF90];
	[tilespmem:s24+$0xFFFFFC20] =	vst v3;
	v3 =	vadd.f32 v12, v4  }
0x11d: {  	[tilespmem:s24+$0xFFFFFC30] =	vst v11;
	v11 =	vadd.f32 v13, v5;
	v12 =	vld [tilespmem:s25+$0xFFFFE810]  }
0x11e: {  	v13 =	vld [tilespmem:s25+$0xFFFFE820];
	[tilespmem:s24+$0xFFFFFC40] =	vst v3;
	v3 =	vadd.f32 v14, v1  }
0x11f: {  	[tilespmem:s24+$0xFFFFFC50] =	vst v11;
	v14 =	vadd.f32 v15, v6;
	v11 =	vld [tilespmem:s25+$0xFFFFE830]  }
0x120: {  	v15 =	vadd.f32 v16, v2;
	[tilespmem:s24+$0xFFFFFC60] =	vst v3;
	v3 =	vld [tilespmem:s25+$0xFFFFE840]  }
0x121: {  	v8 =	vadd.f32 v8, v7;
	[tilespmem:s24+$0xFFFFFC70] =	vst v14;
	v43 =	vld [tilespmem:s25+$0xFFFFE850]  }
0x122: {  	v14 =	vld [tilespmem:s25+$0xFFFFE860];
	[tilespmem:s24+$0xFFFFFD00] =	vst v15;
	v12 =	vadd.f32 v12, v10  }
0x123: {  	[tilespmem:s24+$0xFFFFFC10] =	vst v8;
	v8 =	vadd.f32 v13, v9;
	v15 =	vld [tilespmem:s25+$0xFFFFF070]  }
0x124: {  	v13 =	vld [tilespmem:s25+$0xFFFFE800];
	[tilespmem:s24+$0xFFFFFCA0] =	vst v12;
	v11 =	vadd.f32 v11, v4  }
0x125: {  	[tilespmem:s24+$0xFFFFFCB0] =	vst v8;
	v12 =	vld [tilespmem:s25+$0xFFFFF010];
	v3 =	vadd.f32 v3, v5  }
0x126: {  	v8 =	vld [tilespmem:s25+$0xFFFFF020];
	[tilespmem:s24+$0xFFFFFCC0] =	vst v11;
	v11 =	vadd.f32 v43, v1  }
0x127: {  	v44 =	vld [tilespmem:s25+$0xFFFFF030];
	[tilespmem:s24+$0xFFFFFCD0] =	vst v3;
	v3 =	vadd.f32 v14, v6  }
0x128: {  	v14 =	vadd.f32 v15, v2;
	v15 =	vld [tilespmem:s25+$0xFFFFF040];
	[tilespmem:s24+$0xFFFFFCE0] =	vst v11  }
0x129: {  	v11 =	vadd.f32 v13, v7;
	v13 =	vld [tilespmem:s25+$0xFFFFF050];
	[tilespmem:s24+$0xFFFFFCF0] =	vst v3  }
0x12a: {  	[tilespmem:s24+$0xFFFFFD80] =	vst v14;
	v3 =	vadd.f32 v12, v10;
	v12 =	vld [tilespmem:s25+$0xFFFFF060]  }
0x12b: {  	v8 =	vadd.f32 v8, v9;
	[tilespmem:s24+$0xFFFFFC90] =	vst v11;
	v14 =	vld [tilespmem:s25+$0xFFFFF870]  }
0x12c: {  	v11 =	vld [tilespmem:s25+$0xFFFFF000];
	[tilespmem:s24+$0xFFFFFD20] =	vst v3;
	v3 =	vadd.f32 v44, v4  }
0x12d: {  	[tilespmem:s24+$0xFFFFFD30] =	vst v8;
	v45 =	vld [tilespmem:s25+$0xFFFFF810];
	v8 =	vadd.f32 v15, v5  }
0x12e: {  	v15 =	vld [tilespmem:s25+$0xFFFFF820];
	[tilespmem:s24+$0xFFFFFD40] =	vst v3;
	v3 =	vadd.f32 v13, v1  }
0x12f: {  	v13 =	vld [tilespmem:s25+$0xFFFFF830];
	[tilespmem:s24+$0xFFFFFD50] =	vst v8;
	v8 =	vadd.f32 v12, v6  }
0x130: {  	v12 =	vadd.f32 v14, v2;
	v14 =	vld [tilespmem:s25+$0xFFFFF840];
	[tilespmem:s24+$0xFFFFFD60] =	vst v3  }
0x131: {  	v3 =	vadd.f32 v11, v7;
	v11 =	vld [tilespmem:s25+$0xFFFFF850];
	[tilespmem:s24+$0xFFFFFD70] =	vst v8  }
0x132: {  	[tilespmem:s24+$0xFFFFFE00] =	vst v12;
	v8 =	vadd.f32 v45, v10;
	v12 =	vld [tilespmem:s25+$0xFFFFF860]  }
0x133: {  	[tilespmem:s24+$0xFFFFFD10] =	vst v3;
	v3 =	vadd.f32 v15, v9;
	v46 =	vld [tilespmem:s25+$0x70]  }
0x134: {  	v15 =	vld [tilespmem:s25+$0xFFFFF800];
	[tilespmem:s24+$0xFFFFFDA0] =	vst v8;
	v8 =	vadd.f32 v13, v4  }
0x135: {  	[tilespmem:s24+$0xFFFFFDB0] =	vst v3;
	v13 =	vld [tilespmem:s25+$0x10];
	v3 =	vadd.f32 v14, v5  }
0x136: {  	v14 =	vld [tilespmem:s25+$0x20];
	[tilespmem:s24+$0xFFFFFDC0] =	vst v8;
	v8 =	vadd.f32 v11, v1  }
0x137: {  	v11 =	vld [tilespmem:s25+$0x30];
	[tilespmem:s24+$0xFFFFFDD0] =	vst v3;
	v3 =	vadd.f32 v12, v6  }
0x138: {  	v12 =	vadd.f32 v46, v2;
	v47 =	vld [tilespmem:s25+$0x40];
	[tilespmem:s24+$0xFFFFFDE0] =	vst v8  }
0x139: {  	v8 =	vadd.f32 v15, v7;
	v15 =	vld [tilespmem:s25+$0x50];
	[tilespmem:s24+$0xFFFFFDF0] =	vst v3  }
0x13a: {  	[tilespmem:s24+$0xFFFFFE80] =	vst v12;
	v3 =	vadd.f32 v13, v10;
	v12 =	vld [tilespmem:s25+$0x60]  }
0x13b: {  	[tilespmem:s24+$0xFFFFFD90] =	vst v8;
	v8 =	vadd.f32 v14, v9;
	v13 =	vld [tilespmem:s25+$0x870]  }
0x13c: {  	v14 =	vld [tilespmem:s25+$0x0];
	[tilespmem:s24+$0xFFFFFE20] =	vst v3;
	v3 =	vadd.f32 v11, v4  }
0x13d: {  	[tilespmem:s24+$0xFFFFFE30] =	vst v8;
	v11 =	vld [tilespmem:s25+$0x810];
	v8 =	vadd.f32 v47, v5  }
0x13e: {  	v48 =	vld [tilespmem:s25+$0x820];
	[tilespmem:s24+$0xFFFFFE40] =	vst v3;
	v3 =	vadd.f32 v15, v1  }
0x13f: {  	v15 =	vld [tilespmem:s25+$0x830];
	[tilespmem:s24+$0xFFFFFE50] =	vst v8;
	v8 =	vadd.f32 v12, v6  }
0x140: {  	v12 =	vadd.f32 v13, v2;
	v13 =	vld [tilespmem:s25+$0x840];
	[tilespmem:s24+$0xFFFFFE60] =	vst v3  }
0x141: {  	v3 =	vadd.f32 v14, v7;
	v14 =	vld [tilespmem:s25+$0x850];
	[tilespmem:s24+$0xFFFFFE70] =	vst v8  }
0x142: {  	[tilespmem:s24+$0xFFFFFF00] =	vst v12;
	v8 =	vadd.f32 v11, v10;
	v11 =	vld [tilespmem:s25+$0x860]  }
0x143: {  	[tilespmem:s24+$0xFFFFFE10] =	vst v3;
	v3 =	vadd.f32 v48, v9;
	v12 =	vld [tilespmem:s25+$0x1070]  }
0x144: {  	v49 =	vld [tilespmem:s25+$0x800];
	[tilespmem:s24+$0xFFFFFEA0] =	vst v8;
	v8 =	vadd.f32 v15, v4  }
0x145: {  	[tilespmem:s24+$0xFFFFFEB0] =	vst v3;
	v15 =	vld [tilespmem:s25+$0x1010];
	v3 =	vadd.f32 v13, v5  }
0x146: {  	v13 =	vld [tilespmem:s25+$0x1020];
	[tilespmem:s24+$0xFFFFFEC0] =	vst v8;
	v8 =	vadd.f32 v14, v1  }
0x147: {  	v14 =	vld [tilespmem:s25+$0x1030];
	[tilespmem:s24+$0xFFFFFED0] =	vst v3;
	v3 =	vadd.f32 v11, v6  }
0x148: {  	v11 =	vadd.f32 v12, v2;
	v12 =	vld [tilespmem:s25+$0x1040];
	[tilespmem:s24+$0xFFFFFEE0] =	vst v8  }
0x149: {  	v8 =	vadd.f32 v49, v7;
	v50 =	vld [tilespmem:s25+$0x1050];
	[tilespmem:s24+$0xFFFFFEF0] =	vst v3  }
0x14a: {  	[tilespmem:s24+$0xFFFFFF80] =	vst v11;
	v3 =	vadd.f32 v15, v10;
	v11 =	vld [tilespmem:s25+$0x1060]  }
0x14b: {  	[tilespmem:s24+$0xFFFFFE90] =	vst v8;
	v8 =	vadd.f32 v13, v9;
	v15 =	vld [tilespmem:s25+$0x1870]  }
0x14c: {  	v13 =	vld [tilespmem:s25+$0x1000];
	[tilespmem:s24+$0xFFFFFF20] =	vst v3;
	v3 =	vadd.f32 v14, v4  }
0x14d: {  	[tilespmem:s24+$0xFFFFFF30] =	vst v8;
	v14 =	vld [tilespmem:s25+$0x1810]  }
0x14e: {  	v8 =	vadd.f32 v12, v5;
	v12 =	vld [tilespmem:s25+$0x1820];
	[tilespmem:s24+$0xFFFFFF40] =	vst v3  }
0x14f: {  	s26 =	simm.s32 $0x370;
	v3 =	vadd.f32 v50, v1;
	v51 =	vld [tilespmem:s25+$0x1830]  }
0x150: {  	[tilespmem:s24+$0xFFFFFF50] =	vst v8;
	v8 =	vadd.f32 v11, v6;
	v11 =	vld [tilespmem:s26+$0x0]  }
0x151: {  	[tilespmem:s24+$0xFFFFFF60] =	vst v3;
	v3 =	vld [tilespmem:s29+$0xFFFFE070]  }
0x152: {  	v17 =	vld [tilespmem:s25+$0x1840]  }
0x153: {  	v15 =	vadd.f32 v15, v2;
	v2 =	vld [tilespmem:s26+$0xFFFFFFB0]  }
0x154: {  	v18 =	vld [tilespmem:s25+$0x1850]  }
0x155: {  	v13 =	vadd.f32 v13, v7;
	[tilespmem:s24+$0xFFFFFF70] =	vst v8;
	v8 =	vld [tilespmem:s26+$0xFFFFFFA0]  }
0x156: {  	v19 =	vld [tilespmem:s25+$0x1860];
	v23 =	vadd.f32 v3, v11  }
0x157: {  	s28 =	simm.s32 $0xA070;
	v10 =	vadd.f32 v14, v10;
	v14 =	vld [tilespmem:s29+$0xFFFFE030];
	[tilespmem:s24+$0xFFFFFF10] =	vst v13  }
0x158: {  	v13 =	vld [tilespmem:s29+$0xFFFFE040];
	[tilespmem:s28+$0xFFFFFC80] =	vst v23  }
0x159: {  	[tilespmem:s24+$0x0] =	vst v15;
	v9 =	vadd.f32 v12, v9;
	v12 =	vld [tilespmem:s29+$0xFFFFE870]  }
0x15a: {  	v15 =	vld [tilespmem:s29+$0xFFFFE060];
	[tilespmem:s24+$0xFFFFFFA0] =	vst v10;
	v10 =	vadd.f32 v51, v4  }
0x15b: {  	v4 =	vld [tilespmem:s26+$0xFFFFFFD0];
	[tilespmem:s24+$0xFFFFFFB0] =	vst v9;
	v9 =	vadd.f32 v17, v5  }
0x15c: {  	v3 =	vld [tilespmem:s26+$0xFFFFFFC0];
	[tilespmem:s24+$0xFFFFFFC0] =	vst v10;
	v1 =	vadd.f32 v18, v1  }
0x15d: {  	v5 =	vld [tilespmem:s26+$0xFFFFFFE0];
	[tilespmem:s24+$0xFFFFFFD0] =	vst v9;
	v9 =	vadd.f32 v19, v6  }
0x15e: {  	v10 =	vld [tilespmem:s29+$0xFFFFE050];
	[tilespmem:s24+$0xFFFFFFE0] =	vst v1;
	v12 =	vadd.f32 v12, v11  }
0x15f: {  	v6 =	vld [tilespmem:s26+$0xFFFFFFF0];
	[tilespmem:s24+$0xFFFFFFF0] =	vst v9;
	v9 =	vadd.f32 v21, v8  }
0x160: {  	v52 =	vadd.f32 v22, v2;
	v1 =	vld [tilespmem:s26+$0xFFFFFF90];
	[tilespmem:s28+$0xFFFFFD00] =	vst v12  }
0x161: {  	[tilespmem:s28+$0xFFFFFC20] =	vst v9;
	v9 =	vadd.f32 v14, v3;
	v12 =	vld [tilespmem:s29+$0xFFFFF070]  }
0x162: {  	[tilespmem:s28+$0xFFFFFC30] =	vst v52;
	v13 =	vadd.f32 v13, v4;
	v14 =	vld [tilespmem:s29+$0xFFFFE810]  }
0x163: {  	[tilespmem:s28+$0xFFFFFC40] =	vst v9;
	v9 =	vadd.f32 v10, v5;
	v10 =	vld [tilespmem:s29+$0xFFFFE820]  }
0x164: {  	[tilespmem:s28+$0xFFFFFC50] =	vst v13;
	v15 =	vadd.f32 v15, v6;
	v13 =	vld [tilespmem:s29+$0xFFFFE830]  }
0x165: {  	v53 =	vld [tilespmem:s29+$0xFFFFE840];
	[tilespmem:s28+$0xFFFFFC60] =	vst v9;
	v9 =	vadd.f32 v20, v1  }
0x166: {  	[tilespmem:s28+$0xFFFFFC70] =	vst v15;
	v54 =	vld [tilespmem:s29+$0xFFFFE850];
	v12 =	vadd.f32 v12, v11  }
0x167: {  	[tilespmem:s28+$0xFFFFFC10] =	vst v9;
	v9 =	vadd.f32 v14, v8;
	v14 =	vld [tilespmem:s29+$0xFFFFE860]  }
0x168: {  	v15 =	vld [tilespmem:s29+$0xFFFFE800];
	v10 =	vadd.f32 v10, v2;
	[tilespmem:s28+$0xFFFFFD80] =	vst v12  }
0x169: {  	[tilespmem:s28+$0xFFFFFCA0] =	vst v9;
	v9 =	vadd.f32 v13, v3;
	v12 =	vld [tilespmem:s29+$0xFFFFF870]  }
0x16a: {  	v13 =	vld [tilespmem:s29+$0xFFFFF010];
	[tilespmem:s28+$0xFFFFFCB0] =	vst v10;
	v10 =	vadd.f32 v53, v4  }
0x16b: {  	v55 =	vld [tilespmem:s29+$0xFFFFF020];
	[tilespmem:s28+$0xFFFFFCC0] =	vst v9;
	v9 =	vadd.f32 v54, v5  }
0x16c: {  	v56 =	vld [tilespmem:s29+$0xFFFFF030];
	[tilespmem:s28+$0xFFFFFCD0] =	vst v10;
	v10 =	vadd.f32 v14, v6  }
0x16d: {  	v14 =	vadd.f32 v15, v1;
	v15 =	vld [tilespmem:s29+$0xFFFFF040];
	[tilespmem:s28+$0xFFFFFCE0] =	vst v9  }
0x16e: {  	v9 =	vld [tilespmem:s29+$0xFFFFF050];
	[tilespmem:s28+$0xFFFFFCF0] =	vst v10;
	v10 =	vadd.f32 v12, v11  }
0x16f: {  	[tilespmem:s28+$0xFFFFFC90] =	vst v14;
	v12 =	vadd.f32 v13, v8;
	v13 =	vld [tilespmem:s29+$0xFFFFF060]  }
0x170: {  	v14 =	vld [tilespmem:s29+$0xFFFFF000];
	v16 =	vadd.f32 v55, v2;
	[tilespmem:s28+$0xFFFFFE00] =	vst v10  }
0x171: {  	[tilespmem:s28+$0xFFFFFD20] =	vst v12;
	v10 =	vadd.f32 v56, v3;
	v12 =	vld [tilespmem:s29+$0x70]  }
0x172: {  	[tilespmem:s28+$0xFFFFFD30] =	vst v16;
	v15 =	vadd.f32 v15, v4;
	v57 =	vld [tilespmem:s29+$0xFFFFF810]  }
0x173: {  	v16 =	vld [tilespmem:s29+$0xFFFFF820];
	v9 =	vadd.f32 v9, v5;
	[tilespmem:s28+$0xFFFFFD40] =	vst v10  }
0x174: {  	[tilespmem:s28+$0xFFFFFD50] =	vst v15;
	v10 =	vld [tilespmem:s29+$0xFFFFF830];
	v13 =	vadd.f32 v13, v6  }
0x175: {  	v14 =	vadd.f32 v14, v1;
	v15 =	vld [tilespmem:s29+$0xFFFFF840];
	[tilespmem:s28+$0xFFFFFD60] =	vst v9  }
0x176: {  	v9 =	vld [tilespmem:s29+$0xFFFFF850];
	[tilespmem:s28+$0xFFFFFD70] =	vst v13;
	v12 =	vadd.f32 v12, v11  }
0x177: {  	[tilespmem:s28+$0xFFFFFD10] =	vst v14;
	v13 =	vadd.f32 v57, v8;
	v14 =	vld [tilespmem:s29+$0xFFFFF860]  }
0x178: {  	v58 =	vld [tilespmem:s29+$0xFFFFF800];
	v16 =	vadd.f32 v16, v2;
	[tilespmem:s28+$0xFFFFFE80] =	vst v12  }
0x179: {  	[tilespmem:s28+$0xFFFFFDA0] =	vst v13;
	v10 =	vadd.f32 v10, v3;
	v12 =	vld [tilespmem:s29+$0x870]  }
0x17a: {  	[tilespmem:s28+$0xFFFFFDB0] =	vst v16;
	v15 =	vadd.f32 v15, v4;
	v13 =	vld [tilespmem:s29+$0x10]  }
0x17b: {  	v16 =	vld [tilespmem:s29+$0x20];
	v9 =	vadd.f32 v9, v5;
	[tilespmem:s28+$0xFFFFFDC0] =	vst v10  }
0x17c: {  	[tilespmem:s28+$0xFFFFFDD0] =	vst v15;
	v10 =	vld [tilespmem:s29+$0x30];
	v14 =	vadd.f32 v14, v6  }
0x17d: {  	v15 =	vadd.f32 v58, v1;
	v59 =	vld [tilespmem:s29+$0x40];
	[tilespmem:s28+$0xFFFFFDE0] =	vst v9  }
0x17e: {  	v9 =	vld [tilespmem:s29+$0x50];
	[tilespmem:s28+$0xFFFFFDF0] =	vst v14;
	v12 =	vadd.f32 v12, v11  }
0x17f: {  	[tilespmem:s28+$0xFFFFFD90] =	vst v15;
	v13 =	vadd.f32 v13, v8;
	v14 =	vld [tilespmem:s29+$0x60]  }
0x180: {  	v15 =	vld [tilespmem:s29+$0x0];
	v16 =	vadd.f32 v16, v2;
	[tilespmem:s28+$0xFFFFFF00] =	vst v12  }
0x181: {  	[tilespmem:s28+$0xFFFFFE20] =	vst v13;
	v10 =	vadd.f32 v10, v3;
	v12 =	vld [tilespmem:s29+$0x1070]  }
0x182: {  	[tilespmem:s28+$0xFFFFFE30] =	vst v16;
	v60 =	vadd.f32 v59, v4;
	v13 =	vld [tilespmem:s29+$0x810]  }
0x183: {  	v61 =	vld [tilespmem:s29+$0x820];
	v9 =	vadd.f32 v9, v5;
	[tilespmem:s28+$0xFFFFFE40] =	vst v10  }
0x184: {  	[tilespmem:s28+$0xFFFFFE50] =	vst v60;
	v10 =	vld [tilespmem:s29+$0x830];
	v14 =	vadd.f32 v14, v6  }
0x185: {  	v15 =	vadd.f32 v15, v1;
	v16 =	vld [tilespmem:s29+$0x840];
	[tilespmem:s28+$0xFFFFFE60] =	vst v9  }
0x186: {  	v9 =	vld [tilespmem:s29+$0x850];
	[tilespmem:s28+$0xFFFFFE70] =	vst v14;
	v12 =	vadd.f32 v12, v11  }
0x187: {  	[tilespmem:s28+$0xFFFFFE10] =	vst v15;
	v13 =	vadd.f32 v13, v8;
	v14 =	vld [tilespmem:s29+$0x860]  }
0x188: {  	v15 =	vld [tilespmem:s29+$0x800];
	v17 =	vadd.f32 v61, v2;
	[tilespmem:s28+$0xFFFFFF80] =	vst v12  }
0x189: {  	[tilespmem:s28+$0xFFFFFEA0] =	vst v13;
	v10 =	vadd.f32 v10, v3;
	v12 =	vld [tilespmem:s29+$0x1870]  }
0x18a: {  	[tilespmem:s28+$0xFFFFFEB0] =	vst v17;
	v16 =	vadd.f32 v16, v4;
	v13 =	vld [tilespmem:s29+$0x1010]  }
0x18b: {  	v17 =	vld [tilespmem:s29+$0x1020];
	v9 =	vadd.f32 v9, v5;
	[tilespmem:s28+$0xFFFFFEC0] =	vst v10  }
0x18c: {  	[tilespmem:s28+$0xFFFFFED0] =	vst v16;
	v10 =	vld [tilespmem:s29+$0x1030];
	v14 =	vadd.f32 v14, v6  }
0x18d: {  	v15 =	vadd.f32 v15, v1;
	v16 =	vld [tilespmem:s29+$0x1040];
	[tilespmem:s28+$0xFFFFFEE0] =	vst v9  }
0x18e: {  	v9 =	vld [tilespmem:s29+$0x1050];
	[tilespmem:s28+$0xFFFFFEF0] =	vst v14;
	v11 =	vadd.f32 v12, v11  }
0x18f: {  	[tilespmem:s28+$0xFFFFFE90] =	vst v15;
	v12 =	vadd.f32 v13, v8;
	v14 =	vld [tilespmem:s29+$0x1060]  }
0x190: {  	v15 =	vld [tilespmem:s29+$0x1000];
	v13 =	vadd.f32 v17, v2;
	[tilespmem:s28+$0x0] =	vst v11  }
0x191: {  	v62 =	vld [tilespmem:s25+$0x1800];
	[tilespmem:s28+$0xFFFFFF20] =	vst v12;
	v10 =	vadd.f32 v10, v3  }
0x192: {  	[tilespmem:s28+$0xFFFFFF30] =	vst v13;
	v11 =	vadd.f32 v16, v4;
	v63 =	vld [tilespmem:s29+$0x1810]  }
0x193: {  	v9 =	vadd.f32 v9, v5;
	v13 =	vld [tilespmem:s29+$0x1820];
	[tilespmem:s28+$0xFFFFFF40] =	vst v10  }
0x194: {  	[tilespmem:s28+$0xFFFFFF50] =	vst v11;
	v10 =	vld [tilespmem:s29+$0x1830];
	v14 =	vadd.f32 v14, v6  }
0x195: {  	v15 =	vadd.f32 v15, v1;
	[tilespmem:s28+$0xFFFFFF60] =	vst v9;
	v11 =	vld [tilespmem:s29+$0x1840]  }
0x196: {  	s31 =	simm.s32 $0x8;
	s2 =	simm.s32 $0x570;
	s0 =	simm.s32 $0x2B00;
	v12 =	vld [tilespmem:s29+$0x1850];
	[tilespmem:s28+$0xFFFFFF70] =	vst v14;
	v14 =	vadd.f32 v62, v7  }
0x197: {  	s30 =	simm.s32 $0x1F0;
	s25 =	simm.s32 $0xAC70;
	s26 =	simm.s32 $0x2980;
	[tilespmem:s28+$0xFFFFFF10] =	vst v15;
	v7 =	vadd.f32 v63, v8;
	v9 =	vld [tilespmem:s29+$0x1860]  }
.LBB2_5:
0x198: {  	v8 =	vld [tilespmem:s2+$0x0];
	v2 =	vadd.f32 v13, v2;
	s29 =	sadd.s32 $0x200, s29;
	[tilespmem:s24+$0xFFFFFF90] =	vst v14;
	s24 =	smov.u32 s28  }
0x199: {  	s31 =	sadd.s32 $0x8, s31;
	v13 =	vld [tilespmem:s29+$0xFFFFE070];
	[tilespmem:s28+$0xFFFFFFA0] =	vst v7;
	v3 =	vadd.f32 v10, v3  }
0x19a: {  	p0 =	slt.u32 s31, $0x18;
	v10 =	vld [tilespmem:s29+$0xFFFFE000];
	[tilespmem:s28+$0xFFFFFFB0] =	vst v2;
	v2 =	vadd.f32 v11, v4  }
0x19b: {  	v7 =	vld [tilespmem:s2+$0xFFFFFFA0];
	[tilespmem:s28+$0xFFFFFFC0] =	vst v3;
	v3 =	vadd.f32 v12, v5  }
0x19c: {  	v4 =	vld [tilespmem:s29+$0xFFFFE010];
	[tilespmem:s28+$0xFFFFFFD0] =	vst v2;
	v5 =	vadd.f32 v9, v6  }
0x19d: {  	v2 =	vld [tilespmem:s2+$0xFFFFFFB0];
	[tilespmem:s28+$0xFFFFFFE0] =	vst v3  }
0x19e: {  	v6 =	vld [tilespmem:s29+$0xFFFFE020];
	v9 =	vadd.f32 v13, v8;
	[tilespmem:s28+$0xFFFFFFF0] =	vst v5  }
0x19f: {  	s28 =	sadd.s32 $0x400, s28;
	v3 =	vld [tilespmem:s2+$0xFFFFFFC0]  }
0x1a0: {  	v11 =	vld [tilespmem:s29+$0xFFFFE030];
	[tilespmem:s28+$0xFFFFFC80] =	vst v9  }
0x1a1: {  	v5 =	vadd.f32 v4, v7;
	v9 =	vld [tilespmem:s29+$0xFFFFE870]  }
0x1a2: {  	v4 =	vld [tilespmem:s2+$0xFFFFFFD0]  }
0x1a3: {  	[tilespmem:s28+$0xFFFFFC20] =	vst v5;
	v6 =	vadd.f32 v6, v2;
	v12 =	vld [tilespmem:s29+$0xFFFFE040]  }
0x1a4: {  	v5 =	vld [tilespmem:s2+$0xFFFFFFE0]  }
0x1a5: {  	[tilespmem:s28+$0xFFFFFC30] =	vst v6;
	v11 =	vadd.f32 v11, v3;
	v13 =	vld [tilespmem:s29+$0xFFFFE050]  }
0x1a6: {  	v6 =	vld [tilespmem:s2+$0xFFFFFFF0];
	v14 =	vadd.f32 v9, v8  }
0x1a7: {  	[tilespmem:s28+$0xFFFFFC40] =	vst v11;
	v11 =	vld [tilespmem:s29+$0xFFFFE060]  }
0x1a8: {  	v9 =	vld [tilespmem:s2+$0xFFFFFF90];
	v12 =	vadd.f32 v12, v4;
	[tilespmem:s28+$0xFFFFFD00] =	vst v14  }
0x1a9: {  	v14 =	vld [tilespmem:s29+$0xFFFFF070]  }
0x1aa: {  	v15 =	vld [tilespmem:s29+$0xFFFFE810];
	[tilespmem:s28+$0xFFFFFC50] =	vst v12;
	v12 =	vadd.f32 v13, v5  }
0x1ab: {  	v13 =	vld [tilespmem:s29+$0xFFFFE820]  }
0x1ac: {  	v16 =	vld [tilespmem:s29+$0xFFFFE830];
	[tilespmem:s28+$0xFFFFFC60] =	vst v12;
	v11 =	vadd.f32 v11, v6  }
0x1ad: {  	v10 =	vadd.f32 v10, v9;
	v12 =	vld [tilespmem:s29+$0xFFFFE840]  }
0x1ae: {  	v17 =	vld [tilespmem:s29+$0xFFFFE850];
	[tilespmem:s28+$0xFFFFFC70] =	vst v11;
	v11 =	vadd.f32 v14, v8  }
0x1af: {  	[tilespmem:s28+$0xFFFFFC10] =	vst v10;
	v10 =	vadd.f32 v15, v7;
	v14 =	vld [tilespmem:s29+$0xFFFFE860]  }
0x1b0: {  	v15 =	vld [tilespmem:s29+$0xFFFFE800];
	v13 =	vadd.f32 v13, v2;
	[tilespmem:s28+$0xFFFFFD80] =	vst v11  }
0x1b1: {  	[tilespmem:s28+$0xFFFFFCA0] =	vst v10;
	v10 =	vadd.f32 v16, v3;
	v11 =	vld [tilespmem:s29+$0xFFFFF870]  }
0x1b2: {  	v16 =	vld [tilespmem:s29+$0xFFFFF010];
	[tilespmem:s28+$0xFFFFFCB0] =	vst v13;
	v12 =	vadd.f32 v12, v4  }
0x1b3: {  	v13 =	vld [tilespmem:s29+$0xFFFFF020];
	[tilespmem:s28+$0xFFFFFCC0] =	vst v10;
	v10 =	vadd.f32 v17, v5  }
0x1b4: {  	v17 =	vld [tilespmem:s29+$0xFFFFF030];
	[tilespmem:s28+$0xFFFFFCD0] =	vst v12;
	v12 =	vadd.f32 v14, v6  }
0x1b5: {  	v14 =	vadd.f32 v15, v9;
	v15 =	vld [tilespmem:s29+$0xFFFFF040];
	[tilespmem:s28+$0xFFFFFCE0] =	vst v10  }
0x1b6: {  	v10 =	vld [tilespmem:s29+$0xFFFFF050];
	[tilespmem:s28+$0xFFFFFCF0] =	vst v12;
	v11 =	vadd.f32 v11, v8  }
0x1b7: {  	[tilespmem:s28+$0xFFFFFC90] =	vst v14;
	v12 =	vadd.f32 v16, v7;
	v14 =	vld [tilespmem:s29+$0xFFFFF060]  }
0x1b8: {  	v16 =	vld [tilespmem:s29+$0xFFFFF000];
	v13 =	vadd.f32 v13, v2;
	[tilespmem:s28+$0xFFFFFE00] =	vst v11  }
0x1b9: {  	[tilespmem:s28+$0xFFFFFD20] =	vst v12;
	v11 =	vadd.f32 v17, v3;
	v12 =	vld [tilespmem:s29+$0x70]  }
0x1ba: {  	v17 =	vld [tilespmem:s29+$0xFFFFF810];
	[tilespmem:s28+$0xFFFFFD30] =	vst v13;
	v13 =	vadd.f32 v15, v4  }
0x1bb: {  	v15 =	vld [tilespmem:s29+$0xFFFFF820];
	[tilespmem:s28+$0xFFFFFD40] =	vst v11;
	v10 =	vadd.f32 v10, v5  }
0x1bc: {  	v11 =	vld [tilespmem:s29+$0xFFFFF830];
	[tilespmem:s28+$0xFFFFFD50] =	vst v13;
	v13 =	vadd.f32 v14, v6  }
0x1bd: {  	v14 =	vadd.f32 v16, v9;
	v16 =	vld [tilespmem:s29+$0xFFFFF840];
	[tilespmem:s28+$0xFFFFFD60] =	vst v10  }
0x1be: {  	v10 =	vld [tilespmem:s29+$0xFFFFF850];
	[tilespmem:s28+$0xFFFFFD70] =	vst v13;
	v12 =	vadd.f32 v12, v8  }
0x1bf: {  	[tilespmem:s28+$0xFFFFFD10] =	vst v14;
	v13 =	vadd.f32 v17, v7;
	v14 =	vld [tilespmem:s29+$0xFFFFF860]  }
0x1c0: {  	v17 =	vld [tilespmem:s29+$0xFFFFF800];
	v15 =	vadd.f32 v15, v2;
	[tilespmem:s28+$0xFFFFFE80] =	vst v12  }
0x1c1: {  	[tilespmem:s28+$0xFFFFFDA0] =	vst v13;
	v11 =	vadd.f32 v11, v3;
	v12 =	vld [tilespmem:s29+$0x870]  }
0x1c2: {  	v13 =	vld [tilespmem:s29+$0x10];
	[tilespmem:s28+$0xFFFFFDB0] =	vst v15;
	v15 =	vadd.f32 v16, v4  }
0x1c3: {  	v16 =	vld [tilespmem:s29+$0x20];
	[tilespmem:s28+$0xFFFFFDC0] =	vst v11;
	v10 =	vadd.f32 v10, v5  }
0x1c4: {  	v11 =	vld [tilespmem:s29+$0x30];
	[tilespmem:s28+$0xFFFFFDD0] =	vst v15;
	v14 =	vadd.f32 v14, v6  }
0x1c5: {  	v15 =	vadd.f32 v17, v9;
	v17 =	vld [tilespmem:s29+$0x40];
	[tilespmem:s28+$0xFFFFFDE0] =	vst v10  }
0x1c6: {  	v10 =	vld [tilespmem:s29+$0x50];
	[tilespmem:s28+$0xFFFFFDF0] =	vst v14;
	v12 =	vadd.f32 v12, v8  }
0x1c7: {  	[tilespmem:s28+$0xFFFFFD90] =	vst v15;
	v13 =	vadd.f32 v13, v7;
	v14 =	vld [tilespmem:s29+$0x60]  }
0x1c8: {  	v15 =	vld [tilespmem:s29+$0x0];
	v16 =	vadd.f32 v16, v2;
	[tilespmem:s28+$0xFFFFFF00] =	vst v12  }
0x1c9: {  	[tilespmem:s28+$0xFFFFFE20] =	vst v13;
	v11 =	vadd.f32 v11, v3;
	v12 =	vld [tilespmem:s29+$0x1070]  }
0x1ca: {  	v13 =	vld [tilespmem:s29+$0x810];
	[tilespmem:s28+$0xFFFFFE30] =	vst v16;
	v16 =	vadd.f32 v17, v4  }
0x1cb: {  	v17 =	vld [tilespmem:s29+$0x820];
	[tilespmem:s28+$0xFFFFFE40] =	vst v11;
	v10 =	vadd.f32 v10, v5  }
0x1cc: {  	v11 =	vld [tilespmem:s29+$0x830];
	[tilespmem:s28+$0xFFFFFE50] =	vst v16;
	v14 =	vadd.f32 v14, v6  }
0x1cd: {  	v15 =	vadd.f32 v15, v9;
	v16 =	vld [tilespmem:s29+$0x840];
	[tilespmem:s28+$0xFFFFFE60] =	vst v10  }
0x1ce: {  	v10 =	vld [tilespmem:s29+$0x850];
	[tilespmem:s28+$0xFFFFFE70] =	vst v14;
	v12 =	vadd.f32 v12, v8  }
0x1cf: {  	[tilespmem:s28+$0xFFFFFE10] =	vst v15;
	v13 =	vadd.f32 v13, v7;
	v14 =	vld [tilespmem:s29+$0x860]  }
0x1d0: {  	v15 =	vld [tilespmem:s29+$0x800];
	v17 =	vadd.f32 v17, v2;
	[tilespmem:s28+$0xFFFFFF80] =	vst v12  }
0x1d1: {  	[tilespmem:s28+$0xFFFFFEA0] =	vst v13;
	v11 =	vadd.f32 v11, v3;
	v12 =	vld [tilespmem:s29+$0x1870]  }
0x1d2: {  	v13 =	vld [tilespmem:s29+$0x1010];
	[tilespmem:s28+$0xFFFFFEB0] =	vst v17;
	v16 =	vadd.f32 v16, v4  }
0x1d3: {  	v17 =	vld [tilespmem:s29+$0x1020];
	[tilespmem:s28+$0xFFFFFEC0] =	vst v11;
	v10 =	vadd.f32 v10, v5  }
0x1d4: {  	v11 =	vld [tilespmem:s29+$0x1030];
	[tilespmem:s28+$0xFFFFFED0] =	vst v16;
	v14 =	vadd.f32 v14, v6  }
0x1d5: {  	v15 =	vadd.f32 v15, v9;
	v16 =	vld [tilespmem:s29+$0x1040];
	[tilespmem:s28+$0xFFFFFEE0] =	vst v10  }
0x1d6: {  	v10 =	vld [tilespmem:s29+$0x1050];
	[tilespmem:s28+$0xFFFFFEF0] =	vst v14;
	v8 =	vadd.f32 v12, v8  }
0x1d7: {  	[tilespmem:s28+$0xFFFFFE90] =	vst v15;
	v12 =	vadd.f32 v13, v7;
	v14 =	vld [tilespmem:s29+$0x1060]  }
0x1d8: {  	v15 =	vld [tilespmem:s29+$0x1000];
	v13 =	vadd.f32 v17, v2;
	[tilespmem:s28+$0x0] =	vst v8  }
0x1d9: {  	[tilespmem:s28+$0xFFFFFF20] =	vst v12;
	v8 =	vadd.f32 v11, v3;
	v17 =	vld [tilespmem:s0+$0x1800];
	s0 =	smov.u32 s29  }
0x1da: {  	v18 =	vld [tilespmem:s29+$0x1810];
	[tilespmem:s28+$0xFFFFFF30] =	vst v13;
	v11 =	vadd.f32 v16, v4  }
.Ltmp1:
0x1db: {  	v13 =	vld [tilespmem:s29+$0x1820];
	[tilespmem:s28+$0xFFFFFF40] =	vst v8;
	v8 =	vadd.f32 v10, v5;
	(pc) =	sbr.rel @p0 .LBB2_5-.Ltmp1, $4  }
0x1dc: {  	v10 =	vld [tilespmem:s29+$0x1830];
	[tilespmem:s28+$0xFFFFFF50] =	vst v11;
	v14 =	vadd.f32 v14, v6  }
0x1dd: {  	v15 =	vadd.f32 v15, v9;
	v11 =	vld [tilespmem:s29+$0x1840];
	[tilespmem:s28+$0xFFFFFF60] =	vst v8  }
0x1de: {  	v12 =	vld [tilespmem:s29+$0x1850];
	[tilespmem:s28+$0xFFFFFF70] =	vst v14;
	v14 =	vadd.f32 v17, v1;
	v1 =	vmov v9  }
0x1df: {  	s2 =	sadd.s32 $0x200, s2;
	[tilespmem:s28+$0xFFFFFF10] =	vst v15;
	v7 =	vadd.f32 v18, v7;
	v9 =	vld [tilespmem:s29+$0x1860]  }
0x1e0: {  	v2 =	vadd.f32 v13, v2;
	[tilespmem:s24+$0xFFFFFF90] =	vst v14;
	v8 =	vld [tilespmem:s0+$0x1800]  }
0x1e1: {  	[tilespmem:s28+$0xFFFFFFA0] =	vst v7;
	v3 =	vadd.f32 v10, v3  }
0x1e2: {  	[tilespmem:s28+$0xFFFFFFB0] =	vst v2;
	v2 =	vadd.f32 v11, v4  }
0x1e3: {  	[tilespmem:s28+$0xFFFFFFC0] =	vst v3;
	v3 =	vadd.f32 v12, v5  }
0x1e4: {  	[tilespmem:s28+$0xFFFFFFD0] =	vst v2;
	v2 =	vadd.f32 v9, v6  }
0x1e5: {  	[tilespmem:s28+$0xFFFFFFE0] =	vst v3;
	v1 =	vadd.f32 v8, v1  }
0x1e6: {  	[tilespmem:s28+$0xFFFFFFF0] =	vst v2  }
0x1e7: {  	[tilespmem:s28+$0xFFFFFF90] =	vst v1  }
0x1e8: {  	v2 =	vld [tilespmem:s30+$0x0]  }
0x1e9: {  	v3 =	vld [tilespmem:s26+$0xFFFFE070]  }
0x1ea: {  	v8 =	vld [tilespmem:s26+$0xFFFFE000]  }
0x1eb: {  	v10 =	vld [tilespmem:s30+$0xFFFFFFA0]  }
0x1ec: {  	v7 =	vld [tilespmem:s26+$0xFFFFE010]  }
0x1ed: {  	v9 =	vld [tilespmem:s30+$0xFFFFFFB0]  }
0x1ee: {  	v11 =	vld [tilespmem:s26+$0xFFFFE020]  }
0x1ef: {  	v4 =	vld [tilespmem:s30+$0xFFFFFFC0]  }
0x1f0: {  	v12 =	vld [tilespmem:s26+$0xFFFFE030]  }
0x1f1: {  	v5 =	vld [tilespmem:s30+$0xFFFFFFD0]  }
0x1f2: {  	v13 =	vld [tilespmem:s26+$0xFFFFE040]  }
0x1f3: {  	v1 =	vld [tilespmem:s30+$0xFFFFFFE0]  }
0x1f4: {  	v14 =	vld [tilespmem:s26+$0xFFFFE050]  }
0x1f5: {  	v6 =	vld [tilespmem:s30+$0xFFFFFFF0]  }
0x1f6: {  	s29 =	simm.s32 $0x2B80;
	v15 =	vld [tilespmem:s26+$0xFFFFE060]  }
0x1f7: {  	v20 =	vld [tilespmem:s29+$0xFFFFE000];
	v3 =	vadd.f32 v3, v2  }
0x1f8: {  	v21 =	vld [tilespmem:s29+$0xFFFFE010]  }
0x1f9: {  	v22 =	vld [tilespmem:s29+$0xFFFFE020];
	[tilespmem:s25+$0xFFFFFC80] =	vst v3;
	v3 =	vadd.f32 v7, v10  }
0x1fa: {  	v11 =	vadd.f32 v11, v9;
	v16 =	vld [tilespmem:s26+$0xFFFFE870]  }
0x1fb: {  	v7 =	vld [tilespmem:s30+$0xFFFFFF90];
	[tilespmem:s25+$0xFFFFFC20] =	vst v3;
	v3 =	vadd.f32 v12, v4  }
0x1fc: {  	[tilespmem:s25+$0xFFFFFC30] =	vst v11;
	v11 =	vadd.f32 v13, v5;
	v12 =	vld [tilespmem:s26+$0xFFFFE810]  }
0x1fd: {  	v13 =	vld [tilespmem:s26+$0xFFFFE820];
	[tilespmem:s25+$0xFFFFFC40] =	vst v3;
	v3 =	vadd.f32 v14, v1  }
0x1fe: {  	[tilespmem:s25+$0xFFFFFC50] =	vst v11;
	v14 =	vadd.f32 v15, v6;
	v11 =	vld [tilespmem:s26+$0xFFFFE830]  }
0x1ff: {  	v15 =	vadd.f32 v16, v2;
	[tilespmem:s25+$0xFFFFFC60] =	vst v3;
	v3 =	vld [tilespmem:s26+$0xFFFFE840]  }
0x200: {  	v8 =	vadd.f32 v8, v7;
	[tilespmem:s25+$0xFFFFFC70] =	vst v14;
	v43 =	vld [tilespmem:s26+$0xFFFFE850]  }
0x201: {  	v14 =	vld [tilespmem:s26+$0xFFFFE860];
	[tilespmem:s25+$0xFFFFFD00] =	vst v15;
	v12 =	vadd.f32 v12, v10  }
0x202: {  	[tilespmem:s25+$0xFFFFFC10] =	vst v8;
	v8 =	vadd.f32 v13, v9;
	v15 =	vld [tilespmem:s26+$0xFFFFF070]  }
0x203: {  	v13 =	vld [tilespmem:s26+$0xFFFFE800];
	[tilespmem:s25+$0xFFFFFCA0] =	vst v12;
	v11 =	vadd.f32 v11, v4  }
0x204: {  	[tilespmem:s25+$0xFFFFFCB0] =	vst v8;
	v12 =	vld [tilespmem:s26+$0xFFFFF010];
	v3 =	vadd.f32 v3, v5  }
0x205: {  	v8 =	vld [tilespmem:s26+$0xFFFFF020];
	[tilespmem:s25+$0xFFFFFCC0] =	vst v11;
	v11 =	vadd.f32 v43, v1  }
0x206: {  	v44 =	vld [tilespmem:s26+$0xFFFFF030];
	[tilespmem:s25+$0xFFFFFCD0] =	vst v3;
	v3 =	vadd.f32 v14, v6  }
0x207: {  	v14 =	vadd.f32 v15, v2;
	v15 =	vld [tilespmem:s26+$0xFFFFF040];
	[tilespmem:s25+$0xFFFFFCE0] =	vst v11  }
0x208: {  	v11 =	vadd.f32 v13, v7;
	v13 =	vld [tilespmem:s26+$0xFFFFF050];
	[tilespmem:s25+$0xFFFFFCF0] =	vst v3  }
0x209: {  	[tilespmem:s25+$0xFFFFFD80] =	vst v14;
	v3 =	vadd.f32 v12, v10;
	v12 =	vld [tilespmem:s26+$0xFFFFF060]  }
0x20a: {  	v8 =	vadd.f32 v8, v9;
	[tilespmem:s25+$0xFFFFFC90] =	vst v11;
	v14 =	vld [tilespmem:s26+$0xFFFFF870]  }
0x20b: {  	v11 =	vld [tilespmem:s26+$0xFFFFF000];
	[tilespmem:s25+$0xFFFFFD20] =	vst v3;
	v3 =	vadd.f32 v44, v4  }
0x20c: {  	[tilespmem:s25+$0xFFFFFD30] =	vst v8;
	v45 =	vld [tilespmem:s26+$0xFFFFF810];
	v8 =	vadd.f32 v15, v5  }
0x20d: {  	v15 =	vld [tilespmem:s26+$0xFFFFF820];
	[tilespmem:s25+$0xFFFFFD40] =	vst v3;
	v3 =	vadd.f32 v13, v1  }
0x20e: {  	v13 =	vld [tilespmem:s26+$0xFFFFF830];
	[tilespmem:s25+$0xFFFFFD50] =	vst v8;
	v8 =	vadd.f32 v12, v6  }
0x20f: {  	v12 =	vadd.f32 v14, v2;
	v14 =	vld [tilespmem:s26+$0xFFFFF840];
	[tilespmem:s25+$0xFFFFFD60] =	vst v3  }
0x210: {  	v3 =	vadd.f32 v11, v7;
	v11 =	vld [tilespmem:s26+$0xFFFFF850];
	[tilespmem:s25+$0xFFFFFD70] =	vst v8  }
0x211: {  	[tilespmem:s25+$0xFFFFFE00] =	vst v12;
	v8 =	vadd.f32 v45, v10;
	v12 =	vld [tilespmem:s26+$0xFFFFF860]  }
0x212: {  	[tilespmem:s25+$0xFFFFFD10] =	vst v3;
	v3 =	vadd.f32 v15, v9;
	v46 =	vld [tilespmem:s26+$0x70]  }
0x213: {  	v15 =	vld [tilespmem:s26+$0xFFFFF800];
	[tilespmem:s25+$0xFFFFFDA0] =	vst v8;
	v8 =	vadd.f32 v13, v4  }
0x214: {  	[tilespmem:s25+$0xFFFFFDB0] =	vst v3;
	v13 =	vld [tilespmem:s26+$0x10];
	v3 =	vadd.f32 v14, v5  }
0x215: {  	v14 =	vld [tilespmem:s26+$0x20];
	[tilespmem:s25+$0xFFFFFDC0] =	vst v8;
	v8 =	vadd.f32 v11, v1  }
0x216: {  	v11 =	vld [tilespmem:s26+$0x30];
	[tilespmem:s25+$0xFFFFFDD0] =	vst v3;
	v3 =	vadd.f32 v12, v6  }
0x217: {  	v12 =	vadd.f32 v46, v2;
	v47 =	vld [tilespmem:s26+$0x40];
	[tilespmem:s25+$0xFFFFFDE0] =	vst v8  }
0x218: {  	v8 =	vadd.f32 v15, v7;
	v15 =	vld [tilespmem:s26+$0x50];
	[tilespmem:s25+$0xFFFFFDF0] =	vst v3  }
0x219: {  	[tilespmem:s25+$0xFFFFFE80] =	vst v12;
	v3 =	vadd.f32 v13, v10;
	v12 =	vld [tilespmem:s26+$0x60]  }
0x21a: {  	[tilespmem:s25+$0xFFFFFD90] =	vst v8;
	v8 =	vadd.f32 v14, v9;
	v13 =	vld [tilespmem:s26+$0x870]  }
0x21b: {  	v14 =	vld [tilespmem:s26+$0x0];
	[tilespmem:s25+$0xFFFFFE20] =	vst v3;
	v3 =	vadd.f32 v11, v4  }
0x21c: {  	[tilespmem:s25+$0xFFFFFE30] =	vst v8;
	v11 =	vld [tilespmem:s26+$0x810];
	v8 =	vadd.f32 v47, v5  }
0x21d: {  	v48 =	vld [tilespmem:s26+$0x820];
	[tilespmem:s25+$0xFFFFFE40] =	vst v3;
	v3 =	vadd.f32 v15, v1  }
0x21e: {  	v15 =	vld [tilespmem:s26+$0x830];
	[tilespmem:s25+$0xFFFFFE50] =	vst v8;
	v8 =	vadd.f32 v12, v6  }
0x21f: {  	v12 =	vadd.f32 v13, v2;
	v13 =	vld [tilespmem:s26+$0x840];
	[tilespmem:s25+$0xFFFFFE60] =	vst v3  }
0x220: {  	v3 =	vadd.f32 v14, v7;
	v14 =	vld [tilespmem:s26+$0x850];
	[tilespmem:s25+$0xFFFFFE70] =	vst v8  }
0x221: {  	[tilespmem:s25+$0xFFFFFF00] =	vst v12;
	v8 =	vadd.f32 v11, v10;
	v11 =	vld [tilespmem:s26+$0x860]  }
0x222: {  	[tilespmem:s25+$0xFFFFFE10] =	vst v3;
	v3 =	vadd.f32 v48, v9;
	v12 =	vld [tilespmem:s26+$0x1070]  }
0x223: {  	v49 =	vld [tilespmem:s26+$0x800];
	[tilespmem:s25+$0xFFFFFEA0] =	vst v8;
	v8 =	vadd.f32 v15, v4  }
0x224: {  	[tilespmem:s25+$0xFFFFFEB0] =	vst v3;
	v15 =	vld [tilespmem:s26+$0x1010];
	v3 =	vadd.f32 v13, v5  }
0x225: {  	v13 =	vld [tilespmem:s26+$0x1020];
	[tilespmem:s25+$0xFFFFFEC0] =	vst v8;
	v8 =	vadd.f32 v14, v1  }
0x226: {  	v14 =	vld [tilespmem:s26+$0x1030];
	[tilespmem:s25+$0xFFFFFED0] =	vst v3;
	v3 =	vadd.f32 v11, v6  }
0x227: {  	v11 =	vadd.f32 v12, v2;
	v12 =	vld [tilespmem:s26+$0x1040];
	[tilespmem:s25+$0xFFFFFEE0] =	vst v8  }
0x228: {  	v8 =	vadd.f32 v49, v7;
	v50 =	vld [tilespmem:s26+$0x1050];
	[tilespmem:s25+$0xFFFFFEF0] =	vst v3  }
0x229: {  	[tilespmem:s25+$0xFFFFFF80] =	vst v11;
	v3 =	vadd.f32 v15, v10;
	v11 =	vld [tilespmem:s26+$0x1060]  }
0x22a: {  	[tilespmem:s25+$0xFFFFFE90] =	vst v8;
	v8 =	vadd.f32 v13, v9;
	v15 =	vld [tilespmem:s26+$0x1870]  }
0x22b: {  	v13 =	vld [tilespmem:s26+$0x1000];
	[tilespmem:s25+$0xFFFFFF20] =	vst v3;
	v3 =	vadd.f32 v14, v4  }
0x22c: {  	[tilespmem:s25+$0xFFFFFF30] =	vst v8;
	v14 =	vld [tilespmem:s26+$0x1810]  }
0x22d: {  	v8 =	vadd.f32 v12, v5;
	v12 =	vld [tilespmem:s26+$0x1820];
	[tilespmem:s25+$0xFFFFFF40] =	vst v3  }
0x22e: {  	s24 =	simm.s32 $0x3F0;
	v3 =	vadd.f32 v50, v1;
	v51 =	vld [tilespmem:s26+$0x1830]  }
0x22f: {  	[tilespmem:s25+$0xFFFFFF50] =	vst v8;
	v8 =	vadd.f32 v11, v6;
	v11 =	vld [tilespmem:s24+$0x0]  }
0x230: {  	[tilespmem:s25+$0xFFFFFF60] =	vst v3;
	v3 =	vld [tilespmem:s29+$0xFFFFE070]  }
0x231: {  	v17 =	vld [tilespmem:s26+$0x1840]  }
0x232: {  	v15 =	vadd.f32 v15, v2;
	v2 =	vld [tilespmem:s24+$0xFFFFFFB0]  }
0x233: {  	v18 =	vld [tilespmem:s26+$0x1850]  }
0x234: {  	v13 =	vadd.f32 v13, v7;
	[tilespmem:s25+$0xFFFFFF70] =	vst v8;
	v8 =	vld [tilespmem:s24+$0xFFFFFFA0]  }
0x235: {  	v19 =	vld [tilespmem:s26+$0x1860];
	v23 =	vadd.f32 v3, v11  }
0x236: {  	s28 =	simm.s32 $0xB070;
	v10 =	vadd.f32 v14, v10;
	v14 =	vld [tilespmem:s29+$0xFFFFE030];
	[tilespmem:s25+$0xFFFFFF10] =	vst v13  }
0x237: {  	v13 =	vld [tilespmem:s29+$0xFFFFE040];
	[tilespmem:s28+$0xFFFFFC80] =	vst v23  }
0x238: {  	[tilespmem:s25+$0x0] =	vst v15;
	v9 =	vadd.f32 v12, v9;
	v12 =	vld [tilespmem:s29+$0xFFFFE870]  }
0x239: {  	v15 =	vld [tilespmem:s29+$0xFFFFE060];
	[tilespmem:s25+$0xFFFFFFA0] =	vst v10;
	v10 =	vadd.f32 v51, v4  }
0x23a: {  	v4 =	vld [tilespmem:s24+$0xFFFFFFD0];
	[tilespmem:s25+$0xFFFFFFB0] =	vst v9;
	v9 =	vadd.f32 v17, v5  }
0x23b: {  	v3 =	vld [tilespmem:s24+$0xFFFFFFC0];
	[tilespmem:s25+$0xFFFFFFC0] =	vst v10;
	v1 =	vadd.f32 v18, v1  }
0x23c: {  	v5 =	vld [tilespmem:s24+$0xFFFFFFE0];
	[tilespmem:s25+$0xFFFFFFD0] =	vst v9;
	v9 =	vadd.f32 v19, v6  }
0x23d: {  	v10 =	vld [tilespmem:s29+$0xFFFFE050];
	[tilespmem:s25+$0xFFFFFFE0] =	vst v1;
	v12 =	vadd.f32 v12, v11  }
0x23e: {  	v6 =	vld [tilespmem:s24+$0xFFFFFFF0];
	[tilespmem:s25+$0xFFFFFFF0] =	vst v9;
	v9 =	vadd.f32 v21, v8  }
0x23f: {  	v52 =	vadd.f32 v22, v2;
	v1 =	vld [tilespmem:s24+$0xFFFFFF90];
	[tilespmem:s28+$0xFFFFFD00] =	vst v12  }
0x240: {  	[tilespmem:s28+$0xFFFFFC20] =	vst v9;
	v9 =	vadd.f32 v14, v3;
	v12 =	vld [tilespmem:s29+$0xFFFFF070]  }
0x241: {  	[tilespmem:s28+$0xFFFFFC30] =	vst v52;
	v13 =	vadd.f32 v13, v4;
	v14 =	vld [tilespmem:s29+$0xFFFFE810]  }
0x242: {  	[tilespmem:s28+$0xFFFFFC40] =	vst v9;
	v9 =	vadd.f32 v10, v5;
	v10 =	vld [tilespmem:s29+$0xFFFFE820]  }
0x243: {  	[tilespmem:s28+$0xFFFFFC50] =	vst v13;
	v15 =	vadd.f32 v15, v6;
	v13 =	vld [tilespmem:s29+$0xFFFFE830]  }
0x244: {  	v53 =	vld [tilespmem:s29+$0xFFFFE840];
	[tilespmem:s28+$0xFFFFFC60] =	vst v9;
	v9 =	vadd.f32 v20, v1  }
0x245: {  	[tilespmem:s28+$0xFFFFFC70] =	vst v15;
	v54 =	vld [tilespmem:s29+$0xFFFFE850];
	v12 =	vadd.f32 v12, v11  }
0x246: {  	[tilespmem:s28+$0xFFFFFC10] =	vst v9;
	v9 =	vadd.f32 v14, v8;
	v14 =	vld [tilespmem:s29+$0xFFFFE860]  }
0x247: {  	v15 =	vld [tilespmem:s29+$0xFFFFE800];
	v10 =	vadd.f32 v10, v2;
	[tilespmem:s28+$0xFFFFFD80] =	vst v12  }
0x248: {  	[tilespmem:s28+$0xFFFFFCA0] =	vst v9;
	v9 =	vadd.f32 v13, v3;
	v12 =	vld [tilespmem:s29+$0xFFFFF870]  }
0x249: {  	v13 =	vld [tilespmem:s29+$0xFFFFF010];
	[tilespmem:s28+$0xFFFFFCB0] =	vst v10;
	v10 =	vadd.f32 v53, v4  }
0x24a: {  	v55 =	vld [tilespmem:s29+$0xFFFFF020];
	[tilespmem:s28+$0xFFFFFCC0] =	vst v9;
	v9 =	vadd.f32 v54, v5  }
0x24b: {  	v56 =	vld [tilespmem:s29+$0xFFFFF030];
	[tilespmem:s28+$0xFFFFFCD0] =	vst v10;
	v10 =	vadd.f32 v14, v6  }
0x24c: {  	v14 =	vadd.f32 v15, v1;
	v15 =	vld [tilespmem:s29+$0xFFFFF040];
	[tilespmem:s28+$0xFFFFFCE0] =	vst v9  }
0x24d: {  	v9 =	vld [tilespmem:s29+$0xFFFFF050];
	[tilespmem:s28+$0xFFFFFCF0] =	vst v10;
	v10 =	vadd.f32 v12, v11  }
0x24e: {  	[tilespmem:s28+$0xFFFFFC90] =	vst v14;
	v12 =	vadd.f32 v13, v8;
	v13 =	vld [tilespmem:s29+$0xFFFFF060]  }
0x24f: {  	v14 =	vld [tilespmem:s29+$0xFFFFF000];
	v16 =	vadd.f32 v55, v2;
	[tilespmem:s28+$0xFFFFFE00] =	vst v10  }
0x250: {  	[tilespmem:s28+$0xFFFFFD20] =	vst v12;
	v10 =	vadd.f32 v56, v3;
	v12 =	vld [tilespmem:s29+$0x70]  }
0x251: {  	[tilespmem:s28+$0xFFFFFD30] =	vst v16;
	v15 =	vadd.f32 v15, v4;
	v57 =	vld [tilespmem:s29+$0xFFFFF810]  }
0x252: {  	v16 =	vld [tilespmem:s29+$0xFFFFF820];
	v9 =	vadd.f32 v9, v5;
	[tilespmem:s28+$0xFFFFFD40] =	vst v10  }
0x253: {  	[tilespmem:s28+$0xFFFFFD50] =	vst v15;
	v10 =	vld [tilespmem:s29+$0xFFFFF830];
	v13 =	vadd.f32 v13, v6  }
0x254: {  	v14 =	vadd.f32 v14, v1;
	v15 =	vld [tilespmem:s29+$0xFFFFF840];
	[tilespmem:s28+$0xFFFFFD60] =	vst v9  }
0x255: {  	v9 =	vld [tilespmem:s29+$0xFFFFF850];
	[tilespmem:s28+$0xFFFFFD70] =	vst v13;
	v12 =	vadd.f32 v12, v11  }
0x256: {  	[tilespmem:s28+$0xFFFFFD10] =	vst v14;
	v13 =	vadd.f32 v57, v8;
	v14 =	vld [tilespmem:s29+$0xFFFFF860]  }
0x257: {  	v58 =	vld [tilespmem:s29+$0xFFFFF800];
	v16 =	vadd.f32 v16, v2;
	[tilespmem:s28+$0xFFFFFE80] =	vst v12  }
0x258: {  	[tilespmem:s28+$0xFFFFFDA0] =	vst v13;
	v10 =	vadd.f32 v10, v3;
	v12 =	vld [tilespmem:s29+$0x870]  }
0x259: {  	[tilespmem:s28+$0xFFFFFDB0] =	vst v16;
	v15 =	vadd.f32 v15, v4;
	v13 =	vld [tilespmem:s29+$0x10]  }
0x25a: {  	v16 =	vld [tilespmem:s29+$0x20];
	v9 =	vadd.f32 v9, v5;
	[tilespmem:s28+$0xFFFFFDC0] =	vst v10  }
0x25b: {  	[tilespmem:s28+$0xFFFFFDD0] =	vst v15;
	v10 =	vld [tilespmem:s29+$0x30];
	v14 =	vadd.f32 v14, v6  }
0x25c: {  	v15 =	vadd.f32 v58, v1;
	v59 =	vld [tilespmem:s29+$0x40];
	[tilespmem:s28+$0xFFFFFDE0] =	vst v9  }
0x25d: {  	v9 =	vld [tilespmem:s29+$0x50];
	[tilespmem:s28+$0xFFFFFDF0] =	vst v14;
	v12 =	vadd.f32 v12, v11  }
0x25e: {  	[tilespmem:s28+$0xFFFFFD90] =	vst v15;
	v13 =	vadd.f32 v13, v8;
	v14 =	vld [tilespmem:s29+$0x60]  }
0x25f: {  	v15 =	vld [tilespmem:s29+$0x0];
	v16 =	vadd.f32 v16, v2;
	[tilespmem:s28+$0xFFFFFF00] =	vst v12  }
0x260: {  	[tilespmem:s28+$0xFFFFFE20] =	vst v13;
	v10 =	vadd.f32 v10, v3;
	v12 =	vld [tilespmem:s29+$0x1070]  }
0x261: {  	[tilespmem:s28+$0xFFFFFE30] =	vst v16;
	v60 =	vadd.f32 v59, v4;
	v13 =	vld [tilespmem:s29+$0x810]  }
0x262: {  	v61 =	vld [tilespmem:s29+$0x820];
	v9 =	vadd.f32 v9, v5;
	[tilespmem:s28+$0xFFFFFE40] =	vst v10  }
0x263: {  	[tilespmem:s28+$0xFFFFFE50] =	vst v60;
	v10 =	vld [tilespmem:s29+$0x830];
	v14 =	vadd.f32 v14, v6  }
0x264: {  	v15 =	vadd.f32 v15, v1;
	v16 =	vld [tilespmem:s29+$0x840];
	[tilespmem:s28+$0xFFFFFE60] =	vst v9  }
0x265: {  	v9 =	vld [tilespmem:s29+$0x850];
	[tilespmem:s28+$0xFFFFFE70] =	vst v14;
	v12 =	vadd.f32 v12, v11  }
0x266: {  	[tilespmem:s28+$0xFFFFFE10] =	vst v15;
	v13 =	vadd.f32 v13, v8;
	v14 =	vld [tilespmem:s29+$0x860]  }
0x267: {  	v15 =	vld [tilespmem:s29+$0x800];
	v17 =	vadd.f32 v61, v2;
	[tilespmem:s28+$0xFFFFFF80] =	vst v12  }
0x268: {  	[tilespmem:s28+$0xFFFFFEA0] =	vst v13;
	v10 =	vadd.f32 v10, v3;
	v12 =	vld [tilespmem:s29+$0x1870]  }
0x269: {  	[tilespmem:s28+$0xFFFFFEB0] =	vst v17;
	v16 =	vadd.f32 v16, v4;
	v13 =	vld [tilespmem:s29+$0x1010]  }
0x26a: {  	v17 =	vld [tilespmem:s29+$0x1020];
	v9 =	vadd.f32 v9, v5;
	[tilespmem:s28+$0xFFFFFEC0] =	vst v10  }
0x26b: {  	[tilespmem:s28+$0xFFFFFED0] =	vst v16;
	v10 =	vld [tilespmem:s29+$0x1030];
	v14 =	vadd.f32 v14, v6  }
0x26c: {  	v15 =	vadd.f32 v15, v1;
	v16 =	vld [tilespmem:s29+$0x1040];
	[tilespmem:s28+$0xFFFFFEE0] =	vst v9  }
0x26d: {  	v9 =	vld [tilespmem:s29+$0x1050];
	[tilespmem:s28+$0xFFFFFEF0] =	vst v14;
	v11 =	vadd.f32 v12, v11  }
0x26e: {  	[tilespmem:s28+$0xFFFFFE90] =	vst v15;
	v12 =	vadd.f32 v13, v8;
	v14 =	vld [tilespmem:s29+$0x1060]  }
0x26f: {  	v15 =	vld [tilespmem:s29+$0x1000];
	v13 =	vadd.f32 v17, v2;
	[tilespmem:s28+$0x0] =	vst v11  }
0x270: {  	v62 =	vld [tilespmem:s26+$0x1800];
	[tilespmem:s28+$0xFFFFFF20] =	vst v12;
	v10 =	vadd.f32 v10, v3  }
0x271: {  	[tilespmem:s28+$0xFFFFFF30] =	vst v13;
	v11 =	vadd.f32 v16, v4;
	v63 =	vld [tilespmem:s29+$0x1810]  }
0x272: {  	v9 =	vadd.f32 v9, v5;
	v13 =	vld [tilespmem:s29+$0x1820];
	[tilespmem:s28+$0xFFFFFF40] =	vst v10  }
0x273: {  	[tilespmem:s28+$0xFFFFFF50] =	vst v11;
	v10 =	vld [tilespmem:s29+$0x1830];
	v14 =	vadd.f32 v14, v6  }
0x274: {  	v15 =	vadd.f32 v15, v1;
	[tilespmem:s28+$0xFFFFFF60] =	vst v9;
	v11 =	vld [tilespmem:s29+$0x1840]  }
0x275: {  	s31 =	simm.s32 $0x8;
	s2 =	simm.s32 $0x5F0;
	s0 =	simm.s32 $0x2B80;
	v12 =	vld [tilespmem:s29+$0x1850];
	[tilespmem:s28+$0xFFFFFF70] =	vst v14;
	v14 =	vadd.f32 v62, v7  }
0x276: {  	s30 =	simm.s32 $0x270;
	s26 =	simm.s32 $0x2A00;
	s24 =	simm.s32 $0xBC70;
	[tilespmem:s28+$0xFFFFFF10] =	vst v15;
	v7 =	vadd.f32 v63, v8;
	v9 =	vld [tilespmem:s29+$0x1860]  }
.LBB2_7:
0x277: {  	v8 =	vld [tilespmem:s2+$0x0];
	v2 =	vadd.f32 v13, v2;
	s29 =	sadd.s32 $0x200, s29;
	[tilespmem:s25+$0xFFFFFF90] =	vst v14;
	s25 =	smov.u32 s28  }
0x278: {  	s31 =	sadd.s32 $0x8, s31;
	v13 =	vld [tilespmem:s29+$0xFFFFE070];
	[tilespmem:s28+$0xFFFFFFA0] =	vst v7;
	v3 =	vadd.f32 v10, v3  }
0x279: {  	p0 =	slt.u32 s31, $0x18;
	v10 =	vld [tilespmem:s29+$0xFFFFE000];
	[tilespmem:s28+$0xFFFFFFB0] =	vst v2;
	v2 =	vadd.f32 v11, v4  }
0x27a: {  	v7 =	vld [tilespmem:s2+$0xFFFFFFA0];
	[tilespmem:s28+$0xFFFFFFC0] =	vst v3;
	v3 =	vadd.f32 v12, v5  }
0x27b: {  	v4 =	vld [tilespmem:s29+$0xFFFFE010];
	[tilespmem:s28+$0xFFFFFFD0] =	vst v2;
	v5 =	vadd.f32 v9, v6  }
0x27c: {  	v2 =	vld [tilespmem:s2+$0xFFFFFFB0];
	[tilespmem:s28+$0xFFFFFFE0] =	vst v3  }
0x27d: {  	v6 =	vld [tilespmem:s29+$0xFFFFE020];
	v9 =	vadd.f32 v13, v8;
	[tilespmem:s28+$0xFFFFFFF0] =	vst v5  }
0x27e: {  	s28 =	sadd.s32 $0x400, s28;
	v3 =	vld [tilespmem:s2+$0xFFFFFFC0]  }
0x27f: {  	v11 =	vld [tilespmem:s29+$0xFFFFE030];
	[tilespmem:s28+$0xFFFFFC80] =	vst v9  }
0x280: {  	v5 =	vadd.f32 v4, v7;
	v9 =	vld [tilespmem:s29+$0xFFFFE870]  }
0x281: {  	v4 =	vld [tilespmem:s2+$0xFFFFFFD0]  }
0x282: {  	[tilespmem:s28+$0xFFFFFC20] =	vst v5;
	v6 =	vadd.f32 v6, v2;
	v12 =	vld [tilespmem:s29+$0xFFFFE040]  }
0x283: {  	v5 =	vld [tilespmem:s2+$0xFFFFFFE0]  }
0x284: {  	[tilespmem:s28+$0xFFFFFC30] =	vst v6;
	v11 =	vadd.f32 v11, v3;
	v13 =	vld [tilespmem:s29+$0xFFFFE050]  }
0x285: {  	v6 =	vld [tilespmem:s2+$0xFFFFFFF0];
	v14 =	vadd.f32 v9, v8  }
0x286: {  	[tilespmem:s28+$0xFFFFFC40] =	vst v11;
	v11 =	vld [tilespmem:s29+$0xFFFFE060]  }
0x287: {  	v9 =	vld [tilespmem:s2+$0xFFFFFF90];
	v12 =	vadd.f32 v12, v4;
	[tilespmem:s28+$0xFFFFFD00] =	vst v14  }
0x288: {  	v14 =	vld [tilespmem:s29+$0xFFFFF070]  }
0x289: {  	v15 =	vld [tilespmem:s29+$0xFFFFE810];
	[tilespmem:s28+$0xFFFFFC50] =	vst v12;
	v12 =	vadd.f32 v13, v5  }
0x28a: {  	v13 =	vld [tilespmem:s29+$0xFFFFE820]  }
0x28b: {  	v16 =	vld [tilespmem:s29+$0xFFFFE830];
	[tilespmem:s28+$0xFFFFFC60] =	vst v12;
	v11 =	vadd.f32 v11, v6  }
0x28c: {  	v10 =	vadd.f32 v10, v9;
	v12 =	vld [tilespmem:s29+$0xFFFFE840]  }
0x28d: {  	v17 =	vld [tilespmem:s29+$0xFFFFE850];
	[tilespmem:s28+$0xFFFFFC70] =	vst v11;
	v11 =	vadd.f32 v14, v8  }
0x28e: {  	[tilespmem:s28+$0xFFFFFC10] =	vst v10;
	v10 =	vadd.f32 v15, v7;
	v14 =	vld [tilespmem:s29+$0xFFFFE860]  }
0x28f: {  	v15 =	vld [tilespmem:s29+$0xFFFFE800];
	v13 =	vadd.f32 v13, v2;
	[tilespmem:s28+$0xFFFFFD80] =	vst v11  }
0x290: {  	[tilespmem:s28+$0xFFFFFCA0] =	vst v10;
	v10 =	vadd.f32 v16, v3;
	v11 =	vld [tilespmem:s29+$0xFFFFF870]  }
0x291: {  	v16 =	vld [tilespmem:s29+$0xFFFFF010];
	[tilespmem:s28+$0xFFFFFCB0] =	vst v13;
	v12 =	vadd.f32 v12, v4  }
0x292: {  	v13 =	vld [tilespmem:s29+$0xFFFFF020];
	[tilespmem:s28+$0xFFFFFCC0] =	vst v10;
	v10 =	vadd.f32 v17, v5  }
0x293: {  	v17 =	vld [tilespmem:s29+$0xFFFFF030];
	[tilespmem:s28+$0xFFFFFCD0] =	vst v12;
	v12 =	vadd.f32 v14, v6  }
0x294: {  	v14 =	vadd.f32 v15, v9;
	v15 =	vld [tilespmem:s29+$0xFFFFF040];
	[tilespmem:s28+$0xFFFFFCE0] =	vst v10  }
0x295: {  	v10 =	vld [tilespmem:s29+$0xFFFFF050];
	[tilespmem:s28+$0xFFFFFCF0] =	vst v12;
	v11 =	vadd.f32 v11, v8  }
0x296: {  	[tilespmem:s28+$0xFFFFFC90] =	vst v14;
	v12 =	vadd.f32 v16, v7;
	v14 =	vld [tilespmem:s29+$0xFFFFF060]  }
0x297: {  	v16 =	vld [tilespmem:s29+$0xFFFFF000];
	v13 =	vadd.f32 v13, v2;
	[tilespmem:s28+$0xFFFFFE00] =	vst v11  }
0x298: {  	[tilespmem:s28+$0xFFFFFD20] =	vst v12;
	v11 =	vadd.f32 v17, v3;
	v12 =	vld [tilespmem:s29+$0x70]  }
0x299: {  	v17 =	vld [tilespmem:s29+$0xFFFFF810];
	[tilespmem:s28+$0xFFFFFD30] =	vst v13;
	v13 =	vadd.f32 v15, v4  }
0x29a: {  	v15 =	vld [tilespmem:s29+$0xFFFFF820];
	[tilespmem:s28+$0xFFFFFD40] =	vst v11;
	v10 =	vadd.f32 v10, v5  }
0x29b: {  	v11 =	vld [tilespmem:s29+$0xFFFFF830];
	[tilespmem:s28+$0xFFFFFD50] =	vst v13;
	v13 =	vadd.f32 v14, v6  }
0x29c: {  	v14 =	vadd.f32 v16, v9;
	v16 =	vld [tilespmem:s29+$0xFFFFF840];
	[tilespmem:s28+$0xFFFFFD60] =	vst v10  }
0x29d: {  	v10 =	vld [tilespmem:s29+$0xFFFFF850];
	[tilespmem:s28+$0xFFFFFD70] =	vst v13;
	v12 =	vadd.f32 v12, v8  }
0x29e: {  	[tilespmem:s28+$0xFFFFFD10] =	vst v14;
	v13 =	vadd.f32 v17, v7;
	v14 =	vld [tilespmem:s29+$0xFFFFF860]  }
0x29f: {  	v17 =	vld [tilespmem:s29+$0xFFFFF800];
	v15 =	vadd.f32 v15, v2;
	[tilespmem:s28+$0xFFFFFE80] =	vst v12  }
0x2a0: {  	[tilespmem:s28+$0xFFFFFDA0] =	vst v13;
	v11 =	vadd.f32 v11, v3;
	v12 =	vld [tilespmem:s29+$0x870]  }
0x2a1: {  	v13 =	vld [tilespmem:s29+$0x10];
	[tilespmem:s28+$0xFFFFFDB0] =	vst v15;
	v15 =	vadd.f32 v16, v4  }
0x2a2: {  	v16 =	vld [tilespmem:s29+$0x20];
	[tilespmem:s28+$0xFFFFFDC0] =	vst v11;
	v10 =	vadd.f32 v10, v5  }
0x2a3: {  	v11 =	vld [tilespmem:s29+$0x30];
	[tilespmem:s28+$0xFFFFFDD0] =	vst v15;
	v14 =	vadd.f32 v14, v6  }
0x2a4: {  	v15 =	vadd.f32 v17, v9;
	v17 =	vld [tilespmem:s29+$0x40];
	[tilespmem:s28+$0xFFFFFDE0] =	vst v10  }
0x2a5: {  	v10 =	vld [tilespmem:s29+$0x50];
	[tilespmem:s28+$0xFFFFFDF0] =	vst v14;
	v12 =	vadd.f32 v12, v8  }
0x2a6: {  	[tilespmem:s28+$0xFFFFFD90] =	vst v15;
	v13 =	vadd.f32 v13, v7;
	v14 =	vld [tilespmem:s29+$0x60]  }
0x2a7: {  	v15 =	vld [tilespmem:s29+$0x0];
	v16 =	vadd.f32 v16, v2;
	[tilespmem:s28+$0xFFFFFF00] =	vst v12  }
0x2a8: {  	[tilespmem:s28+$0xFFFFFE20] =	vst v13;
	v11 =	vadd.f32 v11, v3;
	v12 =	vld [tilespmem:s29+$0x1070]  }
0x2a9: {  	v13 =	vld [tilespmem:s29+$0x810];
	[tilespmem:s28+$0xFFFFFE30] =	vst v16;
	v16 =	vadd.f32 v17, v4  }
0x2aa: {  	v17 =	vld [tilespmem:s29+$0x820];
	[tilespmem:s28+$0xFFFFFE40] =	vst v11;
	v10 =	vadd.f32 v10, v5  }
0x2ab: {  	v11 =	vld [tilespmem:s29+$0x830];
	[tilespmem:s28+$0xFFFFFE50] =	vst v16;
	v14 =	vadd.f32 v14, v6  }
0x2ac: {  	v15 =	vadd.f32 v15, v9;
	v16 =	vld [tilespmem:s29+$0x840];
	[tilespmem:s28+$0xFFFFFE60] =	vst v10  }
0x2ad: {  	v10 =	vld [tilespmem:s29+$0x850];
	[tilespmem:s28+$0xFFFFFE70] =	vst v14;
	v12 =	vadd.f32 v12, v8  }
0x2ae: {  	[tilespmem:s28+$0xFFFFFE10] =	vst v15;
	v13 =	vadd.f32 v13, v7;
	v14 =	vld [tilespmem:s29+$0x860]  }
0x2af: {  	v15 =	vld [tilespmem:s29+$0x800];
	v17 =	vadd.f32 v17, v2;
	[tilespmem:s28+$0xFFFFFF80] =	vst v12  }
0x2b0: {  	[tilespmem:s28+$0xFFFFFEA0] =	vst v13;
	v11 =	vadd.f32 v11, v3;
	v12 =	vld [tilespmem:s29+$0x1870]  }
0x2b1: {  	v13 =	vld [tilespmem:s29+$0x1010];
	[tilespmem:s28+$0xFFFFFEB0] =	vst v17;
	v16 =	vadd.f32 v16, v4  }
0x2b2: {  	v17 =	vld [tilespmem:s29+$0x1020];
	[tilespmem:s28+$0xFFFFFEC0] =	vst v11;
	v10 =	vadd.f32 v10, v5  }
0x2b3: {  	v11 =	vld [tilespmem:s29+$0x1030];
	[tilespmem:s28+$0xFFFFFED0] =	vst v16;
	v14 =	vadd.f32 v14, v6  }
0x2b4: {  	v15 =	vadd.f32 v15, v9;
	v16 =	vld [tilespmem:s29+$0x1040];
	[tilespmem:s28+$0xFFFFFEE0] =	vst v10  }
0x2b5: {  	v10 =	vld [tilespmem:s29+$0x1050];
	[tilespmem:s28+$0xFFFFFEF0] =	vst v14;
	v8 =	vadd.f32 v12, v8  }
0x2b6: {  	[tilespmem:s28+$0xFFFFFE90] =	vst v15;
	v12 =	vadd.f32 v13, v7;
	v14 =	vld [tilespmem:s29+$0x1060]  }
0x2b7: {  	v15 =	vld [tilespmem:s29+$0x1000];
	v13 =	vadd.f32 v17, v2;
	[tilespmem:s28+$0x0] =	vst v8  }
0x2b8: {  	[tilespmem:s28+$0xFFFFFF20] =	vst v12;
	v8 =	vadd.f32 v11, v3;
	v17 =	vld [tilespmem:s0+$0x1800];
	s0 =	smov.u32 s29  }
0x2b9: {  	v18 =	vld [tilespmem:s29+$0x1810];
	[tilespmem:s28+$0xFFFFFF30] =	vst v13;
	v11 =	vadd.f32 v16, v4  }
.Ltmp2:
0x2ba: {  	v13 =	vld [tilespmem:s29+$0x1820];
	[tilespmem:s28+$0xFFFFFF40] =	vst v8;
	v8 =	vadd.f32 v10, v5;
	(pc) =	sbr.rel @p0 .LBB2_7-.Ltmp2, $4  }
0x2bb: {  	v10 =	vld [tilespmem:s29+$0x1830];
	[tilespmem:s28+$0xFFFFFF50] =	vst v11;
	v14 =	vadd.f32 v14, v6  }
0x2bc: {  	v15 =	vadd.f32 v15, v9;
	v11 =	vld [tilespmem:s29+$0x1840];
	[tilespmem:s28+$0xFFFFFF60] =	vst v8  }
0x2bd: {  	v12 =	vld [tilespmem:s29+$0x1850];
	[tilespmem:s28+$0xFFFFFF70] =	vst v14;
	v14 =	vadd.f32 v17, v1;
	v1 =	vmov v9  }
0x2be: {  	s2 =	sadd.s32 $0x200, s2;
	[tilespmem:s28+$0xFFFFFF10] =	vst v15;
	v7 =	vadd.f32 v18, v7;
	v9 =	vld [tilespmem:s29+$0x1860]  }
0x2bf: {  	v2 =	vadd.f32 v13, v2;
	[tilespmem:s25+$0xFFFFFF90] =	vst v14;
	v8 =	vld [tilespmem:s0+$0x1800]  }
0x2c0: {  	[tilespmem:s28+$0xFFFFFFA0] =	vst v7;
	v3 =	vadd.f32 v10, v3  }
0x2c1: {  	[tilespmem:s28+$0xFFFFFFB0] =	vst v2;
	v2 =	vadd.f32 v11, v4  }
0x2c2: {  	[tilespmem:s28+$0xFFFFFFC0] =	vst v3;
	v3 =	vadd.f32 v12, v5  }
0x2c3: {  	[tilespmem:s28+$0xFFFFFFD0] =	vst v2;
	v2 =	vadd.f32 v9, v6  }
0x2c4: {  	[tilespmem:s28+$0xFFFFFFE0] =	vst v3;
	v1 =	vadd.f32 v8, v1  }
0x2c5: {  	[tilespmem:s28+$0xFFFFFFF0] =	vst v2  }
0x2c6: {  	[tilespmem:s28+$0xFFFFFF90] =	vst v1  }
0x2c7: {  	v2 =	vld [tilespmem:s30+$0x0]  }
0x2c8: {  	v3 =	vld [tilespmem:s26+$0xFFFFE070]  }
0x2c9: {  	v8 =	vld [tilespmem:s26+$0xFFFFE000]  }
0x2ca: {  	v10 =	vld [tilespmem:s30+$0xFFFFFFA0]  }
0x2cb: {  	v7 =	vld [tilespmem:s26+$0xFFFFE010]  }
0x2cc: {  	v9 =	vld [tilespmem:s30+$0xFFFFFFB0]  }
0x2cd: {  	v11 =	vld [tilespmem:s26+$0xFFFFE020]  }
0x2ce: {  	v4 =	vld [tilespmem:s30+$0xFFFFFFC0]  }
0x2cf: {  	v12 =	vld [tilespmem:s26+$0xFFFFE030]  }
0x2d0: {  	v5 =	vld [tilespmem:s30+$0xFFFFFFD0]  }
0x2d1: {  	v13 =	vld [tilespmem:s26+$0xFFFFE040]  }
0x2d2: {  	v1 =	vld [tilespmem:s30+$0xFFFFFFE0]  }
0x2d3: {  	v14 =	vld [tilespmem:s26+$0xFFFFE050]  }
0x2d4: {  	v6 =	vld [tilespmem:s30+$0xFFFFFFF0]  }
0x2d5: {  	s28 =	simm.s32 $0x2C00;
	v15 =	vld [tilespmem:s26+$0xFFFFE060]  }
0x2d6: {  	v20 =	vld [tilespmem:s28+$0xFFFFE000];
	v3 =	vadd.f32 v3, v2  }
0x2d7: {  	v21 =	vld [tilespmem:s28+$0xFFFFE010]  }
0x2d8: {  	v22 =	vld [tilespmem:s28+$0xFFFFE020];
	[tilespmem:s24+$0xFFFFFC80] =	vst v3;
	v3 =	vadd.f32 v7, v10  }
0x2d9: {  	v11 =	vadd.f32 v11, v9;
	v16 =	vld [tilespmem:s26+$0xFFFFE870]  }
0x2da: {  	v7 =	vld [tilespmem:s30+$0xFFFFFF90];
	[tilespmem:s24+$0xFFFFFC20] =	vst v3;
	v3 =	vadd.f32 v12, v4  }
0x2db: {  	[tilespmem:s24+$0xFFFFFC30] =	vst v11;
	v11 =	vadd.f32 v13, v5;
	v12 =	vld [tilespmem:s26+$0xFFFFE810]  }
0x2dc: {  	v13 =	vld [tilespmem:s26+$0xFFFFE820];
	[tilespmem:s24+$0xFFFFFC40] =	vst v3;
	v3 =	vadd.f32 v14, v1  }
0x2dd: {  	[tilespmem:s24+$0xFFFFFC50] =	vst v11;
	v14 =	vadd.f32 v15, v6;
	v11 =	vld [tilespmem:s26+$0xFFFFE830]  }
0x2de: {  	v15 =	vadd.f32 v16, v2;
	[tilespmem:s24+$0xFFFFFC60] =	vst v3;
	v3 =	vld [tilespmem:s26+$0xFFFFE840]  }
0x2df: {  	v8 =	vadd.f32 v8, v7;
	[tilespmem:s24+$0xFFFFFC70] =	vst v14;
	v43 =	vld [tilespmem:s26+$0xFFFFE850]  }
0x2e0: {  	v14 =	vld [tilespmem:s26+$0xFFFFE860];
	[tilespmem:s24+$0xFFFFFD00] =	vst v15;
	v12 =	vadd.f32 v12, v10  }
0x2e1: {  	[tilespmem:s24+$0xFFFFFC10] =	vst v8;
	v8 =	vadd.f32 v13, v9;
	v15 =	vld [tilespmem:s26+$0xFFFFF070]  }
0x2e2: {  	v13 =	vld [tilespmem:s26+$0xFFFFE800];
	[tilespmem:s24+$0xFFFFFCA0] =	vst v12;
	v11 =	vadd.f32 v11, v4  }
0x2e3: {  	[tilespmem:s24+$0xFFFFFCB0] =	vst v8;
	v12 =	vld [tilespmem:s26+$0xFFFFF010];
	v3 =	vadd.f32 v3, v5  }
0x2e4: {  	v8 =	vld [tilespmem:s26+$0xFFFFF020];
	[tilespmem:s24+$0xFFFFFCC0] =	vst v11;
	v11 =	vadd.f32 v43, v1  }
0x2e5: {  	v44 =	vld [tilespmem:s26+$0xFFFFF030];
	[tilespmem:s24+$0xFFFFFCD0] =	vst v3;
	v3 =	vadd.f32 v14, v6  }
0x2e6: {  	v14 =	vadd.f32 v15, v2;
	v15 =	vld [tilespmem:s26+$0xFFFFF040];
	[tilespmem:s24+$0xFFFFFCE0] =	vst v11  }
0x2e7: {  	v11 =	vadd.f32 v13, v7;
	v13 =	vld [tilespmem:s26+$0xFFFFF050];
	[tilespmem:s24+$0xFFFFFCF0] =	vst v3  }
0x2e8: {  	[tilespmem:s24+$0xFFFFFD80] =	vst v14;
	v3 =	vadd.f32 v12, v10;
	v12 =	vld [tilespmem:s26+$0xFFFFF060]  }
0x2e9: {  	v8 =	vadd.f32 v8, v9;
	[tilespmem:s24+$0xFFFFFC90] =	vst v11;
	v14 =	vld [tilespmem:s26+$0xFFFFF870]  }
0x2ea: {  	v11 =	vld [tilespmem:s26+$0xFFFFF000];
	[tilespmem:s24+$0xFFFFFD20] =	vst v3;
	v3 =	vadd.f32 v44, v4  }
0x2eb: {  	[tilespmem:s24+$0xFFFFFD30] =	vst v8;
	v45 =	vld [tilespmem:s26+$0xFFFFF810];
	v8 =	vadd.f32 v15, v5  }
0x2ec: {  	v15 =	vld [tilespmem:s26+$0xFFFFF820];
	[tilespmem:s24+$0xFFFFFD40] =	vst v3;
	v3 =	vadd.f32 v13, v1  }
0x2ed: {  	v13 =	vld [tilespmem:s26+$0xFFFFF830];
	[tilespmem:s24+$0xFFFFFD50] =	vst v8;
	v8 =	vadd.f32 v12, v6  }
0x2ee: {  	v12 =	vadd.f32 v14, v2;
	v14 =	vld [tilespmem:s26+$0xFFFFF840];
	[tilespmem:s24+$0xFFFFFD60] =	vst v3  }
0x2ef: {  	v3 =	vadd.f32 v11, v7;
	v11 =	vld [tilespmem:s26+$0xFFFFF850];
	[tilespmem:s24+$0xFFFFFD70] =	vst v8  }
0x2f0: {  	[tilespmem:s24+$0xFFFFFE00] =	vst v12;
	v8 =	vadd.f32 v45, v10;
	v12 =	vld [tilespmem:s26+$0xFFFFF860]  }
0x2f1: {  	[tilespmem:s24+$0xFFFFFD10] =	vst v3;
	v3 =	vadd.f32 v15, v9;
	v46 =	vld [tilespmem:s26+$0x70]  }
0x2f2: {  	v15 =	vld [tilespmem:s26+$0xFFFFF800];
	[tilespmem:s24+$0xFFFFFDA0] =	vst v8;
	v8 =	vadd.f32 v13, v4  }
0x2f3: {  	[tilespmem:s24+$0xFFFFFDB0] =	vst v3;
	v13 =	vld [tilespmem:s26+$0x10];
	v3 =	vadd.f32 v14, v5  }
0x2f4: {  	v14 =	vld [tilespmem:s26+$0x20];
	[tilespmem:s24+$0xFFFFFDC0] =	vst v8;
	v8 =	vadd.f32 v11, v1  }
0x2f5: {  	v11 =	vld [tilespmem:s26+$0x30];
	[tilespmem:s24+$0xFFFFFDD0] =	vst v3;
	v3 =	vadd.f32 v12, v6  }
0x2f6: {  	v12 =	vadd.f32 v46, v2;
	v47 =	vld [tilespmem:s26+$0x40];
	[tilespmem:s24+$0xFFFFFDE0] =	vst v8  }
0x2f7: {  	v8 =	vadd.f32 v15, v7;
	v15 =	vld [tilespmem:s26+$0x50];
	[tilespmem:s24+$0xFFFFFDF0] =	vst v3  }
0x2f8: {  	[tilespmem:s24+$0xFFFFFE80] =	vst v12;
	v3 =	vadd.f32 v13, v10;
	v12 =	vld [tilespmem:s26+$0x60]  }
0x2f9: {  	[tilespmem:s24+$0xFFFFFD90] =	vst v8;
	v8 =	vadd.f32 v14, v9;
	v13 =	vld [tilespmem:s26+$0x870]  }
0x2fa: {  	v14 =	vld [tilespmem:s26+$0x0];
	[tilespmem:s24+$0xFFFFFE20] =	vst v3;
	v3 =	vadd.f32 v11, v4  }
0x2fb: {  	[tilespmem:s24+$0xFFFFFE30] =	vst v8;
	v11 =	vld [tilespmem:s26+$0x810];
	v8 =	vadd.f32 v47, v5  }
0x2fc: {  	v48 =	vld [tilespmem:s26+$0x820];
	[tilespmem:s24+$0xFFFFFE40] =	vst v3;
	v3 =	vadd.f32 v15, v1  }
0x2fd: {  	v15 =	vld [tilespmem:s26+$0x830];
	[tilespmem:s24+$0xFFFFFE50] =	vst v8;
	v8 =	vadd.f32 v12, v6  }
0x2fe: {  	v12 =	vadd.f32 v13, v2;
	v13 =	vld [tilespmem:s26+$0x840];
	[tilespmem:s24+$0xFFFFFE60] =	vst v3  }
0x2ff: {  	v3 =	vadd.f32 v14, v7;
	v14 =	vld [tilespmem:s26+$0x850];
	[tilespmem:s24+$0xFFFFFE70] =	vst v8  }
0x300: {  	[tilespmem:s24+$0xFFFFFF00] =	vst v12;
	v8 =	vadd.f32 v11, v10;
	v11 =	vld [tilespmem:s26+$0x860]  }
0x301: {  	[tilespmem:s24+$0xFFFFFE10] =	vst v3;
	v3 =	vadd.f32 v48, v9;
	v12 =	vld [tilespmem:s26+$0x1070]  }
0x302: {  	v49 =	vld [tilespmem:s26+$0x800];
	[tilespmem:s24+$0xFFFFFEA0] =	vst v8;
	v8 =	vadd.f32 v15, v4  }
0x303: {  	[tilespmem:s24+$0xFFFFFEB0] =	vst v3;
	v15 =	vld [tilespmem:s26+$0x1010];
	v3 =	vadd.f32 v13, v5  }
0x304: {  	v13 =	vld [tilespmem:s26+$0x1020];
	[tilespmem:s24+$0xFFFFFEC0] =	vst v8;
	v8 =	vadd.f32 v14, v1  }
0x305: {  	v14 =	vld [tilespmem:s26+$0x1030];
	[tilespmem:s24+$0xFFFFFED0] =	vst v3;
	v3 =	vadd.f32 v11, v6  }
0x306: {  	v11 =	vadd.f32 v12, v2;
	v12 =	vld [tilespmem:s26+$0x1040];
	[tilespmem:s24+$0xFFFFFEE0] =	vst v8  }
0x307: {  	v8 =	vadd.f32 v49, v7;
	v50 =	vld [tilespmem:s26+$0x1050];
	[tilespmem:s24+$0xFFFFFEF0] =	vst v3  }
0x308: {  	[tilespmem:s24+$0xFFFFFF80] =	vst v11;
	v3 =	vadd.f32 v15, v10;
	v11 =	vld [tilespmem:s26+$0x1060]  }
0x309: {  	[tilespmem:s24+$0xFFFFFE90] =	vst v8;
	v8 =	vadd.f32 v13, v9;
	v15 =	vld [tilespmem:s26+$0x1870]  }
0x30a: {  	v13 =	vld [tilespmem:s26+$0x1000];
	[tilespmem:s24+$0xFFFFFF20] =	vst v3;
	v3 =	vadd.f32 v14, v4  }
0x30b: {  	[tilespmem:s24+$0xFFFFFF30] =	vst v8;
	v14 =	vld [tilespmem:s26+$0x1810]  }
0x30c: {  	v8 =	vadd.f32 v12, v5;
	v12 =	vld [tilespmem:s26+$0x1820];
	[tilespmem:s24+$0xFFFFFF40] =	vst v3  }
0x30d: {  	s31 =	simm.s32 $0x470;
	v3 =	vadd.f32 v50, v1;
	v51 =	vld [tilespmem:s26+$0x1830]  }
0x30e: {  	[tilespmem:s24+$0xFFFFFF50] =	vst v8;
	v8 =	vadd.f32 v11, v6;
	v11 =	vld [tilespmem:s31+$0x0]  }
0x30f: {  	[tilespmem:s24+$0xFFFFFF60] =	vst v3;
	v3 =	vld [tilespmem:s28+$0xFFFFE070]  }
0x310: {  	v17 =	vld [tilespmem:s26+$0x1840]  }
0x311: {  	v15 =	vadd.f32 v15, v2;
	v2 =	vld [tilespmem:s31+$0xFFFFFFB0]  }
0x312: {  	v18 =	vld [tilespmem:s26+$0x1850]  }
0x313: {  	v13 =	vadd.f32 v13, v7;
	[tilespmem:s24+$0xFFFFFF70] =	vst v8;
	v8 =	vld [tilespmem:s31+$0xFFFFFFA0]  }
0x314: {  	v19 =	vld [tilespmem:s26+$0x1860];
	v23 =	vadd.f32 v3, v11  }
0x315: {  	s25 =	simm.s32 $0xC070;
	v10 =	vadd.f32 v14, v10;
	v14 =	vld [tilespmem:s28+$0xFFFFE030];
	[tilespmem:s24+$0xFFFFFF10] =	vst v13  }
0x316: {  	v13 =	vld [tilespmem:s28+$0xFFFFE040];
	[tilespmem:s25+$0xFFFFFC80] =	vst v23  }
0x317: {  	[tilespmem:s24+$0x0] =	vst v15;
	v9 =	vadd.f32 v12, v9;
	v12 =	vld [tilespmem:s28+$0xFFFFE870]  }
0x318: {  	v15 =	vld [tilespmem:s28+$0xFFFFE060];
	[tilespmem:s24+$0xFFFFFFA0] =	vst v10;
	v10 =	vadd.f32 v51, v4  }
0x319: {  	v4 =	vld [tilespmem:s31+$0xFFFFFFD0];
	[tilespmem:s24+$0xFFFFFFB0] =	vst v9;
	v9 =	vadd.f32 v17, v5  }
0x31a: {  	v3 =	vld [tilespmem:s31+$0xFFFFFFC0];
	[tilespmem:s24+$0xFFFFFFC0] =	vst v10;
	v1 =	vadd.f32 v18, v1  }
0x31b: {  	v5 =	vld [tilespmem:s31+$0xFFFFFFE0];
	[tilespmem:s24+$0xFFFFFFD0] =	vst v9;
	v9 =	vadd.f32 v19, v6  }
0x31c: {  	v10 =	vld [tilespmem:s28+$0xFFFFE050];
	[tilespmem:s24+$0xFFFFFFE0] =	vst v1;
	v12 =	vadd.f32 v12, v11  }
0x31d: {  	v6 =	vld [tilespmem:s31+$0xFFFFFFF0];
	[tilespmem:s24+$0xFFFFFFF0] =	vst v9;
	v9 =	vadd.f32 v21, v8  }
0x31e: {  	v52 =	vadd.f32 v22, v2;
	v1 =	vld [tilespmem:s31+$0xFFFFFF90];
	[tilespmem:s25+$0xFFFFFD00] =	vst v12  }
0x31f: {  	[tilespmem:s25+$0xFFFFFC20] =	vst v9;
	v9 =	vadd.f32 v14, v3;
	v12 =	vld [tilespmem:s28+$0xFFFFF070]  }
0x320: {  	[tilespmem:s25+$0xFFFFFC30] =	vst v52;
	v13 =	vadd.f32 v13, v4;
	v14 =	vld [tilespmem:s28+$0xFFFFE810]  }
0x321: {  	[tilespmem:s25+$0xFFFFFC40] =	vst v9;
	v9 =	vadd.f32 v10, v5;
	v10 =	vld [tilespmem:s28+$0xFFFFE820]  }
0x322: {  	[tilespmem:s25+$0xFFFFFC50] =	vst v13;
	v15 =	vadd.f32 v15, v6;
	v13 =	vld [tilespmem:s28+$0xFFFFE830]  }
0x323: {  	v53 =	vld [tilespmem:s28+$0xFFFFE840];
	[tilespmem:s25+$0xFFFFFC60] =	vst v9;
	v9 =	vadd.f32 v20, v1  }
0x324: {  	[tilespmem:s25+$0xFFFFFC70] =	vst v15;
	v54 =	vld [tilespmem:s28+$0xFFFFE850];
	v12 =	vadd.f32 v12, v11  }
0x325: {  	[tilespmem:s25+$0xFFFFFC10] =	vst v9;
	v9 =	vadd.f32 v14, v8;
	v14 =	vld [tilespmem:s28+$0xFFFFE860]  }
0x326: {  	v15 =	vld [tilespmem:s28+$0xFFFFE800];
	v10 =	vadd.f32 v10, v2;
	[tilespmem:s25+$0xFFFFFD80] =	vst v12  }
0x327: {  	[tilespmem:s25+$0xFFFFFCA0] =	vst v9;
	v9 =	vadd.f32 v13, v3;
	v12 =	vld [tilespmem:s28+$0xFFFFF870]  }
0x328: {  	v13 =	vld [tilespmem:s28+$0xFFFFF010];
	[tilespmem:s25+$0xFFFFFCB0] =	vst v10;
	v10 =	vadd.f32 v53, v4  }
0x329: {  	v55 =	vld [tilespmem:s28+$0xFFFFF020];
	[tilespmem:s25+$0xFFFFFCC0] =	vst v9;
	v9 =	vadd.f32 v54, v5  }
0x32a: {  	v56 =	vld [tilespmem:s28+$0xFFFFF030];
	[tilespmem:s25+$0xFFFFFCD0] =	vst v10;
	v10 =	vadd.f32 v14, v6  }
0x32b: {  	v14 =	vadd.f32 v15, v1;
	v15 =	vld [tilespmem:s28+$0xFFFFF040];
	[tilespmem:s25+$0xFFFFFCE0] =	vst v9  }
0x32c: {  	v9 =	vld [tilespmem:s28+$0xFFFFF050];
	[tilespmem:s25+$0xFFFFFCF0] =	vst v10;
	v10 =	vadd.f32 v12, v11  }
0x32d: {  	[tilespmem:s25+$0xFFFFFC90] =	vst v14;
	v12 =	vadd.f32 v13, v8;
	v13 =	vld [tilespmem:s28+$0xFFFFF060]  }
0x32e: {  	v14 =	vld [tilespmem:s28+$0xFFFFF000];
	v16 =	vadd.f32 v55, v2;
	[tilespmem:s25+$0xFFFFFE00] =	vst v10  }
0x32f: {  	[tilespmem:s25+$0xFFFFFD20] =	vst v12;
	v10 =	vadd.f32 v56, v3;
	v12 =	vld [tilespmem:s28+$0x70]  }
0x330: {  	[tilespmem:s25+$0xFFFFFD30] =	vst v16;
	v15 =	vadd.f32 v15, v4;
	v57 =	vld [tilespmem:s28+$0xFFFFF810]  }
0x331: {  	v16 =	vld [tilespmem:s28+$0xFFFFF820];
	v9 =	vadd.f32 v9, v5;
	[tilespmem:s25+$0xFFFFFD40] =	vst v10  }
0x332: {  	[tilespmem:s25+$0xFFFFFD50] =	vst v15;
	v10 =	vld [tilespmem:s28+$0xFFFFF830];
	v13 =	vadd.f32 v13, v6  }
0x333: {  	v14 =	vadd.f32 v14, v1;
	v15 =	vld [tilespmem:s28+$0xFFFFF840];
	[tilespmem:s25+$0xFFFFFD60] =	vst v9  }
0x334: {  	v9 =	vld [tilespmem:s28+$0xFFFFF850];
	[tilespmem:s25+$0xFFFFFD70] =	vst v13;
	v12 =	vadd.f32 v12, v11  }
0x335: {  	[tilespmem:s25+$0xFFFFFD10] =	vst v14;
	v13 =	vadd.f32 v57, v8;
	v14 =	vld [tilespmem:s28+$0xFFFFF860]  }
0x336: {  	v58 =	vld [tilespmem:s28+$0xFFFFF800];
	v16 =	vadd.f32 v16, v2;
	[tilespmem:s25+$0xFFFFFE80] =	vst v12  }
0x337: {  	[tilespmem:s25+$0xFFFFFDA0] =	vst v13;
	v10 =	vadd.f32 v10, v3;
	v12 =	vld [tilespmem:s28+$0x870]  }
0x338: {  	[tilespmem:s25+$0xFFFFFDB0] =	vst v16;
	v15 =	vadd.f32 v15, v4;
	v13 =	vld [tilespmem:s28+$0x10]  }
0x339: {  	v16 =	vld [tilespmem:s28+$0x20];
	v9 =	vadd.f32 v9, v5;
	[tilespmem:s25+$0xFFFFFDC0] =	vst v10  }
0x33a: {  	[tilespmem:s25+$0xFFFFFDD0] =	vst v15;
	v10 =	vld [tilespmem:s28+$0x30];
	v14 =	vadd.f32 v14, v6  }
0x33b: {  	v15 =	vadd.f32 v58, v1;
	v59 =	vld [tilespmem:s28+$0x40];
	[tilespmem:s25+$0xFFFFFDE0] =	vst v9  }
0x33c: {  	v9 =	vld [tilespmem:s28+$0x50];
	[tilespmem:s25+$0xFFFFFDF0] =	vst v14;
	v12 =	vadd.f32 v12, v11  }
0x33d: {  	[tilespmem:s25+$0xFFFFFD90] =	vst v15;
	v13 =	vadd.f32 v13, v8;
	v14 =	vld [tilespmem:s28+$0x60]  }
0x33e: {  	v15 =	vld [tilespmem:s28+$0x0];
	v16 =	vadd.f32 v16, v2;
	[tilespmem:s25+$0xFFFFFF00] =	vst v12  }
0x33f: {  	[tilespmem:s25+$0xFFFFFE20] =	vst v13;
	v10 =	vadd.f32 v10, v3;
	v12 =	vld [tilespmem:s28+$0x1070]  }
0x340: {  	[tilespmem:s25+$0xFFFFFE30] =	vst v16;
	v60 =	vadd.f32 v59, v4;
	v13 =	vld [tilespmem:s28+$0x810]  }
0x341: {  	v61 =	vld [tilespmem:s28+$0x820];
	v9 =	vadd.f32 v9, v5;
	[tilespmem:s25+$0xFFFFFE40] =	vst v10  }
0x342: {  	[tilespmem:s25+$0xFFFFFE50] =	vst v60;
	v10 =	vld [tilespmem:s28+$0x830];
	v14 =	vadd.f32 v14, v6  }
0x343: {  	v15 =	vadd.f32 v15, v1;
	v16 =	vld [tilespmem:s28+$0x840];
	[tilespmem:s25+$0xFFFFFE60] =	vst v9  }
0x344: {  	v9 =	vld [tilespmem:s28+$0x850];
	[tilespmem:s25+$0xFFFFFE70] =	vst v14;
	v12 =	vadd.f32 v12, v11  }
0x345: {  	[tilespmem:s25+$0xFFFFFE10] =	vst v15;
	v13 =	vadd.f32 v13, v8;
	v14 =	vld [tilespmem:s28+$0x860]  }
0x346: {  	v15 =	vld [tilespmem:s28+$0x800];
	v17 =	vadd.f32 v61, v2;
	[tilespmem:s25+$0xFFFFFF80] =	vst v12  }
0x347: {  	[tilespmem:s25+$0xFFFFFEA0] =	vst v13;
	v10 =	vadd.f32 v10, v3;
	v12 =	vld [tilespmem:s28+$0x1870]  }
0x348: {  	[tilespmem:s25+$0xFFFFFEB0] =	vst v17;
	v16 =	vadd.f32 v16, v4;
	v13 =	vld [tilespmem:s28+$0x1010]  }
0x349: {  	v17 =	vld [tilespmem:s28+$0x1020];
	v9 =	vadd.f32 v9, v5;
	[tilespmem:s25+$0xFFFFFEC0] =	vst v10  }
0x34a: {  	[tilespmem:s25+$0xFFFFFED0] =	vst v16;
	v10 =	vld [tilespmem:s28+$0x1030];
	v14 =	vadd.f32 v14, v6  }
0x34b: {  	v15 =	vadd.f32 v15, v1;
	v16 =	vld [tilespmem:s28+$0x1040];
	[tilespmem:s25+$0xFFFFFEE0] =	vst v9  }
0x34c: {  	v9 =	vld [tilespmem:s28+$0x1050];
	[tilespmem:s25+$0xFFFFFEF0] =	vst v14;
	v11 =	vadd.f32 v12, v11  }
0x34d: {  	[tilespmem:s25+$0xFFFFFE90] =	vst v15;
	v12 =	vadd.f32 v13, v8;
	v14 =	vld [tilespmem:s28+$0x1060]  }
0x34e: {  	v15 =	vld [tilespmem:s28+$0x1000];
	v13 =	vadd.f32 v17, v2;
	[tilespmem:s25+$0x0] =	vst v11  }
0x34f: {  	v62 =	vld [tilespmem:s26+$0x1800];
	[tilespmem:s25+$0xFFFFFF20] =	vst v12;
	v10 =	vadd.f32 v10, v3  }
0x350: {  	[tilespmem:s25+$0xFFFFFF30] =	vst v13;
	v11 =	vadd.f32 v16, v4;
	v63 =	vld [tilespmem:s28+$0x1810]  }
0x351: {  	v9 =	vadd.f32 v9, v5;
	v13 =	vld [tilespmem:s28+$0x1820];
	[tilespmem:s25+$0xFFFFFF40] =	vst v10  }
0x352: {  	[tilespmem:s25+$0xFFFFFF50] =	vst v11;
	v10 =	vld [tilespmem:s28+$0x1830];
	v14 =	vadd.f32 v14, v6  }
0x353: {  	v15 =	vadd.f32 v15, v1;
	[tilespmem:s25+$0xFFFFFF60] =	vst v9;
	v12 =	vld [tilespmem:s28+$0x1840]  }
0x354: {  	v11 =	vld [tilespmem:s28+$0x1850];
	[tilespmem:s25+$0xFFFFFF70] =	vst v14;
	v14 =	vadd.f32 v62, v7  }
0x355: {  	s2 =	simm.s32 $0x670;
	s0 =	simm.s32 $0x2C00;
	s26 =	simm.s32 $0x8;
	[tilespmem:s25+$0xFFFFFF10] =	vst v15;
	v7 =	vadd.f32 v63, v8;
	v9 =	vld [tilespmem:s28+$0x1860]  }
.LBB2_9:
0x356: {  	v8 =	vld [tilespmem:s2+$0x0];
	v2 =	vadd.f32 v13, v2;
	s28 =	sadd.s32 $0x200, s28;
	[tilespmem:s24+$0xFFFFFF90] =	vst v14;
	s24 =	smov.u32 s25  }
0x357: {  	s26 =	sadd.s32 $0x8, s26;
	v13 =	vld [tilespmem:s28+$0xFFFFE070];
	[tilespmem:s25+$0xFFFFFFA0] =	vst v7;
	v3 =	vadd.f32 v10, v3  }
0x358: {  	p0 =	slt.u32 s26, $0x18;
	v10 =	vld [tilespmem:s28+$0xFFFFE000];
	[tilespmem:s25+$0xFFFFFFB0] =	vst v2;
	v2 =	vadd.f32 v12, v4  }
0x359: {  	v7 =	vld [tilespmem:s2+$0xFFFFFFA0];
	[tilespmem:s25+$0xFFFFFFC0] =	vst v3;
	v3 =	vadd.f32 v11, v5  }
0x35a: {  	v4 =	vld [tilespmem:s28+$0xFFFFE010];
	[tilespmem:s25+$0xFFFFFFD0] =	vst v2;
	v5 =	vadd.f32 v9, v6  }
0x35b: {  	v2 =	vld [tilespmem:s2+$0xFFFFFFB0];
	[tilespmem:s25+$0xFFFFFFE0] =	vst v3  }
0x35c: {  	v6 =	vld [tilespmem:s28+$0xFFFFE020];
	v9 =	vadd.f32 v13, v8;
	[tilespmem:s25+$0xFFFFFFF0] =	vst v5  }
0x35d: {  	s25 =	sadd.s32 $0x400, s25;
	v3 =	vld [tilespmem:s2+$0xFFFFFFC0]  }
0x35e: {  	v11 =	vld [tilespmem:s28+$0xFFFFE030];
	[tilespmem:s25+$0xFFFFFC80] =	vst v9  }
0x35f: {  	v5 =	vadd.f32 v4, v7;
	v9 =	vld [tilespmem:s28+$0xFFFFE870]  }
0x360: {  	v4 =	vld [tilespmem:s2+$0xFFFFFFD0]  }
0x361: {  	[tilespmem:s25+$0xFFFFFC20] =	vst v5;
	v6 =	vadd.f32 v6, v2;
	v12 =	vld [tilespmem:s28+$0xFFFFE040]  }
0x362: {  	v5 =	vld [tilespmem:s2+$0xFFFFFFE0]  }
0x363: {  	[tilespmem:s25+$0xFFFFFC30] =	vst v6;
	v11 =	vadd.f32 v11, v3;
	v13 =	vld [tilespmem:s28+$0xFFFFE050]  }
0x364: {  	v6 =	vld [tilespmem:s2+$0xFFFFFFF0];
	v14 =	vadd.f32 v9, v8  }
0x365: {  	[tilespmem:s25+$0xFFFFFC40] =	vst v11;
	v11 =	vld [tilespmem:s28+$0xFFFFE060]  }
0x366: {  	v9 =	vld [tilespmem:s2+$0xFFFFFF90];
	v12 =	vadd.f32 v12, v4;
	[tilespmem:s25+$0xFFFFFD00] =	vst v14  }
0x367: {  	v14 =	vld [tilespmem:s28+$0xFFFFF070]  }
0x368: {  	v15 =	vld [tilespmem:s28+$0xFFFFE810];
	[tilespmem:s25+$0xFFFFFC50] =	vst v12;
	v12 =	vadd.f32 v13, v5  }
0x369: {  	v13 =	vld [tilespmem:s28+$0xFFFFE820]  }
0x36a: {  	v16 =	vld [tilespmem:s28+$0xFFFFE830];
	[tilespmem:s25+$0xFFFFFC60] =	vst v12;
	v11 =	vadd.f32 v11, v6  }
0x36b: {  	v10 =	vadd.f32 v10, v9;
	v12 =	vld [tilespmem:s28+$0xFFFFE840]  }
0x36c: {  	v17 =	vld [tilespmem:s28+$0xFFFFE850];
	[tilespmem:s25+$0xFFFFFC70] =	vst v11;
	v11 =	vadd.f32 v14, v8  }
0x36d: {  	[tilespmem:s25+$0xFFFFFC10] =	vst v10;
	v10 =	vadd.f32 v15, v7;
	v14 =	vld [tilespmem:s28+$0xFFFFE860]  }
0x36e: {  	v15 =	vld [tilespmem:s28+$0xFFFFE800];
	v13 =	vadd.f32 v13, v2;
	[tilespmem:s25+$0xFFFFFD80] =	vst v11  }
0x36f: {  	[tilespmem:s25+$0xFFFFFCA0] =	vst v10;
	v10 =	vadd.f32 v16, v3;
	v11 =	vld [tilespmem:s28+$0xFFFFF870]  }
0x370: {  	v16 =	vld [tilespmem:s28+$0xFFFFF010];
	[tilespmem:s25+$0xFFFFFCB0] =	vst v13;
	v12 =	vadd.f32 v12, v4  }
0x371: {  	v13 =	vld [tilespmem:s28+$0xFFFFF020];
	[tilespmem:s25+$0xFFFFFCC0] =	vst v10;
	v10 =	vadd.f32 v17, v5  }
0x372: {  	v17 =	vld [tilespmem:s28+$0xFFFFF030];
	[tilespmem:s25+$0xFFFFFCD0] =	vst v12;
	v12 =	vadd.f32 v14, v6  }
0x373: {  	v14 =	vadd.f32 v15, v9;
	v15 =	vld [tilespmem:s28+$0xFFFFF040];
	[tilespmem:s25+$0xFFFFFCE0] =	vst v10  }
0x374: {  	v10 =	vld [tilespmem:s28+$0xFFFFF050];
	[tilespmem:s25+$0xFFFFFCF0] =	vst v12;
	v11 =	vadd.f32 v11, v8  }
0x375: {  	[tilespmem:s25+$0xFFFFFC90] =	vst v14;
	v12 =	vadd.f32 v16, v7;
	v14 =	vld [tilespmem:s28+$0xFFFFF060]  }
0x376: {  	v16 =	vld [tilespmem:s28+$0xFFFFF000];
	v13 =	vadd.f32 v13, v2;
	[tilespmem:s25+$0xFFFFFE00] =	vst v11  }
0x377: {  	[tilespmem:s25+$0xFFFFFD20] =	vst v12;
	v11 =	vadd.f32 v17, v3;
	v12 =	vld [tilespmem:s28+$0x70]  }
0x378: {  	v17 =	vld [tilespmem:s28+$0xFFFFF810];
	[tilespmem:s25+$0xFFFFFD30] =	vst v13;
	v13 =	vadd.f32 v15, v4  }
0x379: {  	v15 =	vld [tilespmem:s28+$0xFFFFF820];
	[tilespmem:s25+$0xFFFFFD40] =	vst v11;
	v10 =	vadd.f32 v10, v5  }
0x37a: {  	v11 =	vld [tilespmem:s28+$0xFFFFF830];
	[tilespmem:s25+$0xFFFFFD50] =	vst v13;
	v13 =	vadd.f32 v14, v6  }
0x37b: {  	v14 =	vadd.f32 v16, v9;
	v16 =	vld [tilespmem:s28+$0xFFFFF840];
	[tilespmem:s25+$0xFFFFFD60] =	vst v10  }
0x37c: {  	v10 =	vld [tilespmem:s28+$0xFFFFF850];
	[tilespmem:s25+$0xFFFFFD70] =	vst v13;
	v12 =	vadd.f32 v12, v8  }
0x37d: {  	[tilespmem:s25+$0xFFFFFD10] =	vst v14;
	v13 =	vadd.f32 v17, v7;
	v14 =	vld [tilespmem:s28+$0xFFFFF860]  }
0x37e: {  	v17 =	vld [tilespmem:s28+$0xFFFFF800];
	v15 =	vadd.f32 v15, v2;
	[tilespmem:s25+$0xFFFFFE80] =	vst v12  }
0x37f: {  	[tilespmem:s25+$0xFFFFFDA0] =	vst v13;
	v11 =	vadd.f32 v11, v3;
	v12 =	vld [tilespmem:s28+$0x870]  }
0x380: {  	v13 =	vld [tilespmem:s28+$0x10];
	[tilespmem:s25+$0xFFFFFDB0] =	vst v15;
	v15 =	vadd.f32 v16, v4  }
0x381: {  	v16 =	vld [tilespmem:s28+$0x20];
	[tilespmem:s25+$0xFFFFFDC0] =	vst v11;
	v10 =	vadd.f32 v10, v5  }
0x382: {  	v11 =	vld [tilespmem:s28+$0x30];
	[tilespmem:s25+$0xFFFFFDD0] =	vst v15;
	v14 =	vadd.f32 v14, v6  }
0x383: {  	v15 =	vadd.f32 v17, v9;
	v17 =	vld [tilespmem:s28+$0x40];
	[tilespmem:s25+$0xFFFFFDE0] =	vst v10  }
0x384: {  	v10 =	vld [tilespmem:s28+$0x50];
	[tilespmem:s25+$0xFFFFFDF0] =	vst v14;
	v12 =	vadd.f32 v12, v8  }
0x385: {  	[tilespmem:s25+$0xFFFFFD90] =	vst v15;
	v13 =	vadd.f32 v13, v7;
	v14 =	vld [tilespmem:s28+$0x60]  }
0x386: {  	v15 =	vld [tilespmem:s28+$0x0];
	v16 =	vadd.f32 v16, v2;
	[tilespmem:s25+$0xFFFFFF00] =	vst v12  }
0x387: {  	[tilespmem:s25+$0xFFFFFE20] =	vst v13;
	v11 =	vadd.f32 v11, v3;
	v12 =	vld [tilespmem:s28+$0x1070]  }
0x388: {  	v13 =	vld [tilespmem:s28+$0x810];
	[tilespmem:s25+$0xFFFFFE30] =	vst v16;
	v16 =	vadd.f32 v17, v4  }
0x389: {  	v17 =	vld [tilespmem:s28+$0x820];
	[tilespmem:s25+$0xFFFFFE40] =	vst v11;
	v10 =	vadd.f32 v10, v5  }
0x38a: {  	v11 =	vld [tilespmem:s28+$0x830];
	[tilespmem:s25+$0xFFFFFE50] =	vst v16;
	v14 =	vadd.f32 v14, v6  }
0x38b: {  	v15 =	vadd.f32 v15, v9;
	v16 =	vld [tilespmem:s28+$0x840];
	[tilespmem:s25+$0xFFFFFE60] =	vst v10  }
0x38c: {  	v10 =	vld [tilespmem:s28+$0x850];
	[tilespmem:s25+$0xFFFFFE70] =	vst v14;
	v12 =	vadd.f32 v12, v8  }
0x38d: {  	[tilespmem:s25+$0xFFFFFE10] =	vst v15;
	v13 =	vadd.f32 v13, v7;
	v14 =	vld [tilespmem:s28+$0x860]  }
0x38e: {  	v15 =	vld [tilespmem:s28+$0x800];
	v17 =	vadd.f32 v17, v2;
	[tilespmem:s25+$0xFFFFFF80] =	vst v12  }
0x38f: {  	[tilespmem:s25+$0xFFFFFEA0] =	vst v13;
	v11 =	vadd.f32 v11, v3;
	v12 =	vld [tilespmem:s28+$0x1870]  }
0x390: {  	v13 =	vld [tilespmem:s28+$0x1010];
	[tilespmem:s25+$0xFFFFFEB0] =	vst v17;
	v16 =	vadd.f32 v16, v4  }
0x391: {  	v17 =	vld [tilespmem:s28+$0x1020];
	[tilespmem:s25+$0xFFFFFEC0] =	vst v11;
	v10 =	vadd.f32 v10, v5  }
0x392: {  	v11 =	vld [tilespmem:s28+$0x1030];
	[tilespmem:s25+$0xFFFFFED0] =	vst v16;
	v14 =	vadd.f32 v14, v6  }
0x393: {  	v15 =	vadd.f32 v15, v9;
	v16 =	vld [tilespmem:s28+$0x1040];
	[tilespmem:s25+$0xFFFFFEE0] =	vst v10  }
0x394: {  	v10 =	vld [tilespmem:s28+$0x1050];
	[tilespmem:s25+$0xFFFFFEF0] =	vst v14;
	v8 =	vadd.f32 v12, v8  }
0x395: {  	[tilespmem:s25+$0xFFFFFE90] =	vst v15;
	v12 =	vadd.f32 v13, v7;
	v14 =	vld [tilespmem:s28+$0x1060]  }
0x396: {  	v15 =	vld [tilespmem:s28+$0x1000];
	v13 =	vadd.f32 v17, v2;
	[tilespmem:s25+$0x0] =	vst v8  }
0x397: {  	[tilespmem:s25+$0xFFFFFF20] =	vst v12;
	v8 =	vadd.f32 v11, v3;
	v17 =	vld [tilespmem:s0+$0x1800];
	s0 =	smov.u32 s28  }
0x398: {  	v18 =	vld [tilespmem:s28+$0x1810];
	[tilespmem:s25+$0xFFFFFF30] =	vst v13;
	v11 =	vadd.f32 v16, v4  }
.Ltmp3:
0x399: {  	v13 =	vld [tilespmem:s28+$0x1820];
	[tilespmem:s25+$0xFFFFFF40] =	vst v8;
	v8 =	vadd.f32 v10, v5;
	(pc) =	sbr.rel @p0 .LBB2_9-.Ltmp3, $4  }
0x39a: {  	v10 =	vld [tilespmem:s28+$0x1830];
	[tilespmem:s25+$0xFFFFFF50] =	vst v11;
	v14 =	vadd.f32 v14, v6  }
0x39b: {  	v15 =	vadd.f32 v15, v9;
	v12 =	vld [tilespmem:s28+$0x1840];
	[tilespmem:s25+$0xFFFFFF60] =	vst v8  }
0x39c: {  	v11 =	vld [tilespmem:s28+$0x1850];
	[tilespmem:s25+$0xFFFFFF70] =	vst v14;
	v14 =	vadd.f32 v17, v1;
	v1 =	vmov v9  }
0x39d: {  	s2 =	sadd.s32 $0x200, s2;
	[tilespmem:s25+$0xFFFFFF10] =	vst v15;
	v7 =	vadd.f32 v18, v7;
	v9 =	vld [tilespmem:s28+$0x1860]  }
0x39e: {  	v2 =	vadd.f32 v13, v2;
	[tilespmem:s24+$0xFFFFFF90] =	vst v14;
	v8 =	vld [tilespmem:s0+$0x1800]  }
0x39f: {  	[tilespmem:s25+$0xFFFFFFA0] =	vst v7;
	v3 =	vadd.f32 v10, v3  }
0x3a0: {  	[tilespmem:s25+$0xFFFFFFB0] =	vst v2;
	v2 =	vadd.f32 v12, v4  }
0x3a1: {  	[tilespmem:s25+$0xFFFFFFC0] =	vst v3;
	v3 =	vadd.f32 v11, v5  }
0x3a2: {  	[tilespmem:s25+$0xFFFFFFD0] =	vst v2;
	v2 =	vadd.f32 v9, v6  }
0x3a3: {  	[tilespmem:s25+$0xFFFFFFE0] =	vst v3;
	v1 =	vadd.f32 v8, v1  }
0x3a4: {  	p0 =	seq.s32 s22, $0x7;
	[tilespmem:s25+$0xFFFFFFF0] =	vst v2  }
0x3a5: {  	s23 =	sshrl.u32 @!p0 s23, $0x2;
	[tilespmem:s25+$0xFFFFFF90] =	vst v1  }
0x3a6: {  	v1 =	vld.msk @!p0 [tilespmem:s23+$0x10], $0xff;
	_ =	sdelay $0x4  }
0x3a7: {  	v2 =	vlaneseq.u32 @!p0;
	v1 =	vshll.u32 @!p0 v1, $0xB  }
0x3a8: {  	v1 =	vperm.xlane @!p0 v1, v2;
	_ =	sdelay $0x4  }
0x3a9: {  	s24 =	sshll.u32 s22, $0xA;
	vm1 =	vmmov @!p0 $0xff;
	s0 =	simm.s32 @!p0 $0x0;
	s1 =	simm.s32 @!p0 $0x880  }
0x3aa: {  	[tilespmem:s1], [sflag:$0x1] =	stream.indirect_vreg.gather @!p0 [hbm4b:s3+s0], $0x800, v1, vm1, $0x38;
	[tilespmem:$0x10880] =	vst v63  }
0x3ab: {  	s26 =	sadd.s32 s24, s6  }
0x3ac: {  	[hbm4b:s26+s14] =	stream.strided.scatter [tilespmem:s16], [sflag:$0x3], $0x4000, s15, s14, $0x38;
	[tilespmem:$0x10880] =	vst v63  }
0x3ad: {  	_ =	swait.ge [sflag:s17], $0x4000  }
0x3ae: {  	[sflag:s17] =	ssyncset.done $0x0  }
0x3af: {  	s0 =	simm.s32 @!p1 $0x4;
	[sflag:s17] =	ssyncadd.s32 $0xFFFFC000  }
0x3b0: {  	_ =	swait.ge @!p1 [sflag:s0], $0x4000  }
0x3b1: {  	[sflag:s0] =	ssyncset.done @!p1 $0x0  }
0x3b2: {  	s1 =	simm.s32 $0xC0;
	[sflag:s0] =	ssyncadd.s32 @!p1 $0xFFFFC000  }
0x3b3: {  	s2 =	simm.s32 $0x6880;
	v2 =	vld [tilespmem:s1+$0x30]  }
0x3b4: {  	v3 =	vld [tilespmem:s2+$0xFFFFE070]  }
0x3b5: {  	v8 =	vld [tilespmem:s2+$0xFFFFE000]  }
0x3b6: {  	v10 =	vld [tilespmem:s1+$0xFFFFFFD0]  }
0x3b7: {  	v7 =	vld [tilespmem:s2+$0xFFFFE010]  }
0x3b8: {  	v9 =	vld [tilespmem:s1+$0xFFFFFFE0]  }
0x3b9: {  	v11 =	vld [tilespmem:s2+$0xFFFFE020]  }
0x3ba: {  	v4 =	vld [tilespmem:s1+$0xFFFFFFF0]  }
0x3bb: {  	v12 =	vld [tilespmem:s2+$0xFFFFE030]  }
0x3bc: {  	v5 =	vld [tilespmem:s1+$0x0]  }
0x3bd: {  	v13 =	vld [tilespmem:s2+$0xFFFFE040]  }
0x3be: {  	v1 =	vld [tilespmem:s1+$0x10]  }
0x3bf: {  	v14 =	vld [tilespmem:s2+$0xFFFFE050]  }
0x3c0: {  	v6 =	vld [tilespmem:s1+$0x20]  }
0x3c1: {  	s30 =	simm.s32 $0x6A80;
	v15 =	vld [tilespmem:s2+$0xFFFFE060]  }
0x3c2: {  	v20 =	vld [tilespmem:s30+$0xFFFFE000];
	v3 =	vadd.f32 v3, v2  }
0x3c3: {  	s28 =	simm.s32 $0xCA80;
	v21 =	vld [tilespmem:s30+$0xFFFFE010]  }
0x3c4: {  	v22 =	vld [tilespmem:s30+$0xFFFFE020];
	[tilespmem:s28+$0xFFFFFE70] =	vst v3;
	v3 =	vadd.f32 v7, v10  }
0x3c5: {  	v11 =	vadd.f32 v11, v9;
	v16 =	vld [tilespmem:s2+$0xFFFFE870]  }
0x3c6: {  	v7 =	vld [tilespmem:s1+$0xFFFFFFC0];
	[tilespmem:s28+$0xFFFFFE10] =	vst v3;
	v3 =	vadd.f32 v12, v4  }
0x3c7: {  	[tilespmem:s28+$0xFFFFFE20] =	vst v11;
	v11 =	vadd.f32 v13, v5;
	v12 =	vld [tilespmem:s2+$0xFFFFE810]  }
0x3c8: {  	v13 =	vld [tilespmem:s2+$0xFFFFE820];
	[tilespmem:s28+$0xFFFFFE30] =	vst v3;
	v3 =	vadd.f32 v14, v1  }
0x3c9: {  	[tilespmem:s28+$0xFFFFFE40] =	vst v11;
	v14 =	vadd.f32 v15, v6;
	v11 =	vld [tilespmem:s2+$0xFFFFE830]  }
0x3ca: {  	v15 =	vadd.f32 v16, v2;
	[tilespmem:s28+$0xFFFFFE50] =	vst v3;
	v3 =	vld [tilespmem:s2+$0xFFFFE840]  }
0x3cb: {  	v8 =	vadd.f32 v8, v7;
	[tilespmem:s28+$0xFFFFFE60] =	vst v14;
	v43 =	vld [tilespmem:s2+$0xFFFFE850]  }
0x3cc: {  	v14 =	vld [tilespmem:s2+$0xFFFFE860];
	[tilespmem:s28+$0xFFFFFEF0] =	vst v15;
	v12 =	vadd.f32 v12, v10  }
0x3cd: {  	[tilespmem:s28+$0xFFFFFE00] =	vst v8;
	v8 =	vadd.f32 v13, v9;
	v15 =	vld [tilespmem:s2+$0xFFFFF070]  }
0x3ce: {  	v13 =	vld [tilespmem:s2+$0xFFFFE800];
	[tilespmem:s28+$0xFFFFFE90] =	vst v12;
	v11 =	vadd.f32 v11, v4  }
0x3cf: {  	[tilespmem:s28+$0xFFFFFEA0] =	vst v8;
	v12 =	vld [tilespmem:s2+$0xFFFFF010];
	v3 =	vadd.f32 v3, v5  }
0x3d0: {  	v8 =	vld [tilespmem:s2+$0xFFFFF020];
	[tilespmem:s28+$0xFFFFFEB0] =	vst v11;
	v11 =	vadd.f32 v43, v1  }
0x3d1: {  	v44 =	vld [tilespmem:s2+$0xFFFFF030];
	[tilespmem:s28+$0xFFFFFEC0] =	vst v3;
	v3 =	vadd.f32 v14, v6  }
0x3d2: {  	v14 =	vadd.f32 v15, v2;
	v15 =	vld [tilespmem:s2+$0xFFFFF040];
	[tilespmem:s28+$0xFFFFFED0] =	vst v11  }
0x3d3: {  	v11 =	vadd.f32 v13, v7;
	v13 =	vld [tilespmem:s2+$0xFFFFF050];
	[tilespmem:s28+$0xFFFFFEE0] =	vst v3  }
0x3d4: {  	[tilespmem:s28+$0xFFFFFF70] =	vst v14;
	v3 =	vadd.f32 v12, v10;
	v12 =	vld [tilespmem:s2+$0xFFFFF060]  }
0x3d5: {  	v8 =	vadd.f32 v8, v9;
	[tilespmem:s28+$0xFFFFFE80] =	vst v11;
	v14 =	vld [tilespmem:s2+$0xFFFFF870]  }
0x3d6: {  	v11 =	vld [tilespmem:s2+$0xFFFFF000];
	[tilespmem:s28+$0xFFFFFF10] =	vst v3;
	v3 =	vadd.f32 v44, v4  }
0x3d7: {  	[tilespmem:s28+$0xFFFFFF20] =	vst v8;
	v45 =	vld [tilespmem:s2+$0xFFFFF810];
	v8 =	vadd.f32 v15, v5  }
0x3d8: {  	v15 =	vld [tilespmem:s2+$0xFFFFF820];
	[tilespmem:s28+$0xFFFFFF30] =	vst v3;
	v3 =	vadd.f32 v13, v1  }
0x3d9: {  	v13 =	vld [tilespmem:s2+$0xFFFFF830];
	[tilespmem:s28+$0xFFFFFF40] =	vst v8;
	v8 =	vadd.f32 v12, v6  }
0x3da: {  	v12 =	vadd.f32 v14, v2;
	v14 =	vld [tilespmem:s2+$0xFFFFF840];
	[tilespmem:s28+$0xFFFFFF50] =	vst v3  }
0x3db: {  	v3 =	vadd.f32 v11, v7;
	v11 =	vld [tilespmem:s2+$0xFFFFF850];
	[tilespmem:s28+$0xFFFFFF60] =	vst v8  }
0x3dc: {  	[tilespmem:s28+$0xFFFFFFF0] =	vst v12;
	v8 =	vadd.f32 v45, v10;
	v12 =	vld [tilespmem:s2+$0xFFFFF860]  }
0x3dd: {  	[tilespmem:s28+$0xFFFFFF00] =	vst v3;
	v3 =	vadd.f32 v15, v9;
	v46 =	vld [tilespmem:s2+$0x70]  }
0x3de: {  	v15 =	vld [tilespmem:s2+$0xFFFFF800];
	[tilespmem:s28+$0xFFFFFF90] =	vst v8;
	v8 =	vadd.f32 v13, v4  }
0x3df: {  	[tilespmem:s28+$0xFFFFFFA0] =	vst v3;
	v13 =	vld [tilespmem:s2+$0x10];
	v3 =	vadd.f32 v14, v5  }
0x3e0: {  	v14 =	vld [tilespmem:s2+$0x20];
	[tilespmem:s28+$0xFFFFFFB0] =	vst v8;
	v8 =	vadd.f32 v11, v1  }
0x3e1: {  	v11 =	vld [tilespmem:s2+$0x30];
	[tilespmem:s28+$0xFFFFFFC0] =	vst v3;
	v3 =	vadd.f32 v12, v6  }
0x3e2: {  	v12 =	vadd.f32 v46, v2;
	v47 =	vld [tilespmem:s2+$0x40];
	[tilespmem:s28+$0xFFFFFFD0] =	vst v8  }
0x3e3: {  	v8 =	vadd.f32 v15, v7;
	v15 =	vld [tilespmem:s2+$0x50];
	[tilespmem:s28+$0xFFFFFFE0] =	vst v3  }
0x3e4: {  	[tilespmem:s28+$0x70] =	vst v12;
	v3 =	vadd.f32 v13, v10;
	v12 =	vld [tilespmem:s2+$0x60]  }
0x3e5: {  	[tilespmem:s28+$0xFFFFFF80] =	vst v8;
	v8 =	vadd.f32 v14, v9;
	v13 =	vld [tilespmem:s2+$0x870]  }
0x3e6: {  	v14 =	vld [tilespmem:s2+$0x0];
	[tilespmem:s28+$0x10] =	vst v3;
	v3 =	vadd.f32 v11, v4  }
0x3e7: {  	[tilespmem:s28+$0x20] =	vst v8;
	v11 =	vld [tilespmem:s2+$0x810];
	v8 =	vadd.f32 v47, v5  }
0x3e8: {  	v48 =	vld [tilespmem:s2+$0x820];
	[tilespmem:s28+$0x30] =	vst v3;
	v3 =	vadd.f32 v15, v1  }
0x3e9: {  	v15 =	vld [tilespmem:s2+$0x830];
	[tilespmem:s28+$0x40] =	vst v8;
	v8 =	vadd.f32 v12, v6  }
0x3ea: {  	v12 =	vadd.f32 v13, v2;
	v13 =	vld [tilespmem:s2+$0x840];
	[tilespmem:s28+$0x50] =	vst v3  }
0x3eb: {  	v3 =	vadd.f32 v14, v7;
	v14 =	vld [tilespmem:s2+$0x850];
	[tilespmem:s28+$0x60] =	vst v8  }
0x3ec: {  	[tilespmem:s28+$0xF0] =	vst v12;
	v8 =	vadd.f32 v11, v10;
	v11 =	vld [tilespmem:s2+$0x860]  }
0x3ed: {  	[tilespmem:s28+$0x0] =	vst v3;
	v3 =	vadd.f32 v48, v9;
	v12 =	vld [tilespmem:s2+$0x1070]  }
0x3ee: {  	v49 =	vld [tilespmem:s2+$0x800];
	[tilespmem:s28+$0x90] =	vst v8;
	v8 =	vadd.f32 v15, v4  }
0x3ef: {  	[tilespmem:s28+$0xA0] =	vst v3;
	v15 =	vld [tilespmem:s2+$0x1010];
	v3 =	vadd.f32 v13, v5  }
0x3f0: {  	v13 =	vld [tilespmem:s2+$0x1020];
	[tilespmem:s28+$0xB0] =	vst v8;
	v8 =	vadd.f32 v14, v1  }
0x3f1: {  	v14 =	vld [tilespmem:s2+$0x1030];
	[tilespmem:s28+$0xC0] =	vst v3;
	v3 =	vadd.f32 v11, v6  }
0x3f2: {  	v11 =	vadd.f32 v12, v2;
	v12 =	vld [tilespmem:s2+$0x1040];
	[tilespmem:s28+$0xD0] =	vst v8  }
0x3f3: {  	v8 =	vadd.f32 v49, v7;
	v50 =	vld [tilespmem:s2+$0x1050];
	[tilespmem:s28+$0xE0] =	vst v3  }
0x3f4: {  	[tilespmem:s28+$0x170] =	vst v11;
	v3 =	vadd.f32 v15, v10;
	v11 =	vld [tilespmem:s2+$0x1060]  }
0x3f5: {  	[tilespmem:s28+$0x80] =	vst v8;
	v8 =	vadd.f32 v13, v9;
	v15 =	vld [tilespmem:s2+$0x1870]  }
0x3f6: {  	v13 =	vld [tilespmem:s2+$0x1000];
	[tilespmem:s28+$0x110] =	vst v3;
	v3 =	vadd.f32 v14, v4  }
0x3f7: {  	[tilespmem:s28+$0x120] =	vst v8;
	v14 =	vld [tilespmem:s2+$0x1810]  }
0x3f8: {  	v8 =	vadd.f32 v12, v5;
	v12 =	vld [tilespmem:s2+$0x1820];
	[tilespmem:s28+$0x130] =	vst v3  }
0x3f9: {  	s26 =	simm.s32 $0x2C0;
	v3 =	vadd.f32 v50, v1;
	v51 =	vld [tilespmem:s2+$0x1830]  }
0x3fa: {  	[tilespmem:s28+$0x140] =	vst v8;
	v8 =	vadd.f32 v11, v6;
	v11 =	vld [tilespmem:s26+$0x30]  }
0x3fb: {  	[tilespmem:s28+$0x150] =	vst v3;
	v3 =	vld [tilespmem:s30+$0xFFFFE070]  }
0x3fc: {  	v17 =	vld [tilespmem:s2+$0x1840]  }
0x3fd: {  	v15 =	vadd.f32 v15, v2;
	v2 =	vld [tilespmem:s26+$0xFFFFFFE0]  }
0x3fe: {  	v18 =	vld [tilespmem:s2+$0x1850]  }
0x3ff: {  	v13 =	vadd.f32 v13, v7;
	[tilespmem:s28+$0x160] =	vst v8;
	v8 =	vld [tilespmem:s26+$0xFFFFFFD0]  }
0x400: {  	v19 =	vld [tilespmem:s2+$0x1860];
	v23 =	vadd.f32 v3, v11  }
0x401: {  	s29 =	simm.s32 $0xCE80;
	v10 =	vadd.f32 v14, v10;
	v14 =	vld [tilespmem:s30+$0xFFFFE030];
	[tilespmem:s28+$0x100] =	vst v13  }
0x402: {  	v13 =	vld [tilespmem:s30+$0xFFFFE040];
	[tilespmem:s29+$0xFFFFFE70] =	vst v23  }
0x403: {  	[tilespmem:s28+$0x1F0] =	vst v15;
	v9 =	vadd.f32 v12, v9;
	v12 =	vld [tilespmem:s30+$0xFFFFE870]  }
0x404: {  	v15 =	vld [tilespmem:s30+$0xFFFFE060];
	[tilespmem:s28+$0x190] =	vst v10;
	v10 =	vadd.f32 v51, v4  }
0x405: {  	v4 =	vld [tilespmem:s26+$0x0];
	[tilespmem:s28+$0x1A0] =	vst v9;
	v9 =	vadd.f32 v17, v5  }
0x406: {  	v3 =	vld [tilespmem:s26+$0xFFFFFFF0];
	[tilespmem:s28+$0x1B0] =	vst v10;
	v1 =	vadd.f32 v18, v1  }
0x407: {  	v5 =	vld [tilespmem:s26+$0x10];
	[tilespmem:s28+$0x1C0] =	vst v9;
	v9 =	vadd.f32 v19, v6  }
0x408: {  	v10 =	vld [tilespmem:s30+$0xFFFFE050];
	[tilespmem:s28+$0x1D0] =	vst v1;
	v12 =	vadd.f32 v12, v11  }
0x409: {  	v6 =	vld [tilespmem:s26+$0x20];
	[tilespmem:s28+$0x1E0] =	vst v9;
	v9 =	vadd.f32 v21, v8  }
0x40a: {  	v52 =	vadd.f32 v22, v2;
	v1 =	vld [tilespmem:s26+$0xFFFFFFC0];
	[tilespmem:s29+$0xFFFFFEF0] =	vst v12  }
0x40b: {  	[tilespmem:s29+$0xFFFFFE10] =	vst v9;
	v9 =	vadd.f32 v14, v3;
	v12 =	vld [tilespmem:s30+$0xFFFFF070]  }
0x40c: {  	[tilespmem:s29+$0xFFFFFE20] =	vst v52;
	v13 =	vadd.f32 v13, v4;
	v14 =	vld [tilespmem:s30+$0xFFFFE810]  }
0x40d: {  	[tilespmem:s29+$0xFFFFFE30] =	vst v9;
	v9 =	vadd.f32 v10, v5;
	v10 =	vld [tilespmem:s30+$0xFFFFE820]  }
0x40e: {  	[tilespmem:s29+$0xFFFFFE40] =	vst v13;
	v15 =	vadd.f32 v15, v6;
	v13 =	vld [tilespmem:s30+$0xFFFFE830]  }
0x40f: {  	v53 =	vld [tilespmem:s30+$0xFFFFE840];
	[tilespmem:s29+$0xFFFFFE50] =	vst v9;
	v9 =	vadd.f32 v20, v1  }
0x410: {  	[tilespmem:s29+$0xFFFFFE60] =	vst v15;
	v54 =	vld [tilespmem:s30+$0xFFFFE850];
	v12 =	vadd.f32 v12, v11  }
0x411: {  	[tilespmem:s29+$0xFFFFFE00] =	vst v9;
	v9 =	vadd.f32 v14, v8;
	v14 =	vld [tilespmem:s30+$0xFFFFE860]  }
0x412: {  	v15 =	vld [tilespmem:s30+$0xFFFFE800];
	v10 =	vadd.f32 v10, v2;
	[tilespmem:s29+$0xFFFFFF70] =	vst v12  }
0x413: {  	[tilespmem:s29+$0xFFFFFE90] =	vst v9;
	v9 =	vadd.f32 v13, v3;
	v12 =	vld [tilespmem:s30+$0xFFFFF870]  }
0x414: {  	v13 =	vld [tilespmem:s30+$0xFFFFF010];
	[tilespmem:s29+$0xFFFFFEA0] =	vst v10;
	v10 =	vadd.f32 v53, v4  }
0x415: {  	v55 =	vld [tilespmem:s30+$0xFFFFF020];
	[tilespmem:s29+$0xFFFFFEB0] =	vst v9;
	v9 =	vadd.f32 v54, v5  }
0x416: {  	v56 =	vld [tilespmem:s30+$0xFFFFF030];
	[tilespmem:s29+$0xFFFFFEC0] =	vst v10;
	v10 =	vadd.f32 v14, v6  }
0x417: {  	v14 =	vadd.f32 v15, v1;
	v15 =	vld [tilespmem:s30+$0xFFFFF040];
	[tilespmem:s29+$0xFFFFFED0] =	vst v9  }
0x418: {  	v9 =	vld [tilespmem:s30+$0xFFFFF050];
	[tilespmem:s29+$0xFFFFFEE0] =	vst v10;
	v10 =	vadd.f32 v12, v11  }
0x419: {  	[tilespmem:s29+$0xFFFFFE80] =	vst v14;
	v12 =	vadd.f32 v13, v8;
	v13 =	vld [tilespmem:s30+$0xFFFFF060]  }
0x41a: {  	v14 =	vld [tilespmem:s30+$0xFFFFF000];
	v16 =	vadd.f32 v55, v2;
	[tilespmem:s29+$0xFFFFFFF0] =	vst v10  }
0x41b: {  	[tilespmem:s29+$0xFFFFFF10] =	vst v12;
	v10 =	vadd.f32 v56, v3;
	v12 =	vld [tilespmem:s30+$0x70]  }
0x41c: {  	[tilespmem:s29+$0xFFFFFF20] =	vst v16;
	v15 =	vadd.f32 v15, v4;
	v57 =	vld [tilespmem:s30+$0xFFFFF810]  }
0x41d: {  	v16 =	vld [tilespmem:s30+$0xFFFFF820];
	v9 =	vadd.f32 v9, v5;
	[tilespmem:s29+$0xFFFFFF30] =	vst v10  }
0x41e: {  	[tilespmem:s29+$0xFFFFFF40] =	vst v15;
	v10 =	vld [tilespmem:s30+$0xFFFFF830];
	v13 =	vadd.f32 v13, v6  }
0x41f: {  	v14 =	vadd.f32 v14, v1;
	v15 =	vld [tilespmem:s30+$0xFFFFF840];
	[tilespmem:s29+$0xFFFFFF50] =	vst v9  }
0x420: {  	v9 =	vld [tilespmem:s30+$0xFFFFF850];
	[tilespmem:s29+$0xFFFFFF60] =	vst v13;
	v12 =	vadd.f32 v12, v11  }
0x421: {  	[tilespmem:s29+$0xFFFFFF00] =	vst v14;
	v13 =	vadd.f32 v57, v8;
	v14 =	vld [tilespmem:s30+$0xFFFFF860]  }
0x422: {  	v58 =	vld [tilespmem:s30+$0xFFFFF800];
	v16 =	vadd.f32 v16, v2;
	[tilespmem:s29+$0x70] =	vst v12  }
0x423: {  	[tilespmem:s29+$0xFFFFFF90] =	vst v13;
	v10 =	vadd.f32 v10, v3;
	v12 =	vld [tilespmem:s30+$0x870]  }
0x424: {  	[tilespmem:s29+$0xFFFFFFA0] =	vst v16;
	v15 =	vadd.f32 v15, v4;
	v13 =	vld [tilespmem:s30+$0x10]  }
0x425: {  	v16 =	vld [tilespmem:s30+$0x20];
	v9 =	vadd.f32 v9, v5;
	[tilespmem:s29+$0xFFFFFFB0] =	vst v10  }
0x426: {  	[tilespmem:s29+$0xFFFFFFC0] =	vst v15;
	v10 =	vld [tilespmem:s30+$0x30];
	v14 =	vadd.f32 v14, v6  }
0x427: {  	v15 =	vadd.f32 v58, v1;
	v59 =	vld [tilespmem:s30+$0x40];
	[tilespmem:s29+$0xFFFFFFD0] =	vst v9  }
0x428: {  	v9 =	vld [tilespmem:s30+$0x50];
	[tilespmem:s29+$0xFFFFFFE0] =	vst v14;
	v12 =	vadd.f32 v12, v11  }
0x429: {  	[tilespmem:s29+$0xFFFFFF80] =	vst v15;
	v13 =	vadd.f32 v13, v8;
	v14 =	vld [tilespmem:s30+$0x60]  }
0x42a: {  	v15 =	vld [tilespmem:s30+$0x0];
	v16 =	vadd.f32 v16, v2;
	[tilespmem:s29+$0xF0] =	vst v12  }
0x42b: {  	[tilespmem:s29+$0x10] =	vst v13;
	v10 =	vadd.f32 v10, v3;
	v12 =	vld [tilespmem:s30+$0x1070]  }
0x42c: {  	[tilespmem:s29+$0x20] =	vst v16;
	v60 =	vadd.f32 v59, v4;
	v13 =	vld [tilespmem:s30+$0x810]  }
0x42d: {  	v61 =	vld [tilespmem:s30+$0x820];
	v9 =	vadd.f32 v9, v5;
	[tilespmem:s29+$0x30] =	vst v10  }
0x42e: {  	[tilespmem:s29+$0x40] =	vst v60;
	v10 =	vld [tilespmem:s30+$0x830];
	v14 =	vadd.f32 v14, v6  }
0x42f: {  	v15 =	vadd.f32 v15, v1;
	v16 =	vld [tilespmem:s30+$0x840];
	[tilespmem:s29+$0x50] =	vst v9  }
0x430: {  	v9 =	vld [tilespmem:s30+$0x850];
	[tilespmem:s29+$0x60] =	vst v14;
	v12 =	vadd.f32 v12, v11  }
0x431: {  	[tilespmem:s29+$0x0] =	vst v15;
	v13 =	vadd.f32 v13, v8;
	v14 =	vld [tilespmem:s30+$0x860]  }
0x432: {  	v15 =	vld [tilespmem:s30+$0x800];
	v17 =	vadd.f32 v61, v2;
	[tilespmem:s29+$0x170] =	vst v12  }
0x433: {  	[tilespmem:s29+$0x90] =	vst v13;
	v10 =	vadd.f32 v10, v3;
	v12 =	vld [tilespmem:s30+$0x1870]  }
0x434: {  	[tilespmem:s29+$0xA0] =	vst v17;
	v16 =	vadd.f32 v16, v4;
	v13 =	vld [tilespmem:s30+$0x1010]  }
0x435: {  	v17 =	vld [tilespmem:s30+$0x1020];
	v9 =	vadd.f32 v9, v5;
	[tilespmem:s29+$0xB0] =	vst v10  }
0x436: {  	[tilespmem:s29+$0xC0] =	vst v16;
	v10 =	vld [tilespmem:s30+$0x1030];
	v14 =	vadd.f32 v14, v6  }
0x437: {  	v15 =	vadd.f32 v15, v1;
	v16 =	vld [tilespmem:s30+$0x1040];
	[tilespmem:s29+$0xD0] =	vst v9  }
0x438: {  	v9 =	vld [tilespmem:s30+$0x1050];
	[tilespmem:s29+$0xE0] =	vst v14;
	v11 =	vadd.f32 v12, v11  }
0x439: {  	[tilespmem:s29+$0x80] =	vst v15;
	v12 =	vadd.f32 v13, v8;
	v14 =	vld [tilespmem:s30+$0x1060]  }
0x43a: {  	v15 =	vld [tilespmem:s30+$0x1000];
	v13 =	vadd.f32 v17, v2;
	[tilespmem:s29+$0x1F0] =	vst v11  }
0x43b: {  	v62 =	vld [tilespmem:s2+$0x1800];
	[tilespmem:s29+$0x110] =	vst v12;
	v10 =	vadd.f32 v10, v3  }
0x43c: {  	[tilespmem:s29+$0x120] =	vst v13;
	v11 =	vadd.f32 v16, v4;
	v63 =	vld [tilespmem:s30+$0x1810]  }
0x43d: {  	v9 =	vadd.f32 v9, v5;
	v13 =	vld [tilespmem:s30+$0x1820];
	[tilespmem:s29+$0x130] =	vst v10  }
0x43e: {  	[tilespmem:s29+$0x140] =	vst v11;
	v10 =	vld [tilespmem:s30+$0x1830];
	v14 =	vadd.f32 v14, v6  }
0x43f: {  	v15 =	vadd.f32 v15, v1;
	[tilespmem:s29+$0x150] =	vst v9;
	v11 =	vld [tilespmem:s30+$0x1840]  }
0x440: {  	s31 =	simm.s32 $0x8;
	s25 =	simm.s32 $0xDC70;
	v12 =	vld [tilespmem:s30+$0x1850];
	[tilespmem:s29+$0x160] =	vst v14;
	v14 =	vadd.f32 v62, v7  }
0x441: {  	s0 =	simm.s32 $0x6A80;
	s2 =	simm.s32 $0x4C0;
	s26 =	simm.s32 $0x6900;
	[tilespmem:s29+$0x100] =	vst v15;
	v7 =	vadd.f32 v63, v8;
	v9 =	vld [tilespmem:s30+$0x1860]  }
.LBB2_11:
0x442: {  	v8 =	vld [tilespmem:s2+$0x30];
	v2 =	vadd.f32 v13, v2;
	s30 =	sadd.s32 $0x200, s30;
	[tilespmem:s28+$0x180] =	vst v14;
	s28 =	smov.u32 s29  }
0x443: {  	s31 =	sadd.s32 $0x8, s31;
	v13 =	vld [tilespmem:s30+$0xFFFFE070];
	[tilespmem:s29+$0x190] =	vst v7;
	v3 =	vadd.f32 v10, v3  }
0x444: {  	p1 =	slt.u32 s31, $0x18;
	v10 =	vld [tilespmem:s30+$0xFFFFE000];
	[tilespmem:s29+$0x1A0] =	vst v2;
	v2 =	vadd.f32 v11, v4  }
0x445: {  	v7 =	vld [tilespmem:s2+$0xFFFFFFD0];
	[tilespmem:s29+$0x1B0] =	vst v3;
	v3 =	vadd.f32 v12, v5  }
0x446: {  	v4 =	vld [tilespmem:s30+$0xFFFFE010];
	[tilespmem:s29+$0x1C0] =	vst v2;
	v5 =	vadd.f32 v9, v6  }
0x447: {  	v2 =	vld [tilespmem:s2+$0xFFFFFFE0];
	[tilespmem:s29+$0x1D0] =	vst v3  }
0x448: {  	v6 =	vld [tilespmem:s30+$0xFFFFE020];
	v9 =	vadd.f32 v13, v8;
	[tilespmem:s29+$0x1E0] =	vst v5  }
0x449: {  	s29 =	sadd.s32 $0x400, s29;
	v3 =	vld [tilespmem:s2+$0xFFFFFFF0]  }
0x44a: {  	v11 =	vld [tilespmem:s30+$0xFFFFE030];
	[tilespmem:s29+$0xFFFFFE70] =	vst v9  }
0x44b: {  	v5 =	vadd.f32 v4, v7;
	v9 =	vld [tilespmem:s30+$0xFFFFE870]  }
0x44c: {  	v4 =	vld [tilespmem:s2+$0x0]  }
0x44d: {  	[tilespmem:s29+$0xFFFFFE10] =	vst v5;
	v6 =	vadd.f32 v6, v2;
	v12 =	vld [tilespmem:s30+$0xFFFFE040]  }
0x44e: {  	v5 =	vld [tilespmem:s2+$0x10]  }
0x44f: {  	[tilespmem:s29+$0xFFFFFE20] =	vst v6;
	v11 =	vadd.f32 v11, v3;
	v13 =	vld [tilespmem:s30+$0xFFFFE050]  }
0x450: {  	v6 =	vld [tilespmem:s2+$0x20];
	v14 =	vadd.f32 v9, v8  }
0x451: {  	[tilespmem:s29+$0xFFFFFE30] =	vst v11;
	v11 =	vld [tilespmem:s30+$0xFFFFE060]  }
0x452: {  	v9 =	vld [tilespmem:s2+$0xFFFFFFC0];
	v12 =	vadd.f32 v12, v4;
	[tilespmem:s29+$0xFFFFFEF0] =	vst v14  }
0x453: {  	v14 =	vld [tilespmem:s30+$0xFFFFF070]  }
0x454: {  	v15 =	vld [tilespmem:s30+$0xFFFFE810];
	[tilespmem:s29+$0xFFFFFE40] =	vst v12;
	v12 =	vadd.f32 v13, v5  }
0x455: {  	v13 =	vld [tilespmem:s30+$0xFFFFE820]  }
0x456: {  	v16 =	vld [tilespmem:s30+$0xFFFFE830];
	[tilespmem:s29+$0xFFFFFE50] =	vst v12;
	v11 =	vadd.f32 v11, v6  }
0x457: {  	v10 =	vadd.f32 v10, v9;
	v12 =	vld [tilespmem:s30+$0xFFFFE840]  }
0x458: {  	v17 =	vld [tilespmem:s30+$0xFFFFE850];
	[tilespmem:s29+$0xFFFFFE60] =	vst v11;
	v11 =	vadd.f32 v14, v8  }
0x459: {  	[tilespmem:s29+$0xFFFFFE00] =	vst v10;
	v10 =	vadd.f32 v15, v7;
	v14 =	vld [tilespmem:s30+$0xFFFFE860]  }
0x45a: {  	v15 =	vld [tilespmem:s30+$0xFFFFE800];
	v13 =	vadd.f32 v13, v2;
	[tilespmem:s29+$0xFFFFFF70] =	vst v11  }
0x45b: {  	[tilespmem:s29+$0xFFFFFE90] =	vst v10;
	v10 =	vadd.f32 v16, v3;
	v11 =	vld [tilespmem:s30+$0xFFFFF870]  }
0x45c: {  	v16 =	vld [tilespmem:s30+$0xFFFFF010];
	[tilespmem:s29+$0xFFFFFEA0] =	vst v13;
	v12 =	vadd.f32 v12, v4  }
0x45d: {  	v13 =	vld [tilespmem:s30+$0xFFFFF020];
	[tilespmem:s29+$0xFFFFFEB0] =	vst v10;
	v10 =	vadd.f32 v17, v5  }
0x45e: {  	v17 =	vld [tilespmem:s30+$0xFFFFF030];
	[tilespmem:s29+$0xFFFFFEC0] =	vst v12;
	v12 =	vadd.f32 v14, v6  }
0x45f: {  	v14 =	vadd.f32 v15, v9;
	v15 =	vld [tilespmem:s30+$0xFFFFF040];
	[tilespmem:s29+$0xFFFFFED0] =	vst v10  }
0x460: {  	v10 =	vld [tilespmem:s30+$0xFFFFF050];
	[tilespmem:s29+$0xFFFFFEE0] =	vst v12;
	v11 =	vadd.f32 v11, v8  }
0x461: {  	[tilespmem:s29+$0xFFFFFE80] =	vst v14;
	v12 =	vadd.f32 v16, v7;
	v14 =	vld [tilespmem:s30+$0xFFFFF060]  }
0x462: {  	v16 =	vld [tilespmem:s30+$0xFFFFF000];
	v13 =	vadd.f32 v13, v2;
	[tilespmem:s29+$0xFFFFFFF0] =	vst v11  }
0x463: {  	[tilespmem:s29+$0xFFFFFF10] =	vst v12;
	v11 =	vadd.f32 v17, v3;
	v12 =	vld [tilespmem:s30+$0x70]  }
0x464: {  	v17 =	vld [tilespmem:s30+$0xFFFFF810];
	[tilespmem:s29+$0xFFFFFF20] =	vst v13;
	v13 =	vadd.f32 v15, v4  }
0x465: {  	v15 =	vld [tilespmem:s30+$0xFFFFF820];
	[tilespmem:s29+$0xFFFFFF30] =	vst v11;
	v10 =	vadd.f32 v10, v5  }
0x466: {  	v11 =	vld [tilespmem:s30+$0xFFFFF830];
	[tilespmem:s29+$0xFFFFFF40] =	vst v13;
	v13 =	vadd.f32 v14, v6  }
0x467: {  	v14 =	vadd.f32 v16, v9;
	v16 =	vld [tilespmem:s30+$0xFFFFF840];
	[tilespmem:s29+$0xFFFFFF50] =	vst v10  }
0x468: {  	v10 =	vld [tilespmem:s30+$0xFFFFF850];
	[tilespmem:s29+$0xFFFFFF60] =	vst v13;
	v12 =	vadd.f32 v12, v8  }
0x469: {  	[tilespmem:s29+$0xFFFFFF00] =	vst v14;
	v13 =	vadd.f32 v17, v7;
	v14 =	vld [tilespmem:s30+$0xFFFFF860]  }
0x46a: {  	v17 =	vld [tilespmem:s30+$0xFFFFF800];
	v15 =	vadd.f32 v15, v2;
	[tilespmem:s29+$0x70] =	vst v12  }
0x46b: {  	[tilespmem:s29+$0xFFFFFF90] =	vst v13;
	v11 =	vadd.f32 v11, v3;
	v12 =	vld [tilespmem:s30+$0x870]  }
0x46c: {  	v13 =	vld [tilespmem:s30+$0x10];
	[tilespmem:s29+$0xFFFFFFA0] =	vst v15;
	v15 =	vadd.f32 v16, v4  }
0x46d: {  	v16 =	vld [tilespmem:s30+$0x20];
	[tilespmem:s29+$0xFFFFFFB0] =	vst v11;
	v10 =	vadd.f32 v10, v5  }
0x46e: {  	v11 =	vld [tilespmem:s30+$0x30];
	[tilespmem:s29+$0xFFFFFFC0] =	vst v15;
	v14 =	vadd.f32 v14, v6  }
0x46f: {  	v15 =	vadd.f32 v17, v9;
	v17 =	vld [tilespmem:s30+$0x40];
	[tilespmem:s29+$0xFFFFFFD0] =	vst v10  }
0x470: {  	v10 =	vld [tilespmem:s30+$0x50];
	[tilespmem:s29+$0xFFFFFFE0] =	vst v14;
	v12 =	vadd.f32 v12, v8  }
0x471: {  	[tilespmem:s29+$0xFFFFFF80] =	vst v15;
	v13 =	vadd.f32 v13, v7;
	v14 =	vld [tilespmem:s30+$0x60]  }
0x472: {  	v15 =	vld [tilespmem:s30+$0x0];
	v16 =	vadd.f32 v16, v2;
	[tilespmem:s29+$0xF0] =	vst v12  }
0x473: {  	[tilespmem:s29+$0x10] =	vst v13;
	v11 =	vadd.f32 v11, v3;
	v12 =	vld [tilespmem:s30+$0x1070]  }
0x474: {  	v13 =	vld [tilespmem:s30+$0x810];
	[tilespmem:s29+$0x20] =	vst v16;
	v16 =	vadd.f32 v17, v4  }
0x475: {  	v17 =	vld [tilespmem:s30+$0x820];
	[tilespmem:s29+$0x30] =	vst v11;
	v10 =	vadd.f32 v10, v5  }
0x476: {  	v11 =	vld [tilespmem:s30+$0x830];
	[tilespmem:s29+$0x40] =	vst v16;
	v14 =	vadd.f32 v14, v6  }
0x477: {  	v15 =	vadd.f32 v15, v9;
	v16 =	vld [tilespmem:s30+$0x840];
	[tilespmem:s29+$0x50] =	vst v10  }
0x478: {  	v10 =	vld [tilespmem:s30+$0x850];
	[tilespmem:s29+$0x60] =	vst v14;
	v12 =	vadd.f32 v12, v8  }
0x479: {  	[tilespmem:s29+$0x0] =	vst v15;
	v13 =	vadd.f32 v13, v7;
	v14 =	vld [tilespmem:s30+$0x860]  }
0x47a: {  	v15 =	vld [tilespmem:s30+$0x800];
	v17 =	vadd.f32 v17, v2;
	[tilespmem:s29+$0x170] =	vst v12  }
0x47b: {  	[tilespmem:s29+$0x90] =	vst v13;
	v11 =	vadd.f32 v11, v3;
	v12 =	vld [tilespmem:s30+$0x1870]  }
0x47c: {  	v13 =	vld [tilespmem:s30+$0x1010];
	[tilespmem:s29+$0xA0] =	vst v17;
	v16 =	vadd.f32 v16, v4  }
0x47d: {  	v17 =	vld [tilespmem:s30+$0x1020];
	[tilespmem:s29+$0xB0] =	vst v11;
	v10 =	vadd.f32 v10, v5  }
0x47e: {  	v11 =	vld [tilespmem:s30+$0x1030];
	[tilespmem:s29+$0xC0] =	vst v16;
	v14 =	vadd.f32 v14, v6  }
0x47f: {  	v15 =	vadd.f32 v15, v9;
	v16 =	vld [tilespmem:s30+$0x1040];
	[tilespmem:s29+$0xD0] =	vst v10  }
0x480: {  	v10 =	vld [tilespmem:s30+$0x1050];
	[tilespmem:s29+$0xE0] =	vst v14;
	v8 =	vadd.f32 v12, v8  }
0x481: {  	[tilespmem:s29+$0x80] =	vst v15;
	v12 =	vadd.f32 v13, v7;
	v14 =	vld [tilespmem:s30+$0x1060]  }
0x482: {  	s1 =	simm.s32 $0x170;
	v15 =	vld [tilespmem:s30+$0x1000];
	v13 =	vadd.f32 v17, v2;
	[tilespmem:s29+$0x1F0] =	vst v8  }
0x483: {  	[tilespmem:s29+$0x110] =	vst v12;
	v8 =	vadd.f32 v11, v3;
	v17 =	vld [tilespmem:s0+$0x1800];
	s0 =	smov.u32 s30  }
0x484: {  	v18 =	vld [tilespmem:s30+$0x1810];
	[tilespmem:s29+$0x120] =	vst v13;
	v11 =	vadd.f32 v16, v4  }
.Ltmp4:
0x485: {  	v13 =	vld [tilespmem:s30+$0x1820];
	[tilespmem:s29+$0x130] =	vst v8;
	v8 =	vadd.f32 v10, v5;
	(pc) =	sbr.rel @p1 .LBB2_11-.Ltmp4, $4  }
0x486: {  	v10 =	vld [tilespmem:s30+$0x1830];
	[tilespmem:s29+$0x140] =	vst v11;
	v14 =	vadd.f32 v14, v6  }
0x487: {  	v15 =	vadd.f32 v15, v9;
	v11 =	vld [tilespmem:s30+$0x1840];
	[tilespmem:s29+$0x150] =	vst v8  }
0x488: {  	v12 =	vld [tilespmem:s30+$0x1850];
	[tilespmem:s29+$0x160] =	vst v14;
	v14 =	vadd.f32 v17, v1;
	v1 =	vmov v9  }
0x489: {  	s2 =	sadd.s32 $0x200, s2;
	[tilespmem:s29+$0x100] =	vst v15;
	v7 =	vadd.f32 v18, v7;
	v9 =	vld [tilespmem:s30+$0x1860]  }
0x48a: {  	v2 =	vadd.f32 v13, v2;
	[tilespmem:s28+$0x180] =	vst v14;
	v8 =	vld [tilespmem:s0+$0x1800]  }
0x48b: {  	[tilespmem:s29+$0x190] =	vst v7;
	v3 =	vadd.f32 v10, v3  }
0x48c: {  	[tilespmem:s29+$0x1A0] =	vst v2;
	v2 =	vadd.f32 v11, v4  }
0x48d: {  	[tilespmem:s29+$0x1B0] =	vst v3;
	v3 =	vadd.f32 v12, v5  }
0x48e: {  	[tilespmem:s29+$0x1C0] =	vst v2;
	v2 =	vadd.f32 v9, v6  }
0x48f: {  	[tilespmem:s29+$0x1D0] =	vst v3;
	v1 =	vadd.f32 v8, v1  }
0x490: {  	[tilespmem:s29+$0x1E0] =	vst v2  }
0x491: {  	[tilespmem:s29+$0x180] =	vst v1  }
0x492: {  	v2 =	vld [tilespmem:s1+$0x0]  }
0x493: {  	v3 =	vld [tilespmem:s26+$0xFFFFE070]  }
0x494: {  	v8 =	vld [tilespmem:s26+$0xFFFFE000]  }
0x495: {  	v10 =	vld [tilespmem:s1+$0xFFFFFFA0]  }
0x496: {  	v7 =	vld [tilespmem:s26+$0xFFFFE010]  }
0x497: {  	v9 =	vld [tilespmem:s1+$0xFFFFFFB0]  }
0x498: {  	v11 =	vld [tilespmem:s26+$0xFFFFE020]  }
0x499: {  	v4 =	vld [tilespmem:s1+$0xFFFFFFC0]  }
0x49a: {  	v12 =	vld [tilespmem:s26+$0xFFFFE030]  }
0x49b: {  	v5 =	vld [tilespmem:s1+$0xFFFFFFD0]  }
0x49c: {  	v13 =	vld [tilespmem:s26+$0xFFFFE040]  }
0x49d: {  	v1 =	vld [tilespmem:s1+$0xFFFFFFE0]  }
0x49e: {  	v14 =	vld [tilespmem:s26+$0xFFFFE050]  }
0x49f: {  	v6 =	vld [tilespmem:s1+$0xFFFFFFF0]  }
0x4a0: {  	s30 =	simm.s32 $0x6B00;
	v15 =	vld [tilespmem:s26+$0xFFFFE060]  }
0x4a1: {  	v20 =	vld [tilespmem:s30+$0xFFFFE000];
	v3 =	vadd.f32 v3, v2  }
0x4a2: {  	v21 =	vld [tilespmem:s30+$0xFFFFE010]  }
0x4a3: {  	v22 =	vld [tilespmem:s30+$0xFFFFE020];
	[tilespmem:s25+$0xFFFFFC80] =	vst v3;
	v3 =	vadd.f32 v7, v10  }
0x4a4: {  	v11 =	vadd.f32 v11, v9;
	v16 =	vld [tilespmem:s26+$0xFFFFE870]  }
0x4a5: {  	v7 =	vld [tilespmem:s1+$0xFFFFFF90];
	[tilespmem:s25+$0xFFFFFC20] =	vst v3;
	v3 =	vadd.f32 v12, v4  }
0x4a6: {  	[tilespmem:s25+$0xFFFFFC30] =	vst v11;
	v11 =	vadd.f32 v13, v5;
	v12 =	vld [tilespmem:s26+$0xFFFFE810]  }
0x4a7: {  	v13 =	vld [tilespmem:s26+$0xFFFFE820];
	[tilespmem:s25+$0xFFFFFC40] =	vst v3;
	v3 =	vadd.f32 v14, v1  }
0x4a8: {  	[tilespmem:s25+$0xFFFFFC50] =	vst v11;
	v14 =	vadd.f32 v15, v6;
	v11 =	vld [tilespmem:s26+$0xFFFFE830]  }
0x4a9: {  	v15 =	vadd.f32 v16, v2;
	[tilespmem:s25+$0xFFFFFC60] =	vst v3;
	v3 =	vld [tilespmem:s26+$0xFFFFE840]  }
0x4aa: {  	v8 =	vadd.f32 v8, v7;
	[tilespmem:s25+$0xFFFFFC70] =	vst v14;
	v43 =	vld [tilespmem:s26+$0xFFFFE850]  }
0x4ab: {  	v14 =	vld [tilespmem:s26+$0xFFFFE860];
	[tilespmem:s25+$0xFFFFFD00] =	vst v15;
	v12 =	vadd.f32 v12, v10  }
0x4ac: {  	[tilespmem:s25+$0xFFFFFC10] =	vst v8;
	v8 =	vadd.f32 v13, v9;
	v15 =	vld [tilespmem:s26+$0xFFFFF070]  }
0x4ad: {  	v13 =	vld [tilespmem:s26+$0xFFFFE800];
	[tilespmem:s25+$0xFFFFFCA0] =	vst v12;
	v11 =	vadd.f32 v11, v4  }
0x4ae: {  	[tilespmem:s25+$0xFFFFFCB0] =	vst v8;
	v12 =	vld [tilespmem:s26+$0xFFFFF010];
	v3 =	vadd.f32 v3, v5  }
0x4af: {  	v8 =	vld [tilespmem:s26+$0xFFFFF020];
	[tilespmem:s25+$0xFFFFFCC0] =	vst v11;
	v11 =	vadd.f32 v43, v1  }
0x4b0: {  	v44 =	vld [tilespmem:s26+$0xFFFFF030];
	[tilespmem:s25+$0xFFFFFCD0] =	vst v3;
	v3 =	vadd.f32 v14, v6  }
0x4b1: {  	v14 =	vadd.f32 v15, v2;
	v15 =	vld [tilespmem:s26+$0xFFFFF040];
	[tilespmem:s25+$0xFFFFFCE0] =	vst v11  }
0x4b2: {  	v11 =	vadd.f32 v13, v7;
	v13 =	vld [tilespmem:s26+$0xFFFFF050];
	[tilespmem:s25+$0xFFFFFCF0] =	vst v3  }
0x4b3: {  	[tilespmem:s25+$0xFFFFFD80] =	vst v14;
	v3 =	vadd.f32 v12, v10;
	v12 =	vld [tilespmem:s26+$0xFFFFF060]  }
0x4b4: {  	v8 =	vadd.f32 v8, v9;
	[tilespmem:s25+$0xFFFFFC90] =	vst v11;
	v14 =	vld [tilespmem:s26+$0xFFFFF870]  }
0x4b5: {  	v11 =	vld [tilespmem:s26+$0xFFFFF000];
	[tilespmem:s25+$0xFFFFFD20] =	vst v3;
	v3 =	vadd.f32 v44, v4  }
0x4b6: {  	[tilespmem:s25+$0xFFFFFD30] =	vst v8;
	v45 =	vld [tilespmem:s26+$0xFFFFF810];
	v8 =	vadd.f32 v15, v5  }
0x4b7: {  	v15 =	vld [tilespmem:s26+$0xFFFFF820];
	[tilespmem:s25+$0xFFFFFD40] =	vst v3;
	v3 =	vadd.f32 v13, v1  }
0x4b8: {  	v13 =	vld [tilespmem:s26+$0xFFFFF830];
	[tilespmem:s25+$0xFFFFFD50] =	vst v8;
	v8 =	vadd.f32 v12, v6  }
0x4b9: {  	v12 =	vadd.f32 v14, v2;
	v14 =	vld [tilespmem:s26+$0xFFFFF840];
	[tilespmem:s25+$0xFFFFFD60] =	vst v3  }
0x4ba: {  	v3 =	vadd.f32 v11, v7;
	v11 =	vld [tilespmem:s26+$0xFFFFF850];
	[tilespmem:s25+$0xFFFFFD70] =	vst v8  }
0x4bb: {  	[tilespmem:s25+$0xFFFFFE00] =	vst v12;
	v8 =	vadd.f32 v45, v10;
	v12 =	vld [tilespmem:s26+$0xFFFFF860]  }
0x4bc: {  	[tilespmem:s25+$0xFFFFFD10] =	vst v3;
	v3 =	vadd.f32 v15, v9;
	v46 =	vld [tilespmem:s26+$0x70]  }
0x4bd: {  	v15 =	vld [tilespmem:s26+$0xFFFFF800];
	[tilespmem:s25+$0xFFFFFDA0] =	vst v8;
	v8 =	vadd.f32 v13, v4  }
0x4be: {  	[tilespmem:s25+$0xFFFFFDB0] =	vst v3;
	v13 =	vld [tilespmem:s26+$0x10];
	v3 =	vadd.f32 v14, v5  }
0x4bf: {  	v14 =	vld [tilespmem:s26+$0x20];
	[tilespmem:s25+$0xFFFFFDC0] =	vst v8;
	v8 =	vadd.f32 v11, v1  }
0x4c0: {  	v11 =	vld [tilespmem:s26+$0x30];
	[tilespmem:s25+$0xFFFFFDD0] =	vst v3;
	v3 =	vadd.f32 v12, v6  }
0x4c1: {  	v12 =	vadd.f32 v46, v2;
	v47 =	vld [tilespmem:s26+$0x40];
	[tilespmem:s25+$0xFFFFFDE0] =	vst v8  }
0x4c2: {  	v8 =	vadd.f32 v15, v7;
	v15 =	vld [tilespmem:s26+$0x50];
	[tilespmem:s25+$0xFFFFFDF0] =	vst v3  }
0x4c3: {  	[tilespmem:s25+$0xFFFFFE80] =	vst v12;
	v3 =	vadd.f32 v13, v10;
	v12 =	vld [tilespmem:s26+$0x60]  }
0x4c4: {  	[tilespmem:s25+$0xFFFFFD90] =	vst v8;
	v8 =	vadd.f32 v14, v9;
	v13 =	vld [tilespmem:s26+$0x870]  }
0x4c5: {  	v14 =	vld [tilespmem:s26+$0x0];
	[tilespmem:s25+$0xFFFFFE20] =	vst v3;
	v3 =	vadd.f32 v11, v4  }
0x4c6: {  	[tilespmem:s25+$0xFFFFFE30] =	vst v8;
	v11 =	vld [tilespmem:s26+$0x810];
	v8 =	vadd.f32 v47, v5  }
0x4c7: {  	v48 =	vld [tilespmem:s26+$0x820];
	[tilespmem:s25+$0xFFFFFE40] =	vst v3;
	v3 =	vadd.f32 v15, v1  }
0x4c8: {  	v15 =	vld [tilespmem:s26+$0x830];
	[tilespmem:s25+$0xFFFFFE50] =	vst v8;
	v8 =	vadd.f32 v12, v6  }
0x4c9: {  	v12 =	vadd.f32 v13, v2;
	v13 =	vld [tilespmem:s26+$0x840];
	[tilespmem:s25+$0xFFFFFE60] =	vst v3  }
0x4ca: {  	v3 =	vadd.f32 v14, v7;
	v14 =	vld [tilespmem:s26+$0x850];
	[tilespmem:s25+$0xFFFFFE70] =	vst v8  }
0x4cb: {  	[tilespmem:s25+$0xFFFFFF00] =	vst v12;
	v8 =	vadd.f32 v11, v10;
	v11 =	vld [tilespmem:s26+$0x860]  }
0x4cc: {  	[tilespmem:s25+$0xFFFFFE10] =	vst v3;
	v3 =	vadd.f32 v48, v9;
	v12 =	vld [tilespmem:s26+$0x1070]  }
0x4cd: {  	v49 =	vld [tilespmem:s26+$0x800];
	[tilespmem:s25+$0xFFFFFEA0] =	vst v8;
	v8 =	vadd.f32 v15, v4  }
0x4ce: {  	[tilespmem:s25+$0xFFFFFEB0] =	vst v3;
	v15 =	vld [tilespmem:s26+$0x1010];
	v3 =	vadd.f32 v13, v5  }
0x4cf: {  	v13 =	vld [tilespmem:s26+$0x1020];
	[tilespmem:s25+$0xFFFFFEC0] =	vst v8;
	v8 =	vadd.f32 v14, v1  }
0x4d0: {  	v14 =	vld [tilespmem:s26+$0x1030];
	[tilespmem:s25+$0xFFFFFED0] =	vst v3;
	v3 =	vadd.f32 v11, v6  }
0x4d1: {  	v11 =	vadd.f32 v12, v2;
	v12 =	vld [tilespmem:s26+$0x1040];
	[tilespmem:s25+$0xFFFFFEE0] =	vst v8  }
0x4d2: {  	v8 =	vadd.f32 v49, v7;
	v50 =	vld [tilespmem:s26+$0x1050];
	[tilespmem:s25+$0xFFFFFEF0] =	vst v3  }
0x4d3: {  	[tilespmem:s25+$0xFFFFFF80] =	vst v11;
	v3 =	vadd.f32 v15, v10;
	v11 =	vld [tilespmem:s26+$0x1060]  }
0x4d4: {  	[tilespmem:s25+$0xFFFFFE90] =	vst v8;
	v8 =	vadd.f32 v13, v9;
	v15 =	vld [tilespmem:s26+$0x1870]  }
0x4d5: {  	v13 =	vld [tilespmem:s26+$0x1000];
	[tilespmem:s25+$0xFFFFFF20] =	vst v3;
	v3 =	vadd.f32 v14, v4  }
0x4d6: {  	[tilespmem:s25+$0xFFFFFF30] =	vst v8;
	v14 =	vld [tilespmem:s26+$0x1810]  }
0x4d7: {  	v8 =	vadd.f32 v12, v5;
	v12 =	vld [tilespmem:s26+$0x1820];
	[tilespmem:s25+$0xFFFFFF40] =	vst v3  }
0x4d8: {  	s2 =	simm.s32 $0x370;
	v3 =	vadd.f32 v50, v1;
	v51 =	vld [tilespmem:s26+$0x1830]  }
0x4d9: {  	[tilespmem:s25+$0xFFFFFF50] =	vst v8;
	v8 =	vadd.f32 v11, v6;
	v11 =	vld [tilespmem:s2+$0x0]  }
0x4da: {  	[tilespmem:s25+$0xFFFFFF60] =	vst v3;
	v3 =	vld [tilespmem:s30+$0xFFFFE070]  }
0x4db: {  	v17 =	vld [tilespmem:s26+$0x1840]  }
0x4dc: {  	v15 =	vadd.f32 v15, v2;
	v2 =	vld [tilespmem:s2+$0xFFFFFFB0]  }
0x4dd: {  	v18 =	vld [tilespmem:s26+$0x1850]  }
0x4de: {  	v13 =	vadd.f32 v13, v7;
	[tilespmem:s25+$0xFFFFFF70] =	vst v8;
	v8 =	vld [tilespmem:s2+$0xFFFFFFA0]  }
0x4df: {  	v19 =	vld [tilespmem:s26+$0x1860];
	v23 =	vadd.f32 v3, v11  }
0x4e0: {  	s29 =	simm.s32 $0xE070;
	v10 =	vadd.f32 v14, v10;
	v14 =	vld [tilespmem:s30+$0xFFFFE030];
	[tilespmem:s25+$0xFFFFFF10] =	vst v13  }
0x4e1: {  	v13 =	vld [tilespmem:s30+$0xFFFFE040];
	[tilespmem:s29+$0xFFFFFC80] =	vst v23  }
0x4e2: {  	[tilespmem:s25+$0x0] =	vst v15;
	v9 =	vadd.f32 v12, v9;
	v12 =	vld [tilespmem:s30+$0xFFFFE870]  }
0x4e3: {  	v15 =	vld [tilespmem:s30+$0xFFFFE060];
	[tilespmem:s25+$0xFFFFFFA0] =	vst v10;
	v10 =	vadd.f32 v51, v4  }
0x4e4: {  	v4 =	vld [tilespmem:s2+$0xFFFFFFD0];
	[tilespmem:s25+$0xFFFFFFB0] =	vst v9;
	v9 =	vadd.f32 v17, v5  }
0x4e5: {  	v3 =	vld [tilespmem:s2+$0xFFFFFFC0];
	[tilespmem:s25+$0xFFFFFFC0] =	vst v10;
	v1 =	vadd.f32 v18, v1  }
0x4e6: {  	v5 =	vld [tilespmem:s2+$0xFFFFFFE0];
	[tilespmem:s25+$0xFFFFFFD0] =	vst v9;
	v9 =	vadd.f32 v19, v6  }
0x4e7: {  	v10 =	vld [tilespmem:s30+$0xFFFFE050];
	[tilespmem:s25+$0xFFFFFFE0] =	vst v1;
	v12 =	vadd.f32 v12, v11  }
0x4e8: {  	v6 =	vld [tilespmem:s2+$0xFFFFFFF0];
	[tilespmem:s25+$0xFFFFFFF0] =	vst v9;
	v9 =	vadd.f32 v21, v8  }
0x4e9: {  	v52 =	vadd.f32 v22, v2;
	v1 =	vld [tilespmem:s2+$0xFFFFFF90];
	[tilespmem:s29+$0xFFFFFD00] =	vst v12  }
0x4ea: {  	[tilespmem:s29+$0xFFFFFC20] =	vst v9;
	v9 =	vadd.f32 v14, v3;
	v12 =	vld [tilespmem:s30+$0xFFFFF070]  }
0x4eb: {  	[tilespmem:s29+$0xFFFFFC30] =	vst v52;
	v13 =	vadd.f32 v13, v4;
	v14 =	vld [tilespmem:s30+$0xFFFFE810]  }
0x4ec: {  	[tilespmem:s29+$0xFFFFFC40] =	vst v9;
	v9 =	vadd.f32 v10, v5;
	v10 =	vld [tilespmem:s30+$0xFFFFE820]  }
0x4ed: {  	[tilespmem:s29+$0xFFFFFC50] =	vst v13;
	v15 =	vadd.f32 v15, v6;
	v13 =	vld [tilespmem:s30+$0xFFFFE830]  }
0x4ee: {  	v53 =	vld [tilespmem:s30+$0xFFFFE840];
	[tilespmem:s29+$0xFFFFFC60] =	vst v9;
	v9 =	vadd.f32 v20, v1  }
0x4ef: {  	[tilespmem:s29+$0xFFFFFC70] =	vst v15;
	v54 =	vld [tilespmem:s30+$0xFFFFE850];
	v12 =	vadd.f32 v12, v11  }
0x4f0: {  	[tilespmem:s29+$0xFFFFFC10] =	vst v9;
	v9 =	vadd.f32 v14, v8;
	v14 =	vld [tilespmem:s30+$0xFFFFE860]  }
0x4f1: {  	v15 =	vld [tilespmem:s30+$0xFFFFE800];
	v10 =	vadd.f32 v10, v2;
	[tilespmem:s29+$0xFFFFFD80] =	vst v12  }
0x4f2: {  	[tilespmem:s29+$0xFFFFFCA0] =	vst v9;
	v9 =	vadd.f32 v13, v3;
	v12 =	vld [tilespmem:s30+$0xFFFFF870]  }
0x4f3: {  	v13 =	vld [tilespmem:s30+$0xFFFFF010];
	[tilespmem:s29+$0xFFFFFCB0] =	vst v10;
	v10 =	vadd.f32 v53, v4  }
0x4f4: {  	v55 =	vld [tilespmem:s30+$0xFFFFF020];
	[tilespmem:s29+$0xFFFFFCC0] =	vst v9;
	v9 =	vadd.f32 v54, v5  }
0x4f5: {  	v56 =	vld [tilespmem:s30+$0xFFFFF030];
	[tilespmem:s29+$0xFFFFFCD0] =	vst v10;
	v10 =	vadd.f32 v14, v6  }
0x4f6: {  	v14 =	vadd.f32 v15, v1;
	v15 =	vld [tilespmem:s30+$0xFFFFF040];
	[tilespmem:s29+$0xFFFFFCE0] =	vst v9  }
0x4f7: {  	v9 =	vld [tilespmem:s30+$0xFFFFF050];
	[tilespmem:s29+$0xFFFFFCF0] =	vst v10;
	v10 =	vadd.f32 v12, v11  }
0x4f8: {  	[tilespmem:s29+$0xFFFFFC90] =	vst v14;
	v12 =	vadd.f32 v13, v8;
	v13 =	vld [tilespmem:s30+$0xFFFFF060]  }
0x4f9: {  	v14 =	vld [tilespmem:s30+$0xFFFFF000];
	v16 =	vadd.f32 v55, v2;
	[tilespmem:s29+$0xFFFFFE00] =	vst v10  }
0x4fa: {  	[tilespmem:s29+$0xFFFFFD20] =	vst v12;
	v10 =	vadd.f32 v56, v3;
	v12 =	vld [tilespmem:s30+$0x70]  }
0x4fb: {  	[tilespmem:s29+$0xFFFFFD30] =	vst v16;
	v15 =	vadd.f32 v15, v4;
	v57 =	vld [tilespmem:s30+$0xFFFFF810]  }
0x4fc: {  	v16 =	vld [tilespmem:s30+$0xFFFFF820];
	v9 =	vadd.f32 v9, v5;
	[tilespmem:s29+$0xFFFFFD40] =	vst v10  }
0x4fd: {  	[tilespmem:s29+$0xFFFFFD50] =	vst v15;
	v10 =	vld [tilespmem:s30+$0xFFFFF830];
	v13 =	vadd.f32 v13, v6  }
0x4fe: {  	v14 =	vadd.f32 v14, v1;
	v15 =	vld [tilespmem:s30+$0xFFFFF840];
	[tilespmem:s29+$0xFFFFFD60] =	vst v9  }
0x4ff: {  	v9 =	vld [tilespmem:s30+$0xFFFFF850];
	[tilespmem:s29+$0xFFFFFD70] =	vst v13;
	v12 =	vadd.f32 v12, v11  }
0x500: {  	[tilespmem:s29+$0xFFFFFD10] =	vst v14;
	v13 =	vadd.f32 v57, v8;
	v14 =	vld [tilespmem:s30+$0xFFFFF860]  }
0x501: {  	v58 =	vld [tilespmem:s30+$0xFFFFF800];
	v16 =	vadd.f32 v16, v2;
	[tilespmem:s29+$0xFFFFFE80] =	vst v12  }
0x502: {  	[tilespmem:s29+$0xFFFFFDA0] =	vst v13;
	v10 =	vadd.f32 v10, v3;
	v12 =	vld [tilespmem:s30+$0x870]  }
0x503: {  	[tilespmem:s29+$0xFFFFFDB0] =	vst v16;
	v15 =	vadd.f32 v15, v4;
	v13 =	vld [tilespmem:s30+$0x10]  }
0x504: {  	v16 =	vld [tilespmem:s30+$0x20];
	v9 =	vadd.f32 v9, v5;
	[tilespmem:s29+$0xFFFFFDC0] =	vst v10  }
0x505: {  	[tilespmem:s29+$0xFFFFFDD0] =	vst v15;
	v10 =	vld [tilespmem:s30+$0x30];
	v14 =	vadd.f32 v14, v6  }
0x506: {  	v15 =	vadd.f32 v58, v1;
	v59 =	vld [tilespmem:s30+$0x40];
	[tilespmem:s29+$0xFFFFFDE0] =	vst v9  }
0x507: {  	v9 =	vld [tilespmem:s30+$0x50];
	[tilespmem:s29+$0xFFFFFDF0] =	vst v14;
	v12 =	vadd.f32 v12, v11  }
0x508: {  	[tilespmem:s29+$0xFFFFFD90] =	vst v15;
	v13 =	vadd.f32 v13, v8;
	v14 =	vld [tilespmem:s30+$0x60]  }
0x509: {  	v15 =	vld [tilespmem:s30+$0x0];
	v16 =	vadd.f32 v16, v2;
	[tilespmem:s29+$0xFFFFFF00] =	vst v12  }
0x50a: {  	[tilespmem:s29+$0xFFFFFE20] =	vst v13;
	v10 =	vadd.f32 v10, v3;
	v12 =	vld [tilespmem:s30+$0x1070]  }
0x50b: {  	[tilespmem:s29+$0xFFFFFE30] =	vst v16;
	v60 =	vadd.f32 v59, v4;
	v13 =	vld [tilespmem:s30+$0x810]  }
0x50c: {  	v61 =	vld [tilespmem:s30+$0x820];
	v9 =	vadd.f32 v9, v5;
	[tilespmem:s29+$0xFFFFFE40] =	vst v10  }
0x50d: {  	[tilespmem:s29+$0xFFFFFE50] =	vst v60;
	v10 =	vld [tilespmem:s30+$0x830];
	v14 =	vadd.f32 v14, v6  }
0x50e: {  	v15 =	vadd.f32 v15, v1;
	v16 =	vld [tilespmem:s30+$0x840];
	[tilespmem:s29+$0xFFFFFE60] =	vst v9  }
0x50f: {  	v9 =	vld [tilespmem:s30+$0x850];
	[tilespmem:s29+$0xFFFFFE70] =	vst v14;
	v12 =	vadd.f32 v12, v11  }
0x510: {  	[tilespmem:s29+$0xFFFFFE10] =	vst v15;
	v13 =	vadd.f32 v13, v8;
	v14 =	vld [tilespmem:s30+$0x860]  }
0x511: {  	v15 =	vld [tilespmem:s30+$0x800];
	v17 =	vadd.f32 v61, v2;
	[tilespmem:s29+$0xFFFFFF80] =	vst v12  }
0x512: {  	[tilespmem:s29+$0xFFFFFEA0] =	vst v13;
	v10 =	vadd.f32 v10, v3;
	v12 =	vld [tilespmem:s30+$0x1870]  }
0x513: {  	[tilespmem:s29+$0xFFFFFEB0] =	vst v17;
	v16 =	vadd.f32 v16, v4;
	v13 =	vld [tilespmem:s30+$0x1010]  }
0x514: {  	v17 =	vld [tilespmem:s30+$0x1020];
	v9 =	vadd.f32 v9, v5;
	[tilespmem:s29+$0xFFFFFEC0] =	vst v10  }
0x515: {  	[tilespmem:s29+$0xFFFFFED0] =	vst v16;
	v10 =	vld [tilespmem:s30+$0x1030];
	v14 =	vadd.f32 v14, v6  }
0x516: {  	v15 =	vadd.f32 v15, v1;
	v16 =	vld [tilespmem:s30+$0x1040];
	[tilespmem:s29+$0xFFFFFEE0] =	vst v9  }
0x517: {  	v9 =	vld [tilespmem:s30+$0x1050];
	[tilespmem:s29+$0xFFFFFEF0] =	vst v14;
	v11 =	vadd.f32 v12, v11  }
0x518: {  	[tilespmem:s29+$0xFFFFFE90] =	vst v15;
	v12 =	vadd.f32 v13, v8;
	v14 =	vld [tilespmem:s30+$0x1060]  }
0x519: {  	v15 =	vld [tilespmem:s30+$0x1000];
	v13 =	vadd.f32 v17, v2;
	[tilespmem:s29+$0x0] =	vst v11  }
0x51a: {  	v62 =	vld [tilespmem:s26+$0x1800];
	[tilespmem:s29+$0xFFFFFF20] =	vst v12;
	v10 =	vadd.f32 v10, v3  }
0x51b: {  	[tilespmem:s29+$0xFFFFFF30] =	vst v13;
	v11 =	vadd.f32 v16, v4;
	v63 =	vld [tilespmem:s30+$0x1810]  }
0x51c: {  	v9 =	vadd.f32 v9, v5;
	v13 =	vld [tilespmem:s30+$0x1820];
	[tilespmem:s29+$0xFFFFFF40] =	vst v10  }
0x51d: {  	[tilespmem:s29+$0xFFFFFF50] =	vst v11;
	v10 =	vld [tilespmem:s30+$0x1830];
	v14 =	vadd.f32 v14, v6  }
0x51e: {  	v15 =	vadd.f32 v15, v1;
	[tilespmem:s29+$0xFFFFFF60] =	vst v9;
	v11 =	vld [tilespmem:s30+$0x1840]  }
0x51f: {  	s28 =	simm.s32 $0x6980;
	s31 =	simm.s32 $0x8;
	v12 =	vld [tilespmem:s30+$0x1850];
	[tilespmem:s29+$0xFFFFFF70] =	vst v14;
	v14 =	vadd.f32 v62, v7  }
0x520: {  	s0 =	simm.s32 $0x6B00;
	s26 =	simm.s32 $0xEC70;
	s2 =	simm.s32 $0x570;
	[tilespmem:s29+$0xFFFFFF10] =	vst v15;
	v7 =	vadd.f32 v63, v8;
	v9 =	vld [tilespmem:s30+$0x1860]  }
.LBB2_13:
0x521: {  	v8 =	vld [tilespmem:s2+$0x0];
	v2 =	vadd.f32 v13, v2;
	s30 =	sadd.s32 $0x200, s30;
	[tilespmem:s25+$0xFFFFFF90] =	vst v14;
	s25 =	smov.u32 s29  }
0x522: {  	s31 =	sadd.s32 $0x8, s31;
	v13 =	vld [tilespmem:s30+$0xFFFFE070];
	[tilespmem:s29+$0xFFFFFFA0] =	vst v7;
	v3 =	vadd.f32 v10, v3  }
0x523: {  	p1 =	slt.u32 s31, $0x18;
	v10 =	vld [tilespmem:s30+$0xFFFFE000];
	[tilespmem:s29+$0xFFFFFFB0] =	vst v2;
	v2 =	vadd.f32 v11, v4  }
0x524: {  	v7 =	vld [tilespmem:s2+$0xFFFFFFA0];
	[tilespmem:s29+$0xFFFFFFC0] =	vst v3;
	v3 =	vadd.f32 v12, v5  }
0x525: {  	v4 =	vld [tilespmem:s30+$0xFFFFE010];
	[tilespmem:s29+$0xFFFFFFD0] =	vst v2;
	v5 =	vadd.f32 v9, v6  }
0x526: {  	v2 =	vld [tilespmem:s2+$0xFFFFFFB0];
	[tilespmem:s29+$0xFFFFFFE0] =	vst v3  }
0x527: {  	v6 =	vld [tilespmem:s30+$0xFFFFE020];
	v9 =	vadd.f32 v13, v8;
	[tilespmem:s29+$0xFFFFFFF0] =	vst v5  }
0x528: {  	s29 =	sadd.s32 $0x400, s29;
	v3 =	vld [tilespmem:s2+$0xFFFFFFC0]  }
0x529: {  	v11 =	vld [tilespmem:s30+$0xFFFFE030];
	[tilespmem:s29+$0xFFFFFC80] =	vst v9  }
0x52a: {  	v5 =	vadd.f32 v4, v7;
	v9 =	vld [tilespmem:s30+$0xFFFFE870]  }
0x52b: {  	v4 =	vld [tilespmem:s2+$0xFFFFFFD0]  }
0x52c: {  	[tilespmem:s29+$0xFFFFFC20] =	vst v5;
	v6 =	vadd.f32 v6, v2;
	v12 =	vld [tilespmem:s30+$0xFFFFE040]  }
0x52d: {  	v5 =	vld [tilespmem:s2+$0xFFFFFFE0]  }
0x52e: {  	[tilespmem:s29+$0xFFFFFC30] =	vst v6;
	v11 =	vadd.f32 v11, v3;
	v13 =	vld [tilespmem:s30+$0xFFFFE050]  }
0x52f: {  	v6 =	vld [tilespmem:s2+$0xFFFFFFF0];
	v14 =	vadd.f32 v9, v8  }
0x530: {  	[tilespmem:s29+$0xFFFFFC40] =	vst v11;
	v11 =	vld [tilespmem:s30+$0xFFFFE060]  }
0x531: {  	v9 =	vld [tilespmem:s2+$0xFFFFFF90];
	v12 =	vadd.f32 v12, v4;
	[tilespmem:s29+$0xFFFFFD00] =	vst v14  }
0x532: {  	v14 =	vld [tilespmem:s30+$0xFFFFF070]  }
0x533: {  	v15 =	vld [tilespmem:s30+$0xFFFFE810];
	[tilespmem:s29+$0xFFFFFC50] =	vst v12;
	v12 =	vadd.f32 v13, v5  }
0x534: {  	v13 =	vld [tilespmem:s30+$0xFFFFE820]  }
0x535: {  	v16 =	vld [tilespmem:s30+$0xFFFFE830];
	[tilespmem:s29+$0xFFFFFC60] =	vst v12;
	v11 =	vadd.f32 v11, v6  }
0x536: {  	v10 =	vadd.f32 v10, v9;
	v12 =	vld [tilespmem:s30+$0xFFFFE840]  }
0x537: {  	v17 =	vld [tilespmem:s30+$0xFFFFE850];
	[tilespmem:s29+$0xFFFFFC70] =	vst v11;
	v11 =	vadd.f32 v14, v8  }
0x538: {  	[tilespmem:s29+$0xFFFFFC10] =	vst v10;
	v10 =	vadd.f32 v15, v7;
	v14 =	vld [tilespmem:s30+$0xFFFFE860]  }
0x539: {  	v15 =	vld [tilespmem:s30+$0xFFFFE800];
	v13 =	vadd.f32 v13, v2;
	[tilespmem:s29+$0xFFFFFD80] =	vst v11  }
0x53a: {  	[tilespmem:s29+$0xFFFFFCA0] =	vst v10;
	v10 =	vadd.f32 v16, v3;
	v11 =	vld [tilespmem:s30+$0xFFFFF870]  }
0x53b: {  	v16 =	vld [tilespmem:s30+$0xFFFFF010];
	[tilespmem:s29+$0xFFFFFCB0] =	vst v13;
	v12 =	vadd.f32 v12, v4  }
0x53c: {  	v13 =	vld [tilespmem:s30+$0xFFFFF020];
	[tilespmem:s29+$0xFFFFFCC0] =	vst v10;
	v10 =	vadd.f32 v17, v5  }
0x53d: {  	v17 =	vld [tilespmem:s30+$0xFFFFF030];
	[tilespmem:s29+$0xFFFFFCD0] =	vst v12;
	v12 =	vadd.f32 v14, v6  }
0x53e: {  	v14 =	vadd.f32 v15, v9;
	v15 =	vld [tilespmem:s30+$0xFFFFF040];
	[tilespmem:s29+$0xFFFFFCE0] =	vst v10  }
0x53f: {  	v10 =	vld [tilespmem:s30+$0xFFFFF050];
	[tilespmem:s29+$0xFFFFFCF0] =	vst v12;
	v11 =	vadd.f32 v11, v8  }
0x540: {  	[tilespmem:s29+$0xFFFFFC90] =	vst v14;
	v12 =	vadd.f32 v16, v7;
	v14 =	vld [tilespmem:s30+$0xFFFFF060]  }
0x541: {  	v16 =	vld [tilespmem:s30+$0xFFFFF000];
	v13 =	vadd.f32 v13, v2;
	[tilespmem:s29+$0xFFFFFE00] =	vst v11  }
0x542: {  	[tilespmem:s29+$0xFFFFFD20] =	vst v12;
	v11 =	vadd.f32 v17, v3;
	v12 =	vld [tilespmem:s30+$0x70]  }
0x543: {  	v17 =	vld [tilespmem:s30+$0xFFFFF810];
	[tilespmem:s29+$0xFFFFFD30] =	vst v13;
	v13 =	vadd.f32 v15, v4  }
0x544: {  	v15 =	vld [tilespmem:s30+$0xFFFFF820];
	[tilespmem:s29+$0xFFFFFD40] =	vst v11;
	v10 =	vadd.f32 v10, v5  }
0x545: {  	v11 =	vld [tilespmem:s30+$0xFFFFF830];
	[tilespmem:s29+$0xFFFFFD50] =	vst v13;
	v13 =	vadd.f32 v14, v6  }
0x546: {  	v14 =	vadd.f32 v16, v9;
	v16 =	vld [tilespmem:s30+$0xFFFFF840];
	[tilespmem:s29+$0xFFFFFD60] =	vst v10  }
0x547: {  	v10 =	vld [tilespmem:s30+$0xFFFFF850];
	[tilespmem:s29+$0xFFFFFD70] =	vst v13;
	v12 =	vadd.f32 v12, v8  }
0x548: {  	[tilespmem:s29+$0xFFFFFD10] =	vst v14;
	v13 =	vadd.f32 v17, v7;
	v14 =	vld [tilespmem:s30+$0xFFFFF860]  }
0x549: {  	v17 =	vld [tilespmem:s30+$0xFFFFF800];
	v15 =	vadd.f32 v15, v2;
	[tilespmem:s29+$0xFFFFFE80] =	vst v12  }
0x54a: {  	[tilespmem:s29+$0xFFFFFDA0] =	vst v13;
	v11 =	vadd.f32 v11, v3;
	v12 =	vld [tilespmem:s30+$0x870]  }
0x54b: {  	v13 =	vld [tilespmem:s30+$0x10];
	[tilespmem:s29+$0xFFFFFDB0] =	vst v15;
	v15 =	vadd.f32 v16, v4  }
0x54c: {  	v16 =	vld [tilespmem:s30+$0x20];
	[tilespmem:s29+$0xFFFFFDC0] =	vst v11;
	v10 =	vadd.f32 v10, v5  }
0x54d: {  	v11 =	vld [tilespmem:s30+$0x30];
	[tilespmem:s29+$0xFFFFFDD0] =	vst v15;
	v14 =	vadd.f32 v14, v6  }
0x54e: {  	v15 =	vadd.f32 v17, v9;
	v17 =	vld [tilespmem:s30+$0x40];
	[tilespmem:s29+$0xFFFFFDE0] =	vst v10  }
0x54f: {  	v10 =	vld [tilespmem:s30+$0x50];
	[tilespmem:s29+$0xFFFFFDF0] =	vst v14;
	v12 =	vadd.f32 v12, v8  }
0x550: {  	[tilespmem:s29+$0xFFFFFD90] =	vst v15;
	v13 =	vadd.f32 v13, v7;
	v14 =	vld [tilespmem:s30+$0x60]  }
0x551: {  	v15 =	vld [tilespmem:s30+$0x0];
	v16 =	vadd.f32 v16, v2;
	[tilespmem:s29+$0xFFFFFF00] =	vst v12  }
0x552: {  	[tilespmem:s29+$0xFFFFFE20] =	vst v13;
	v11 =	vadd.f32 v11, v3;
	v12 =	vld [tilespmem:s30+$0x1070]  }
0x553: {  	v13 =	vld [tilespmem:s30+$0x810];
	[tilespmem:s29+$0xFFFFFE30] =	vst v16;
	v16 =	vadd.f32 v17, v4  }
0x554: {  	v17 =	vld [tilespmem:s30+$0x820];
	[tilespmem:s29+$0xFFFFFE40] =	vst v11;
	v10 =	vadd.f32 v10, v5  }
0x555: {  	v11 =	vld [tilespmem:s30+$0x830];
	[tilespmem:s29+$0xFFFFFE50] =	vst v16;
	v14 =	vadd.f32 v14, v6  }
0x556: {  	v15 =	vadd.f32 v15, v9;
	v16 =	vld [tilespmem:s30+$0x840];
	[tilespmem:s29+$0xFFFFFE60] =	vst v10  }
0x557: {  	v10 =	vld [tilespmem:s30+$0x850];
	[tilespmem:s29+$0xFFFFFE70] =	vst v14;
	v12 =	vadd.f32 v12, v8  }
0x558: {  	[tilespmem:s29+$0xFFFFFE10] =	vst v15;
	v13 =	vadd.f32 v13, v7;
	v14 =	vld [tilespmem:s30+$0x860]  }
0x559: {  	v15 =	vld [tilespmem:s30+$0x800];
	v17 =	vadd.f32 v17, v2;
	[tilespmem:s29+$0xFFFFFF80] =	vst v12  }
0x55a: {  	[tilespmem:s29+$0xFFFFFEA0] =	vst v13;
	v11 =	vadd.f32 v11, v3;
	v12 =	vld [tilespmem:s30+$0x1870]  }
0x55b: {  	v13 =	vld [tilespmem:s30+$0x1010];
	[tilespmem:s29+$0xFFFFFEB0] =	vst v17;
	v16 =	vadd.f32 v16, v4  }
0x55c: {  	v17 =	vld [tilespmem:s30+$0x1020];
	[tilespmem:s29+$0xFFFFFEC0] =	vst v11;
	v10 =	vadd.f32 v10, v5  }
0x55d: {  	v11 =	vld [tilespmem:s30+$0x1030];
	[tilespmem:s29+$0xFFFFFED0] =	vst v16;
	v14 =	vadd.f32 v14, v6  }
0x55e: {  	v15 =	vadd.f32 v15, v9;
	v16 =	vld [tilespmem:s30+$0x1040];
	[tilespmem:s29+$0xFFFFFEE0] =	vst v10  }
0x55f: {  	v10 =	vld [tilespmem:s30+$0x1050];
	[tilespmem:s29+$0xFFFFFEF0] =	vst v14;
	v8 =	vadd.f32 v12, v8  }
0x560: {  	[tilespmem:s29+$0xFFFFFE90] =	vst v15;
	v12 =	vadd.f32 v13, v7;
	v14 =	vld [tilespmem:s30+$0x1060]  }
0x561: {  	s1 =	simm.s32 $0x1F0;
	v15 =	vld [tilespmem:s30+$0x1000];
	v13 =	vadd.f32 v17, v2;
	[tilespmem:s29+$0x0] =	vst v8  }
0x562: {  	[tilespmem:s29+$0xFFFFFF20] =	vst v12;
	v8 =	vadd.f32 v11, v3;
	v17 =	vld [tilespmem:s0+$0x1800];
	s0 =	smov.u32 s30  }
0x563: {  	v18 =	vld [tilespmem:s30+$0x1810];
	[tilespmem:s29+$0xFFFFFF30] =	vst v13;
	v11 =	vadd.f32 v16, v4  }
.Ltmp5:
0x564: {  	v13 =	vld [tilespmem:s30+$0x1820];
	[tilespmem:s29+$0xFFFFFF40] =	vst v8;
	v8 =	vadd.f32 v10, v5;
	(pc) =	sbr.rel @p1 .LBB2_13-.Ltmp5, $4  }
0x565: {  	v10 =	vld [tilespmem:s30+$0x1830];
	[tilespmem:s29+$0xFFFFFF50] =	vst v11;
	v14 =	vadd.f32 v14, v6  }
0x566: {  	v15 =	vadd.f32 v15, v9;
	v11 =	vld [tilespmem:s30+$0x1840];
	[tilespmem:s29+$0xFFFFFF60] =	vst v8  }
0x567: {  	v12 =	vld [tilespmem:s30+$0x1850];
	[tilespmem:s29+$0xFFFFFF70] =	vst v14;
	v14 =	vadd.f32 v17, v1;
	v1 =	vmov v9  }
0x568: {  	s2 =	sadd.s32 $0x200, s2;
	[tilespmem:s29+$0xFFFFFF10] =	vst v15;
	v7 =	vadd.f32 v18, v7;
	v9 =	vld [tilespmem:s30+$0x1860]  }
0x569: {  	v2 =	vadd.f32 v13, v2;
	[tilespmem:s25+$0xFFFFFF90] =	vst v14;
	v8 =	vld [tilespmem:s0+$0x1800]  }
0x56a: {  	[tilespmem:s29+$0xFFFFFFA0] =	vst v7;
	v3 =	vadd.f32 v10, v3  }
0x56b: {  	[tilespmem:s29+$0xFFFFFFB0] =	vst v2;
	v2 =	vadd.f32 v11, v4  }
0x56c: {  	[tilespmem:s29+$0xFFFFFFC0] =	vst v3;
	v3 =	vadd.f32 v12, v5  }
0x56d: {  	[tilespmem:s29+$0xFFFFFFD0] =	vst v2;
	v2 =	vadd.f32 v9, v6  }
0x56e: {  	[tilespmem:s29+$0xFFFFFFE0] =	vst v3;
	v1 =	vadd.f32 v8, v1  }
0x56f: {  	[tilespmem:s29+$0xFFFFFFF0] =	vst v2  }
0x570: {  	[tilespmem:s29+$0xFFFFFF90] =	vst v1  }
0x571: {  	v2 =	vld [tilespmem:s1+$0x0]  }
0x572: {  	v3 =	vld [tilespmem:s28+$0xFFFFE070]  }
0x573: {  	v8 =	vld [tilespmem:s28+$0xFFFFE000]  }
0x574: {  	v10 =	vld [tilespmem:s1+$0xFFFFFFA0]  }
0x575: {  	v7 =	vld [tilespmem:s28+$0xFFFFE010]  }
0x576: {  	v9 =	vld [tilespmem:s1+$0xFFFFFFB0]  }
0x577: {  	v11 =	vld [tilespmem:s28+$0xFFFFE020]  }
0x578: {  	v4 =	vld [tilespmem:s1+$0xFFFFFFC0]  }
0x579: {  	v12 =	vld [tilespmem:s28+$0xFFFFE030]  }
0x57a: {  	v5 =	vld [tilespmem:s1+$0xFFFFFFD0]  }
0x57b: {  	v13 =	vld [tilespmem:s28+$0xFFFFE040]  }
0x57c: {  	v1 =	vld [tilespmem:s1+$0xFFFFFFE0]  }
0x57d: {  	v14 =	vld [tilespmem:s28+$0xFFFFE050]  }
0x57e: {  	v6 =	vld [tilespmem:s1+$0xFFFFFFF0]  }
0x57f: {  	s30 =	simm.s32 $0x6B80;
	v15 =	vld [tilespmem:s28+$0xFFFFE060]  }
0x580: {  	v20 =	vld [tilespmem:s30+$0xFFFFE000];
	v3 =	vadd.f32 v3, v2  }
0x581: {  	v21 =	vld [tilespmem:s30+$0xFFFFE010]  }
0x582: {  	v22 =	vld [tilespmem:s30+$0xFFFFE020];
	[tilespmem:s26+$0xFFFFFC80] =	vst v3;
	v3 =	vadd.f32 v7, v10  }
0x583: {  	v11 =	vadd.f32 v11, v9;
	v16 =	vld [tilespmem:s28+$0xFFFFE870]  }
0x584: {  	v7 =	vld [tilespmem:s1+$0xFFFFFF90];
	[tilespmem:s26+$0xFFFFFC20] =	vst v3;
	v3 =	vadd.f32 v12, v4  }
0x585: {  	[tilespmem:s26+$0xFFFFFC30] =	vst v11;
	v11 =	vadd.f32 v13, v5;
	v12 =	vld [tilespmem:s28+$0xFFFFE810]  }
0x586: {  	v13 =	vld [tilespmem:s28+$0xFFFFE820];
	[tilespmem:s26+$0xFFFFFC40] =	vst v3;
	v3 =	vadd.f32 v14, v1  }
0x587: {  	[tilespmem:s26+$0xFFFFFC50] =	vst v11;
	v14 =	vadd.f32 v15, v6;
	v11 =	vld [tilespmem:s28+$0xFFFFE830]  }
0x588: {  	v15 =	vadd.f32 v16, v2;
	[tilespmem:s26+$0xFFFFFC60] =	vst v3;
	v3 =	vld [tilespmem:s28+$0xFFFFE840]  }
0x589: {  	v8 =	vadd.f32 v8, v7;
	[tilespmem:s26+$0xFFFFFC70] =	vst v14;
	v43 =	vld [tilespmem:s28+$0xFFFFE850]  }
0x58a: {  	v14 =	vld [tilespmem:s28+$0xFFFFE860];
	[tilespmem:s26+$0xFFFFFD00] =	vst v15;
	v12 =	vadd.f32 v12, v10  }
0x58b: {  	[tilespmem:s26+$0xFFFFFC10] =	vst v8;
	v8 =	vadd.f32 v13, v9;
	v15 =	vld [tilespmem:s28+$0xFFFFF070]  }
0x58c: {  	v13 =	vld [tilespmem:s28+$0xFFFFE800];
	[tilespmem:s26+$0xFFFFFCA0] =	vst v12;
	v11 =	vadd.f32 v11, v4  }
0x58d: {  	[tilespmem:s26+$0xFFFFFCB0] =	vst v8;
	v12 =	vld [tilespmem:s28+$0xFFFFF010];
	v3 =	vadd.f32 v3, v5  }
0x58e: {  	v8 =	vld [tilespmem:s28+$0xFFFFF020];
	[tilespmem:s26+$0xFFFFFCC0] =	vst v11;
	v11 =	vadd.f32 v43, v1  }
0x58f: {  	v44 =	vld [tilespmem:s28+$0xFFFFF030];
	[tilespmem:s26+$0xFFFFFCD0] =	vst v3;
	v3 =	vadd.f32 v14, v6  }
0x590: {  	v14 =	vadd.f32 v15, v2;
	v15 =	vld [tilespmem:s28+$0xFFFFF040];
	[tilespmem:s26+$0xFFFFFCE0] =	vst v11  }
0x591: {  	v11 =	vadd.f32 v13, v7;
	v13 =	vld [tilespmem:s28+$0xFFFFF050];
	[tilespmem:s26+$0xFFFFFCF0] =	vst v3  }
0x592: {  	[tilespmem:s26+$0xFFFFFD80] =	vst v14;
	v3 =	vadd.f32 v12, v10;
	v12 =	vld [tilespmem:s28+$0xFFFFF060]  }
0x593: {  	v8 =	vadd.f32 v8, v9;
	[tilespmem:s26+$0xFFFFFC90] =	vst v11;
	v14 =	vld [tilespmem:s28+$0xFFFFF870]  }
0x594: {  	v11 =	vld [tilespmem:s28+$0xFFFFF000];
	[tilespmem:s26+$0xFFFFFD20] =	vst v3;
	v3 =	vadd.f32 v44, v4  }
0x595: {  	[tilespmem:s26+$0xFFFFFD30] =	vst v8;
	v45 =	vld [tilespmem:s28+$0xFFFFF810];
	v8 =	vadd.f32 v15, v5  }
0x596: {  	v15 =	vld [tilespmem:s28+$0xFFFFF820];
	[tilespmem:s26+$0xFFFFFD40] =	vst v3;
	v3 =	vadd.f32 v13, v1  }
0x597: {  	v13 =	vld [tilespmem:s28+$0xFFFFF830];
	[tilespmem:s26+$0xFFFFFD50] =	vst v8;
	v8 =	vadd.f32 v12, v6  }
0x598: {  	v12 =	vadd.f32 v14, v2;
	v14 =	vld [tilespmem:s28+$0xFFFFF840];
	[tilespmem:s26+$0xFFFFFD60] =	vst v3  }
0x599: {  	v3 =	vadd.f32 v11, v7;
	v11 =	vld [tilespmem:s28+$0xFFFFF850];
	[tilespmem:s26+$0xFFFFFD70] =	vst v8  }
0x59a: {  	[tilespmem:s26+$0xFFFFFE00] =	vst v12;
	v8 =	vadd.f32 v45, v10;
	v12 =	vld [tilespmem:s28+$0xFFFFF860]  }
0x59b: {  	[tilespmem:s26+$0xFFFFFD10] =	vst v3;
	v3 =	vadd.f32 v15, v9;
	v46 =	vld [tilespmem:s28+$0x70]  }
0x59c: {  	v15 =	vld [tilespmem:s28+$0xFFFFF800];
	[tilespmem:s26+$0xFFFFFDA0] =	vst v8;
	v8 =	vadd.f32 v13, v4  }
0x59d: {  	[tilespmem:s26+$0xFFFFFDB0] =	vst v3;
	v13 =	vld [tilespmem:s28+$0x10];
	v3 =	vadd.f32 v14, v5  }
0x59e: {  	v14 =	vld [tilespmem:s28+$0x20];
	[tilespmem:s26+$0xFFFFFDC0] =	vst v8;
	v8 =	vadd.f32 v11, v1  }
0x59f: {  	v11 =	vld [tilespmem:s28+$0x30];
	[tilespmem:s26+$0xFFFFFDD0] =	vst v3;
	v3 =	vadd.f32 v12, v6  }
0x5a0: {  	v12 =	vadd.f32 v46, v2;
	v47 =	vld [tilespmem:s28+$0x40];
	[tilespmem:s26+$0xFFFFFDE0] =	vst v8  }
0x5a1: {  	v8 =	vadd.f32 v15, v7;
	v15 =	vld [tilespmem:s28+$0x50];
	[tilespmem:s26+$0xFFFFFDF0] =	vst v3  }
0x5a2: {  	[tilespmem:s26+$0xFFFFFE80] =	vst v12;
	v3 =	vadd.f32 v13, v10;
	v12 =	vld [tilespmem:s28+$0x60]  }
0x5a3: {  	[tilespmem:s26+$0xFFFFFD90] =	vst v8;
	v8 =	vadd.f32 v14, v9;
	v13 =	vld [tilespmem:s28+$0x870]  }
0x5a4: {  	v14 =	vld [tilespmem:s28+$0x0];
	[tilespmem:s26+$0xFFFFFE20] =	vst v3;
	v3 =	vadd.f32 v11, v4  }
0x5a5: {  	[tilespmem:s26+$0xFFFFFE30] =	vst v8;
	v11 =	vld [tilespmem:s28+$0x810];
	v8 =	vadd.f32 v47, v5  }
0x5a6: {  	v48 =	vld [tilespmem:s28+$0x820];
	[tilespmem:s26+$0xFFFFFE40] =	vst v3;
	v3 =	vadd.f32 v15, v1  }
0x5a7: {  	v15 =	vld [tilespmem:s28+$0x830];
	[tilespmem:s26+$0xFFFFFE50] =	vst v8;
	v8 =	vadd.f32 v12, v6  }
0x5a8: {  	v12 =	vadd.f32 v13, v2;
	v13 =	vld [tilespmem:s28+$0x840];
	[tilespmem:s26+$0xFFFFFE60] =	vst v3  }
0x5a9: {  	v3 =	vadd.f32 v14, v7;
	v14 =	vld [tilespmem:s28+$0x850];
	[tilespmem:s26+$0xFFFFFE70] =	vst v8  }
0x5aa: {  	[tilespmem:s26+$0xFFFFFF00] =	vst v12;
	v8 =	vadd.f32 v11, v10;
	v11 =	vld [tilespmem:s28+$0x860]  }
0x5ab: {  	[tilespmem:s26+$0xFFFFFE10] =	vst v3;
	v3 =	vadd.f32 v48, v9;
	v12 =	vld [tilespmem:s28+$0x1070]  }
0x5ac: {  	v49 =	vld [tilespmem:s28+$0x800];
	[tilespmem:s26+$0xFFFFFEA0] =	vst v8;
	v8 =	vadd.f32 v15, v4  }
0x5ad: {  	[tilespmem:s26+$0xFFFFFEB0] =	vst v3;
	v15 =	vld [tilespmem:s28+$0x1010];
	v3 =	vadd.f32 v13, v5  }
0x5ae: {  	v13 =	vld [tilespmem:s28+$0x1020];
	[tilespmem:s26+$0xFFFFFEC0] =	vst v8;
	v8 =	vadd.f32 v14, v1  }
0x5af: {  	v14 =	vld [tilespmem:s28+$0x1030];
	[tilespmem:s26+$0xFFFFFED0] =	vst v3;
	v3 =	vadd.f32 v11, v6  }
0x5b0: {  	v11 =	vadd.f32 v12, v2;
	v12 =	vld [tilespmem:s28+$0x1040];
	[tilespmem:s26+$0xFFFFFEE0] =	vst v8  }
0x5b1: {  	v8 =	vadd.f32 v49, v7;
	v50 =	vld [tilespmem:s28+$0x1050];
	[tilespmem:s26+$0xFFFFFEF0] =	vst v3  }
0x5b2: {  	[tilespmem:s26+$0xFFFFFF80] =	vst v11;
	v3 =	vadd.f32 v15, v10;
	v11 =	vld [tilespmem:s28+$0x1060]  }
0x5b3: {  	[tilespmem:s26+$0xFFFFFE90] =	vst v8;
	v8 =	vadd.f32 v13, v9;
	v15 =	vld [tilespmem:s28+$0x1870]  }
0x5b4: {  	v13 =	vld [tilespmem:s28+$0x1000];
	[tilespmem:s26+$0xFFFFFF20] =	vst v3;
	v3 =	vadd.f32 v14, v4  }
0x5b5: {  	[tilespmem:s26+$0xFFFFFF30] =	vst v8;
	v14 =	vld [tilespmem:s28+$0x1810]  }
0x5b6: {  	v8 =	vadd.f32 v12, v5;
	v12 =	vld [tilespmem:s28+$0x1820];
	[tilespmem:s26+$0xFFFFFF40] =	vst v3  }
0x5b7: {  	s25 =	simm.s32 $0x3F0;
	v3 =	vadd.f32 v50, v1;
	v51 =	vld [tilespmem:s28+$0x1830]  }
0x5b8: {  	[tilespmem:s26+$0xFFFFFF50] =	vst v8;
	v8 =	vadd.f32 v11, v6;
	v11 =	vld [tilespmem:s25+$0x0]  }
0x5b9: {  	[tilespmem:s26+$0xFFFFFF60] =	vst v3;
	v3 =	vld [tilespmem:s30+$0xFFFFE070]  }
0x5ba: {  	v17 =	vld [tilespmem:s28+$0x1840]  }
0x5bb: {  	v15 =	vadd.f32 v15, v2;
	v2 =	vld [tilespmem:s25+$0xFFFFFFB0]  }
0x5bc: {  	v18 =	vld [tilespmem:s28+$0x1850]  }
0x5bd: {  	v13 =	vadd.f32 v13, v7;
	[tilespmem:s26+$0xFFFFFF70] =	vst v8;
	v8 =	vld [tilespmem:s25+$0xFFFFFFA0]  }
0x5be: {  	v19 =	vld [tilespmem:s28+$0x1860];
	v23 =	vadd.f32 v3, v11  }
0x5bf: {  	s29 =	simm.s32 $0xF070;
	v10 =	vadd.f32 v14, v10;
	v14 =	vld [tilespmem:s30+$0xFFFFE030];
	[tilespmem:s26+$0xFFFFFF10] =	vst v13  }
0x5c0: {  	v13 =	vld [tilespmem:s30+$0xFFFFE040];
	[tilespmem:s29+$0xFFFFFC80] =	vst v23  }
0x5c1: {  	[tilespmem:s26+$0x0] =	vst v15;
	v9 =	vadd.f32 v12, v9;
	v12 =	vld [tilespmem:s30+$0xFFFFE870]  }
0x5c2: {  	v15 =	vld [tilespmem:s30+$0xFFFFE060];
	[tilespmem:s26+$0xFFFFFFA0] =	vst v10;
	v10 =	vadd.f32 v51, v4  }
0x5c3: {  	v4 =	vld [tilespmem:s25+$0xFFFFFFD0];
	[tilespmem:s26+$0xFFFFFFB0] =	vst v9;
	v9 =	vadd.f32 v17, v5  }
0x5c4: {  	v3 =	vld [tilespmem:s25+$0xFFFFFFC0];
	[tilespmem:s26+$0xFFFFFFC0] =	vst v10;
	v1 =	vadd.f32 v18, v1  }
0x5c5: {  	v5 =	vld [tilespmem:s25+$0xFFFFFFE0];
	[tilespmem:s26+$0xFFFFFFD0] =	vst v9;
	v9 =	vadd.f32 v19, v6  }
0x5c6: {  	v10 =	vld [tilespmem:s30+$0xFFFFE050];
	[tilespmem:s26+$0xFFFFFFE0] =	vst v1;
	v12 =	vadd.f32 v12, v11  }
0x5c7: {  	v6 =	vld [tilespmem:s25+$0xFFFFFFF0];
	[tilespmem:s26+$0xFFFFFFF0] =	vst v9;
	v9 =	vadd.f32 v21, v8  }
0x5c8: {  	v52 =	vadd.f32 v22, v2;
	v1 =	vld [tilespmem:s25+$0xFFFFFF90];
	[tilespmem:s29+$0xFFFFFD00] =	vst v12  }
0x5c9: {  	[tilespmem:s29+$0xFFFFFC20] =	vst v9;
	v9 =	vadd.f32 v14, v3;
	v12 =	vld [tilespmem:s30+$0xFFFFF070]  }
0x5ca: {  	[tilespmem:s29+$0xFFFFFC30] =	vst v52;
	v13 =	vadd.f32 v13, v4;
	v14 =	vld [tilespmem:s30+$0xFFFFE810]  }
0x5cb: {  	[tilespmem:s29+$0xFFFFFC40] =	vst v9;
	v9 =	vadd.f32 v10, v5;
	v10 =	vld [tilespmem:s30+$0xFFFFE820]  }
0x5cc: {  	[tilespmem:s29+$0xFFFFFC50] =	vst v13;
	v15 =	vadd.f32 v15, v6;
	v13 =	vld [tilespmem:s30+$0xFFFFE830]  }
0x5cd: {  	v53 =	vld [tilespmem:s30+$0xFFFFE840];
	[tilespmem:s29+$0xFFFFFC60] =	vst v9;
	v9 =	vadd.f32 v20, v1  }
0x5ce: {  	[tilespmem:s29+$0xFFFFFC70] =	vst v15;
	v54 =	vld [tilespmem:s30+$0xFFFFE850];
	v12 =	vadd.f32 v12, v11  }
0x5cf: {  	[tilespmem:s29+$0xFFFFFC10] =	vst v9;
	v9 =	vadd.f32 v14, v8;
	v14 =	vld [tilespmem:s30+$0xFFFFE860]  }
0x5d0: {  	v15 =	vld [tilespmem:s30+$0xFFFFE800];
	v10 =	vadd.f32 v10, v2;
	[tilespmem:s29+$0xFFFFFD80] =	vst v12  }
0x5d1: {  	[tilespmem:s29+$0xFFFFFCA0] =	vst v9;
	v9 =	vadd.f32 v13, v3;
	v12 =	vld [tilespmem:s30+$0xFFFFF870]  }
0x5d2: {  	v13 =	vld [tilespmem:s30+$0xFFFFF010];
	[tilespmem:s29+$0xFFFFFCB0] =	vst v10;
	v10 =	vadd.f32 v53, v4  }
0x5d3: {  	v55 =	vld [tilespmem:s30+$0xFFFFF020];
	[tilespmem:s29+$0xFFFFFCC0] =	vst v9;
	v9 =	vadd.f32 v54, v5  }
0x5d4: {  	v56 =	vld [tilespmem:s30+$0xFFFFF030];
	[tilespmem:s29+$0xFFFFFCD0] =	vst v10;
	v10 =	vadd.f32 v14, v6  }
0x5d5: {  	v14 =	vadd.f32 v15, v1;
	v15 =	vld [tilespmem:s30+$0xFFFFF040];
	[tilespmem:s29+$0xFFFFFCE0] =	vst v9  }
0x5d6: {  	v9 =	vld [tilespmem:s30+$0xFFFFF050];
	[tilespmem:s29+$0xFFFFFCF0] =	vst v10;
	v10 =	vadd.f32 v12, v11  }
0x5d7: {  	[tilespmem:s29+$0xFFFFFC90] =	vst v14;
	v12 =	vadd.f32 v13, v8;
	v13 =	vld [tilespmem:s30+$0xFFFFF060]  }
0x5d8: {  	v14 =	vld [tilespmem:s30+$0xFFFFF000];
	v16 =	vadd.f32 v55, v2;
	[tilespmem:s29+$0xFFFFFE00] =	vst v10  }
0x5d9: {  	[tilespmem:s29+$0xFFFFFD20] =	vst v12;
	v10 =	vadd.f32 v56, v3;
	v12 =	vld [tilespmem:s30+$0x70]  }
0x5da: {  	[tilespmem:s29+$0xFFFFFD30] =	vst v16;
	v15 =	vadd.f32 v15, v4;
	v57 =	vld [tilespmem:s30+$0xFFFFF810]  }
0x5db: {  	v16 =	vld [tilespmem:s30+$0xFFFFF820];
	v9 =	vadd.f32 v9, v5;
	[tilespmem:s29+$0xFFFFFD40] =	vst v10  }
0x5dc: {  	[tilespmem:s29+$0xFFFFFD50] =	vst v15;
	v10 =	vld [tilespmem:s30+$0xFFFFF830];
	v13 =	vadd.f32 v13, v6  }
0x5dd: {  	v14 =	vadd.f32 v14, v1;
	v15 =	vld [tilespmem:s30+$0xFFFFF840];
	[tilespmem:s29+$0xFFFFFD60] =	vst v9  }
0x5de: {  	v9 =	vld [tilespmem:s30+$0xFFFFF850];
	[tilespmem:s29+$0xFFFFFD70] =	vst v13;
	v12 =	vadd.f32 v12, v11  }
0x5df: {  	[tilespmem:s29+$0xFFFFFD10] =	vst v14;
	v13 =	vadd.f32 v57, v8;
	v14 =	vld [tilespmem:s30+$0xFFFFF860]  }
0x5e0: {  	v58 =	vld [tilespmem:s30+$0xFFFFF800];
	v16 =	vadd.f32 v16, v2;
	[tilespmem:s29+$0xFFFFFE80] =	vst v12  }
0x5e1: {  	[tilespmem:s29+$0xFFFFFDA0] =	vst v13;
	v10 =	vadd.f32 v10, v3;
	v12 =	vld [tilespmem:s30+$0x870]  }
0x5e2: {  	[tilespmem:s29+$0xFFFFFDB0] =	vst v16;
	v15 =	vadd.f32 v15, v4;
	v13 =	vld [tilespmem:s30+$0x10]  }
0x5e3: {  	v16 =	vld [tilespmem:s30+$0x20];
	v9 =	vadd.f32 v9, v5;
	[tilespmem:s29+$0xFFFFFDC0] =	vst v10  }
0x5e4: {  	[tilespmem:s29+$0xFFFFFDD0] =	vst v15;
	v10 =	vld [tilespmem:s30+$0x30];
	v14 =	vadd.f32 v14, v6  }
0x5e5: {  	v15 =	vadd.f32 v58, v1;
	v59 =	vld [tilespmem:s30+$0x40];
	[tilespmem:s29+$0xFFFFFDE0] =	vst v9  }
0x5e6: {  	v9 =	vld [tilespmem:s30+$0x50];
	[tilespmem:s29+$0xFFFFFDF0] =	vst v14;
	v12 =	vadd.f32 v12, v11  }
0x5e7: {  	[tilespmem:s29+$0xFFFFFD90] =	vst v15;
	v13 =	vadd.f32 v13, v8;
	v14 =	vld [tilespmem:s30+$0x60]  }
0x5e8: {  	v15 =	vld [tilespmem:s30+$0x0];
	v16 =	vadd.f32 v16, v2;
	[tilespmem:s29+$0xFFFFFF00] =	vst v12  }
0x5e9: {  	[tilespmem:s29+$0xFFFFFE20] =	vst v13;
	v10 =	vadd.f32 v10, v3;
	v12 =	vld [tilespmem:s30+$0x1070]  }
0x5ea: {  	[tilespmem:s29+$0xFFFFFE30] =	vst v16;
	v60 =	vadd.f32 v59, v4;
	v13 =	vld [tilespmem:s30+$0x810]  }
0x5eb: {  	v61 =	vld [tilespmem:s30+$0x820];
	v9 =	vadd.f32 v9, v5;
	[tilespmem:s29+$0xFFFFFE40] =	vst v10  }
0x5ec: {  	[tilespmem:s29+$0xFFFFFE50] =	vst v60;
	v10 =	vld [tilespmem:s30+$0x830];
	v14 =	vadd.f32 v14, v6  }
0x5ed: {  	v15 =	vadd.f32 v15, v1;
	v16 =	vld [tilespmem:s30+$0x840];
	[tilespmem:s29+$0xFFFFFE60] =	vst v9  }
0x5ee: {  	v9 =	vld [tilespmem:s30+$0x850];
	[tilespmem:s29+$0xFFFFFE70] =	vst v14;
	v12 =	vadd.f32 v12, v11  }
0x5ef: {  	[tilespmem:s29+$0xFFFFFE10] =	vst v15;
	v13 =	vadd.f32 v13, v8;
	v14 =	vld [tilespmem:s30+$0x860]  }
0x5f0: {  	v15 =	vld [tilespmem:s30+$0x800];
	v17 =	vadd.f32 v61, v2;
	[tilespmem:s29+$0xFFFFFF80] =	vst v12  }
0x5f1: {  	[tilespmem:s29+$0xFFFFFEA0] =	vst v13;
	v10 =	vadd.f32 v10, v3;
	v12 =	vld [tilespmem:s30+$0x1870]  }
0x5f2: {  	[tilespmem:s29+$0xFFFFFEB0] =	vst v17;
	v16 =	vadd.f32 v16, v4;
	v13 =	vld [tilespmem:s30+$0x1010]  }
0x5f3: {  	v17 =	vld [tilespmem:s30+$0x1020];
	v9 =	vadd.f32 v9, v5;
	[tilespmem:s29+$0xFFFFFEC0] =	vst v10  }
0x5f4: {  	[tilespmem:s29+$0xFFFFFED0] =	vst v16;
	v10 =	vld [tilespmem:s30+$0x1030];
	v14 =	vadd.f32 v14, v6  }
0x5f5: {  	v15 =	vadd.f32 v15, v1;
	v16 =	vld [tilespmem:s30+$0x1040];
	[tilespmem:s29+$0xFFFFFEE0] =	vst v9  }
0x5f6: {  	v9 =	vld [tilespmem:s30+$0x1050];
	[tilespmem:s29+$0xFFFFFEF0] =	vst v14;
	v11 =	vadd.f32 v12, v11  }
0x5f7: {  	[tilespmem:s29+$0xFFFFFE90] =	vst v15;
	v12 =	vadd.f32 v13, v8;
	v14 =	vld [tilespmem:s30+$0x1060]  }
0x5f8: {  	v15 =	vld [tilespmem:s30+$0x1000];
	v13 =	vadd.f32 v17, v2;
	[tilespmem:s29+$0x0] =	vst v11  }
0x5f9: {  	v62 =	vld [tilespmem:s28+$0x1800];
	[tilespmem:s29+$0xFFFFFF20] =	vst v12;
	v10 =	vadd.f32 v10, v3  }
0x5fa: {  	[tilespmem:s29+$0xFFFFFF30] =	vst v13;
	v11 =	vadd.f32 v16, v4;
	v63 =	vld [tilespmem:s30+$0x1810]  }
0x5fb: {  	v9 =	vadd.f32 v9, v5;
	v13 =	vld [tilespmem:s30+$0x1820];
	[tilespmem:s29+$0xFFFFFF40] =	vst v10  }
0x5fc: {  	[tilespmem:s29+$0xFFFFFF50] =	vst v11;
	v10 =	vld [tilespmem:s30+$0x1830];
	v14 =	vadd.f32 v14, v6  }
0x5fd: {  	v15 =	vadd.f32 v15, v1;
	[tilespmem:s29+$0xFFFFFF60] =	vst v9;
	v11 =	vld [tilespmem:s30+$0x1840]  }
0x5fe: {  	s31 =	simm.s32 $0x8;
	s2 =	simm.s32 $0x5F0;
	v12 =	vld [tilespmem:s30+$0x1850];
	[tilespmem:s29+$0xFFFFFF70] =	vst v14;
	v14 =	vadd.f32 v62, v7  }
0x5ff: {  	s0 =	simm.s32 $0x6B80;
	s28 =	simm.s32 $0x6A00;
	s25 =	simm.s32 $0xFC70;
	[tilespmem:s29+$0xFFFFFF10] =	vst v15;
	v7 =	vadd.f32 v63, v8;
	v9 =	vld [tilespmem:s30+$0x1860]  }
.LBB2_15:
0x600: {  	v8 =	vld [tilespmem:s2+$0x0];
	v2 =	vadd.f32 v13, v2;
	s30 =	sadd.s32 $0x200, s30;
	[tilespmem:s26+$0xFFFFFF90] =	vst v14;
	s26 =	smov.u32 s29  }
0x601: {  	s31 =	sadd.s32 $0x8, s31;
	v13 =	vld [tilespmem:s30+$0xFFFFE070];
	[tilespmem:s29+$0xFFFFFFA0] =	vst v7;
	v3 =	vadd.f32 v10, v3  }
0x602: {  	p1 =	slt.u32 s31, $0x18;
	v10 =	vld [tilespmem:s30+$0xFFFFE000];
	[tilespmem:s29+$0xFFFFFFB0] =	vst v2;
	v2 =	vadd.f32 v11, v4  }
0x603: {  	v7 =	vld [tilespmem:s2+$0xFFFFFFA0];
	[tilespmem:s29+$0xFFFFFFC0] =	vst v3;
	v3 =	vadd.f32 v12, v5  }
0x604: {  	v4 =	vld [tilespmem:s30+$0xFFFFE010];
	[tilespmem:s29+$0xFFFFFFD0] =	vst v2;
	v5 =	vadd.f32 v9, v6  }
0x605: {  	v2 =	vld [tilespmem:s2+$0xFFFFFFB0];
	[tilespmem:s29+$0xFFFFFFE0] =	vst v3  }
0x606: {  	v6 =	vld [tilespmem:s30+$0xFFFFE020];
	v9 =	vadd.f32 v13, v8;
	[tilespmem:s29+$0xFFFFFFF0] =	vst v5  }
0x607: {  	s29 =	sadd.s32 $0x400, s29;
	v3 =	vld [tilespmem:s2+$0xFFFFFFC0]  }
0x608: {  	v11 =	vld [tilespmem:s30+$0xFFFFE030];
	[tilespmem:s29+$0xFFFFFC80] =	vst v9  }
0x609: {  	v5 =	vadd.f32 v4, v7;
	v9 =	vld [tilespmem:s30+$0xFFFFE870]  }
0x60a: {  	v4 =	vld [tilespmem:s2+$0xFFFFFFD0]  }
0x60b: {  	[tilespmem:s29+$0xFFFFFC20] =	vst v5;
	v6 =	vadd.f32 v6, v2;
	v12 =	vld [tilespmem:s30+$0xFFFFE040]  }
0x60c: {  	v5 =	vld [tilespmem:s2+$0xFFFFFFE0]  }
0x60d: {  	[tilespmem:s29+$0xFFFFFC30] =	vst v6;
	v11 =	vadd.f32 v11, v3;
	v13 =	vld [tilespmem:s30+$0xFFFFE050]  }
0x60e: {  	v6 =	vld [tilespmem:s2+$0xFFFFFFF0];
	v14 =	vadd.f32 v9, v8  }
0x60f: {  	[tilespmem:s29+$0xFFFFFC40] =	vst v11;
	v11 =	vld [tilespmem:s30+$0xFFFFE060]  }
0x610: {  	v9 =	vld [tilespmem:s2+$0xFFFFFF90];
	v12 =	vadd.f32 v12, v4;
	[tilespmem:s29+$0xFFFFFD00] =	vst v14  }
0x611: {  	v14 =	vld [tilespmem:s30+$0xFFFFF070]  }
0x612: {  	v15 =	vld [tilespmem:s30+$0xFFFFE810];
	[tilespmem:s29+$0xFFFFFC50] =	vst v12;
	v12 =	vadd.f32 v13, v5  }
0x613: {  	v13 =	vld [tilespmem:s30+$0xFFFFE820]  }
0x614: {  	v16 =	vld [tilespmem:s30+$0xFFFFE830];
	[tilespmem:s29+$0xFFFFFC60] =	vst v12;
	v11 =	vadd.f32 v11, v6  }
0x615: {  	v10 =	vadd.f32 v10, v9;
	v12 =	vld [tilespmem:s30+$0xFFFFE840]  }
0x616: {  	v17 =	vld [tilespmem:s30+$0xFFFFE850];
	[tilespmem:s29+$0xFFFFFC70] =	vst v11;
	v11 =	vadd.f32 v14, v8  }
0x617: {  	[tilespmem:s29+$0xFFFFFC10] =	vst v10;
	v10 =	vadd.f32 v15, v7;
	v14 =	vld [tilespmem:s30+$0xFFFFE860]  }
0x618: {  	v15 =	vld [tilespmem:s30+$0xFFFFE800];
	v13 =	vadd.f32 v13, v2;
	[tilespmem:s29+$0xFFFFFD80] =	vst v11  }
0x619: {  	[tilespmem:s29+$0xFFFFFCA0] =	vst v10;
	v10 =	vadd.f32 v16, v3;
	v11 =	vld [tilespmem:s30+$0xFFFFF870]  }
0x61a: {  	v16 =	vld [tilespmem:s30+$0xFFFFF010];
	[tilespmem:s29+$0xFFFFFCB0] =	vst v13;
	v12 =	vadd.f32 v12, v4  }
0x61b: {  	v13 =	vld [tilespmem:s30+$0xFFFFF020];
	[tilespmem:s29+$0xFFFFFCC0] =	vst v10;
	v10 =	vadd.f32 v17, v5  }
0x61c: {  	v17 =	vld [tilespmem:s30+$0xFFFFF030];
	[tilespmem:s29+$0xFFFFFCD0] =	vst v12;
	v12 =	vadd.f32 v14, v6  }
0x61d: {  	v14 =	vadd.f32 v15, v9;
	v15 =	vld [tilespmem:s30+$0xFFFFF040];
	[tilespmem:s29+$0xFFFFFCE0] =	vst v10  }
0x61e: {  	v10 =	vld [tilespmem:s30+$0xFFFFF050];
	[tilespmem:s29+$0xFFFFFCF0] =	vst v12;
	v11 =	vadd.f32 v11, v8  }
0x61f: {  	[tilespmem:s29+$0xFFFFFC90] =	vst v14;
	v12 =	vadd.f32 v16, v7;
	v14 =	vld [tilespmem:s30+$0xFFFFF060]  }
0x620: {  	v16 =	vld [tilespmem:s30+$0xFFFFF000];
	v13 =	vadd.f32 v13, v2;
	[tilespmem:s29+$0xFFFFFE00] =	vst v11  }
0x621: {  	[tilespmem:s29+$0xFFFFFD20] =	vst v12;
	v11 =	vadd.f32 v17, v3;
	v12 =	vld [tilespmem:s30+$0x70]  }
0x622: {  	v17 =	vld [tilespmem:s30+$0xFFFFF810];
	[tilespmem:s29+$0xFFFFFD30] =	vst v13;
	v13 =	vadd.f32 v15, v4  }
0x623: {  	v15 =	vld [tilespmem:s30+$0xFFFFF820];
	[tilespmem:s29+$0xFFFFFD40] =	vst v11;
	v10 =	vadd.f32 v10, v5  }
0x624: {  	v11 =	vld [tilespmem:s30+$0xFFFFF830];
	[tilespmem:s29+$0xFFFFFD50] =	vst v13;
	v13 =	vadd.f32 v14, v6  }
0x625: {  	v14 =	vadd.f32 v16, v9;
	v16 =	vld [tilespmem:s30+$0xFFFFF840];
	[tilespmem:s29+$0xFFFFFD60] =	vst v10  }
0x626: {  	v10 =	vld [tilespmem:s30+$0xFFFFF850];
	[tilespmem:s29+$0xFFFFFD70] =	vst v13;
	v12 =	vadd.f32 v12, v8  }
0x627: {  	[tilespmem:s29+$0xFFFFFD10] =	vst v14;
	v13 =	vadd.f32 v17, v7;
	v14 =	vld [tilespmem:s30+$0xFFFFF860]  }
0x628: {  	v17 =	vld [tilespmem:s30+$0xFFFFF800];
	v15 =	vadd.f32 v15, v2;
	[tilespmem:s29+$0xFFFFFE80] =	vst v12  }
0x629: {  	[tilespmem:s29+$0xFFFFFDA0] =	vst v13;
	v11 =	vadd.f32 v11, v3;
	v12 =	vld [tilespmem:s30+$0x870]  }
0x62a: {  	v13 =	vld [tilespmem:s30+$0x10];
	[tilespmem:s29+$0xFFFFFDB0] =	vst v15;
	v15 =	vadd.f32 v16, v4  }
0x62b: {  	v16 =	vld [tilespmem:s30+$0x20];
	[tilespmem:s29+$0xFFFFFDC0] =	vst v11;
	v10 =	vadd.f32 v10, v5  }
0x62c: {  	v11 =	vld [tilespmem:s30+$0x30];
	[tilespmem:s29+$0xFFFFFDD0] =	vst v15;
	v14 =	vadd.f32 v14, v6  }
0x62d: {  	v15 =	vadd.f32 v17, v9;
	v17 =	vld [tilespmem:s30+$0x40];
	[tilespmem:s29+$0xFFFFFDE0] =	vst v10  }
0x62e: {  	v10 =	vld [tilespmem:s30+$0x50];
	[tilespmem:s29+$0xFFFFFDF0] =	vst v14;
	v12 =	vadd.f32 v12, v8  }
0x62f: {  	[tilespmem:s29+$0xFFFFFD90] =	vst v15;
	v13 =	vadd.f32 v13, v7;
	v14 =	vld [tilespmem:s30+$0x60]  }
0x630: {  	v15 =	vld [tilespmem:s30+$0x0];
	v16 =	vadd.f32 v16, v2;
	[tilespmem:s29+$0xFFFFFF00] =	vst v12  }
0x631: {  	[tilespmem:s29+$0xFFFFFE20] =	vst v13;
	v11 =	vadd.f32 v11, v3;
	v12 =	vld [tilespmem:s30+$0x1070]  }
0x632: {  	v13 =	vld [tilespmem:s30+$0x810];
	[tilespmem:s29+$0xFFFFFE30] =	vst v16;
	v16 =	vadd.f32 v17, v4  }
0x633: {  	v17 =	vld [tilespmem:s30+$0x820];
	[tilespmem:s29+$0xFFFFFE40] =	vst v11;
	v10 =	vadd.f32 v10, v5  }
0x634: {  	v11 =	vld [tilespmem:s30+$0x830];
	[tilespmem:s29+$0xFFFFFE50] =	vst v16;
	v14 =	vadd.f32 v14, v6  }
0x635: {  	v15 =	vadd.f32 v15, v9;
	v16 =	vld [tilespmem:s30+$0x840];
	[tilespmem:s29+$0xFFFFFE60] =	vst v10  }
0x636: {  	v10 =	vld [tilespmem:s30+$0x850];
	[tilespmem:s29+$0xFFFFFE70] =	vst v14;
	v12 =	vadd.f32 v12, v8  }
0x637: {  	[tilespmem:s29+$0xFFFFFE10] =	vst v15;
	v13 =	vadd.f32 v13, v7;
	v14 =	vld [tilespmem:s30+$0x860]  }
0x638: {  	v15 =	vld [tilespmem:s30+$0x800];
	v17 =	vadd.f32 v17, v2;
	[tilespmem:s29+$0xFFFFFF80] =	vst v12  }
0x639: {  	[tilespmem:s29+$0xFFFFFEA0] =	vst v13;
	v11 =	vadd.f32 v11, v3;
	v12 =	vld [tilespmem:s30+$0x1870]  }
0x63a: {  	v13 =	vld [tilespmem:s30+$0x1010];
	[tilespmem:s29+$0xFFFFFEB0] =	vst v17;
	v16 =	vadd.f32 v16, v4  }
0x63b: {  	v17 =	vld [tilespmem:s30+$0x1020];
	[tilespmem:s29+$0xFFFFFEC0] =	vst v11;
	v10 =	vadd.f32 v10, v5  }
0x63c: {  	v11 =	vld [tilespmem:s30+$0x1030];
	[tilespmem:s29+$0xFFFFFED0] =	vst v16;
	v14 =	vadd.f32 v14, v6  }
0x63d: {  	v15 =	vadd.f32 v15, v9;
	v16 =	vld [tilespmem:s30+$0x1040];
	[tilespmem:s29+$0xFFFFFEE0] =	vst v10  }
0x63e: {  	v10 =	vld [tilespmem:s30+$0x1050];
	[tilespmem:s29+$0xFFFFFEF0] =	vst v14;
	v8 =	vadd.f32 v12, v8  }
0x63f: {  	[tilespmem:s29+$0xFFFFFE90] =	vst v15;
	v12 =	vadd.f32 v13, v7;
	v14 =	vld [tilespmem:s30+$0x1060]  }
0x640: {  	s1 =	simm.s32 $0x270;
	v15 =	vld [tilespmem:s30+$0x1000];
	v13 =	vadd.f32 v17, v2;
	[tilespmem:s29+$0x0] =	vst v8  }
0x641: {  	[tilespmem:s29+$0xFFFFFF20] =	vst v12;
	v8 =	vadd.f32 v11, v3;
	v17 =	vld [tilespmem:s0+$0x1800];
	s0 =	smov.u32 s30  }
0x642: {  	v18 =	vld [tilespmem:s30+$0x1810];
	[tilespmem:s29+$0xFFFFFF30] =	vst v13;
	v11 =	vadd.f32 v16, v4  }
.Ltmp6:
0x643: {  	v13 =	vld [tilespmem:s30+$0x1820];
	[tilespmem:s29+$0xFFFFFF40] =	vst v8;
	v8 =	vadd.f32 v10, v5;
	(pc) =	sbr.rel @p1 .LBB2_15-.Ltmp6, $4  }
0x644: {  	v10 =	vld [tilespmem:s30+$0x1830];
	[tilespmem:s29+$0xFFFFFF50] =	vst v11;
	v14 =	vadd.f32 v14, v6  }
0x645: {  	v15 =	vadd.f32 v15, v9;
	v11 =	vld [tilespmem:s30+$0x1840];
	[tilespmem:s29+$0xFFFFFF60] =	vst v8  }
0x646: {  	v12 =	vld [tilespmem:s30+$0x1850];
	[tilespmem:s29+$0xFFFFFF70] =	vst v14;
	v14 =	vadd.f32 v17, v1;
	v1 =	vmov v9  }
0x647: {  	s2 =	sadd.s32 $0x200, s2;
	[tilespmem:s29+$0xFFFFFF10] =	vst v15;
	v7 =	vadd.f32 v18, v7;
	v9 =	vld [tilespmem:s30+$0x1860]  }
0x648: {  	v2 =	vadd.f32 v13, v2;
	[tilespmem:s26+$0xFFFFFF90] =	vst v14;
	v8 =	vld [tilespmem:s0+$0x1800]  }
0x649: {  	[tilespmem:s29+$0xFFFFFFA0] =	vst v7;
	v3 =	vadd.f32 v10, v3  }
0x64a: {  	[tilespmem:s29+$0xFFFFFFB0] =	vst v2;
	v2 =	vadd.f32 v11, v4  }
0x64b: {  	[tilespmem:s29+$0xFFFFFFC0] =	vst v3;
	v3 =	vadd.f32 v12, v5  }
0x64c: {  	[tilespmem:s29+$0xFFFFFFD0] =	vst v2;
	v2 =	vadd.f32 v9, v6  }
0x64d: {  	[tilespmem:s29+$0xFFFFFFE0] =	vst v3;
	v1 =	vadd.f32 v8, v1  }
0x64e: {  	[tilespmem:s29+$0xFFFFFFF0] =	vst v2  }
0x64f: {  	[tilespmem:s29+$0xFFFFFF90] =	vst v1  }
0x650: {  	v2 =	vld [tilespmem:s1+$0x0]  }
0x651: {  	v3 =	vld [tilespmem:s28+$0xFFFFE070]  }
0x652: {  	v8 =	vld [tilespmem:s28+$0xFFFFE000]  }
0x653: {  	v10 =	vld [tilespmem:s1+$0xFFFFFFA0]  }
0x654: {  	v7 =	vld [tilespmem:s28+$0xFFFFE010]  }
0x655: {  	v9 =	vld [tilespmem:s1+$0xFFFFFFB0]  }
0x656: {  	v11 =	vld [tilespmem:s28+$0xFFFFE020]  }
0x657: {  	v4 =	vld [tilespmem:s1+$0xFFFFFFC0]  }
0x658: {  	v12 =	vld [tilespmem:s28+$0xFFFFE030]  }
0x659: {  	v5 =	vld [tilespmem:s1+$0xFFFFFFD0]  }
0x65a: {  	v13 =	vld [tilespmem:s28+$0xFFFFE040]  }
0x65b: {  	v1 =	vld [tilespmem:s1+$0xFFFFFFE0]  }
0x65c: {  	v14 =	vld [tilespmem:s28+$0xFFFFE050]  }
0x65d: {  	v6 =	vld [tilespmem:s1+$0xFFFFFFF0]  }
0x65e: {  	s29 =	simm.s32 $0x6C00;
	v15 =	vld [tilespmem:s28+$0xFFFFE060]  }
0x65f: {  	v20 =	vld [tilespmem:s29+$0xFFFFE000];
	v3 =	vadd.f32 v3, v2  }
0x660: {  	v21 =	vld [tilespmem:s29+$0xFFFFE010]  }
0x661: {  	v22 =	vld [tilespmem:s29+$0xFFFFE020];
	[tilespmem:s25+$0xFFFFFC80] =	vst v3;
	v3 =	vadd.f32 v7, v10  }
0x662: {  	v11 =	vadd.f32 v11, v9;
	v16 =	vld [tilespmem:s28+$0xFFFFE870]  }
0x663: {  	v7 =	vld [tilespmem:s1+$0xFFFFFF90];
	[tilespmem:s25+$0xFFFFFC20] =	vst v3;
	v3 =	vadd.f32 v12, v4  }
0x664: {  	[tilespmem:s25+$0xFFFFFC30] =	vst v11;
	v11 =	vadd.f32 v13, v5;
	v12 =	vld [tilespmem:s28+$0xFFFFE810]  }
0x665: {  	v13 =	vld [tilespmem:s28+$0xFFFFE820];
	[tilespmem:s25+$0xFFFFFC40] =	vst v3;
	v3 =	vadd.f32 v14, v1  }
0x666: {  	[tilespmem:s25+$0xFFFFFC50] =	vst v11;
	v14 =	vadd.f32 v15, v6;
	v11 =	vld [tilespmem:s28+$0xFFFFE830]  }
0x667: {  	v15 =	vadd.f32 v16, v2;
	[tilespmem:s25+$0xFFFFFC60] =	vst v3;
	v3 =	vld [tilespmem:s28+$0xFFFFE840]  }
0x668: {  	v8 =	vadd.f32 v8, v7;
	[tilespmem:s25+$0xFFFFFC70] =	vst v14;
	v43 =	vld [tilespmem:s28+$0xFFFFE850]  }
0x669: {  	v14 =	vld [tilespmem:s28+$0xFFFFE860];
	[tilespmem:s25+$0xFFFFFD00] =	vst v15;
	v12 =	vadd.f32 v12, v10  }
0x66a: {  	[tilespmem:s25+$0xFFFFFC10] =	vst v8;
	v8 =	vadd.f32 v13, v9;
	v15 =	vld [tilespmem:s28+$0xFFFFF070]  }
0x66b: {  	v13 =	vld [tilespmem:s28+$0xFFFFE800];
	[tilespmem:s25+$0xFFFFFCA0] =	vst v12;
	v11 =	vadd.f32 v11, v4  }
0x66c: {  	[tilespmem:s25+$0xFFFFFCB0] =	vst v8;
	v12 =	vld [tilespmem:s28+$0xFFFFF010];
	v3 =	vadd.f32 v3, v5  }
0x66d: {  	v8 =	vld [tilespmem:s28+$0xFFFFF020];
	[tilespmem:s25+$0xFFFFFCC0] =	vst v11;
	v11 =	vadd.f32 v43, v1  }
0x66e: {  	v44 =	vld [tilespmem:s28+$0xFFFFF030];
	[tilespmem:s25+$0xFFFFFCD0] =	vst v3;
	v3 =	vadd.f32 v14, v6  }
0x66f: {  	v14 =	vadd.f32 v15, v2;
	v15 =	vld [tilespmem:s28+$0xFFFFF040];
	[tilespmem:s25+$0xFFFFFCE0] =	vst v11  }
0x670: {  	v11 =	vadd.f32 v13, v7;
	v13 =	vld [tilespmem:s28+$0xFFFFF050];
	[tilespmem:s25+$0xFFFFFCF0] =	vst v3  }
0x671: {  	[tilespmem:s25+$0xFFFFFD80] =	vst v14;
	v3 =	vadd.f32 v12, v10;
	v12 =	vld [tilespmem:s28+$0xFFFFF060]  }
0x672: {  	v8 =	vadd.f32 v8, v9;
	[tilespmem:s25+$0xFFFFFC90] =	vst v11;
	v14 =	vld [tilespmem:s28+$0xFFFFF870]  }
0x673: {  	v11 =	vld [tilespmem:s28+$0xFFFFF000];
	[tilespmem:s25+$0xFFFFFD20] =	vst v3;
	v3 =	vadd.f32 v44, v4  }
0x674: {  	[tilespmem:s25+$0xFFFFFD30] =	vst v8;
	v45 =	vld [tilespmem:s28+$0xFFFFF810];
	v8 =	vadd.f32 v15, v5  }
0x675: {  	v15 =	vld [tilespmem:s28+$0xFFFFF820];
	[tilespmem:s25+$0xFFFFFD40] =	vst v3;
	v3 =	vadd.f32 v13, v1  }
0x676: {  	v13 =	vld [tilespmem:s28+$0xFFFFF830];
	[tilespmem:s25+$0xFFFFFD50] =	vst v8;
	v8 =	vadd.f32 v12, v6  }
0x677: {  	v12 =	vadd.f32 v14, v2;
	v14 =	vld [tilespmem:s28+$0xFFFFF840];
	[tilespmem:s25+$0xFFFFFD60] =	vst v3  }
0x678: {  	v3 =	vadd.f32 v11, v7;
	v11 =	vld [tilespmem:s28+$0xFFFFF850];
	[tilespmem:s25+$0xFFFFFD70] =	vst v8  }
0x679: {  	[tilespmem:s25+$0xFFFFFE00] =	vst v12;
	v8 =	vadd.f32 v45, v10;
	v12 =	vld [tilespmem:s28+$0xFFFFF860]  }
0x67a: {  	[tilespmem:s25+$0xFFFFFD10] =	vst v3;
	v3 =	vadd.f32 v15, v9;
	v46 =	vld [tilespmem:s28+$0x70]  }
0x67b: {  	v15 =	vld [tilespmem:s28+$0xFFFFF800];
	[tilespmem:s25+$0xFFFFFDA0] =	vst v8;
	v8 =	vadd.f32 v13, v4  }
0x67c: {  	[tilespmem:s25+$0xFFFFFDB0] =	vst v3;
	v13 =	vld [tilespmem:s28+$0x10];
	v3 =	vadd.f32 v14, v5  }
0x67d: {  	v14 =	vld [tilespmem:s28+$0x20];
	[tilespmem:s25+$0xFFFFFDC0] =	vst v8;
	v8 =	vadd.f32 v11, v1  }
0x67e: {  	v11 =	vld [tilespmem:s28+$0x30];
	[tilespmem:s25+$0xFFFFFDD0] =	vst v3;
	v3 =	vadd.f32 v12, v6  }
0x67f: {  	v12 =	vadd.f32 v46, v2;
	v47 =	vld [tilespmem:s28+$0x40];
	[tilespmem:s25+$0xFFFFFDE0] =	vst v8  }
0x680: {  	v8 =	vadd.f32 v15, v7;
	v15 =	vld [tilespmem:s28+$0x50];
	[tilespmem:s25+$0xFFFFFDF0] =	vst v3  }
0x681: {  	[tilespmem:s25+$0xFFFFFE80] =	vst v12;
	v3 =	vadd.f32 v13, v10;
	v12 =	vld [tilespmem:s28+$0x60]  }
0x682: {  	[tilespmem:s25+$0xFFFFFD90] =	vst v8;
	v8 =	vadd.f32 v14, v9;
	v13 =	vld [tilespmem:s28+$0x870]  }
0x683: {  	v14 =	vld [tilespmem:s28+$0x0];
	[tilespmem:s25+$0xFFFFFE20] =	vst v3;
	v3 =	vadd.f32 v11, v4  }
0x684: {  	[tilespmem:s25+$0xFFFFFE30] =	vst v8;
	v11 =	vld [tilespmem:s28+$0x810];
	v8 =	vadd.f32 v47, v5  }
0x685: {  	v48 =	vld [tilespmem:s28+$0x820];
	[tilespmem:s25+$0xFFFFFE40] =	vst v3;
	v3 =	vadd.f32 v15, v1  }
0x686: {  	v15 =	vld [tilespmem:s28+$0x830];
	[tilespmem:s25+$0xFFFFFE50] =	vst v8;
	v8 =	vadd.f32 v12, v6  }
0x687: {  	v12 =	vadd.f32 v13, v2;
	v13 =	vld [tilespmem:s28+$0x840];
	[tilespmem:s25+$0xFFFFFE60] =	vst v3  }
0x688: {  	v3 =	vadd.f32 v14, v7;
	v14 =	vld [tilespmem:s28+$0x850];
	[tilespmem:s25+$0xFFFFFE70] =	vst v8  }
0x689: {  	[tilespmem:s25+$0xFFFFFF00] =	vst v12;
	v8 =	vadd.f32 v11, v10;
	v11 =	vld [tilespmem:s28+$0x860]  }
0x68a: {  	[tilespmem:s25+$0xFFFFFE10] =	vst v3;
	v3 =	vadd.f32 v48, v9;
	v12 =	vld [tilespmem:s28+$0x1070]  }
0x68b: {  	v49 =	vld [tilespmem:s28+$0x800];
	[tilespmem:s25+$0xFFFFFEA0] =	vst v8;
	v8 =	vadd.f32 v15, v4  }
0x68c: {  	[tilespmem:s25+$0xFFFFFEB0] =	vst v3;
	v15 =	vld [tilespmem:s28+$0x1010];
	v3 =	vadd.f32 v13, v5  }
0x68d: {  	v13 =	vld [tilespmem:s28+$0x1020];
	[tilespmem:s25+$0xFFFFFEC0] =	vst v8;
	v8 =	vadd.f32 v14, v1  }
0x68e: {  	v14 =	vld [tilespmem:s28+$0x1030];
	[tilespmem:s25+$0xFFFFFED0] =	vst v3;
	v3 =	vadd.f32 v11, v6  }
0x68f: {  	v11 =	vadd.f32 v12, v2;
	v12 =	vld [tilespmem:s28+$0x1040];
	[tilespmem:s25+$0xFFFFFEE0] =	vst v8  }
0x690: {  	v8 =	vadd.f32 v49, v7;
	v50 =	vld [tilespmem:s28+$0x1050];
	[tilespmem:s25+$0xFFFFFEF0] =	vst v3  }
0x691: {  	[tilespmem:s25+$0xFFFFFF80] =	vst v11;
	v3 =	vadd.f32 v15, v10;
	v11 =	vld [tilespmem:s28+$0x1060]  }
0x692: {  	[tilespmem:s25+$0xFFFFFE90] =	vst v8;
	v8 =	vadd.f32 v13, v9;
	v15 =	vld [tilespmem:s28+$0x1870]  }
0x693: {  	v13 =	vld [tilespmem:s28+$0x1000];
	[tilespmem:s25+$0xFFFFFF20] =	vst v3;
	v3 =	vadd.f32 v14, v4  }
0x694: {  	[tilespmem:s25+$0xFFFFFF30] =	vst v8;
	v14 =	vld [tilespmem:s28+$0x1810]  }
0x695: {  	v8 =	vadd.f32 v12, v5;
	v12 =	vld [tilespmem:s28+$0x1820];
	[tilespmem:s25+$0xFFFFFF40] =	vst v3  }
0x696: {  	s31 =	simm.s32 $0x470;
	v3 =	vadd.f32 v50, v1;
	v51 =	vld [tilespmem:s28+$0x1830]  }
0x697: {  	[tilespmem:s25+$0xFFFFFF50] =	vst v8;
	v8 =	vadd.f32 v11, v6;
	v11 =	vld [tilespmem:s31+$0x0]  }
0x698: {  	[tilespmem:s25+$0xFFFFFF60] =	vst v3;
	v3 =	vld [tilespmem:s29+$0xFFFFE070]  }
0x699: {  	v17 =	vld [tilespmem:s28+$0x1840]  }
0x69a: {  	v15 =	vadd.f32 v15, v2;
	v2 =	vld [tilespmem:s31+$0xFFFFFFB0]  }
0x69b: {  	v18 =	vld [tilespmem:s28+$0x1850]  }
0x69c: {  	v13 =	vadd.f32 v13, v7;
	[tilespmem:s25+$0xFFFFFF70] =	vst v8;
	v8 =	vld [tilespmem:s31+$0xFFFFFFA0]  }
0x69d: {  	v19 =	vld [tilespmem:s28+$0x1860];
	v23 =	vadd.f32 v3, v11  }
0x69e: {  	s26 =	simm.s32 $0x10070;
	v10 =	vadd.f32 v14, v10;
	v14 =	vld [tilespmem:s29+$0xFFFFE030];
	[tilespmem:s25+$0xFFFFFF10] =	vst v13  }
0x69f: {  	v13 =	vld [tilespmem:s29+$0xFFFFE040];
	[tilespmem:s26+$0xFFFFFC80] =	vst v23  }
0x6a0: {  	[tilespmem:s25+$0x0] =	vst v15;
	v9 =	vadd.f32 v12, v9;
	v12 =	vld [tilespmem:s29+$0xFFFFE870]  }
0x6a1: {  	v15 =	vld [tilespmem:s29+$0xFFFFE060];
	[tilespmem:s25+$0xFFFFFFA0] =	vst v10;
	v10 =	vadd.f32 v51, v4  }
0x6a2: {  	v4 =	vld [tilespmem:s31+$0xFFFFFFD0];
	[tilespmem:s25+$0xFFFFFFB0] =	vst v9;
	v9 =	vadd.f32 v17, v5  }
0x6a3: {  	v3 =	vld [tilespmem:s31+$0xFFFFFFC0];
	[tilespmem:s25+$0xFFFFFFC0] =	vst v10;
	v1 =	vadd.f32 v18, v1  }
0x6a4: {  	v5 =	vld [tilespmem:s31+$0xFFFFFFE0];
	[tilespmem:s25+$0xFFFFFFD0] =	vst v9;
	v9 =	vadd.f32 v19, v6  }
0x6a5: {  	v10 =	vld [tilespmem:s29+$0xFFFFE050];
	[tilespmem:s25+$0xFFFFFFE0] =	vst v1;
	v12 =	vadd.f32 v12, v11  }
0x6a6: {  	v6 =	vld [tilespmem:s31+$0xFFFFFFF0];
	[tilespmem:s25+$0xFFFFFFF0] =	vst v9;
	v9 =	vadd.f32 v21, v8  }
0x6a7: {  	v52 =	vadd.f32 v22, v2;
	v1 =	vld [tilespmem:s31+$0xFFFFFF90];
	[tilespmem:s26+$0xFFFFFD00] =	vst v12  }
0x6a8: {  	[tilespmem:s26+$0xFFFFFC20] =	vst v9;
	v9 =	vadd.f32 v14, v3;
	v12 =	vld [tilespmem:s29+$0xFFFFF070]  }
0x6a9: {  	[tilespmem:s26+$0xFFFFFC30] =	vst v52;
	v13 =	vadd.f32 v13, v4;
	v14 =	vld [tilespmem:s29+$0xFFFFE810]  }
0x6aa: {  	[tilespmem:s26+$0xFFFFFC40] =	vst v9;
	v9 =	vadd.f32 v10, v5;
	v10 =	vld [tilespmem:s29+$0xFFFFE820]  }
0x6ab: {  	[tilespmem:s26+$0xFFFFFC50] =	vst v13;
	v15 =	vadd.f32 v15, v6;
	v13 =	vld [tilespmem:s29+$0xFFFFE830]  }
0x6ac: {  	v53 =	vld [tilespmem:s29+$0xFFFFE840];
	[tilespmem:s26+$0xFFFFFC60] =	vst v9;
	v9 =	vadd.f32 v20, v1  }
0x6ad: {  	[tilespmem:s26+$0xFFFFFC70] =	vst v15;
	v54 =	vld [tilespmem:s29+$0xFFFFE850];
	v12 =	vadd.f32 v12, v11  }
0x6ae: {  	[tilespmem:s26+$0xFFFFFC10] =	vst v9;
	v9 =	vadd.f32 v14, v8;
	v14 =	vld [tilespmem:s29+$0xFFFFE860]  }
0x6af: {  	v15 =	vld [tilespmem:s29+$0xFFFFE800];
	v10 =	vadd.f32 v10, v2;
	[tilespmem:s26+$0xFFFFFD80] =	vst v12  }
0x6b0: {  	[tilespmem:s26+$0xFFFFFCA0] =	vst v9;
	v9 =	vadd.f32 v13, v3;
	v12 =	vld [tilespmem:s29+$0xFFFFF870]  }
0x6b1: {  	v13 =	vld [tilespmem:s29+$0xFFFFF010];
	[tilespmem:s26+$0xFFFFFCB0] =	vst v10;
	v10 =	vadd.f32 v53, v4  }
0x6b2: {  	v55 =	vld [tilespmem:s29+$0xFFFFF020];
	[tilespmem:s26+$0xFFFFFCC0] =	vst v9;
	v9 =	vadd.f32 v54, v5  }
0x6b3: {  	v56 =	vld [tilespmem:s29+$0xFFFFF030];
	[tilespmem:s26+$0xFFFFFCD0] =	vst v10;
	v10 =	vadd.f32 v14, v6  }
0x6b4: {  	v14 =	vadd.f32 v15, v1;
	v15 =	vld [tilespmem:s29+$0xFFFFF040];
	[tilespmem:s26+$0xFFFFFCE0] =	vst v9  }
0x6b5: {  	v9 =	vld [tilespmem:s29+$0xFFFFF050];
	[tilespmem:s26+$0xFFFFFCF0] =	vst v10;
	v10 =	vadd.f32 v12, v11  }
0x6b6: {  	[tilespmem:s26+$0xFFFFFC90] =	vst v14;
	v12 =	vadd.f32 v13, v8;
	v13 =	vld [tilespmem:s29+$0xFFFFF060]  }
0x6b7: {  	v14 =	vld [tilespmem:s29+$0xFFFFF000];
	v16 =	vadd.f32 v55, v2;
	[tilespmem:s26+$0xFFFFFE00] =	vst v10  }
0x6b8: {  	[tilespmem:s26+$0xFFFFFD20] =	vst v12;
	v10 =	vadd.f32 v56, v3;
	v12 =	vld [tilespmem:s29+$0x70]  }
0x6b9: {  	[tilespmem:s26+$0xFFFFFD30] =	vst v16;
	v15 =	vadd.f32 v15, v4;
	v57 =	vld [tilespmem:s29+$0xFFFFF810]  }
0x6ba: {  	v16 =	vld [tilespmem:s29+$0xFFFFF820];
	v9 =	vadd.f32 v9, v5;
	[tilespmem:s26+$0xFFFFFD40] =	vst v10  }
0x6bb: {  	[tilespmem:s26+$0xFFFFFD50] =	vst v15;
	v10 =	vld [tilespmem:s29+$0xFFFFF830];
	v13 =	vadd.f32 v13, v6  }
0x6bc: {  	v14 =	vadd.f32 v14, v1;
	v15 =	vld [tilespmem:s29+$0xFFFFF840];
	[tilespmem:s26+$0xFFFFFD60] =	vst v9  }
0x6bd: {  	v9 =	vld [tilespmem:s29+$0xFFFFF850];
	[tilespmem:s26+$0xFFFFFD70] =	vst v13;
	v12 =	vadd.f32 v12, v11  }
0x6be: {  	[tilespmem:s26+$0xFFFFFD10] =	vst v14;
	v13 =	vadd.f32 v57, v8;
	v14 =	vld [tilespmem:s29+$0xFFFFF860]  }
0x6bf: {  	v58 =	vld [tilespmem:s29+$0xFFFFF800];
	v16 =	vadd.f32 v16, v2;
	[tilespmem:s26+$0xFFFFFE80] =	vst v12  }
0x6c0: {  	[tilespmem:s26+$0xFFFFFDA0] =	vst v13;
	v10 =	vadd.f32 v10, v3;
	v12 =	vld [tilespmem:s29+$0x870]  }
0x6c1: {  	[tilespmem:s26+$0xFFFFFDB0] =	vst v16;
	v15 =	vadd.f32 v15, v4;
	v13 =	vld [tilespmem:s29+$0x10]  }
0x6c2: {  	v16 =	vld [tilespmem:s29+$0x20];
	v9 =	vadd.f32 v9, v5;
	[tilespmem:s26+$0xFFFFFDC0] =	vst v10  }
0x6c3: {  	[tilespmem:s26+$0xFFFFFDD0] =	vst v15;
	v10 =	vld [tilespmem:s29+$0x30];
	v14 =	vadd.f32 v14, v6  }
0x6c4: {  	v15 =	vadd.f32 v58, v1;
	v59 =	vld [tilespmem:s29+$0x40];
	[tilespmem:s26+$0xFFFFFDE0] =	vst v9  }
0x6c5: {  	v9 =	vld [tilespmem:s29+$0x50];
	[tilespmem:s26+$0xFFFFFDF0] =	vst v14;
	v12 =	vadd.f32 v12, v11  }
0x6c6: {  	[tilespmem:s26+$0xFFFFFD90] =	vst v15;
	v13 =	vadd.f32 v13, v8;
	v14 =	vld [tilespmem:s29+$0x60]  }
0x6c7: {  	v15 =	vld [tilespmem:s29+$0x0];
	v16 =	vadd.f32 v16, v2;
	[tilespmem:s26+$0xFFFFFF00] =	vst v12  }
0x6c8: {  	[tilespmem:s26+$0xFFFFFE20] =	vst v13;
	v10 =	vadd.f32 v10, v3;
	v12 =	vld [tilespmem:s29+$0x1070]  }
0x6c9: {  	[tilespmem:s26+$0xFFFFFE30] =	vst v16;
	v60 =	vadd.f32 v59, v4;
	v13 =	vld [tilespmem:s29+$0x810]  }
0x6ca: {  	v61 =	vld [tilespmem:s29+$0x820];
	v9 =	vadd.f32 v9, v5;
	[tilespmem:s26+$0xFFFFFE40] =	vst v10  }
0x6cb: {  	[tilespmem:s26+$0xFFFFFE50] =	vst v60;
	v10 =	vld [tilespmem:s29+$0x830];
	v14 =	vadd.f32 v14, v6  }
0x6cc: {  	v15 =	vadd.f32 v15, v1;
	v16 =	vld [tilespmem:s29+$0x840];
	[tilespmem:s26+$0xFFFFFE60] =	vst v9  }
0x6cd: {  	v9 =	vld [tilespmem:s29+$0x850];
	[tilespmem:s26+$0xFFFFFE70] =	vst v14;
	v12 =	vadd.f32 v12, v11  }
0x6ce: {  	[tilespmem:s26+$0xFFFFFE10] =	vst v15;
	v13 =	vadd.f32 v13, v8;
	v14 =	vld [tilespmem:s29+$0x860]  }
0x6cf: {  	v15 =	vld [tilespmem:s29+$0x800];
	v17 =	vadd.f32 v61, v2;
	[tilespmem:s26+$0xFFFFFF80] =	vst v12  }
0x6d0: {  	[tilespmem:s26+$0xFFFFFEA0] =	vst v13;
	v10 =	vadd.f32 v10, v3;
	v12 =	vld [tilespmem:s29+$0x1870]  }
0x6d1: {  	[tilespmem:s26+$0xFFFFFEB0] =	vst v17;
	v16 =	vadd.f32 v16, v4;
	v13 =	vld [tilespmem:s29+$0x1010]  }
0x6d2: {  	v17 =	vld [tilespmem:s29+$0x1020];
	v9 =	vadd.f32 v9, v5;
	[tilespmem:s26+$0xFFFFFEC0] =	vst v10  }
0x6d3: {  	[tilespmem:s26+$0xFFFFFED0] =	vst v16;
	v10 =	vld [tilespmem:s29+$0x1030];
	v14 =	vadd.f32 v14, v6  }
0x6d4: {  	v15 =	vadd.f32 v15, v1;
	v16 =	vld [tilespmem:s29+$0x1040];
	[tilespmem:s26+$0xFFFFFEE0] =	vst v9  }
0x6d5: {  	v9 =	vld [tilespmem:s29+$0x1050];
	[tilespmem:s26+$0xFFFFFEF0] =	vst v14;
	v11 =	vadd.f32 v12, v11  }
0x6d6: {  	[tilespmem:s26+$0xFFFFFE90] =	vst v15;
	v12 =	vadd.f32 v13, v8;
	v14 =	vld [tilespmem:s29+$0x1060]  }
0x6d7: {  	v15 =	vld [tilespmem:s29+$0x1000];
	v13 =	vadd.f32 v17, v2;
	[tilespmem:s26+$0x0] =	vst v11  }
0x6d8: {  	v62 =	vld [tilespmem:s28+$0x1800];
	[tilespmem:s26+$0xFFFFFF20] =	vst v12;
	v10 =	vadd.f32 v10, v3  }
0x6d9: {  	[tilespmem:s26+$0xFFFFFF30] =	vst v13;
	v11 =	vadd.f32 v16, v4;
	v63 =	vld [tilespmem:s29+$0x1810]  }
0x6da: {  	v9 =	vadd.f32 v9, v5;
	v13 =	vld [tilespmem:s29+$0x1820];
	[tilespmem:s26+$0xFFFFFF40] =	vst v10  }
0x6db: {  	[tilespmem:s26+$0xFFFFFF50] =	vst v11;
	v10 =	vld [tilespmem:s29+$0x1830];
	v14 =	vadd.f32 v14, v6  }
0x6dc: {  	v15 =	vadd.f32 v15, v1;
	[tilespmem:s26+$0xFFFFFF60] =	vst v9;
	v12 =	vld [tilespmem:s29+$0x1840]  }
0x6dd: {  	v11 =	vld [tilespmem:s29+$0x1850];
	[tilespmem:s26+$0xFFFFFF70] =	vst v14;
	v14 =	vadd.f32 v62, v7  }
0x6de: {  	s2 =	simm.s32 $0x670;
	s0 =	simm.s32 $0x6C00;
	s28 =	simm.s32 $0x8;
	[tilespmem:s26+$0xFFFFFF10] =	vst v15;
	v7 =	vadd.f32 v63, v8;
	v9 =	vld [tilespmem:s29+$0x1860]  }
.LBB2_17:
0x6df: {  	v8 =	vld [tilespmem:s2+$0x0];
	v2 =	vadd.f32 v13, v2;
	s29 =	sadd.s32 $0x200, s29;
	[tilespmem:s25+$0xFFFFFF90] =	vst v14;
	s25 =	smov.u32 s26  }
0x6e0: {  	s28 =	sadd.s32 $0x8, s28;
	v13 =	vld [tilespmem:s29+$0xFFFFE070];
	[tilespmem:s26+$0xFFFFFFA0] =	vst v7;
	v3 =	vadd.f32 v10, v3  }
0x6e1: {  	p1 =	slt.u32 s28, $0x18;
	v10 =	vld [tilespmem:s29+$0xFFFFE000];
	[tilespmem:s26+$0xFFFFFFB0] =	vst v2;
	v2 =	vadd.f32 v12, v4  }
0x6e2: {  	v7 =	vld [tilespmem:s2+$0xFFFFFFA0];
	[tilespmem:s26+$0xFFFFFFC0] =	vst v3;
	v3 =	vadd.f32 v11, v5  }
0x6e3: {  	v4 =	vld [tilespmem:s29+$0xFFFFE010];
	[tilespmem:s26+$0xFFFFFFD0] =	vst v2;
	v5 =	vadd.f32 v9, v6  }
0x6e4: {  	v2 =	vld [tilespmem:s2+$0xFFFFFFB0];
	[tilespmem:s26+$0xFFFFFFE0] =	vst v3  }
0x6e5: {  	v6 =	vld [tilespmem:s29+$0xFFFFE020];
	v9 =	vadd.f32 v13, v8;
	[tilespmem:s26+$0xFFFFFFF0] =	vst v5  }
0x6e6: {  	s26 =	sadd.s32 $0x400, s26;
	v3 =	vld [tilespmem:s2+$0xFFFFFFC0]  }
0x6e7: {  	v11 =	vld [tilespmem:s29+$0xFFFFE030];
	[tilespmem:s26+$0xFFFFFC80] =	vst v9  }
0x6e8: {  	v5 =	vadd.f32 v4, v7;
	v9 =	vld [tilespmem:s29+$0xFFFFE870]  }
0x6e9: {  	v4 =	vld [tilespmem:s2+$0xFFFFFFD0]  }
0x6ea: {  	[tilespmem:s26+$0xFFFFFC20] =	vst v5;
	v6 =	vadd.f32 v6, v2;
	v12 =	vld [tilespmem:s29+$0xFFFFE040]  }
0x6eb: {  	v5 =	vld [tilespmem:s2+$0xFFFFFFE0]  }
0x6ec: {  	[tilespmem:s26+$0xFFFFFC30] =	vst v6;
	v11 =	vadd.f32 v11, v3;
	v13 =	vld [tilespmem:s29+$0xFFFFE050]  }
0x6ed: {  	v6 =	vld [tilespmem:s2+$0xFFFFFFF0];
	v14 =	vadd.f32 v9, v8  }
0x6ee: {  	[tilespmem:s26+$0xFFFFFC40] =	vst v11;
	v11 =	vld [tilespmem:s29+$0xFFFFE060]  }
0x6ef: {  	v9 =	vld [tilespmem:s2+$0xFFFFFF90];
	v12 =	vadd.f32 v12, v4;
	[tilespmem:s26+$0xFFFFFD00] =	vst v14  }
0x6f0: {  	v14 =	vld [tilespmem:s29+$0xFFFFF070]  }
0x6f1: {  	v15 =	vld [tilespmem:s29+$0xFFFFE810];
	[tilespmem:s26+$0xFFFFFC50] =	vst v12;
	v12 =	vadd.f32 v13, v5  }
0x6f2: {  	v13 =	vld [tilespmem:s29+$0xFFFFE820]  }
0x6f3: {  	v16 =	vld [tilespmem:s29+$0xFFFFE830];
	[tilespmem:s26+$0xFFFFFC60] =	vst v12;
	v11 =	vadd.f32 v11, v6  }
0x6f4: {  	v10 =	vadd.f32 v10, v9;
	v12 =	vld [tilespmem:s29+$0xFFFFE840]  }
0x6f5: {  	v17 =	vld [tilespmem:s29+$0xFFFFE850];
	[tilespmem:s26+$0xFFFFFC70] =	vst v11;
	v11 =	vadd.f32 v14, v8  }
0x6f6: {  	[tilespmem:s26+$0xFFFFFC10] =	vst v10;
	v10 =	vadd.f32 v15, v7;
	v14 =	vld [tilespmem:s29+$0xFFFFE860]  }
0x6f7: {  	v15 =	vld [tilespmem:s29+$0xFFFFE800];
	v13 =	vadd.f32 v13, v2;
	[tilespmem:s26+$0xFFFFFD80] =	vst v11  }
0x6f8: {  	[tilespmem:s26+$0xFFFFFCA0] =	vst v10;
	v10 =	vadd.f32 v16, v3;
	v11 =	vld [tilespmem:s29+$0xFFFFF870]  }
0x6f9: {  	v16 =	vld [tilespmem:s29+$0xFFFFF010];
	[tilespmem:s26+$0xFFFFFCB0] =	vst v13;
	v12 =	vadd.f32 v12, v4  }
0x6fa: {  	v13 =	vld [tilespmem:s29+$0xFFFFF020];
	[tilespmem:s26+$0xFFFFFCC0] =	vst v10;
	v10 =	vadd.f32 v17, v5  }
0x6fb: {  	v17 =	vld [tilespmem:s29+$0xFFFFF030];
	[tilespmem:s26+$0xFFFFFCD0] =	vst v12;
	v12 =	vadd.f32 v14, v6  }
0x6fc: {  	v14 =	vadd.f32 v15, v9;
	v15 =	vld [tilespmem:s29+$0xFFFFF040];
	[tilespmem:s26+$0xFFFFFCE0] =	vst v10  }
0x6fd: {  	v10 =	vld [tilespmem:s29+$0xFFFFF050];
	[tilespmem:s26+$0xFFFFFCF0] =	vst v12;
	v11 =	vadd.f32 v11, v8  }
0x6fe: {  	[tilespmem:s26+$0xFFFFFC90] =	vst v14;
	v12 =	vadd.f32 v16, v7;
	v14 =	vld [tilespmem:s29+$0xFFFFF060]  }
0x6ff: {  	v16 =	vld [tilespmem:s29+$0xFFFFF000];
	v13 =	vadd.f32 v13, v2;
	[tilespmem:s26+$0xFFFFFE00] =	vst v11  }
0x700: {  	[tilespmem:s26+$0xFFFFFD20] =	vst v12;
	v11 =	vadd.f32 v17, v3;
	v12 =	vld [tilespmem:s29+$0x70]  }
0x701: {  	v17 =	vld [tilespmem:s29+$0xFFFFF810];
	[tilespmem:s26+$0xFFFFFD30] =	vst v13;
	v13 =	vadd.f32 v15, v4  }
0x702: {  	v15 =	vld [tilespmem:s29+$0xFFFFF820];
	[tilespmem:s26+$0xFFFFFD40] =	vst v11;
	v10 =	vadd.f32 v10, v5  }
0x703: {  	v11 =	vld [tilespmem:s29+$0xFFFFF830];
	[tilespmem:s26+$0xFFFFFD50] =	vst v13;
	v13 =	vadd.f32 v14, v6  }
0x704: {  	v14 =	vadd.f32 v16, v9;
	v16 =	vld [tilespmem:s29+$0xFFFFF840];
	[tilespmem:s26+$0xFFFFFD60] =	vst v10  }
0x705: {  	v10 =	vld [tilespmem:s29+$0xFFFFF850];
	[tilespmem:s26+$0xFFFFFD70] =	vst v13;
	v12 =	vadd.f32 v12, v8  }
0x706: {  	[tilespmem:s26+$0xFFFFFD10] =	vst v14;
	v13 =	vadd.f32 v17, v7;
	v14 =	vld [tilespmem:s29+$0xFFFFF860]  }
0x707: {  	v17 =	vld [tilespmem:s29+$0xFFFFF800];
	v15 =	vadd.f32 v15, v2;
	[tilespmem:s26+$0xFFFFFE80] =	vst v12  }
0x708: {  	[tilespmem:s26+$0xFFFFFDA0] =	vst v13;
	v11 =	vadd.f32 v11, v3;
	v12 =	vld [tilespmem:s29+$0x870]  }
0x709: {  	v13 =	vld [tilespmem:s29+$0x10];
	[tilespmem:s26+$0xFFFFFDB0] =	vst v15;
	v15 =	vadd.f32 v16, v4  }
0x70a: {  	v16 =	vld [tilespmem:s29+$0x20];
	[tilespmem:s26+$0xFFFFFDC0] =	vst v11;
	v10 =	vadd.f32 v10, v5  }
0x70b: {  	v11 =	vld [tilespmem:s29+$0x30];
	[tilespmem:s26+$0xFFFFFDD0] =	vst v15;
	v14 =	vadd.f32 v14, v6  }
0x70c: {  	v15 =	vadd.f32 v17, v9;
	v17 =	vld [tilespmem:s29+$0x40];
	[tilespmem:s26+$0xFFFFFDE0] =	vst v10  }
0x70d: {  	v10 =	vld [tilespmem:s29+$0x50];
	[tilespmem:s26+$0xFFFFFDF0] =	vst v14;
	v12 =	vadd.f32 v12, v8  }
0x70e: {  	[tilespmem:s26+$0xFFFFFD90] =	vst v15;
	v13 =	vadd.f32 v13, v7;
	v14 =	vld [tilespmem:s29+$0x60]  }
0x70f: {  	v15 =	vld [tilespmem:s29+$0x0];
	v16 =	vadd.f32 v16, v2;
	[tilespmem:s26+$0xFFFFFF00] =	vst v12  }
0x710: {  	[tilespmem:s26+$0xFFFFFE20] =	vst v13;
	v11 =	vadd.f32 v11, v3;
	v12 =	vld [tilespmem:s29+$0x1070]  }
0x711: {  	v13 =	vld [tilespmem:s29+$0x810];
	[tilespmem:s26+$0xFFFFFE30] =	vst v16;
	v16 =	vadd.f32 v17, v4  }
0x712: {  	v17 =	vld [tilespmem:s29+$0x820];
	[tilespmem:s26+$0xFFFFFE40] =	vst v11;
	v10 =	vadd.f32 v10, v5  }
0x713: {  	v11 =	vld [tilespmem:s29+$0x830];
	[tilespmem:s26+$0xFFFFFE50] =	vst v16;
	v14 =	vadd.f32 v14, v6  }
0x714: {  	v15 =	vadd.f32 v15, v9;
	v16 =	vld [tilespmem:s29+$0x840];
	[tilespmem:s26+$0xFFFFFE60] =	vst v10  }
0x715: {  	v10 =	vld [tilespmem:s29+$0x850];
	[tilespmem:s26+$0xFFFFFE70] =	vst v14;
	v12 =	vadd.f32 v12, v8  }
0x716: {  	[tilespmem:s26+$0xFFFFFE10] =	vst v15;
	v13 =	vadd.f32 v13, v7;
	v14 =	vld [tilespmem:s29+$0x860]  }
0x717: {  	v15 =	vld [tilespmem:s29+$0x800];
	v17 =	vadd.f32 v17, v2;
	[tilespmem:s26+$0xFFFFFF80] =	vst v12  }
0x718: {  	[tilespmem:s26+$0xFFFFFEA0] =	vst v13;
	v11 =	vadd.f32 v11, v3;
	v12 =	vld [tilespmem:s29+$0x1870]  }
0x719: {  	v13 =	vld [tilespmem:s29+$0x1010];
	[tilespmem:s26+$0xFFFFFEB0] =	vst v17;
	v16 =	vadd.f32 v16, v4  }
0x71a: {  	v17 =	vld [tilespmem:s29+$0x1020];
	[tilespmem:s26+$0xFFFFFEC0] =	vst v11;
	v10 =	vadd.f32 v10, v5  }
0x71b: {  	v11 =	vld [tilespmem:s29+$0x1030];
	[tilespmem:s26+$0xFFFFFED0] =	vst v16;
	v14 =	vadd.f32 v14, v6  }
0x71c: {  	v15 =	vadd.f32 v15, v9;
	v16 =	vld [tilespmem:s29+$0x1040];
	[tilespmem:s26+$0xFFFFFEE0] =	vst v10  }
0x71d: {  	v10 =	vld [tilespmem:s29+$0x1050];
	[tilespmem:s26+$0xFFFFFEF0] =	vst v14;
	v8 =	vadd.f32 v12, v8  }
0x71e: {  	[tilespmem:s26+$0xFFFFFE90] =	vst v15;
	v12 =	vadd.f32 v13, v7;
	v14 =	vld [tilespmem:s29+$0x1060]  }
0x71f: {  	v15 =	vld [tilespmem:s29+$0x1000];
	v13 =	vadd.f32 v17, v2;
	[tilespmem:s26+$0x0] =	vst v8  }
0x720: {  	[tilespmem:s26+$0xFFFFFF20] =	vst v12;
	v8 =	vadd.f32 v11, v3;
	v17 =	vld [tilespmem:s0+$0x1800];
	s0 =	smov.u32 s29  }
0x721: {  	v18 =	vld [tilespmem:s29+$0x1810];
	[tilespmem:s26+$0xFFFFFF30] =	vst v13;
	v11 =	vadd.f32 v16, v4  }
.Ltmp7:
0x722: {  	v13 =	vld [tilespmem:s29+$0x1820];
	[tilespmem:s26+$0xFFFFFF40] =	vst v8;
	v8 =	vadd.f32 v10, v5;
	(pc) =	sbr.rel @p1 .LBB2_17-.Ltmp7, $4  }
0x723: {  	v10 =	vld [tilespmem:s29+$0x1830];
	[tilespmem:s26+$0xFFFFFF50] =	vst v11;
	v14 =	vadd.f32 v14, v6  }
0x724: {  	v15 =	vadd.f32 v15, v9;
	v12 =	vld [tilespmem:s29+$0x1840];
	[tilespmem:s26+$0xFFFFFF60] =	vst v8  }
0x725: {  	v11 =	vld [tilespmem:s29+$0x1850];
	[tilespmem:s26+$0xFFFFFF70] =	vst v14;
	v14 =	vadd.f32 v17, v1;
	v1 =	vmov v9  }
0x726: {  	s2 =	sadd.s32 $0x200, s2;
	[tilespmem:s26+$0xFFFFFF10] =	vst v15;
	v7 =	vadd.f32 v18, v7;
	v9 =	vld [tilespmem:s29+$0x1860]  }
0x727: {  	v2 =	vadd.f32 v13, v2;
	[tilespmem:s25+$0xFFFFFF90] =	vst v14;
	v8 =	vld [tilespmem:s0+$0x1800]  }
0x728: {  	[tilespmem:s26+$0xFFFFFFA0] =	vst v7;
	v3 =	vadd.f32 v10, v3  }
0x729: {  	[tilespmem:s26+$0xFFFFFFB0] =	vst v2;
	v2 =	vadd.f32 v12, v4  }
0x72a: {  	[tilespmem:s26+$0xFFFFFFC0] =	vst v3;
	v3 =	vadd.f32 v11, v5  }
0x72b: {  	[tilespmem:s26+$0xFFFFFFD0] =	vst v2;
	v2 =	vadd.f32 v9, v6  }
0x72c: {  	[tilespmem:s26+$0xFFFFFFE0] =	vst v3;
	v1 =	vadd.f32 v8, v1  }
0x72d: {  	[tilespmem:s26+$0xFFFFFFF0] =	vst v2  }
0x72e: {  	[tilespmem:s26+$0xFFFFFF90] =	vst v1  }
0x72f: {  	v1 =	vld.msk @!p0 [tilespmem:s23+$0x18], $0xff;
	_ =	sdelay $0x4  }
0x730: {  	v2 =	vlaneseq.u32 @!p0;
	v1 =	vshll.u32 @!p0 v1, $0xB  }
0x731: {  	v1 =	vperm.xlane @!p0 v1, v2;
	_ =	sdelay $0x4  }
0x732: {  	s0 =	simm.s32 @!p0 $0x0;
	s1 =	simm.s32 @!p0 $0x4880;
	s22 =	sadd.s32 $0x1, s22  }
0x733: {  	[tilespmem:s1], [sflag:$0x2] =	stream.indirect_vreg.gather @!p0 [hbm4b:s3+s0], $0x800, v1, vm1, $0x38;
	[tilespmem:$0x10880] =	vst v63  }
0x734: {  	p0 =	sne.s32 s22, $0x8  }
.Ltmp8:
0x735: {  	_ = 	snop;
	(pc) =	sbr.rel @p0 .LBB2_2-.Ltmp8, $3  }
0x736: {  	_ =	sdelay $0x1  }
0x737: {  	s31 =	sadd.s32 s8, s24  }
0x738: {  	[hbm4b:s31+s14] =	stream.strided.scatter [tilespmem:s18], [sflag:$0x4], $0x4000, s15, s14, $0x38;
	[tilespmem:$0x10880] =	vst v63  }
0x739: {  	s21 =	sadd.s32 $0x1, s21  }
0x73a: {  	_ =	swait.ge [sflag:s19], $0x4000;
	p0 =	sne.s32 s21, s7  }
.Ltmp9:
0x73b: {  	[sflag:s19] =	ssyncset.done $0x0;
	(pc) =	sbr.rel @p0 .LBB2_1-.Ltmp9, $4  }
0x73c: {  	[sflag:s19] =	ssyncadd.s32 $0xFFFFC000  }
0x73d: {  	_ =	swait.ge [sflag:s20], $0x4000  }
0x73e: {  	[sflag:s20] =	ssyncset.done $0x0  }
0x73f: {  	[sflag:s20] =	ssyncadd.s32 $0xFFFFC000  }
0x740: {  	_ =	sfence.sel $0x180000  }
0x741: {  	[bflag:$0x0] =	sbarrier.arrive $0xFFFF  }
0x742: {  	_ =	strace $0x90000047  }
0x743: {  	s0 =	stileid.u32;
	[bflag:$0x2] =	sbarrier.arrive $0xFFFF  }
0x744: {  	p0 =	sne.s32 s0, $0x0;
	s0 =	rddreg [dreg:$0x4]  }
0x745: {  	s0 =	sadd.s32 @!p0 $0x100000, s0  }
0x746: {  	[sflag:s0] =	ssyncadd.tile.s32 @!p0 $0x1;
	_ =	shalt  }
.Lfunc_end2:
_tile_overlayer_lowered:
.L_overlay_start_2:
0x747: {  	(tag) =	ssettag $0x2  }
0x748: {  	s0 =	rddreg [dreg:$0x0];
	s2 =	stileid.u32  }
0x749: {  	s1 =	rddreg [dreg:$0x1];
	p0 =	sne.s32 s2, $0x0  }
0x74a: {  	s3 =	rddreg [dreg:$0x2];
	[bflag:$0x3] =	sbarrier.arrive $0xFFFF;
	s2 =	simm.s32 @!p0 $0x1C05  }
0x74b: {  	[timem:s3], [sflag:s2] =	dma.local @!p0 [hbm:s0], s1  }
0x74c: {  	s0 =	simm.s32 @!p0 $0x5  }
0x74d: {  	_ =	swait.ge @!p0 [sflag:s0], s1  }
0x74e: {  	s1 =	ssub.s32 @!p0 $0x0, s1;
	[sflag:s0] =	ssyncset.done @!p0 $0x0  }
0x74f: {  	[sflag:s0] =	ssyncadd.s32 @!p0 s1  }
0x750: {  	[bflag:$0x3] =	sbarrier.arrive $0xFFFF  }
0x751: {  	_ =	shalt  }

</sc_bundles>
